<compile_context>
chip_gen: v7x
topology: tpu7x:2x2x1
jax: 0.10.2.dev20260603
libtpu: 0.0.44.dev20260713+nightly
codegen_flags: <defaults>
</compile_context>

<pallas_src>
import functools

import jax
import jax.numpy as jnp
from jax import lax
from jax.experimental import pallas as pl
from jax.experimental.pallas import tpu as pltpu
from jax.experimental.pallas import tpu_sc as plsc

NC = 2
NS = 16
L = 16


def _sc_scores(center2d, context2d, neg2d, in_w, out_w, B, K, D):
    NW = NC * NS
    BPW = B // NW
    NEG_PW = BPW * K
    IDXW = 128
    CROWS = B // IDXW // NW
    NROWS = NEG_PW // IDXW
    BLK_B = 32
    RPB = BLK_B * K
    DPB = RPB // IDXW
    NBLK = BPW // BLK_B

    mesh = plsc.VectorSubcoreMesh(
        core_axis_name="c", subcore_axis_name="s",
        num_cores=NC, num_subcores=NS)

    @functools.partial(
        pl.kernel,
        out_type=(jax.ShapeDtypeStruct((B,), jnp.float32),
                  jax.ShapeDtypeStruct((B * K,), jnp.float32)),
        mesh=mesh,
        compiler_params=pltpu.CompilerParams(
            needs_layout_passes=False, use_tc_tiling_on_sc=False),
        scratch_types=[
            pltpu.VMEM((CROWS, IDXW), jnp.int32),
            pltpu.VMEM((CROWS, IDXW), jnp.int32),
            pltpu.VMEM((NROWS, IDXW), jnp.int32),
            pltpu.VMEM((BPW, D), jnp.float32),
            pltpu.VMEM((BPW, D), jnp.float32),
            pltpu.VMEM((2, RPB, D), jnp.float32),
            pltpu.VMEM((BPW,), jnp.float32),
            pltpu.VMEM((NEG_PW,), jnp.float32),
            pltpu.SemaphoreType.DMA,
            pltpu.SemaphoreType.DMA,
            pltpu.SemaphoreType.DMA,
        ],
    )
    def sc_kernel(in_w_h, out_w_h, c2_h, x2_h, n2_h, pos_h, neg_h,
                  cidx, xidx, nidx, vrows, prows, nbuf, posv, negv,
                  sem_vp, semn0, semn1):
        wid = lax.axis_index("s") * NC + lax.axis_index("c")

        pltpu.sync_copy(c2_h.at[pl.ds(wid * CROWS, CROWS)], cidx)
        pltpu.sync_copy(x2_h.at[pl.ds(wid * CROWS, CROWS)], xidx)
        pltpu.sync_copy(n2_h.at[pl.ds(wid * NROWS, NROWS)], nidx)

        vp_copies = []
        for j in range(CROWS):
            vp_copies.append(pltpu.async_copy(
                in_w_h.at[cidx.at[j]], vrows.at[pl.ds(j * IDXW, IDXW)], sem_vp))
            vp_copies.append(pltpu.async_copy(
                out_w_h.at[xidx.at[j]], prows.at[pl.ds(j * IDXW, IDXW)], sem_vp))

        def issue_neg(g, slot, sem):
            for j in range(DPB):
                pltpu.async_copy(
                    out_w_h.at[nidx.at[g * DPB + j]],
                    nbuf.at[slot, pl.ds(j * IDXW, IDXW)], sem)

        issue_neg(0, 0, semn0)
        issue_neg(1, 1, semn1)
        for c in vp_copies:
            c.wait()

        i16 = lax.iota(jnp.int32, L)
        i20 = i16 * K

        @pl.loop(0, NBLK, step=2)
        def _blk(go):
            for par in range(2):
                g = go + par
                nsem = semn0 if par == 0 else semn1
                pltpu.make_async_copy(
                    out_w_h.at[pl.ds(0, RPB)], nbuf.at[par], nsem).wait()
                for sb in range(2):
                    b0 = g * BLK_B + sb * L
                    bvec = b0 + i16
                    vcols = [plsc.load_gather(
                        vrows, [bvec, jnp.full((L,), d, jnp.int32)])
                        for d in range(D)]
                    pa = [jnp.zeros((L,), jnp.float32) for _ in range(4)]
                    for d in range(D):
                        u = plsc.load_gather(
                            prows, [bvec, jnp.full((L,), d, jnp.int32)])
                        pa[d % 4] = pa[d % 4] + u * vcols[d]
                    posv[pl.ds(b0, L)] = (pa[0] + pa[1]) + (pa[2] + pa[3])
                    rbase = sb * L * K
                    obase = b0 * K

                    @pl.loop(0, K)
                    def _k(k):
                        rv = rbase + i20 + k
                        na = [jnp.zeros((L,), jnp.float32) for _ in range(4)]
                        for d in range(D):
                            u = plsc.load_gather(
                                nbuf.at[par],
                                [rv, jnp.full((L,), d, jnp.int32)])
                            na[d % 4] = na[d % 4] + u * vcols[d]
                        plsc.store_scatter(
                            negv, [obase + i20 + k],
                            (na[0] + na[1]) + (na[2] + na[3]))

                @pl.when(g + 2 < NBLK)
                def _():
                    issue_neg(g + 2, par, nsem)

        pltpu.sync_copy(posv, pos_h.at[pl.ds(wid * BPW, BPW)])
        pltpu.sync_copy(negv, neg_h.at[pl.ds(wid * NEG_PW, NEG_PW)])

    return sc_kernel(in_w, out_w, center2d, context2d, neg2d)


def _loss_reduce(pos_score, neg_flat, B):
    def body(pos_ref, neg_ref, out_ref):
        def logsig(x):
            return jnp.minimum(x, 0.0) - jnp.log1p(jnp.exp(-jnp.abs(x)))
        s = jnp.sum(logsig(pos_ref[...])) + jnp.sum(logsig(-neg_ref[...]))
        out_ref[0, 0] = -s / B

    out = pl.pallas_call(
        body,
        out_shape=jax.ShapeDtypeStruct((1, 1), jnp.float32),
        out_specs=pl.BlockSpec(memory_space=pltpu.SMEM),
    )(pos_score.reshape(B // 128, 128),
      neg_flat.reshape(-1, 128))
    return out.reshape(())


def kernel(center, context, negative, in_embed_w, out_embed_w):
    B, = center.shape
    K = negative.shape[1]
    D = in_embed_w.shape[1]
    center2d = center.astype(jnp.int32).reshape(B // 128, 128)
    context2d = context.astype(jnp.int32).reshape(B // 128, 128)
    neg2d = negative.astype(jnp.int32).reshape(B * K // 128, 128)
    pos_score, neg_flat = _sc_scores(
        center2d, context2d, neg2d, in_embed_w, out_embed_w, B, K, D)
    return _loss_reduce(pos_score, neg_flat, B)

# --- scband reference (transcript-rebuilt; emitter-appended) ---
"""Pipeline reference for scband-skip-gram-1597727834667 (READ-ONLY COPY).

The authoritative reference and input builder live on the scoring server;
editing this copy changes nothing except your own understanding.
"""

import jax, jax.numpy as jnp
import numpy as np

VOCAB = 1000000
DIM = 32
BATCH = 16384
NEG = 20

def setup_inputs(seed: int = 0) -> dict:
    key = jax.random.key(seed)
    k1, k2, k3, k4, k5 = jax.random.split(key, 5)
    center = jax.random.randint(k1, (BATCH,), 0, VOCAB, dtype=jnp.int64 if jax.config.jax_enable_x64 else jnp.int32)
    context = jax.random.randint(k2, (BATCH,), 0, VOCAB, dtype=jnp.int64 if jax.config.jax_enable_x64 else jnp.int32)
    negative = jax.random.randint(k3, (BATCH, NEG), 0, VOCAB, dtype=jnp.int64 if jax.config.jax_enable_x64 else jnp.int32)
    in_embed_w = jax.random.normal(k4, (VOCAB, DIM), dtype=jnp.float32)
    out_embed_w = jax.random.normal(k5, (VOCAB, DIM), dtype=jnp.float32)
    return {"center": center, "context": context, "negative": negative,
            "in_embed_w": in_embed_w, "out_embed_w": out_embed_w}

def reference(center, context, negative, in_embed_w, out_embed_w):
    # v = self.in_embed(center) -> [B, D]
    v = jnp.take(in_embed_w, center, axis=0)
    # u_pos = self.out_embed(context) -> [B, D]
    u_pos = jnp.take(out_embed_w, context, axis=0)
    # u_neg = self.out_embed(negative) -> [B, K, D]
    u_neg = jnp.take(out_embed_w, negative, axis=0)
    # pos_score = sum(v * u_pos, dim=1) -> [B]
    pos_score = jnp.sum(v * u_pos, axis=1)
    pos_loss = jnp.log(jax.nn.sigmoid(pos_score))
    # neg_score = bmm(u_neg, v.unsqueeze(2)).squeeze(2) -> [B, K]
    neg_score = jnp.einsum('bkd,bd->bk', u_neg, v)
    neg_loss = jnp.sum(jnp.log(jax.nn.sigmoid(-neg_score)), axis=1)
    return -jnp.mean(pos_loss + neg_loss)

if __name__ == "__main__":
    import jax
    _d = setup_inputs()
    print(jax.jit(kernel)(*tuple(_d.values())))

</pallas_src>

<mosaic_0001>
#map = affine_map<(d0, d1) -> (0, 0)>
#map1 = affine_map<(d0, d1) -> (0)>
module attributes {stable_mosaic.version = 14 : i64} {
  func.func @sc_kernel(%arg0: i32, %arg1: i32, %arg2: memref<1000000x32xf32, #tpu.memory_space<hbm>>, %arg3: memref<1000000x32xf32, #tpu.memory_space<hbm>>, %arg4: memref<128x128xi32, #tpu.memory_space<hbm>>, %arg5: memref<128x128xi32, #tpu.memory_space<hbm>>, %arg6: memref<2560x128xi32, #tpu.memory_space<hbm>>, %arg7: memref<16384xf32, #tpu.memory_space<hbm>>, %arg8: memref<327680xf32, #tpu.memory_space<hbm>>, %arg9: memref<4x128xi32, #tpu.memory_space<vmem>>, %arg10: memref<4x128xi32, #tpu.memory_space<vmem>>, %arg11: memref<80x128xi32, #tpu.memory_space<vmem>>, %arg12: memref<512x32xf32, #tpu.memory_space<vmem>>, %arg13: memref<512x32xf32, #tpu.memory_space<vmem>>, %arg14: memref<2x640x32xf32, #tpu.memory_space<vmem>>, %arg15: memref<512xf32, #tpu.memory_space<vmem>>, %arg16: memref<10240xf32, #tpu.memory_space<vmem>>, %arg17: memref<!tpu.dma_semaphore, #tpu.memory_space<semaphore_mem>>, %arg18: memref<!tpu.dma_semaphore, #tpu.memory_space<semaphore_mem>>, %arg19: memref<!tpu.dma_semaphore, #tpu.memory_space<semaphore_mem>>) attributes {dimension_semantics = [#tpu.dimension_semantics<core_parallel>, #tpu.dimension_semantics<subcore_parallel>], iteration_bounds = array<i64: 2, 16>, scalar_prefetch = 0 : i64, scratch_operands = 11 : i64, tpu.core_type = #tpu.core_type<sc_vector_subcore>, window_params = [{transform_indices = #map}, {transform_indices = #map}, {transform_indices = #map}, {transform_indices = #map}, {transform_indices = #map}, {transform_indices = #map1}, {transform_indices = #map1}]} {
    %mul3A = arith.constant 2 : i32
    %mul3A_0 = arith.muli %arg1, %mul3A : i32
    %add3A = arith.addi %mul3A_0, %arg0 : i32
    %mul3A_1 = arith.constant 4 : i32
    %mul3A_2 = arith.muli %add3A, %mul3A_1 : i32
    "tpu.region"() ({
      %run_scoped3A = tpu.sem_alloc : memref<!tpu.dma_semaphore, #tpu.memory_space<semaphore_mem>>
      %dma_start3A_296 = arith.constant 0 : i32
      %dma_start3A_297 = tpu.memref_slice %arg4[%mul3A_2, %dma_start3A_296] : memref<128x128xi32, #tpu.memory_space<hbm>> -> memref<4x128xi32, #tpu.memory_space<hbm>>
      %dma_start3A_298 = arith.constant 0 : i32
      %dma_start3A_299 = tpu.memref_slice %arg4[%mul3A_2, %dma_start3A_298] : memref<128x128xi32, #tpu.memory_space<hbm>> -> memref<4x128xi32, #tpu.memory_space<hbm>>
      tpu.enqueue_dma source(%dma_start3A_299 : memref<4x128xi32, #tpu.memory_space<hbm>>) target(%arg9 : memref<4x128xi32, #tpu.memory_space<vmem>>) target_semaphore(%run_scoped3A : memref<!tpu.dma_semaphore, #tpu.memory_space<semaphore_mem>>)
      %dma_wait3A_300 = arith.constant 0 : i32
      %dma_wait3A_301 = tpu.memref_slice %arg4[%mul3A_2, %dma_wait3A_300] : memref<128x128xi32, #tpu.memory_space<hbm>> -> memref<4x128xi32, #tpu.memory_space<hbm>>
      %dma_wait3A_302 = arith.constant 0 : i32
      %dma_wait3A_303 = tpu.memref_slice %arg4[%mul3A_2, %dma_wait3A_302] : memref<128x128xi32, #tpu.memory_space<hbm>> -> memref<4x128xi32, #tpu.memory_space<hbm>>
      tpu.wait_dma2 semaphore(%run_scoped3A : memref<!tpu.dma_semaphore, #tpu.memory_space<semaphore_mem>>) src(%dma_wait3A_303 : memref<4x128xi32, #tpu.memory_space<hbm>>) dst(%arg9 : memref<4x128xi32, #tpu.memory_space<vmem>>)
      tpu.yield
    }) : () -> ()
    %mul3A_3 = arith.constant 4 : i32
    %mul3A_4 = arith.muli %add3A, %mul3A_3 : i32
    "tpu.region"() ({
      %run_scoped3A = tpu.sem_alloc : memref<!tpu.dma_semaphore, #tpu.memory_space<semaphore_mem>>
      %dma_start3A_296 = arith.constant 0 : i32
      %dma_start3A_297 = tpu.memref_slice %arg5[%mul3A_4, %dma_start3A_296] : memref<128x128xi32, #tpu.memory_space<hbm>> -> memref<4x128xi32, #tpu.memory_space<hbm>>
      %dma_start3A_298 = arith.constant 0 : i32
      %dma_start3A_299 = tpu.memref_slice %arg5[%mul3A_4, %dma_start3A_298] : memref<128x128xi32, #tpu.memory_space<hbm>> -> memref<4x128xi32, #tpu.memory_space<hbm>>
      tpu.enqueue_dma source(%dma_start3A_299 : memref<4x128xi32, #tpu.memory_space<hbm>>) target(%arg10 : memref<4x128xi32, #tpu.memory_space<vmem>>) target_semaphore(%run_scoped3A : memref<!tpu.dma_semaphore, #tpu.memory_space<semaphore_mem>>)
      %dma_wait3A_300 = arith.constant 0 : i32
      %dma_wait3A_301 = tpu.memref_slice %arg5[%mul3A_4, %dma_wait3A_300] : memref<128x128xi32, #tpu.memory_space<hbm>> -> memref<4x128xi32, #tpu.memory_space<hbm>>
      %dma_wait3A_302 = arith.constant 0 : i32
      %dma_wait3A_303 = tpu.memref_slice %arg5[%mul3A_4, %dma_wait3A_302] : memref<128x128xi32, #tpu.memory_space<hbm>> -> memref<4x128xi32, #tpu.memory_space<hbm>>
      tpu.wait_dma2 semaphore(%run_scoped3A : memref<!tpu.dma_semaphore, #tpu.memory_space<semaphore_mem>>) src(%dma_wait3A_303 : memref<4x128xi32, #tpu.memory_space<hbm>>) dst(%arg10 : memref<4x128xi32, #tpu.memory_space<vmem>>)
      tpu.yield
    }) : () -> ()
    %mul3A_5 = arith.constant 80 : i32
    %mul3A_6 = arith.muli %add3A, %mul3A_5 : i32
    "tpu.region"() ({
      %run_scoped3A = tpu.sem_alloc : memref<!tpu.dma_semaphore, #tpu.memory_space<semaphore_mem>>
      %dma_start3A_296 = arith.constant 0 : i32
      %dma_start3A_297 = tpu.memref_slice %arg6[%mul3A_6, %dma_start3A_296] : memref<2560x128xi32, #tpu.memory_space<hbm>> -> memref<80x128xi32, #tpu.memory_space<hbm>>
      %dma_start3A_298 = arith.constant 0 : i32
      %dma_start3A_299 = tpu.memref_slice %arg6[%mul3A_6, %dma_start3A_298] : memref<2560x128xi32, #tpu.memory_space<hbm>> -> memref<80x128xi32, #tpu.memory_space<hbm>>
      tpu.enqueue_dma source(%dma_start3A_299 : memref<80x128xi32, #tpu.memory_space<hbm>>) target(%arg11 : memref<80x128xi32, #tpu.memory_space<vmem>>) target_semaphore(%run_scoped3A : memref<!tpu.dma_semaphore, #tpu.memory_space<semaphore_mem>>)
      %dma_wait3A_300 = arith.constant 0 : i32
      %dma_wait3A_301 = tpu.memref_slice %arg6[%mul3A_6, %dma_wait3A_300] : memref<2560x128xi32, #tpu.memory_space<hbm>> -> memref<80x128xi32, #tpu.memory_space<hbm>>
      %dma_wait3A_302 = arith.constant 0 : i32
      %dma_wait3A_303 = tpu.memref_slice %arg6[%mul3A_6, %dma_wait3A_302] : memref<2560x128xi32, #tpu.memory_space<hbm>> -> memref<80x128xi32, #tpu.memory_space<hbm>>
      tpu.wait_dma2 semaphore(%run_scoped3A : memref<!tpu.dma_semaphore, #tpu.memory_space<semaphore_mem>>) src(%dma_wait3A_303 : memref<80x128xi32, #tpu.memory_space<hbm>>) dst(%arg11 : memref<80x128xi32, #tpu.memory_space<vmem>>)
      tpu.yield
    }) : () -> ()
    %dma_start3A = arith.constant 0 : i32
    %dma_start3A_7 = arith.constant 0 : i32
    %dma_start3A_8 = arith.constant 0 : i32
    %dma_start3A_9 = tpu.memref_slice %arg12[%dma_start3A_7, %dma_start3A_8] : memref<512x32xf32, #tpu.memory_space<vmem>> -> memref<128x32xf32, #tpu.memory_space<vmem>>
    %dma_start3A_10 = arith.constant 0 : i32
    %dma_start3A_11 = tpu.memref_slice %arg9[%dma_start3A, %dma_start3A_10] : memref<4x128xi32, #tpu.memory_space<vmem>> -> memref<1x128xi32, #tpu.memory_space<vmem>>
    %dma_start3A_12 = tpu.memref_squeeze %dma_start3A_11 : memref<1x128xi32, #tpu.memory_space<vmem>> -> memref<128xi32, #tpu.memory_space<vmem>>
    %dma_start3A_13 = arith.constant 0 : i32
    %dma_start3A_14 = arith.constant 0 : i32
    %dma_start3A_15 = tpu.memref_slice %arg2[%dma_start3A_13, %dma_start3A_14] : memref<1000000x32xf32, #tpu.memory_space<hbm>> -> memref<1000000x32xf32, #tpu.memory_space<hbm>>
    tpu.enqueue_indirect_dma source(%dma_start3A_15 : memref<1000000x32xf32, #tpu.memory_space<hbm>>) target(%dma_start3A_9 : memref<128x32xf32, #tpu.memory_space<vmem>>) offsets(%dma_start3A_12 : memref<128xi32, #tpu.memory_space<vmem>>) semaphore(%arg17 : memref<!tpu.dma_semaphore, #tpu.memory_space<semaphore_mem>>)
    %dma_start3A_16 = arith.constant 0 : i32
    %dma_start3A_17 = arith.constant 0 : i32
    %dma_start3A_18 = arith.constant 0 : i32
    %dma_start3A_19 = tpu.memref_slice %arg13[%dma_start3A_17, %dma_start3A_18] : memref<512x32xf32, #tpu.memory_space<vmem>> -> memref<128x32xf32, #tpu.memory_space<vmem>>
    %dma_start3A_20 = arith.constant 0 : i32
    %dma_start3A_21 = tpu.memref_slice %arg10[%dma_start3A_16, %dma_start3A_20] : memref<4x128xi32, #tpu.memory_space<vmem>> -> memref<1x128xi32, #tpu.memory_space<vmem>>
    %dma_start3A_22 = tpu.memref_squeeze %dma_start3A_21 : memref<1x128xi32, #tpu.memory_space<vmem>> -> memref<128xi32, #tpu.memory_space<vmem>>
    %dma_start3A_23 = arith.constant 0 : i32
    %dma_start3A_24 = arith.constant 0 : i32
    %dma_start3A_25 = tpu.memref_slice %arg3[%dma_start3A_23, %dma_start3A_24] : memref<1000000x32xf32, #tpu.memory_space<hbm>> -> memref<1000000x32xf32, #tpu.memory_space<hbm>>
    tpu.enqueue_indirect_dma source(%dma_start3A_25 : memref<1000000x32xf32, #tpu.memory_space<hbm>>) target(%dma_start3A_19 : memref<128x32xf32, #tpu.memory_space<vmem>>) offsets(%dma_start3A_22 : memref<128xi32, #tpu.memory_space<vmem>>) semaphore(%arg17 : memref<!tpu.dma_semaphore, #tpu.memory_space<semaphore_mem>>)
    %dma_start3A_26 = arith.constant 1 : i32
    %dma_start3A_27 = arith.constant 128 : i32
    %dma_start3A_28 = arith.constant 0 : i32
    %dma_start3A_29 = tpu.memref_slice %arg12[%dma_start3A_27, %dma_start3A_28] : memref<512x32xf32, #tpu.memory_space<vmem>> -> memref<128x32xf32, #tpu.memory_space<vmem>>
    %dma_start3A_30 = arith.constant 0 : i32
    %dma_start3A_31 = tpu.memref_slice %arg9[%dma_start3A_26, %dma_start3A_30] : memref<4x128xi32, #tpu.memory_space<vmem>> -> memref<1x128xi32, #tpu.memory_space<vmem>>
    %dma_start3A_32 = tpu.memref_squeeze %dma_start3A_31 : memref<1x128xi32, #tpu.memory_space<vmem>> -> memref<128xi32, #tpu.memory_space<vmem>>
    %dma_start3A_33 = arith.constant 0 : i32
    %dma_start3A_34 = arith.constant 0 : i32
    %dma_start3A_35 = tpu.memref_slice %arg2[%dma_start3A_33, %dma_start3A_34] : memref<1000000x32xf32, #tpu.memory_space<hbm>> -> memref<1000000x32xf32, #tpu.memory_space<hbm>>
    tpu.enqueue_indirect_dma source(%dma_start3A_35 : memref<1000000x32xf32, #tpu.memory_space<hbm>>) target(%dma_start3A_29 : memref<128x32xf32, #tpu.memory_space<vmem>>) offsets(%dma_start3A_32 : memref<128xi32, #tpu.memory_space<vmem>>) semaphore(%arg17 : memref<!tpu.dma_semaphore, #tpu.memory_space<semaphore_mem>>)
    %dma_start3A_36 = arith.constant 1 : i32
    %dma_start3A_37 = arith.constant 128 : i32
    %dma_start3A_38 = arith.constant 0 : i32
    %dma_start3A_39 = tpu.memref_slice %arg13[%dma_start3A_37, %dma_start3A_38] : memref<512x32xf32, #tpu.memory_space<vmem>> -> memref<128x32xf32, #tpu.memory_space<vmem>>
    %dma_start3A_40 = arith.constant 0 : i32
    %dma_start3A_41 = tpu.memref_slice %arg10[%dma_start3A_36, %dma_start3A_40] : memref<4x128xi32, #tpu.memory_space<vmem>> -> memref<1x128xi32, #tpu.memory_space<vmem>>
    %dma_start3A_42 = tpu.memref_squeeze %dma_start3A_41 : memref<1x128xi32, #tpu.memory_space<vmem>> -> memref<128xi32, #tpu.memory_space<vmem>>
    %dma_start3A_43 = arith.constant 0 : i32
    %dma_start3A_44 = arith.constant 0 : i32
    %dma_start3A_45 = tpu.memref_slice %arg3[%dma_start3A_43, %dma_start3A_44] : memref<1000000x32xf32, #tpu.memory_space<hbm>> -> memref<1000000x32xf32, #tpu.memory_space<hbm>>
    tpu.enqueue_indirect_dma source(%dma_start3A_45 : memref<1000000x32xf32, #tpu.memory_space<hbm>>) target(%dma_start3A_39 : memref<128x32xf32, #tpu.memory_space<vmem>>) offsets(%dma_start3A_42 : memref<128xi32, #tpu.memory_space<vmem>>) semaphore(%arg17 : memref<!tpu.dma_semaphore, #tpu.memory_space<semaphore_mem>>)
    %dma_start3A_46 = arith.constant 2 : i32
    %dma_start3A_47 = arith.constant 256 : i32
    %dma_start3A_48 = arith.constant 0 : i32
    %dma_start3A_49 = tpu.memref_slice %arg12[%dma_start3A_47, %dma_start3A_48] : memref<512x32xf32, #tpu.memory_space<vmem>> -> memref<128x32xf32, #tpu.memory_space<vmem>>
    %dma_start3A_50 = arith.constant 0 : i32
    %dma_start3A_51 = tpu.memref_slice %arg9[%dma_start3A_46, %dma_start3A_50] : memref<4x128xi32, #tpu.memory_space<vmem>> -> memref<1x128xi32, #tpu.memory_space<vmem>>
    %dma_start3A_52 = tpu.memref_squeeze %dma_start3A_51 : memref<1x128xi32, #tpu.memory_space<vmem>> -> memref<128xi32, #tpu.memory_space<vmem>>
    %dma_start3A_53 = arith.constant 0 : i32
    %dma_start3A_54 = arith.constant 0 : i32
    %dma_start3A_55 = tpu.memref_slice %arg2[%dma_start3A_53, %dma_start3A_54] : memref<1000000x32xf32, #tpu.memory_space<hbm>> -> memref<1000000x32xf32, #tpu.memory_space<hbm>>
    tpu.enqueue_indirect_dma source(%dma_start3A_55 : memref<1000000x32xf32, #tpu.memory_space<hbm>>) target(%dma_start3A_49 : memref<128x32xf32, #tpu.memory_space<vmem>>) offsets(%dma_start3A_52 : memref<128xi32, #tpu.memory_space<vmem>>) semaphore(%arg17 : memref<!tpu.dma_semaphore, #tpu.memory_space<semaphore_mem>>)
    %dma_start3A_56 = arith.constant 2 : i32
    %dma_start3A_57 = arith.constant 256 : i32
    %dma_start3A_58 = arith.constant 0 : i32
    %dma_start3A_59 = tpu.memref_slice %arg13[%dma_start3A_57, %dma_start3A_58] : memref<512x32xf32, #tpu.memory_space<vmem>> -> memref<128x32xf32, #tpu.memory_space<vmem>>
    %dma_start3A_60 = arith.constant 0 : i32
    %dma_start3A_61 = tpu.memref_slice %arg10[%dma_start3A_56, %dma_start3A_60] : memref<4x128xi32, #tpu.memory_space<vmem>> -> memref<1x128xi32, #tpu.memory_space<vmem>>
    %dma_start3A_62 = tpu.memref_squeeze %dma_start3A_61 : memref<1x128xi32, #tpu.memory_space<vmem>> -> memref<128xi32, #tpu.memory_space<vmem>>
    %dma_start3A_63 = arith.constant 0 : i32
    %dma_start3A_64 = arith.constant 0 : i32
    %dma_start3A_65 = tpu.memref_slice %arg3[%dma_start3A_63, %dma_start3A_64] : memref<1000000x32xf32, #tpu.memory_space<hbm>> -> memref<1000000x32xf32, #tpu.memory_space<hbm>>
    tpu.enqueue_indirect_dma source(%dma_start3A_65 : memref<1000000x32xf32, #tpu.memory_space<hbm>>) target(%dma_start3A_59 : memref<128x32xf32, #tpu.memory_space<vmem>>) offsets(%dma_start3A_62 : memref<128xi32, #tpu.memory_space<vmem>>) semaphore(%arg17 : memref<!tpu.dma_semaphore, #tpu.memory_space<semaphore_mem>>)
    %dma_start3A_66 = arith.constant 3 : i32
    %dma_start3A_67 = arith.constant 384 : i32
    %dma_start3A_68 = arith.constant 0 : i32
    %dma_start3A_69 = tpu.memref_slice %arg12[%dma_start3A_67, %dma_start3A_68] : memref<512x32xf32, #tpu.memory_space<vmem>> -> memref<128x32xf32, #tpu.memory_space<vmem>>
    %dma_start3A_70 = arith.constant 0 : i32
    %dma_start3A_71 = tpu.memref_slice %arg9[%dma_start3A_66, %dma_start3A_70] : memref<4x128xi32, #tpu.memory_space<vmem>> -> memref<1x128xi32, #tpu.memory_space<vmem>>
    %dma_start3A_72 = tpu.memref_squeeze %dma_start3A_71 : memref<1x128xi32, #tpu.memory_space<vmem>> -> memref<128xi32, #tpu.memory_space<vmem>>
    %dma_start3A_73 = arith.constant 0 : i32
    %dma_start3A_74 = arith.constant 0 : i32
    %dma_start3A_75 = tpu.memref_slice %arg2[%dma_start3A_73, %dma_start3A_74] : memref<1000000x32xf32, #tpu.memory_space<hbm>> -> memref<1000000x32xf32, #tpu.memory_space<hbm>>
    tpu.enqueue_indirect_dma source(%dma_start3A_75 : memref<1000000x32xf32, #tpu.memory_space<hbm>>) target(%dma_start3A_69 : memref<128x32xf32, #tpu.memory_space<vmem>>) offsets(%dma_start3A_72 : memref<128xi32, #tpu.memory_space<vmem>>) semaphore(%arg17 : memref<!tpu.dma_semaphore, #tpu.memory_space<semaphore_mem>>)
    %dma_start3A_76 = arith.constant 3 : i32
    %dma_start3A_77 = arith.constant 384 : i32
    %dma_start3A_78 = arith.constant 0 : i32
    %dma_start3A_79 = tpu.memref_slice %arg13[%dma_start3A_77, %dma_start3A_78] : memref<512x32xf32, #tpu.memory_space<vmem>> -> memref<128x32xf32, #tpu.memory_space<vmem>>
    %dma_start3A_80 = arith.constant 0 : i32
    %dma_start3A_81 = tpu.memref_slice %arg10[%dma_start3A_76, %dma_start3A_80] : memref<4x128xi32, #tpu.memory_space<vmem>> -> memref<1x128xi32, #tpu.memory_space<vmem>>
    %dma_start3A_82 = tpu.memref_squeeze %dma_start3A_81 : memref<1x128xi32, #tpu.memory_space<vmem>> -> memref<128xi32, #tpu.memory_space<vmem>>
    %dma_start3A_83 = arith.constant 0 : i32
    %dma_start3A_84 = arith.constant 0 : i32
    %dma_start3A_85 = tpu.memref_slice %arg3[%dma_start3A_83, %dma_start3A_84] : memref<1000000x32xf32, #tpu.memory_space<hbm>> -> memref<1000000x32xf32, #tpu.memory_space<hbm>>
    tpu.enqueue_indirect_dma source(%dma_start3A_85 : memref<1000000x32xf32, #tpu.memory_space<hbm>>) target(%dma_start3A_79 : memref<128x32xf32, #tpu.memory_space<vmem>>) offsets(%dma_start3A_82 : memref<128xi32, #tpu.memory_space<vmem>>) semaphore(%arg17 : memref<!tpu.dma_semaphore, #tpu.memory_space<semaphore_mem>>)
    %dma_start3A_86 = arith.constant 0 : i32
    %dma_start3A_87 = arith.constant 0 : i32
    %dma_start3A_88 = arith.constant 0 : i32
    %dma_start3A_89 = arith.constant 0 : i32
    %dma_start3A_90 = tpu.memref_slice %arg14[%dma_start3A_87, %dma_start3A_88, %dma_start3A_89] : memref<2x640x32xf32, #tpu.memory_space<vmem>> -> memref<1x128x32xf32, #tpu.memory_space<vmem>>
    %dma_start3A_91 = tpu.memref_squeeze %dma_start3A_90 : memref<1x128x32xf32, #tpu.memory_space<vmem>> -> memref<128x32xf32, #tpu.memory_space<vmem>>
    %dma_start3A_92 = arith.constant 0 : i32
    %dma_start3A_93 = tpu.memref_slice %arg11[%dma_start3A_86, %dma_start3A_92] : memref<80x128xi32, #tpu.memory_space<vmem>> -> memref<1x128xi32, #tpu.memory_space<vmem>>
    %dma_start3A_94 = tpu.memref_squeeze %dma_start3A_93 : memref<1x128xi32, #tpu.memory_space<vmem>> -> memref<128xi32, #tpu.memory_space<vmem>>
    %dma_start3A_95 = arith.constant 0 : i32
    %dma_start3A_96 = arith.constant 0 : i32
    %dma_start3A_97 = tpu.memref_slice %arg3[%dma_start3A_95, %dma_start3A_96] : memref<1000000x32xf32, #tpu.memory_space<hbm>> -> memref<1000000x32xf32, #tpu.memory_space<hbm>>
    tpu.enqueue_indirect_dma source(%dma_start3A_97 : memref<1000000x32xf32, #tpu.memory_space<hbm>>) target(%dma_start3A_91 : memref<128x32xf32, #tpu.memory_space<vmem>>) offsets(%dma_start3A_94 : memref<128xi32, #tpu.memory_space<vmem>>) semaphore(%arg18 : memref<!tpu.dma_semaphore, #tpu.memory_space<semaphore_mem>>)
    %dma_start3A_98 = arith.constant 1 : i32
    %dma_start3A_99 = arith.constant 0 : i32
    %dma_start3A_100 = arith.constant 128 : i32
    %dma_start3A_101 = arith.constant 0 : i32
    %dma_start3A_102 = tpu.memref_slice %arg14[%dma_start3A_99, %dma_start3A_100, %dma_start3A_101] : memref<2x640x32xf32, #tpu.memory_space<vmem>> -> memref<1x128x32xf32, #tpu.memory_space<vmem>>
    %dma_start3A_103 = tpu.memref_squeeze %dma_start3A_102 : memref<1x128x32xf32, #tpu.memory_space<vmem>> -> memref<128x32xf32, #tpu.memory_space<vmem>>
    %dma_start3A_104 = arith.constant 0 : i32
    %dma_start3A_105 = tpu.memref_slice %arg11[%dma_start3A_98, %dma_start3A_104] : memref<80x128xi32, #tpu.memory_space<vmem>> -> memref<1x128xi32, #tpu.memory_space<vmem>>
    %dma_start3A_106 = tpu.memref_squeeze %dma_start3A_105 : memref<1x128xi32, #tpu.memory_space<vmem>> -> memref<128xi32, #tpu.memory_space<vmem>>
    %dma_start3A_107 = arith.constant 0 : i32
    %dma_start3A_108 = arith.constant 0 : i32
    %dma_start3A_109 = tpu.memref_slice %arg3[%dma_start3A_107, %dma_start3A_108] : memref<1000000x32xf32, #tpu.memory_space<hbm>> -> memref<1000000x32xf32, #tpu.memory_space<hbm>>
    tpu.enqueue_indirect_dma source(%dma_start3A_109 : memref<1000000x32xf32, #tpu.memory_space<hbm>>) target(%dma_start3A_103 : memref<128x32xf32, #tpu.memory_space<vmem>>) offsets(%dma_start3A_106 : memref<128xi32, #tpu.memory_space<vmem>>) semaphore(%arg18 : memref<!tpu.dma_semaphore, #tpu.memory_space<semaphore_mem>>)
    %dma_start3A_110 = arith.constant 2 : i32
    %dma_start3A_111 = arith.constant 0 : i32
    %dma_start3A_112 = arith.constant 256 : i32
    %dma_start3A_113 = arith.constant 0 : i32
    %dma_start3A_114 = tpu.memref_slice %arg14[%dma_start3A_111, %dma_start3A_112, %dma_start3A_113] : memref<2x640x32xf32, #tpu.memory_space<vmem>> -> memref<1x128x32xf32, #tpu.memory_space<vmem>>
    %dma_start3A_115 = tpu.memref_squeeze %dma_start3A_114 : memref<1x128x32xf32, #tpu.memory_space<vmem>> -> memref<128x32xf32, #tpu.memory_space<vmem>>
    %dma_start3A_116 = arith.constant 0 : i32
    %dma_start3A_117 = tpu.memref_slice %arg11[%dma_start3A_110, %dma_start3A_116] : memref<80x128xi32, #tpu.memory_space<vmem>> -> memref<1x128xi32, #tpu.memory_space<vmem>>
    %dma_start3A_118 = tpu.memref_squeeze %dma_start3A_117 : memref<1x128xi32, #tpu.memory_space<vmem>> -> memref<128xi32, #tpu.memory_space<vmem>>
    %dma_start3A_119 = arith.constant 0 : i32
    %dma_start3A_120 = arith.constant 0 : i32
    %dma_start3A_121 = tpu.memref_slice %arg3[%dma_start3A_119, %dma_start3A_120] : memref<1000000x32xf32, #tpu.memory_space<hbm>> -> memref<1000000x32xf32, #tpu.memory_space<hbm>>
    tpu.enqueue_indirect_dma source(%dma_start3A_121 : memref<1000000x32xf32, #tpu.memory_space<hbm>>) target(%dma_start3A_115 : memref<128x32xf32, #tpu.memory_space<vmem>>) offsets(%dma_start3A_118 : memref<128xi32, #tpu.memory_space<vmem>>) semaphore(%arg18 : memref<!tpu.dma_semaphore, #tpu.memory_space<semaphore_mem>>)
    %dma_start3A_122 = arith.constant 3 : i32
    %dma_start3A_123 = arith.constant 0 : i32
    %dma_start3A_124 = arith.constant 384 : i32
    %dma_start3A_125 = arith.constant 0 : i32
    %dma_start3A_126 = tpu.memref_slice %arg14[%dma_start3A_123, %dma_start3A_124, %dma_start3A_125] : memref<2x640x32xf32, #tpu.memory_space<vmem>> -> memref<1x128x32xf32, #tpu.memory_space<vmem>>
    %dma_start3A_127 = tpu.memref_squeeze %dma_start3A_126 : memref<1x128x32xf32, #tpu.memory_space<vmem>> -> memref<128x32xf32, #tpu.memory_space<vmem>>
    %dma_start3A_128 = arith.constant 0 : i32
    %dma_start3A_129 = tpu.memref_slice %arg11[%dma_start3A_122, %dma_start3A_128] : memref<80x128xi32, #tpu.memory_space<vmem>> -> memref<1x128xi32, #tpu.memory_space<vmem>>
    %dma_start3A_130 = tpu.memref_squeeze %dma_start3A_129 : memref<1x128xi32, #tpu.memory_space<vmem>> -> memref<128xi32, #tpu.memory_space<vmem>>
    %dma_start3A_131 = arith.constant 0 : i32
    %dma_start3A_132 = arith.constant 0 : i32
    %dma_start3A_133 = tpu.memref_slice %arg3[%dma_start3A_131, %dma_start3A_132] : memref<1000000x32xf32, #tpu.memory_space<hbm>> -> memref<1000000x32xf32, #tpu.memory_space<hbm>>
    tpu.enqueue_indirect_dma source(%dma_start3A_133 : memref<1000000x32xf32, #tpu.memory_space<hbm>>) target(%dma_start3A_127 : memref<128x32xf32, #tpu.memory_space<vmem>>) offsets(%dma_start3A_130 : memref<128xi32, #tpu.memory_space<vmem>>) semaphore(%arg18 : memref<!tpu.dma_semaphore, #tpu.memory_space<semaphore_mem>>)
    %dma_start3A_134 = arith.constant 4 : i32
    %dma_start3A_135 = arith.constant 0 : i32
    %dma_start3A_136 = arith.constant 512 : i32
    %dma_start3A_137 = arith.constant 0 : i32
    %dma_start3A_138 = tpu.memref_slice %arg14[%dma_start3A_135, %dma_start3A_136, %dma_start3A_137] : memref<2x640x32xf32, #tpu.memory_space<vmem>> -> memref<1x128x32xf32, #tpu.memory_space<vmem>>
    %dma_start3A_139 = tpu.memref_squeeze %dma_start3A_138 : memref<1x128x32xf32, #tpu.memory_space<vmem>> -> memref<128x32xf32, #tpu.memory_space<vmem>>
    %dma_start3A_140 = arith.constant 0 : i32
    %dma_start3A_141 = tpu.memref_slice %arg11[%dma_start3A_134, %dma_start3A_140] : memref<80x128xi32, #tpu.memory_space<vmem>> -> memref<1x128xi32, #tpu.memory_space<vmem>>
    %dma_start3A_142 = tpu.memref_squeeze %dma_start3A_141 : memref<1x128xi32, #tpu.memory_space<vmem>> -> memref<128xi32, #tpu.memory_space<vmem>>
    %dma_start3A_143 = arith.constant 0 : i32
    %dma_start3A_144 = arith.constant 0 : i32
    %dma_start3A_145 = tpu.memref_slice %arg3[%dma_start3A_143, %dma_start3A_144] : memref<1000000x32xf32, #tpu.memory_space<hbm>> -> memref<1000000x32xf32, #tpu.memory_space<hbm>>
    tpu.enqueue_indirect_dma source(%dma_start3A_145 : memref<1000000x32xf32, #tpu.memory_space<hbm>>) target(%dma_start3A_139 : memref<128x32xf32, #tpu.memory_space<vmem>>) offsets(%dma_start3A_142 : memref<128xi32, #tpu.memory_space<vmem>>) semaphore(%arg18 : memref<!tpu.dma_semaphore, #tpu.memory_space<semaphore_mem>>)
    %dma_start3A_146 = arith.constant 5 : i32
    %dma_start3A_147 = arith.constant 1 : i32
    %dma_start3A_148 = arith.constant 0 : i32
    %dma_start3A_149 = arith.constant 0 : i32
    %dma_start3A_150 = tpu.memref_slice %arg14[%dma_start3A_147, %dma_start3A_148, %dma_start3A_149] : memref<2x640x32xf32, #tpu.memory_space<vmem>> -> memref<1x128x32xf32, #tpu.memory_space<vmem>>
    %dma_start3A_151 = tpu.memref_squeeze %dma_start3A_150 : memref<1x128x32xf32, #tpu.memory_space<vmem>> -> memref<128x32xf32, #tpu.memory_space<vmem>>
    %dma_start3A_152 = arith.constant 0 : i32
    %dma_start3A_153 = tpu.memref_slice %arg11[%dma_start3A_146, %dma_start3A_152] : memref<80x128xi32, #tpu.memory_space<vmem>> -> memref<1x128xi32, #tpu.memory_space<vmem>>
    %dma_start3A_154 = tpu.memref_squeeze %dma_start3A_153 : memref<1x128xi32, #tpu.memory_space<vmem>> -> memref<128xi32, #tpu.memory_space<vmem>>
    %dma_start3A_155 = arith.constant 0 : i32
    %dma_start3A_156 = arith.constant 0 : i32
    %dma_start3A_157 = tpu.memref_slice %arg3[%dma_start3A_155, %dma_start3A_156] : memref<1000000x32xf32, #tpu.memory_space<hbm>> -> memref<1000000x32xf32, #tpu.memory_space<hbm>>
    tpu.enqueue_indirect_dma source(%dma_start3A_157 : memref<1000000x32xf32, #tpu.memory_space<hbm>>) target(%dma_start3A_151 : memref<128x32xf32, #tpu.memory_space<vmem>>) offsets(%dma_start3A_154 : memref<128xi32, #tpu.memory_space<vmem>>) semaphore(%arg19 : memref<!tpu.dma_semaphore, #tpu.memory_space<semaphore_mem>>)
    %dma_start3A_158 = arith.constant 6 : i32
    %dma_start3A_159 = arith.constant 1 : i32
    %dma_start3A_160 = arith.constant 128 : i32
    %dma_start3A_161 = arith.constant 0 : i32
    %dma_start3A_162 = tpu.memref_slice %arg14[%dma_start3A_159, %dma_start3A_160, %dma_start3A_161] : memref<2x640x32xf32, #tpu.memory_space<vmem>> -> memref<1x128x32xf32, #tpu.memory_space<vmem>>
    %dma_start3A_163 = tpu.memref_squeeze %dma_start3A_162 : memref<1x128x32xf32, #tpu.memory_space<vmem>> -> memref<128x32xf32, #tpu.memory_space<vmem>>
    %dma_start3A_164 = arith.constant 0 : i32
    %dma_start3A_165 = tpu.memref_slice %arg11[%dma_start3A_158, %dma_start3A_164] : memref<80x128xi32, #tpu.memory_space<vmem>> -> memref<1x128xi32, #tpu.memory_space<vmem>>
    %dma_start3A_166 = tpu.memref_squeeze %dma_start3A_165 : memref<1x128xi32, #tpu.memory_space<vmem>> -> memref<128xi32, #tpu.memory_space<vmem>>
    %dma_start3A_167 = arith.constant 0 : i32
    %dma_start3A_168 = arith.constant 0 : i32
    %dma_start3A_169 = tpu.memref_slice %arg3[%dma_start3A_167, %dma_start3A_168] : memref<1000000x32xf32, #tpu.memory_space<hbm>> -> memref<1000000x32xf32, #tpu.memory_space<hbm>>
    tpu.enqueue_indirect_dma source(%dma_start3A_169 : memref<1000000x32xf32, #tpu.memory_space<hbm>>) target(%dma_start3A_163 : memref<128x32xf32, #tpu.memory_space<vmem>>) offsets(%dma_start3A_166 : memref<128xi32, #tpu.memory_space<vmem>>) semaphore(%arg19 : memref<!tpu.dma_semaphore, #tpu.memory_space<semaphore_mem>>)
    %dma_start3A_170 = arith.constant 7 : i32
    %dma_start3A_171 = arith.constant 1 : i32
    %dma_start3A_172 = arith.constant 256 : i32
    %dma_start3A_173 = arith.constant 0 : i32
    %dma_start3A_174 = tpu.memref_slice %arg14[%dma_start3A_171, %dma_start3A_172, %dma_start3A_173] : memref<2x640x32xf32, #tpu.memory_space<vmem>> -> memref<1x128x32xf32, #tpu.memory_space<vmem>>
    %dma_start3A_175 = tpu.memref_squeeze %dma_start3A_174 : memref<1x128x32xf32, #tpu.memory_space<vmem>> -> memref<128x32xf32, #tpu.memory_space<vmem>>
    %dma_start3A_176 = arith.constant 0 : i32
    %dma_start3A_177 = tpu.memref_slice %arg11[%dma_start3A_170, %dma_start3A_176] : memref<80x128xi32, #tpu.memory_space<vmem>> -> memref<1x128xi32, #tpu.memory_space<vmem>>
    %dma_start3A_178 = tpu.memref_squeeze %dma_start3A_177 : memref<1x128xi32, #tpu.memory_space<vmem>> -> memref<128xi32, #tpu.memory_space<vmem>>
    %dma_start3A_179 = arith.constant 0 : i32
    %dma_start3A_180 = arith.constant 0 : i32
    %dma_start3A_181 = tpu.memref_slice %arg3[%dma_start3A_179, %dma_start3A_180] : memref<1000000x32xf32, #tpu.memory_space<hbm>> -> memref<1000000x32xf32, #tpu.memory_space<hbm>>
    tpu.enqueue_indirect_dma source(%dma_start3A_181 : memref<1000000x32xf32, #tpu.memory_space<hbm>>) target(%dma_start3A_175 : memref<128x32xf32, #tpu.memory_space<vmem>>) offsets(%dma_start3A_178 : memref<128xi32, #tpu.memory_space<vmem>>) semaphore(%arg19 : memref<!tpu.dma_semaphore, #tpu.memory_space<semaphore_mem>>)
    %dma_start3A_182 = arith.constant 8 : i32
    %dma_start3A_183 = arith.constant 1 : i32
    %dma_start3A_184 = arith.constant 384 : i32
    %dma_start3A_185 = arith.constant 0 : i32
    %dma_start3A_186 = tpu.memref_slice %arg14[%dma_start3A_183, %dma_start3A_184, %dma_start3A_185] : memref<2x640x32xf32, #tpu.memory_space<vmem>> -> memref<1x128x32xf32, #tpu.memory_space<vmem>>
    %dma_start3A_187 = tpu.memref_squeeze %dma_start3A_186 : memref<1x128x32xf32, #tpu.memory_space<vmem>> -> memref<128x32xf32, #tpu.memory_space<vmem>>
    %dma_start3A_188 = arith.constant 0 : i32
    %dma_start3A_189 = tpu.memref_slice %arg11[%dma_start3A_182, %dma_start3A_188] : memref<80x128xi32, #tpu.memory_space<vmem>> -> memref<1x128xi32, #tpu.memory_space<vmem>>
    %dma_start3A_190 = tpu.memref_squeeze %dma_start3A_189 : memref<1x128xi32, #tpu.memory_space<vmem>> -> memref<128xi32, #tpu.memory_space<vmem>>
    %dma_start3A_191 = arith.constant 0 : i32
    %dma_start3A_192 = arith.constant 0 : i32
    %dma_start3A_193 = tpu.memref_slice %arg3[%dma_start3A_191, %dma_start3A_192] : memref<1000000x32xf32, #tpu.memory_space<hbm>> -> memref<1000000x32xf32, #tpu.memory_space<hbm>>
    tpu.enqueue_indirect_dma source(%dma_start3A_193 : memref<1000000x32xf32, #tpu.memory_space<hbm>>) target(%dma_start3A_187 : memref<128x32xf32, #tpu.memory_space<vmem>>) offsets(%dma_start3A_190 : memref<128xi32, #tpu.memory_space<vmem>>) semaphore(%arg19 : memref<!tpu.dma_semaphore, #tpu.memory_space<semaphore_mem>>)
    %dma_start3A_194 = arith.constant 9 : i32
    %dma_start3A_195 = arith.constant 1 : i32
    %dma_start3A_196 = arith.constant 512 : i32
    %dma_start3A_197 = arith.constant 0 : i32
    %dma_start3A_198 = tpu.memref_slice %arg14[%dma_start3A_195, %dma_start3A_196, %dma_start3A_197] : memref<2x640x32xf32, #tpu.memory_space<vmem>> -> memref<1x128x32xf32, #tpu.memory_space<vmem>>
    %dma_start3A_199 = tpu.memref_squeeze %dma_start3A_198 : memref<1x128x32xf32, #tpu.memory_space<vmem>> -> memref<128x32xf32, #tpu.memory_space<vmem>>
    %dma_start3A_200 = arith.constant 0 : i32
    %dma_start3A_201 = tpu.memref_slice %arg11[%dma_start3A_194, %dma_start3A_200] : memref<80x128xi32, #tpu.memory_space<vmem>> -> memref<1x128xi32, #tpu.memory_space<vmem>>
    %dma_start3A_202 = tpu.memref_squeeze %dma_start3A_201 : memref<1x128xi32, #tpu.memory_space<vmem>> -> memref<128xi32, #tpu.memory_space<vmem>>
    %dma_start3A_203 = arith.constant 0 : i32
    %dma_start3A_204 = arith.constant 0 : i32
    %dma_start3A_205 = tpu.memref_slice %arg3[%dma_start3A_203, %dma_start3A_204] : memref<1000000x32xf32, #tpu.memory_space<hbm>> -> memref<1000000x32xf32, #tpu.memory_space<hbm>>
    tpu.enqueue_indirect_dma source(%dma_start3A_205 : memref<1000000x32xf32, #tpu.memory_space<hbm>>) target(%dma_start3A_199 : memref<128x32xf32, #tpu.memory_space<vmem>>) offsets(%dma_start3A_202 : memref<128xi32, #tpu.memory_space<vmem>>) semaphore(%arg19 : memref<!tpu.dma_semaphore, #tpu.memory_space<semaphore_mem>>)
    %dma_wait3A = arith.constant 0 : i32
    %dma_wait3A_206 = arith.constant 0 : i32
    %dma_wait3A_207 = arith.constant 0 : i32
    %dma_wait3A_208 = tpu.memref_slice %arg12[%dma_wait3A_206, %dma_wait3A_207] : memref<512x32xf32, #tpu.memory_space<vmem>> -> memref<128x32xf32, #tpu.memory_space<vmem>>
    %dma_wait3A_209 = arith.constant 0 : i32
    %dma_wait3A_210 = tpu.memref_slice %arg9[%dma_wait3A, %dma_wait3A_209] : memref<4x128xi32, #tpu.memory_space<vmem>> -> memref<1x128xi32, #tpu.memory_space<vmem>>
    %dma_wait3A_211 = tpu.memref_squeeze %dma_wait3A_210 : memref<1x128xi32, #tpu.memory_space<vmem>> -> memref<128xi32, #tpu.memory_space<vmem>>
    %dma_wait3A_212 = arith.constant 0 : i32
    %dma_wait3A_213 = arith.constant 0 : i32
    %dma_wait3A_214 = tpu.memref_slice %arg2[%dma_wait3A_212, %dma_wait3A_213] : memref<1000000x32xf32, #tpu.memory_space<hbm>> -> memref<1000000x32xf32, #tpu.memory_space<hbm>>
    tpu.wait_indirect_dma semaphore(%arg17 : memref<!tpu.dma_semaphore, #tpu.memory_space<semaphore_mem>>) src(%dma_wait3A_214 : memref<1000000x32xf32, #tpu.memory_space<hbm>>) dst(%dma_wait3A_208 : memref<128x32xf32, #tpu.memory_space<vmem>>)
    %dma_wait3A_215 = arith.constant 0 : i32
    %dma_wait3A_216 = arith.constant 0 : i32
    %dma_wait3A_217 = arith.constant 0 : i32
    %dma_wait3A_218 = tpu.memref_slice %arg13[%dma_wait3A_216, %dma_wait3A_217] : memref<512x32xf32, #tpu.memory_space<vmem>> -> memref<128x32xf32, #tpu.memory_space<vmem>>
    %dma_wait3A_219 = arith.constant 0 : i32
    %dma_wait3A_220 = tpu.memref_slice %arg10[%dma_wait3A_215, %dma_wait3A_219] : memref<4x128xi32, #tpu.memory_space<vmem>> -> memref<1x128xi32, #tpu.memory_space<vmem>>
    %dma_wait3A_221 = tpu.memref_squeeze %dma_wait3A_220 : memref<1x128xi32, #tpu.memory_space<vmem>> -> memref<128xi32, #tpu.memory_space<vmem>>
    %dma_wait3A_222 = arith.constant 0 : i32
    %dma_wait3A_223 = arith.constant 0 : i32
    %dma_wait3A_224 = tpu.memref_slice %arg3[%dma_wait3A_222, %dma_wait3A_223] : memref<1000000x32xf32, #tpu.memory_space<hbm>> -> memref<1000000x32xf32, #tpu.memory_space<hbm>>
    tpu.wait_indirect_dma semaphore(%arg17 : memref<!tpu.dma_semaphore, #tpu.memory_space<semaphore_mem>>) src(%dma_wait3A_224 : memref<1000000x32xf32, #tpu.memory_space<hbm>>) dst(%dma_wait3A_218 : memref<128x32xf32, #tpu.memory_space<vmem>>)
    %dma_wait3A_225 = arith.constant 1 : i32
    %dma_wait3A_226 = arith.constant 128 : i32
    %dma_wait3A_227 = arith.constant 0 : i32
    %dma_wait3A_228 = tpu.memref_slice %arg12[%dma_wait3A_226, %dma_wait3A_227] : memref<512x32xf32, #tpu.memory_space<vmem>> -> memref<128x32xf32, #tpu.memory_space<vmem>>
    %dma_wait3A_229 = arith.constant 0 : i32
    %dma_wait3A_230 = tpu.memref_slice %arg9[%dma_wait3A_225, %dma_wait3A_229] : memref<4x128xi32, #tpu.memory_space<vmem>> -> memref<1x128xi32, #tpu.memory_space<vmem>>
    %dma_wait3A_231 = tpu.memref_squeeze %dma_wait3A_230 : memref<1x128xi32, #tpu.memory_space<vmem>> -> memref<128xi32, #tpu.memory_space<vmem>>
    %dma_wait3A_232 = arith.constant 0 : i32
    %dma_wait3A_233 = arith.constant 0 : i32
    %dma_wait3A_234 = tpu.memref_slice %arg2[%dma_wait3A_232, %dma_wait3A_233] : memref<1000000x32xf32, #tpu.memory_space<hbm>> -> memref<1000000x32xf32, #tpu.memory_space<hbm>>
    tpu.wait_indirect_dma semaphore(%arg17 : memref<!tpu.dma_semaphore, #tpu.memory_space<semaphore_mem>>) src(%dma_wait3A_234 : memref<1000000x32xf32, #tpu.memory_space<hbm>>) dst(%dma_wait3A_228 : memref<128x32xf32, #tpu.memory_space<vmem>>)
    %dma_wait3A_235 = arith.constant 1 : i32
    %dma_wait3A_236 = arith.constant 128 : i32
    %dma_wait3A_237 = arith.constant 0 : i32
    %dma_wait3A_238 = tpu.memref_slice %arg13[%dma_wait3A_236, %dma_wait3A_237] : memref<512x32xf32, #tpu.memory_space<vmem>> -> memref<128x32xf32, #tpu.memory_space<vmem>>
    %dma_wait3A_239 = arith.constant 0 : i32
    %dma_wait3A_240 = tpu.memref_slice %arg10[%dma_wait3A_235, %dma_wait3A_239] : memref<4x128xi32, #tpu.memory_space<vmem>> -> memref<1x128xi32, #tpu.memory_space<vmem>>
    %dma_wait3A_241 = tpu.memref_squeeze %dma_wait3A_240 : memref<1x128xi32, #tpu.memory_space<vmem>> -> memref<128xi32, #tpu.memory_space<vmem>>
    %dma_wait3A_242 = arith.constant 0 : i32
    %dma_wait3A_243 = arith.constant 0 : i32
    %dma_wait3A_244 = tpu.memref_slice %arg3[%dma_wait3A_242, %dma_wait3A_243] : memref<1000000x32xf32, #tpu.memory_space<hbm>> -> memref<1000000x32xf32, #tpu.memory_space<hbm>>
    tpu.wait_indirect_dma semaphore(%arg17 : memref<!tpu.dma_semaphore, #tpu.memory_space<semaphore_mem>>) src(%dma_wait3A_244 : memref<1000000x32xf32, #tpu.memory_space<hbm>>) dst(%dma_wait3A_238 : memref<128x32xf32, #tpu.memory_space<vmem>>)
    %dma_wait3A_245 = arith.constant 2 : i32
    %dma_wait3A_246 = arith.constant 256 : i32
    %dma_wait3A_247 = arith.constant 0 : i32
    %dma_wait3A_248 = tpu.memref_slice %arg12[%dma_wait3A_246, %dma_wait3A_247] : memref<512x32xf32, #tpu.memory_space<vmem>> -> memref<128x32xf32, #tpu.memory_space<vmem>>
    %dma_wait3A_249 = arith.constant 0 : i32
    %dma_wait3A_250 = tpu.memref_slice %arg9[%dma_wait3A_245, %dma_wait3A_249] : memref<4x128xi32, #tpu.memory_space<vmem>> -> memref<1x128xi32, #tpu.memory_space<vmem>>
    %dma_wait3A_251 = tpu.memref_squeeze %dma_wait3A_250 : memref<1x128xi32, #tpu.memory_space<vmem>> -> memref<128xi32, #tpu.memory_space<vmem>>
    %dma_wait3A_252 = arith.constant 0 : i32
    %dma_wait3A_253 = arith.constant 0 : i32
    %dma_wait3A_254 = tpu.memref_slice %arg2[%dma_wait3A_252, %dma_wait3A_253] : memref<1000000x32xf32, #tpu.memory_space<hbm>> -> memref<1000000x32xf32, #tpu.memory_space<hbm>>
    tpu.wait_indirect_dma semaphore(%arg17 : memref<!tpu.dma_semaphore, #tpu.memory_space<semaphore_mem>>) src(%dma_wait3A_254 : memref<1000000x32xf32, #tpu.memory_space<hbm>>) dst(%dma_wait3A_248 : memref<128x32xf32, #tpu.memory_space<vmem>>)
    %dma_wait3A_255 = arith.constant 2 : i32
    %dma_wait3A_256 = arith.constant 256 : i32
    %dma_wait3A_257 = arith.constant 0 : i32
    %dma_wait3A_258 = tpu.memref_slice %arg13[%dma_wait3A_256, %dma_wait3A_257] : memref<512x32xf32, #tpu.memory_space<vmem>> -> memref<128x32xf32, #tpu.memory_space<vmem>>
    %dma_wait3A_259 = arith.constant 0 : i32
    %dma_wait3A_260 = tpu.memref_slice %arg10[%dma_wait3A_255, %dma_wait3A_259] : memref<4x128xi32, #tpu.memory_space<vmem>> -> memref<1x128xi32, #tpu.memory_space<vmem>>
    %dma_wait3A_261 = tpu.memref_squeeze %dma_wait3A_260 : memref<1x128xi32, #tpu.memory_space<vmem>> -> memref<128xi32, #tpu.memory_space<vmem>>
    %dma_wait3A_262 = arith.constant 0 : i32
    %dma_wait3A_263 = arith.constant 0 : i32
    %dma_wait3A_264 = tpu.memref_slice %arg3[%dma_wait3A_262, %dma_wait3A_263] : memref<1000000x32xf32, #tpu.memory_space<hbm>> -> memref<1000000x32xf32, #tpu.memory_space<hbm>>
    tpu.wait_indirect_dma semaphore(%arg17 : memref<!tpu.dma_semaphore, #tpu.memory_space<semaphore_mem>>) src(%dma_wait3A_264 : memref<1000000x32xf32, #tpu.memory_space<hbm>>) dst(%dma_wait3A_258 : memref<128x32xf32, #tpu.memory_space<vmem>>)
    %dma_wait3A_265 = arith.constant 3 : i32
    %dma_wait3A_266 = arith.constant 384 : i32
    %dma_wait3A_267 = arith.constant 0 : i32
    %dma_wait3A_268 = tpu.memref_slice %arg12[%dma_wait3A_266, %dma_wait3A_267] : memref<512x32xf32, #tpu.memory_space<vmem>> -> memref<128x32xf32, #tpu.memory_space<vmem>>
    %dma_wait3A_269 = arith.constant 0 : i32
    %dma_wait3A_270 = tpu.memref_slice %arg9[%dma_wait3A_265, %dma_wait3A_269] : memref<4x128xi32, #tpu.memory_space<vmem>> -> memref<1x128xi32, #tpu.memory_space<vmem>>
    %dma_wait3A_271 = tpu.memref_squeeze %dma_wait3A_270 : memref<1x128xi32, #tpu.memory_space<vmem>> -> memref<128xi32, #tpu.memory_space<vmem>>
    %dma_wait3A_272 = arith.constant 0 : i32
    %dma_wait3A_273 = arith.constant 0 : i32
    %dma_wait3A_274 = tpu.memref_slice %arg2[%dma_wait3A_272, %dma_wait3A_273] : memref<1000000x32xf32, #tpu.memory_space<hbm>> -> memref<1000000x32xf32, #tpu.memory_space<hbm>>
    tpu.wait_indirect_dma semaphore(%arg17 : memref<!tpu.dma_semaphore, #tpu.memory_space<semaphore_mem>>) src(%dma_wait3A_274 : memref<1000000x32xf32, #tpu.memory_space<hbm>>) dst(%dma_wait3A_268 : memref<128x32xf32, #tpu.memory_space<vmem>>)
    %dma_wait3A_275 = arith.constant 3 : i32
    %dma_wait3A_276 = arith.constant 384 : i32
    %dma_wait3A_277 = arith.constant 0 : i32
    %dma_wait3A_278 = tpu.memref_slice %arg13[%dma_wait3A_276, %dma_wait3A_277] : memref<512x32xf32, #tpu.memory_space<vmem>> -> memref<128x32xf32, #tpu.memory_space<vmem>>
    %dma_wait3A_279 = arith.constant 0 : i32
    %dma_wait3A_280 = tpu.memref_slice %arg10[%dma_wait3A_275, %dma_wait3A_279] : memref<4x128xi32, #tpu.memory_space<vmem>> -> memref<1x128xi32, #tpu.memory_space<vmem>>
    %dma_wait3A_281 = tpu.memref_squeeze %dma_wait3A_280 : memref<1x128xi32, #tpu.memory_space<vmem>> -> memref<128xi32, #tpu.memory_space<vmem>>
    %dma_wait3A_282 = arith.constant 0 : i32
    %dma_wait3A_283 = arith.constant 0 : i32
    %dma_wait3A_284 = tpu.memref_slice %arg3[%dma_wait3A_282, %dma_wait3A_283] : memref<1000000x32xf32, #tpu.memory_space<hbm>> -> memref<1000000x32xf32, #tpu.memory_space<hbm>>
    tpu.wait_indirect_dma semaphore(%arg17 : memref<!tpu.dma_semaphore, #tpu.memory_space<semaphore_mem>>) src(%dma_wait3A_284 : memref<1000000x32xf32, #tpu.memory_space<hbm>>) dst(%dma_wait3A_278 : memref<128x32xf32, #tpu.memory_space<vmem>>)
    %iota3A = tpu.iota {dimensions = array<i32: 0>} : vector<16xi32>
    %mul3A_285 = arith.constant 20 : i32
    %mul3A_286 = vector.broadcast %mul3A_285 : i32 to vector<16xi32>
    %mul3A_287 = arith.muli %iota3A, %mul3A_286 : vector<16xi32>
    %scan3A = arith.constant 0 : i32
    %scan3A_288 = arith.constant 8 : i32
    %scan3A_289 = arith.addi %scan3A, %scan3A_288 : i32
    %scan3A_290 = arith.constant 1 : i32
    scf.for %scan3A_296 = %scan3A to %scan3A_289 step %scan3A_290  : i32 {
      %mul3A_297 = arith.constant 2 : i32
      %mul3A_298 = arith.muli %scan3A_296, %mul3A_297 : i32
      %add3A_299 = arith.constant 0 : i32
      %add3A_300 = arith.addi %add3A_299, %mul3A_298 : i32
      %add3A_301 = arith.constant 0 : i32
      %add3A_302 = arith.addi %add3A_300, %add3A_301 : i32
      %dma_wait3A_303 = arith.constant 0 : i32
      %dma_wait3A_304 = arith.constant 0 : i32
      %dma_wait3A_305 = arith.constant 0 : i32
      %dma_wait3A_306 = tpu.memref_slice %arg14[%dma_wait3A_303, %dma_wait3A_304, %dma_wait3A_305] : memref<2x640x32xf32, #tpu.memory_space<vmem>> -> memref<1x640x32xf32, #tpu.memory_space<vmem>>
      %dma_wait3A_307 = tpu.memref_squeeze %dma_wait3A_306 : memref<1x640x32xf32, #tpu.memory_space<vmem>> -> memref<640x32xf32, #tpu.memory_space<vmem>>
      %dma_wait3A_308 = arith.constant 0 : i32
      %dma_wait3A_309 = arith.constant 0 : i32
      %dma_wait3A_310 = tpu.memref_slice %arg3[%dma_wait3A_308, %dma_wait3A_309] : memref<1000000x32xf32, #tpu.memory_space<hbm>> -> memref<640x32xf32, #tpu.memory_space<hbm>>
      %dma_wait3A_311 = arith.constant 0 : i32
      %dma_wait3A_312 = arith.constant 0 : i32
      %dma_wait3A_313 = tpu.memref_slice %arg14[%dma_wait3A_303, %dma_wait3A_311, %dma_wait3A_312] : memref<2x640x32xf32, #tpu.memory_space<vmem>> -> memref<1x640x32xf32, #tpu.memory_space<vmem>>
      %dma_wait3A_314 = tpu.memref_squeeze %dma_wait3A_313 : memref<1x640x32xf32, #tpu.memory_space<vmem>> -> memref<640x32xf32, #tpu.memory_space<vmem>>
      %dma_wait3A_315 = arith.constant 0 : i32
      %dma_wait3A_316 = arith.constant 0 : i32
      %dma_wait3A_317 = tpu.memref_slice %arg3[%dma_wait3A_315, %dma_wait3A_316] : memref<1000000x32xf32, #tpu.memory_space<hbm>> -> memref<640x32xf32, #tpu.memory_space<hbm>>
      tpu.wait_dma2 semaphore(%arg18 : memref<!tpu.dma_semaphore, #tpu.memory_space<semaphore_mem>>) src(%dma_wait3A_317 : memref<640x32xf32, #tpu.memory_space<hbm>>) dst(%dma_wait3A_314 : memref<640x32xf32, #tpu.memory_space<vmem>>)
      %mul3A_318 = arith.constant 32 : i32
      %mul3A_319 = arith.muli %add3A_302, %mul3A_318 : i32
      %add3A_320 = arith.constant 0 : i32
      %add3A_321 = arith.addi %mul3A_319, %add3A_320 : i32
      %add3A_322 = vector.broadcast %add3A_321 : i32 to vector<16xi32>
      %add3A_323 = arith.addi %add3A_322, %iota3A : vector<16xi32>
      %broadcast_in_dim3A = arith.constant 0 : i32
      %broadcast_in_dim3A_324 = vector.broadcast %broadcast_in_dim3A : i32 to vector<16xi32>
      %gather3A = tpu.vector_load_idx %arg12[%add3A_323, %broadcast_in_dim3A_324] : memref<512x32xf32, #tpu.memory_space<vmem>>[vector<16xi32>, vector<16xi32>], vector<16xf32>,
      %broadcast_in_dim3A_325 = arith.constant 1 : i32
      %broadcast_in_dim3A_326 = vector.broadcast %broadcast_in_dim3A_325 : i32 to vector<16xi32>
      %gather3A_327 = tpu.vector_load_idx %arg12[%add3A_323, %broadcast_in_dim3A_326] : memref<512x32xf32, #tpu.memory_space<vmem>>[vector<16xi32>, vector<16xi32>], vector<16xf32>,
      %broadcast_in_dim3A_328 = arith.constant 2 : i32
      %broadcast_in_dim3A_329 = vector.broadcast %broadcast_in_dim3A_328 : i32 to vector<16xi32>
      %gather3A_330 = tpu.vector_load_idx %arg12[%add3A_323, %broadcast_in_dim3A_329] : memref<512x32xf32, #tpu.memory_space<vmem>>[vector<16xi32>, vector<16xi32>], vector<16xf32>,
      %broadcast_in_dim3A_331 = arith.constant 3 : i32
      %broadcast_in_dim3A_332 = vector.broadcast %broadcast_in_dim3A_331 : i32 to vector<16xi32>
      %gather3A_333 = tpu.vector_load_idx %arg12[%add3A_323, %broadcast_in_dim3A_332] : memref<512x32xf32, #tpu.memory_space<vmem>>[vector<16xi32>, vector<16xi32>], vector<16xf32>,
      %broadcast_in_dim3A_334 = arith.constant 4 : i32
      %broadcast_in_dim3A_335 = vector.broadcast %broadcast_in_dim3A_334 : i32 to vector<16xi32>
      %gather3A_336 = tpu.vector_load_idx %arg12[%add3A_323, %broadcast_in_dim3A_335] : memref<512x32xf32, #tpu.memory_space<vmem>>[vector<16xi32>, vector<16xi32>], vector<16xf32>,
      %broadcast_in_dim3A_337 = arith.constant 5 : i32
      %broadcast_in_dim3A_338 = vector.broadcast %broadcast_in_dim3A_337 : i32 to vector<16xi32>
      %gather3A_339 = tpu.vector_load_idx %arg12[%add3A_323, %broadcast_in_dim3A_338] : memref<512x32xf32, #tpu.memory_space<vmem>>[vector<16xi32>, vector<16xi32>], vector<16xf32>,
      %broadcast_in_dim3A_340 = arith.constant 6 : i32
      %broadcast_in_dim3A_341 = vector.broadcast %broadcast_in_dim3A_340 : i32 to vector<16xi32>
      %gather3A_342 = tpu.vector_load_idx %arg12[%add3A_323, %broadcast_in_dim3A_341] : memref<512x32xf32, #tpu.memory_space<vmem>>[vector<16xi32>, vector<16xi32>], vector<16xf32>,
      %broadcast_in_dim3A_343 = arith.constant 7 : i32
      %broadcast_in_dim3A_344 = vector.broadcast %broadcast_in_dim3A_343 : i32 to vector<16xi32>
      %gather3A_345 = tpu.vector_load_idx %arg12[%add3A_323, %broadcast_in_dim3A_344] : memref<512x32xf32, #tpu.memory_space<vmem>>[vector<16xi32>, vector<16xi32>], vector<16xf32>,
      %broadcast_in_dim3A_346 = arith.constant 8 : i32
      %broadcast_in_dim3A_347 = vector.broadcast %broadcast_in_dim3A_346 : i32 to vector<16xi32>
      %gather3A_348 = tpu.vector_load_idx %arg12[%add3A_323, %broadcast_in_dim3A_347] : memref<512x32xf32, #tpu.memory_space<vmem>>[vector<16xi32>, vector<16xi32>], vector<16xf32>,
      %broadcast_in_dim3A_349 = arith.constant 9 : i32
      %broadcast_in_dim3A_350 = vector.broadcast %broadcast_in_dim3A_349 : i32 to vector<16xi32>
      %gather3A_351 = tpu.vector_load_idx %arg12[%add3A_323, %broadcast_in_dim3A_350] : memref<512x32xf32, #tpu.memory_space<vmem>>[vector<16xi32>, vector<16xi32>], vector<16xf32>,
      %broadcast_in_dim3A_352 = arith.constant 10 : i32
      %broadcast_in_dim3A_353 = vector.broadcast %broadcast_in_dim3A_352 : i32 to vector<16xi32>
      %gather3A_354 = tpu.vector_load_idx %arg12[%add3A_323, %broadcast_in_dim3A_353] : memref<512x32xf32, #tpu.memory_space<vmem>>[vector<16xi32>, vector<16xi32>], vector<16xf32>,
      %broadcast_in_dim3A_355 = arith.constant 11 : i32
      %broadcast_in_dim3A_356 = vector.broadcast %broadcast_in_dim3A_355 : i32 to vector<16xi32>
      %gather3A_357 = tpu.vector_load_idx %arg12[%add3A_323, %broadcast_in_dim3A_356] : memref<512x32xf32, #tpu.memory_space<vmem>>[vector<16xi32>, vector<16xi32>], vector<16xf32>,
      %broadcast_in_dim3A_358 = arith.constant 12 : i32
      %broadcast_in_dim3A_359 = vector.broadcast %broadcast_in_dim3A_358 : i32 to vector<16xi32>
      %gather3A_360 = tpu.vector_load_idx %arg12[%add3A_323, %broadcast_in_dim3A_359] : memref<512x32xf32, #tpu.memory_space<vmem>>[vector<16xi32>, vector<16xi32>], vector<16xf32>,
      %broadcast_in_dim3A_361 = arith.constant 13 : i32
      %broadcast_in_dim3A_362 = vector.broadcast %broadcast_in_dim3A_361 : i32 to vector<16xi32>
      %gather3A_363 = tpu.vector_load_idx %arg12[%add3A_323, %broadcast_in_dim3A_362] : memref<512x32xf32, #tpu.memory_space<vmem>>[vector<16xi32>, vector<16xi32>], vector<16xf32>,
      %broadcast_in_dim3A_364 = arith.constant 14 : i32
      %broadcast_in_dim3A_365 = vector.broadcast %broadcast_in_dim3A_364 : i32 to vector<16xi32>
      %gather3A_366 = tpu.vector_load_idx %arg12[%add3A_323, %broadcast_in_dim3A_365] : memref<512x32xf32, #tpu.memory_space<vmem>>[vector<16xi32>, vector<16xi32>], vector<16xf32>,
      %broadcast_in_dim3A_367 = arith.constant 15 : i32
      %broadcast_in_dim3A_368 = vector.broadcast %broadcast_in_dim3A_367 : i32 to vector<16xi32>
      %gather3A_369 = tpu.vector_load_idx %arg12[%add3A_323, %broadcast_in_dim3A_368] : memref<512x32xf32, #tpu.memory_space<vmem>>[vector<16xi32>, vector<16xi32>], vector<16xf32>,
      %broadcast_in_dim3A_370 = arith.constant 16 : i32
      %broadcast_in_dim3A_371 = vector.broadcast %broadcast_in_dim3A_370 : i32 to vector<16xi32>
      %gather3A_372 = tpu.vector_load_idx %arg12[%add3A_323, %broadcast_in_dim3A_371] : memref<512x32xf32, #tpu.memory_space<vmem>>[vector<16xi32>, vector<16xi32>], vector<16xf32>,
      %broadcast_in_dim3A_373 = arith.constant 17 : i32
      %broadcast_in_dim3A_374 = vector.broadcast %broadcast_in_dim3A_373 : i32 to vector<16xi32>
      %gather3A_375 = tpu.vector_load_idx %arg12[%add3A_323, %broadcast_in_dim3A_374] : memref<512x32xf32, #tpu.memory_space<vmem>>[vector<16xi32>, vector<16xi32>], vector<16xf32>,
      %broadcast_in_dim3A_376 = arith.constant 18 : i32
      %broadcast_in_dim3A_377 = vector.broadcast %broadcast_in_dim3A_376 : i32 to vector<16xi32>
      %gather3A_378 = tpu.vector_load_idx %arg12[%add3A_323, %broadcast_in_dim3A_377] : memref<512x32xf32, #tpu.memory_space<vmem>>[vector<16xi32>, vector<16xi32>], vector<16xf32>,
      %broadcast_in_dim3A_379 = arith.constant 19 : i32
      %broadcast_in_dim3A_380 = vector.broadcast %broadcast_in_dim3A_379 : i32 to vector<16xi32>
      %gather3A_381 = tpu.vector_load_idx %arg12[%add3A_323, %broadcast_in_dim3A_380] : memref<512x32xf32, #tpu.memory_space<vmem>>[vector<16xi32>, vector<16xi32>], vector<16xf32>,
      %broadcast_in_dim3A_382 = arith.constant 20 : i32
      %broadcast_in_dim3A_383 = vector.broadcast %broadcast_in_dim3A_382 : i32 to vector<16xi32>
      %gather3A_384 = tpu.vector_load_idx %arg12[%add3A_323, %broadcast_in_dim3A_383] : memref<512x32xf32, #tpu.memory_space<vmem>>[vector<16xi32>, vector<16xi32>], vector<16xf32>,
      %broadcast_in_dim3A_385 = arith.constant 21 : i32
      %broadcast_in_dim3A_386 = vector.broadcast %broadcast_in_dim3A_385 : i32 to vector<16xi32>
      %gather3A_387 = tpu.vector_load_idx %arg12[%add3A_323, %broadcast_in_dim3A_386] : memref<512x32xf32, #tpu.memory_space<vmem>>[vector<16xi32>, vector<16xi32>], vector<16xf32>,
      %broadcast_in_dim3A_388 = arith.constant 22 : i32
      %broadcast_in_dim3A_389 = vector.broadcast %broadcast_in_dim3A_388 : i32 to vector<16xi32>
      %gather3A_390 = tpu.vector_load_idx %arg12[%add3A_323, %broadcast_in_dim3A_389] : memref<512x32xf32, #tpu.memory_space<vmem>>[vector<16xi32>, vector<16xi32>], vector<16xf32>,
      %broadcast_in_dim3A_391 = arith.constant 23 : i32
      %broadcast_in_dim3A_392 = vector.broadcast %broadcast_in_dim3A_391 : i32 to vector<16xi32>
      %gather3A_393 = tpu.vector_load_idx %arg12[%add3A_323, %broadcast_in_dim3A_392] : memref<512x32xf32, #tpu.memory_space<vmem>>[vector<16xi32>, vector<16xi32>], vector<16xf32>,
      %broadcast_in_dim3A_394 = arith.constant 24 : i32
      %broadcast_in_dim3A_395 = vector.broadcast %broadcast_in_dim3A_394 : i32 to vector<16xi32>
      %gather3A_396 = tpu.vector_load_idx %arg12[%add3A_323, %broadcast_in_dim3A_395] : memref<512x32xf32, #tpu.memory_space<vmem>>[vector<16xi32>, vector<16xi32>], vector<16xf32>,
      %broadcast_in_dim3A_397 = arith.constant 25 : i32
      %broadcast_in_dim3A_398 = vector.broadcast %broadcast_in_dim3A_397 : i32 to vector<16xi32>
      %gather3A_399 = tpu.vector_load_idx %arg12[%add3A_323, %broadcast_in_dim3A_398] : memref<512x32xf32, #tpu.memory_space<vmem>>[vector<16xi32>, vector<16xi32>], vector<16xf32>,
      %broadcast_in_dim3A_400 = arith.constant 26 : i32
      %broadcast_in_dim3A_401 = vector.broadcast %broadcast_in_dim3A_400 : i32 to vector<16xi32>
      %gather3A_402 = tpu.vector_load_idx %arg12[%add3A_323, %broadcast_in_dim3A_401] : memref<512x32xf32, #tpu.memory_space<vmem>>[vector<16xi32>, vector<16xi32>], vector<16xf32>,
      %broadcast_in_dim3A_403 = arith.constant 27 : i32
      %broadcast_in_dim3A_404 = vector.broadcast %broadcast_in_dim3A_403 : i32 to vector<16xi32>
      %gather3A_405 = tpu.vector_load_idx %arg12[%add3A_323, %broadcast_in_dim3A_404] : memref<512x32xf32, #tpu.memory_space<vmem>>[vector<16xi32>, vector<16xi32>], vector<16xf32>,
      %broadcast_in_dim3A_406 = arith.constant 28 : i32
      %broadcast_in_dim3A_407 = vector.broadcast %broadcast_in_dim3A_406 : i32 to vector<16xi32>
      %gather3A_408 = tpu.vector_load_idx %arg12[%add3A_323, %broadcast_in_dim3A_407] : memref<512x32xf32, #tpu.memory_space<vmem>>[vector<16xi32>, vector<16xi32>], vector<16xf32>,
      %broadcast_in_dim3A_409 = arith.constant 29 : i32
      %broadcast_in_dim3A_410 = vector.broadcast %broadcast_in_dim3A_409 : i32 to vector<16xi32>
      %gather3A_411 = tpu.vector_load_idx %arg12[%add3A_323, %broadcast_in_dim3A_410] : memref<512x32xf32, #tpu.memory_space<vmem>>[vector<16xi32>, vector<16xi32>], vector<16xf32>,
      %broadcast_in_dim3A_412 = arith.constant 30 : i32
      %broadcast_in_dim3A_413 = vector.broadcast %broadcast_in_dim3A_412 : i32 to vector<16xi32>
      %gather3A_414 = tpu.vector_load_idx %arg12[%add3A_323, %broadcast_in_dim3A_413] : memref<512x32xf32, #tpu.memory_space<vmem>>[vector<16xi32>, vector<16xi32>], vector<16xf32>,
      %broadcast_in_dim3A_415 = arith.constant 31 : i32
      %broadcast_in_dim3A_416 = vector.broadcast %broadcast_in_dim3A_415 : i32 to vector<16xi32>
      %gather3A_417 = tpu.vector_load_idx %arg12[%add3A_323, %broadcast_in_dim3A_416] : memref<512x32xf32, #tpu.memory_space<vmem>>[vector<16xi32>, vector<16xi32>], vector<16xf32>,
      %broadcast_in_dim3A_418 = arith.constant 0.000000e+00 : f32
      %broadcast_in_dim3A_419 = vector.broadcast %broadcast_in_dim3A_418 : f32 to vector<16xf32>
      %broadcast_in_dim3A_420 = arith.constant 0.000000e+00 : f32
      %broadcast_in_dim3A_421 = vector.broadcast %broadcast_in_dim3A_420 : f32 to vector<16xf32>
      %broadcast_in_dim3A_422 = arith.constant 0.000000e+00 : f32
      %broadcast_in_dim3A_423 = vector.broadcast %broadcast_in_dim3A_422 : f32 to vector<16xf32>
      %broadcast_in_dim3A_424 = arith.constant 0.000000e+00 : f32
      %broadcast_in_dim3A_425 = vector.broadcast %broadcast_in_dim3A_424 : f32 to vector<16xf32>
      %broadcast_in_dim3A_426 = arith.constant 0 : i32
      %broadcast_in_dim3A_427 = vector.broadcast %broadcast_in_dim3A_426 : i32 to vector<16xi32>
      %gather3A_428 = tpu.vector_load_idx %arg13[%add3A_323, %broadcast_in_dim3A_427] : memref<512x32xf32, #tpu.memory_space<vmem>>[vector<16xi32>, vector<16xi32>], vector<16xf32>,
      %mul3A_429 = arith.mulf %gather3A_428, %gather3A : vector<16xf32>
      %add3A_430 = arith.addf %broadcast_in_dim3A_419, %mul3A_429 : vector<16xf32>
      %broadcast_in_dim3A_431 = arith.constant 1 : i32
      %broadcast_in_dim3A_432 = vector.broadcast %broadcast_in_dim3A_431 : i32 to vector<16xi32>
      %gather3A_433 = tpu.vector_load_idx %arg13[%add3A_323, %broadcast_in_dim3A_432] : memref<512x32xf32, #tpu.memory_space<vmem>>[vector<16xi32>, vector<16xi32>], vector<16xf32>,
      %mul3A_434 = arith.mulf %gather3A_433, %gather3A_327 : vector<16xf32>
      %add3A_435 = arith.addf %broadcast_in_dim3A_421, %mul3A_434 : vector<16xf32>
      %broadcast_in_dim3A_436 = arith.constant 2 : i32
      %broadcast_in_dim3A_437 = vector.broadcast %broadcast_in_dim3A_436 : i32 to vector<16xi32>
      %gather3A_438 = tpu.vector_load_idx %arg13[%add3A_323, %broadcast_in_dim3A_437] : memref<512x32xf32, #tpu.memory_space<vmem>>[vector<16xi32>, vector<16xi32>], vector<16xf32>,
      %mul3A_439 = arith.mulf %gather3A_438, %gather3A_330 : vector<16xf32>
      %add3A_440 = arith.addf %broadcast_in_dim3A_423, %mul3A_439 : vector<16xf32>
      %broadcast_in_dim3A_441 = arith.constant 3 : i32
      %broadcast_in_dim3A_442 = vector.broadcast %broadcast_in_dim3A_441 : i32 to vector<16xi32>
      %gather3A_443 = tpu.vector_load_idx %arg13[%add3A_323, %broadcast_in_dim3A_442] : memref<512x32xf32, #tpu.memory_space<vmem>>[vector<16xi32>, vector<16xi32>], vector<16xf32>,
      %mul3A_444 = arith.mulf %gather3A_443, %gather3A_333 : vector<16xf32>
      %add3A_445 = arith.addf %broadcast_in_dim3A_425, %mul3A_444 : vector<16xf32>
      %broadcast_in_dim3A_446 = arith.constant 4 : i32
      %broadcast_in_dim3A_447 = vector.broadcast %broadcast_in_dim3A_446 : i32 to vector<16xi32>
      %gather3A_448 = tpu.vector_load_idx %arg13[%add3A_323, %broadcast_in_dim3A_447] : memref<512x32xf32, #tpu.memory_space<vmem>>[vector<16xi32>, vector<16xi32>], vector<16xf32>,
      %mul3A_449 = arith.mulf %gather3A_448, %gather3A_336 : vector<16xf32>
      %add3A_450 = arith.addf %add3A_430, %mul3A_449 : vector<16xf32>
      %broadcast_in_dim3A_451 = arith.constant 5 : i32
      %broadcast_in_dim3A_452 = vector.broadcast %broadcast_in_dim3A_451 : i32 to vector<16xi32>
      %gather3A_453 = tpu.vector_load_idx %arg13[%add3A_323, %broadcast_in_dim3A_452] : memref<512x32xf32, #tpu.memory_space<vmem>>[vector<16xi32>, vector<16xi32>], vector<16xf32>,
      %mul3A_454 = arith.mulf %gather3A_453, %gather3A_339 : vector<16xf32>
      %add3A_455 = arith.addf %add3A_435, %mul3A_454 : vector<16xf32>
      %broadcast_in_dim3A_456 = arith.constant 6 : i32
      %broadcast_in_dim3A_457 = vector.broadcast %broadcast_in_dim3A_456 : i32 to vector<16xi32>
      %gather3A_458 = tpu.vector_load_idx %arg13[%add3A_323, %broadcast_in_dim3A_457] : memref<512x32xf32, #tpu.memory_space<vmem>>[vector<16xi32>, vector<16xi32>], vector<16xf32>,
      %mul3A_459 = arith.mulf %gather3A_458, %gather3A_342 : vector<16xf32>
      %add3A_460 = arith.addf %add3A_440, %mul3A_459 : vector<16xf32>
      %broadcast_in_dim3A_461 = arith.constant 7 : i32
      %broadcast_in_dim3A_462 = vector.broadcast %broadcast_in_dim3A_461 : i32 to vector<16xi32>
      %gather3A_463 = tpu.vector_load_idx %arg13[%add3A_323, %broadcast_in_dim3A_462] : memref<512x32xf32, #tpu.memory_space<vmem>>[vector<16xi32>, vector<16xi32>], vector<16xf32>,
      %mul3A_464 = arith.mulf %gather3A_463, %gather3A_345 : vector<16xf32>
      %add3A_465 = arith.addf %add3A_445, %mul3A_464 : vector<16xf32>
      %broadcast_in_dim3A_466 = arith.constant 8 : i32
      %broadcast_in_dim3A_467 = vector.broadcast %broadcast_in_dim3A_466 : i32 to vector<16xi32>
      %gather3A_468 = tpu.vector_load_idx %arg13[%add3A_323, %broadcast_in_dim3A_467] : memref<512x32xf32, #tpu.memory_space<vmem>>[vector<16xi32>, vector<16xi32>], vector<16xf32>,
      %mul3A_469 = arith.mulf %gather3A_468, %gather3A_348 : vector<16xf32>
      %add3A_470 = arith.addf %add3A_450, %mul3A_469 : vector<16xf32>
      %broadcast_in_dim3A_471 = arith.constant 9 : i32
      %broadcast_in_dim3A_472 = vector.broadcast %broadcast_in_dim3A_471 : i32 to vector<16xi32>
      %gather3A_473 = tpu.vector_load_idx %arg13[%add3A_323, %broadcast_in_dim3A_472] : memref<512x32xf32, #tpu.memory_space<vmem>>[vector<16xi32>, vector<16xi32>], vector<16xf32>,
      %mul3A_474 = arith.mulf %gather3A_473, %gather3A_351 : vector<16xf32>
      %add3A_475 = arith.addf %add3A_455, %mul3A_474 : vector<16xf32>
      %broadcast_in_dim3A_476 = arith.constant 10 : i32
      %broadcast_in_dim3A_477 = vector.broadcast %broadcast_in_dim3A_476 : i32 to vector<16xi32>
      %gather3A_478 = tpu.vector_load_idx %arg13[%add3A_323, %broadcast_in_dim3A_477] : memref<512x32xf32, #tpu.memory_space<vmem>>[vector<16xi32>, vector<16xi32>], vector<16xf32>,
      %mul3A_479 = arith.mulf %gather3A_478, %gather3A_354 : vector<16xf32>
      %add3A_480 = arith.addf %add3A_460, %mul3A_479 : vector<16xf32>
      %broadcast_in_dim3A_481 = arith.constant 11 : i32
      %broadcast_in_dim3A_482 = vector.broadcast %broadcast_in_dim3A_481 : i32 to vector<16xi32>
      %gather3A_483 = tpu.vector_load_idx %arg13[%add3A_323, %broadcast_in_dim3A_482] : memref<512x32xf32, #tpu.memory_space<vmem>>[vector<16xi32>, vector<16xi32>], vector<16xf32>,
      %mul3A_484 = arith.mulf %gather3A_483, %gather3A_357 : vector<16xf32>
      %add3A_485 = arith.addf %add3A_465, %mul3A_484 : vector<16xf32>
      %broadcast_in_dim3A_486 = arith.constant 12 : i32
      %broadcast_in_dim3A_487 = vector.broadcast %broadcast_in_dim3A_486 : i32 to vector<16xi32>
      %gather3A_488 = tpu.vector_load_idx %arg13[%add3A_323, %broadcast_in_dim3A_487] : memref<512x32xf32, #tpu.memory_space<vmem>>[vector<16xi32>, vector<16xi32>], vector<16xf32>,
      %mul3A_489 = arith.mulf %gather3A_488, %gather3A_360 : vector<16xf32>
      %add3A_490 = arith.addf %add3A_470, %mul3A_489 : vector<16xf32>
      %broadcast_in_dim3A_491 = arith.constant 13 : i32
      %broadcast_in_dim3A_492 = vector.broadcast %broadcast_in_dim3A_491 : i32 to vector<16xi32>
      %gather3A_493 = tpu.vector_load_idx %arg13[%add3A_323, %broadcast_in_dim3A_492] : memref<512x32xf32, #tpu.memory_space<vmem>>[vector<16xi32>, vector<16xi32>], vector<16xf32>,
      %mul3A_494 = arith.mulf %gather3A_493, %gather3A_363 : vector<16xf32>
      %add3A_495 = arith.addf %add3A_475, %mul3A_494 : vector<16xf32>
      %broadcast_in_dim3A_496 = arith.constant 14 : i32
      %broadcast_in_dim3A_497 = vector.broadcast %broadcast_in_dim3A_496 : i32 to vector<16xi32>
      %gather3A_498 = tpu.vector_load_idx %arg13[%add3A_323, %broadcast_in_dim3A_497] : memref<512x32xf32, #tpu.memory_space<vmem>>[vector<16xi32>, vector<16xi32>], vector<16xf32>,
      %mul3A_499 = arith.mulf %gather3A_498, %gather3A_366 : vector<16xf32>
      %add3A_500 = arith.addf %add3A_480, %mul3A_499 : vector<16xf32>
      %broadcast_in_dim3A_501 = arith.constant 15 : i32
      %broadcast_in_dim3A_502 = vector.broadcast %broadcast_in_dim3A_501 : i32 to vector<16xi32>
      %gather3A_503 = tpu.vector_load_idx %arg13[%add3A_323, %broadcast_in_dim3A_502] : memref<512x32xf32, #tpu.memory_space<vmem>>[vector<16xi32>, vector<16xi32>], vector<16xf32>,
      %mul3A_504 = arith.mulf %gather3A_503, %gather3A_369 : vector<16xf32>
      %add3A_505 = arith.addf %add3A_485, %mul3A_504 : vector<16xf32>
      %broadcast_in_dim3A_506 = arith.constant 16 : i32
      %broadcast_in_dim3A_507 = vector.broadcast %broadcast_in_dim3A_506 : i32 to vector<16xi32>
      %gather3A_508 = tpu.vector_load_idx %arg13[%add3A_323, %broadcast_in_dim3A_507] : memref<512x32xf32, #tpu.memory_space<vmem>>[vector<16xi32>, vector<16xi32>], vector<16xf32>,
      %mul3A_509 = arith.mulf %gather3A_508, %gather3A_372 : vector<16xf32>
      %add3A_510 = arith.addf %add3A_490, %mul3A_509 : vector<16xf32>
      %broadcast_in_dim3A_511 = arith.constant 17 : i32
      %broadcast_in_dim3A_512 = vector.broadcast %broadcast_in_dim3A_511 : i32 to vector<16xi32>
      %gather3A_513 = tpu.vector_load_idx %arg13[%add3A_323, %broadcast_in_dim3A_512] : memref<512x32xf32, #tpu.memory_space<vmem>>[vector<16xi32>, vector<16xi32>], vector<16xf32>,
      %mul3A_514 = arith.mulf %gather3A_513, %gather3A_375 : vector<16xf32>
      %add3A_515 = arith.addf %add3A_495, %mul3A_514 : vector<16xf32>
      %broadcast_in_dim3A_516 = arith.constant 18 : i32
      %broadcast_in_dim3A_517 = vector.broadcast %broadcast_in_dim3A_516 : i32 to vector<16xi32>
      %gather3A_518 = tpu.vector_load_idx %arg13[%add3A_323, %broadcast_in_dim3A_517] : memref<512x32xf32, #tpu.memory_space<vmem>>[vector<16xi32>, vector<16xi32>], vector<16xf32>,
      %mul3A_519 = arith.mulf %gather3A_518, %gather3A_378 : vector<16xf32>
      %add3A_520 = arith.addf %add3A_500, %mul3A_519 : vector<16xf32>
      %broadcast_in_dim3A_521 = arith.constant 19 : i32
      %broadcast_in_dim3A_522 = vector.broadcast %broadcast_in_dim3A_521 : i32 to vector<16xi32>
      %gather3A_523 = tpu.vector_load_idx %arg13[%add3A_323, %broadcast_in_dim3A_522] : memref<512x32xf32, #tpu.memory_space<vmem>>[vector<16xi32>, vector<16xi32>], vector<16xf32>,
      %mul3A_524 = arith.mulf %gather3A_523, %gather3A_381 : vector<16xf32>
      %add3A_525 = arith.addf %add3A_505, %mul3A_524 : vector<16xf32>
      %broadcast_in_dim3A_526 = arith.constant 20 : i32
      %broadcast_in_dim3A_527 = vector.broadcast %broadcast_in_dim3A_526 : i32 to vector<16xi32>
      %gather3A_528 = tpu.vector_load_idx %arg13[%add3A_323, %broadcast_in_dim3A_527] : memref<512x32xf32, #tpu.memory_space<vmem>>[vector<16xi32>, vector<16xi32>], vector<16xf32>,
      %mul3A_529 = arith.mulf %gather3A_528, %gather3A_384 : vector<16xf32>
      %add3A_530 = arith.addf %add3A_510, %mul3A_529 : vector<16xf32>
      %broadcast_in_dim3A_531 = arith.constant 21 : i32
      %broadcast_in_dim3A_532 = vector.broadcast %broadcast_in_dim3A_531 : i32 to vector<16xi32>
      %gather3A_533 = tpu.vector_load_idx %arg13[%add3A_323, %broadcast_in_dim3A_532] : memref<512x32xf32, #tpu.memory_space<vmem>>[vector<16xi32>, vector<16xi32>], vector<16xf32>,
      %mul3A_534 = arith.mulf %gather3A_533, %gather3A_387 : vector<16xf32>
      %add3A_535 = arith.addf %add3A_515, %mul3A_534 : vector<16xf32>
      %broadcast_in_dim3A_536 = arith.constant 22 : i32
      %broadcast_in_dim3A_537 = vector.broadcast %broadcast_in_dim3A_536 : i32 to vector<16xi32>
      %gather3A_538 = tpu.vector_load_idx %arg13[%add3A_323, %broadcast_in_dim3A_537] : memref<512x32xf32, #tpu.memory_space<vmem>>[vector<16xi32>, vector<16xi32>], vector<16xf32>,
      %mul3A_539 = arith.mulf %gather3A_538, %gather3A_390 : vector<16xf32>
      %add3A_540 = arith.addf %add3A_520, %mul3A_539 : vector<16xf32>
      %broadcast_in_dim3A_541 = arith.constant 23 : i32
      %broadcast_in_dim3A_542 = vector.broadcast %broadcast_in_dim3A_541 : i32 to vector<16xi32>
      %gather3A_543 = tpu.vector_load_idx %arg13[%add3A_323, %broadcast_in_dim3A_542] : memref<512x32xf32, #tpu.memory_space<vmem>>[vector<16xi32>, vector<16xi32>], vector<16xf32>,
      %mul3A_544 = arith.mulf %gather3A_543, %gather3A_393 : vector<16xf32>
      %add3A_545 = arith.addf %add3A_525, %mul3A_544 : vector<16xf32>
      %broadcast_in_dim3A_546 = arith.constant 24 : i32
      %broadcast_in_dim3A_547 = vector.broadcast %broadcast_in_dim3A_546 : i32 to vector<16xi32>
      %gather3A_548 = tpu.vector_load_idx %arg13[%add3A_323, %broadcast_in_dim3A_547] : memref<512x32xf32, #tpu.memory_space<vmem>>[vector<16xi32>, vector<16xi32>], vector<16xf32>,
      %mul3A_549 = arith.mulf %gather3A_548, %gather3A_396 : vector<16xf32>
      %add3A_550 = arith.addf %add3A_530, %mul3A_549 : vector<16xf32>
      %broadcast_in_dim3A_551 = arith.constant 25 : i32
      %broadcast_in_dim3A_552 = vector.broadcast %broadcast_in_dim3A_551 : i32 to vector<16xi32>
      %gather3A_553 = tpu.vector_load_idx %arg13[%add3A_323, %broadcast_in_dim3A_552] : memref<512x32xf32, #tpu.memory_space<vmem>>[vector<16xi32>, vector<16xi32>], vector<16xf32>,
      %mul3A_554 = arith.mulf %gather3A_553, %gather3A_399 : vector<16xf32>
      %add3A_555 = arith.addf %add3A_535, %mul3A_554 : vector<16xf32>
      %broadcast_in_dim3A_556 = arith.constant 26 : i32
      %broadcast_in_dim3A_557 = vector.broadcast %broadcast_in_dim3A_556 : i32 to vector<16xi32>
      %gather3A_558 = tpu.vector_load_idx %arg13[%add3A_323, %broadcast_in_dim3A_557] : memref<512x32xf32, #tpu.memory_space<vmem>>[vector<16xi32>, vector<16xi32>], vector<16xf32>,
      %mul3A_559 = arith.mulf %gather3A_558, %gather3A_402 : vector<16xf32>
      %add3A_560 = arith.addf %add3A_540, %mul3A_559 : vector<16xf32>
      %broadcast_in_dim3A_561 = arith.constant 27 : i32
      %broadcast_in_dim3A_562 = vector.broadcast %broadcast_in_dim3A_561 : i32 to vector<16xi32>
      %gather3A_563 = tpu.vector_load_idx %arg13[%add3A_323, %broadcast_in_dim3A_562] : memref<512x32xf32, #tpu.memory_space<vmem>>[vector<16xi32>, vector<16xi32>], vector<16xf32>,
      %mul3A_564 = arith.mulf %gather3A_563, %gather3A_405 : vector<16xf32>
      %add3A_565 = arith.addf %add3A_545, %mul3A_564 : vector<16xf32>
      %broadcast_in_dim3A_566 = arith.constant 28 : i32
      %broadcast_in_dim3A_567 = vector.broadcast %broadcast_in_dim3A_566 : i32 to vector<16xi32>
      %gather3A_568 = tpu.vector_load_idx %arg13[%add3A_323, %broadcast_in_dim3A_567] : memref<512x32xf32, #tpu.memory_space<vmem>>[vector<16xi32>, vector<16xi32>], vector<16xf32>,
      %mul3A_569 = arith.mulf %gather3A_568, %gather3A_408 : vector<16xf32>
      %add3A_570 = arith.addf %add3A_550, %mul3A_569 : vector<16xf32>
      %broadcast_in_dim3A_571 = arith.constant 29 : i32
      %broadcast_in_dim3A_572 = vector.broadcast %broadcast_in_dim3A_571 : i32 to vector<16xi32>
      %gather3A_573 = tpu.vector_load_idx %arg13[%add3A_323, %broadcast_in_dim3A_572] : memref<512x32xf32, #tpu.memory_space<vmem>>[vector<16xi32>, vector<16xi32>], vector<16xf32>,
      %mul3A_574 = arith.mulf %gather3A_573, %gather3A_411 : vector<16xf32>
      %add3A_575 = arith.addf %add3A_555, %mul3A_574 : vector<16xf32>
      %broadcast_in_dim3A_576 = arith.constant 30 : i32
      %broadcast_in_dim3A_577 = vector.broadcast %broadcast_in_dim3A_576 : i32 to vector<16xi32>
      %gather3A_578 = tpu.vector_load_idx %arg13[%add3A_323, %broadcast_in_dim3A_577] : memref<512x32xf32, #tpu.memory_space<vmem>>[vector<16xi32>, vector<16xi32>], vector<16xf32>,
      %mul3A_579 = arith.mulf %gather3A_578, %gather3A_414 : vector<16xf32>
      %add3A_580 = arith.addf %add3A_560, %mul3A_579 : vector<16xf32>
      %broadcast_in_dim3A_581 = arith.constant 31 : i32
      %broadcast_in_dim3A_582 = vector.broadcast %broadcast_in_dim3A_581 : i32 to vector<16xi32>
      %gather3A_583 = tpu.vector_load_idx %arg13[%add3A_323, %broadcast_in_dim3A_582] : memref<512x32xf32, #tpu.memory_space<vmem>>[vector<16xi32>, vector<16xi32>], vector<16xf32>,
      %mul3A_584 = arith.mulf %gather3A_583, %gather3A_417 : vector<16xf32>
      %add3A_585 = arith.addf %add3A_565, %mul3A_584 : vector<16xf32>
      %add3A_586 = arith.addf %add3A_570, %add3A_575 : vector<16xf32>
      %add3A_587 = arith.addf %add3A_580, %add3A_585 : vector<16xf32>
      %add3A_588 = arith.addf %add3A_586, %add3A_587 : vector<16xf32>
      %swap3A = arith.index_cast %add3A_321 : i32 to index
      %swap3A_589 = tpu.vector_load %arg15[%swap3A] {strides = array<i32>} : memref<512xf32, #tpu.memory_space<vmem>>, vector<16xf32>,
      tpu.vector_store %arg15[%swap3A], %add3A_588 {strides = array<i32>} : memref<512xf32, #tpu.memory_space<vmem>>, vector<16xf32>,
      %mul3A_590 = arith.constant 20 : i32
      %mul3A_591 = arith.muli %add3A_321, %mul3A_590 : i32
      %scan3A_592 = arith.constant 0 : i32
      %scan3A_593 = arith.constant 20 : i32
      %scan3A_594 = arith.addi %scan3A_592, %scan3A_593 : i32
      %scan3A_595 = arith.constant 1 : i32
      scf.for %scan3A_1471 = %scan3A_592 to %scan3A_594 step %scan3A_595  : i32 {
        %mul3A_1472 = arith.constant 1 : i32
        %mul3A_1473 = arith.muli %scan3A_1471, %mul3A_1472 : i32
        %add3A_1474 = arith.constant 0 : i32
        %add3A_1475 = arith.addi %add3A_1474, %mul3A_1473 : i32
        %add3A_1476 = arith.constant 0 : i32
        %add3A_1477 = vector.broadcast %add3A_1476 : i32 to vector<16xi32>
        %add3A_1478 = arith.addi %add3A_1477, %mul3A_287 : vector<16xi32>
        %add3A_1479 = vector.broadcast %add3A_1475 : i32 to vector<16xi32>
        %add3A_1480 = arith.addi %add3A_1478, %add3A_1479 : vector<16xi32>
        %broadcast_in_dim3A_1481 = arith.constant 0.000000e+00 : f32
        %broadcast_in_dim3A_1482 = vector.broadcast %broadcast_in_dim3A_1481 : f32 to vector<16xf32>
        %broadcast_in_dim3A_1483 = arith.constant 0.000000e+00 : f32
        %broadcast_in_dim3A_1484 = vector.broadcast %broadcast_in_dim3A_1483 : f32 to vector<16xf32>
        %broadcast_in_dim3A_1485 = arith.constant 0.000000e+00 : f32
        %broadcast_in_dim3A_1486 = vector.broadcast %broadcast_in_dim3A_1485 : f32 to vector<16xf32>
        %broadcast_in_dim3A_1487 = arith.constant 0.000000e+00 : f32
        %broadcast_in_dim3A_1488 = vector.broadcast %broadcast_in_dim3A_1487 : f32 to vector<16xf32>
        %broadcast_in_dim3A_1489 = arith.constant 0 : i32
        %broadcast_in_dim3A_1490 = vector.broadcast %broadcast_in_dim3A_1489 : i32 to vector<16xi32>
        %gather3A_1491 = arith.constant 0 : i32
        %gather3A_1492 = arith.constant 0 : i32
        %gather3A_1493 = arith.constant 0 : i32
        %gather3A_1494 = tpu.memref_slice %arg14[%gather3A_1491, %gather3A_1492, %gather3A_1493] : memref<2x640x32xf32, #tpu.memory_space<vmem>> -> memref<1x640x32xf32, #tpu.memory_space<vmem>>
        %gather3A_1495 = tpu.memref_squeeze %gather3A_1494 : memref<1x640x32xf32, #tpu.memory_space<vmem>> -> memref<640x32xf32, #tpu.memory_space<vmem>>
        %gather3A_1496 = tpu.vector_load_idx %gather3A_1495[%add3A_1480, %broadcast_in_dim3A_1490] : memref<640x32xf32, #tpu.memory_space<vmem>>[vector<16xi32>, vector<16xi32>], vector<16xf32>,
        %mul3A_1497 = arith.mulf %gather3A_1496, %gather3A : vector<16xf32>
        %add3A_1498 = arith.addf %broadcast_in_dim3A_1482, %mul3A_1497 : vector<16xf32>
        %broadcast_in_dim3A_1499 = arith.constant 1 : i32
        %broadcast_in_dim3A_1500 = vector.broadcast %broadcast_in_dim3A_1499 : i32 to vector<16xi32>
        %gather3A_1501 = arith.constant 0 : i32
        %gather3A_1502 = arith.constant 0 : i32
        %gather3A_1503 = arith.constant 0 : i32
        %gather3A_1504 = tpu.memref_slice %arg14[%gather3A_1501, %gather3A_1502, %gather3A_1503] : memref<2x640x32xf32, #tpu.memory_space<vmem>> -> memref<1x640x32xf32, #tpu.memory_space<vmem>>
        %gather3A_1505 = tpu.memref_squeeze %gather3A_1504 : memref<1x640x32xf32, #tpu.memory_space<vmem>> -> memref<640x32xf32, #tpu.memory_space<vmem>>
        %gather3A_1506 = tpu.vector_load_idx %gather3A_1505[%add3A_1480, %broadcast_in_dim3A_1500] : memref<640x32xf32, #tpu.memory_space<vmem>>[vector<16xi32>, vector<16xi32>], vector<16xf32>,
        %mul3A_1507 = arith.mulf %gather3A_1506, %gather3A_327 : vector<16xf32>
        %add3A_1508 = arith.addf %broadcast_in_dim3A_1484, %mul3A_1507 : vector<16xf32>
        %broadcast_in_dim3A_1509 = arith.constant 2 : i32
        %broadcast_in_dim3A_1510 = vector.broadcast %broadcast_in_dim3A_1509 : i32 to vector<16xi32>
        %gather3A_1511 = arith.constant 0 : i32
        %gather3A_1512 = arith.constant 0 : i32
        %gather3A_1513 = arith.constant 0 : i32
        %gather3A_1514 = tpu.memref_slice %arg14[%gather3A_1511, %gather3A_1512, %gather3A_1513] : memref<2x640x32xf32, #tpu.memory_space<vmem>> -> memref<1x640x32xf32, #tpu.memory_space<vmem>>
        %gather3A_1515 = tpu.memref_squeeze %gather3A_1514 : memref<1x640x32xf32, #tpu.memory_space<vmem>> -> memref<640x32xf32, #tpu.memory_space<vmem>>
        %gather3A_1516 = tpu.vector_load_idx %gather3A_1515[%add3A_1480, %broadcast_in_dim3A_1510] : memref<640x32xf32, #tpu.memory_space<vmem>>[vector<16xi32>, vector<16xi32>], vector<16xf32>,
        %mul3A_1517 = arith.mulf %gather3A_1516, %gather3A_330 : vector<16xf32>
        %add3A_1518 = arith.addf %broadcast_in_dim3A_1486, %mul3A_1517 : vector<16xf32>
        %broadcast_in_dim3A_1519 = arith.constant 3 : i32
        %broadcast_in_dim3A_1520 = vector.broadcast %broadcast_in_dim3A_1519 : i32 to vector<16xi32>
        %gather3A_1521 = arith.constant 0 : i32
        %gather3A_1522 = arith.constant 0 : i32
        %gather3A_1523 = arith.constant 0 : i32
        %gather3A_1524 = tpu.memref_slice %arg14[%gather3A_1521, %gather3A_1522, %gather3A_1523] : memref<2x640x32xf32, #tpu.memory_space<vmem>> -> memref<1x640x32xf32, #tpu.memory_space<vmem>>
        %gather3A_1525 = tpu.memref_squeeze %gather3A_1524 : memref<1x640x32xf32, #tpu.memory_space<vmem>> -> memref<640x32xf32, #tpu.memory_space<vmem>>
        %gather3A_1526 = tpu.vector_load_idx %gather3A_1525[%add3A_1480, %broadcast_in_dim3A_1520] : memref<640x32xf32, #tpu.memory_space<vmem>>[vector<16xi32>, vector<16xi32>], vector<16xf32>,
        %mul3A_1527 = arith.mulf %gather3A_1526, %gather3A_333 : vector<16xf32>
        %add3A_1528 = arith.addf %broadcast_in_dim3A_1488, %mul3A_1527 : vector<16xf32>
        %broadcast_in_dim3A_1529 = arith.constant 4 : i32
        %broadcast_in_dim3A_1530 = vector.broadcast %broadcast_in_dim3A_1529 : i32 to vector<16xi32>
        %gather3A_1531 = arith.constant 0 : i32
        %gather3A_1532 = arith.constant 0 : i32
        %gather3A_1533 = arith.constant 0 : i32
        %gather3A_1534 = tpu.memref_slice %arg14[%gather3A_1531, %gather3A_1532, %gather3A_1533] : memref<2x640x32xf32, #tpu.memory_space<vmem>> -> memref<1x640x32xf32, #tpu.memory_space<vmem>>
        %gather3A_1535 = tpu.memref_squeeze %gather3A_1534 : memref<1x640x32xf32, #tpu.memory_space<vmem>> -> memref<640x32xf32, #tpu.memory_space<vmem>>
        %gather3A_1536 = tpu.vector_load_idx %gather3A_1535[%add3A_1480, %broadcast_in_dim3A_1530] : memref<640x32xf32, #tpu.memory_space<vmem>>[vector<16xi32>, vector<16xi32>], vector<16xf32>,
        %mul3A_1537 = arith.mulf %gather3A_1536, %gather3A_336 : vector<16xf32>
        %add3A_1538 = arith.addf %add3A_1498, %mul3A_1537 : vector<16xf32>
        %broadcast_in_dim3A_1539 = arith.constant 5 : i32
        %broadcast_in_dim3A_1540 = vector.broadcast %broadcast_in_dim3A_1539 : i32 to vector<16xi32>
        %gather3A_1541 = arith.constant 0 : i32
        %gather3A_1542 = arith.constant 0 : i32
        %gather3A_1543 = arith.constant 0 : i32
        %gather3A_1544 = tpu.memref_slice %arg14[%gather3A_1541, %gather3A_1542, %gather3A_1543] : memref<2x640x32xf32, #tpu.memory_space<vmem>> -> memref<1x640x32xf32, #tpu.memory_space<vmem>>
        %gather3A_1545 = tpu.memref_squeeze %gather3A_1544 : memref<1x640x32xf32, #tpu.memory_space<vmem>> -> memref<640x32xf32, #tpu.memory_space<vmem>>
        %gather3A_1546 = tpu.vector_load_idx %gather3A_1545[%add3A_1480, %broadcast_in_dim3A_1540] : memref<640x32xf32, #tpu.memory_space<vmem>>[vector<16xi32>, vector<16xi32>], vector<16xf32>,
        %mul3A_1547 = arith.mulf %gather3A_1546, %gather3A_339 : vector<16xf32>
        %add3A_1548 = arith.addf %add3A_1508, %mul3A_1547 : vector<16xf32>
        %broadcast_in_dim3A_1549 = arith.constant 6 : i32
        %broadcast_in_dim3A_1550 = vector.broadcast %broadcast_in_dim3A_1549 : i32 to vector<16xi32>
        %gather3A_1551 = arith.constant 0 : i32
        %gather3A_1552 = arith.constant 0 : i32
        %gather3A_1553 = arith.constant 0 : i32
        %gather3A_1554 = tpu.memref_slice %arg14[%gather3A_1551, %gather3A_1552, %gather3A_1553] : memref<2x640x32xf32, #tpu.memory_space<vmem>> -> memref<1x640x32xf32, #tpu.memory_space<vmem>>
        %gather3A_1555 = tpu.memref_squeeze %gather3A_1554 : memref<1x640x32xf32, #tpu.memory_space<vmem>> -> memref<640x32xf32, #tpu.memory_space<vmem>>
        %gather3A_1556 = tpu.vector_load_idx %gather3A_1555[%add3A_1480, %broadcast_in_dim3A_1550] : memref<640x32xf32, #tpu.memory_space<vmem>>[vector<16xi32>, vector<16xi32>], vector<16xf32>,
        %mul3A_1557 = arith.mulf %gather3A_1556, %gather3A_342 : vector<16xf32>
        %add3A_1558 = arith.addf %add3A_1518, %mul3A_1557 : vector<16xf32>
        %broadcast_in_dim3A_1559 = arith.constant 7 : i32
        %broadcast_in_dim3A_1560 = vector.broadcast %broadcast_in_dim3A_1559 : i32 to vector<16xi32>
        %gather3A_1561 = arith.constant 0 : i32
        %gather3A_1562 = arith.constant 0 : i32
        %gather3A_1563 = arith.constant 0 : i32
        %gather3A_1564 = tpu.memref_slice %arg14[%gather3A_1561, %gather3A_1562, %gather3A_1563] : memref<2x640x32xf32, #tpu.memory_space<vmem>> -> memref<1x640x32xf32, #tpu.memory_space<vmem>>
        %gather3A_1565 = tpu.memref_squeeze %gather3A_1564 : memref<1x640x32xf32, #tpu.memory_space<vmem>> -> memref<640x32xf32, #tpu.memory_space<vmem>>
        %gather3A_1566 = tpu.vector_load_idx %gather3A_1565[%add3A_1480, %broadcast_in_dim3A_1560] : memref<640x32xf32, #tpu.memory_space<vmem>>[vector<16xi32>, vector<16xi32>], vector<16xf32>,
        %mul3A_1567 = arith.mulf %gather3A_1566, %gather3A_345 : vector<16xf32>
        %add3A_1568 = arith.addf %add3A_1528, %mul3A_1567 : vector<16xf32>
        %broadcast_in_dim3A_1569 = arith.constant 8 : i32
        %broadcast_in_dim3A_1570 = vector.broadcast %broadcast_in_dim3A_1569 : i32 to vector<16xi32>
        %gather3A_1571 = arith.constant 0 : i32
        %gather3A_1572 = arith.constant 0 : i32
        %gather3A_1573 = arith.constant 0 : i32
        %gather3A_1574 = tpu.memref_slice %arg14[%gather3A_1571, %gather3A_1572, %gather3A_1573] : memref<2x640x32xf32, #tpu.memory_space<vmem>> -> memref<1x640x32xf32, #tpu.memory_space<vmem>>
        %gather3A_1575 = tpu.memref_squeeze %gather3A_1574 : memref<1x640x32xf32, #tpu.memory_space<vmem>> -> memref<640x32xf32, #tpu.memory_space<vmem>>
        %gather3A_1576 = tpu.vector_load_idx %gather3A_1575[%add3A_1480, %broadcast_in_dim3A_1570] : memref<640x32xf32, #tpu.memory_space<vmem>>[vector<16xi32>, vector<16xi32>], vector<16xf32>,
        %mul3A_1577 = arith.mulf %gather3A_1576, %gather3A_348 : vector<16xf32>
        %add3A_1578 = arith.addf %add3A_1538, %mul3A_1577 : vector<16xf32>
        %broadcast_in_dim3A_1579 = arith.constant 9 : i32
        %broadcast_in_dim3A_1580 = vector.broadcast %broadcast_in_dim3A_1579 : i32 to vector<16xi32>
        %gather3A_1581 = arith.constant 0 : i32
        %gather3A_1582 = arith.constant 0 : i32
        %gather3A_1583 = arith.constant 0 : i32
        %gather3A_1584 = tpu.memref_slice %arg14[%gather3A_1581, %gather3A_1582, %gather3A_1583] : memref<2x640x32xf32, #tpu.memory_space<vmem>> -> memref<1x640x32xf32, #tpu.memory_space<vmem>>
        %gather3A_1585 = tpu.memref_squeeze %gather3A_1584 : memref<1x640x32xf32, #tpu.memory_space<vmem>> -> memref<640x32xf32, #tpu.memory_space<vmem>>
        %gather3A_1586 = tpu.vector_load_idx %gather3A_1585[%add3A_1480, %broadcast_in_dim3A_1580] : memref<640x32xf32, #tpu.memory_space<vmem>>[vector<16xi32>, vector<16xi32>], vector<16xf32>,
        %mul3A_1587 = arith.mulf %gather3A_1586, %gather3A_351 : vector<16xf32>
        %add3A_1588 = arith.addf %add3A_1548, %mul3A_1587 : vector<16xf32>
        %broadcast_in_dim3A_1589 = arith.constant 10 : i32
        %broadcast_in_dim3A_1590 = vector.broadcast %broadcast_in_dim3A_1589 : i32 to vector<16xi32>
        %gather3A_1591 = arith.constant 0 : i32
        %gather3A_1592 = arith.constant 0 : i32
        %gather3A_1593 = arith.constant 0 : i32
        %gather3A_1594 = tpu.memref_slice %arg14[%gather3A_1591, %gather3A_1592, %gather3A_1593] : memref<2x640x32xf32, #tpu.memory_space<vmem>> -> memref<1x640x32xf32, #tpu.memory_space<vmem>>
        %gather3A_1595 = tpu.memref_squeeze %gather3A_1594 : memref<1x640x32xf32, #tpu.memory_space<vmem>> -> memref<640x32xf32, #tpu.memory_space<vmem>>
        %gather3A_1596 = tpu.vector_load_idx %gather3A_1595[%add3A_1480, %broadcast_in_dim3A_1590] : memref<640x32xf32, #tpu.memory_space<vmem>>[vector<16xi32>, vector<16xi32>], vector<16xf32>,
        %mul3A_1597 = arith.mulf %gather3A_1596, %gather3A_354 : vector<16xf32>
        %add3A_1598 = arith.addf %add3A_1558, %mul3A_1597 : vector<16xf32>
        %broadcast_in_dim3A_1599 = arith.constant 11 : i32
        %broadcast_in_dim3A_1600 = vector.broadcast %broadcast_in_dim3A_1599 : i32 to vector<16xi32>
        %gather3A_1601 = arith.constant 0 : i32
        %gather3A_1602 = arith.constant 0 : i32
        %gather3A_1603 = arith.constant 0 : i32
        %gather3A_1604 = tpu.memref_slice %arg14[%gather3A_1601, %gather3A_1602, %gather3A_1603] : memref<2x640x32xf32, #tpu.memory_space<vmem>> -> memref<1x640x32xf32, #tpu.memory_space<vmem>>
        %gather3A_1605 = tpu.memref_squeeze %gather3A_1604 : memref<1x640x32xf32, #tpu.memory_space<vmem>> -> memref<640x32xf32, #tpu.memory_space<vmem>>
        %gather3A_1606 = tpu.vector_load_idx %gather3A_1605[%add3A_1480, %broadcast_in_dim3A_1600] : memref<640x32xf32, #tpu.memory_space<vmem>>[vector<16xi32>, vector<16xi32>], vector<16xf32>,
        %mul3A_1607 = arith.mulf %gather3A_1606, %gather3A_357 : vector<16xf32>
        %add3A_1608 = arith.addf %add3A_1568, %mul3A_1607 : vector<16xf32>
        %broadcast_in_dim3A_1609 = arith.constant 12 : i32
        %broadcast_in_dim3A_1610 = vector.broadcast %broadcast_in_dim3A_1609 : i32 to vector<16xi32>
        %gather3A_1611 = arith.constant 0 : i32
        %gather3A_1612 = arith.constant 0 : i32
        %gather3A_1613 = arith.constant 0 : i32
        %gather3A_1614 = tpu.memref_slice %arg14[%gather3A_1611, %gather3A_1612, %gather3A_1613] : memref<2x640x32xf32, #tpu.memory_space<vmem>> -> memref<1x640x32xf32, #tpu.memory_space<vmem>>
        %gather3A_1615 = tpu.memref_squeeze %gather3A_1614 : memref<1x640x32xf32, #tpu.memory_space<vmem>> -> memref<640x32xf32, #tpu.memory_space<vmem>>
        %gather3A_1616 = tpu.vector_load_idx %gather3A_1615[%add3A_1480, %broadcast_in_dim3A_1610] : memref<640x32xf32, #tpu.memory_space<vmem>>[vector<16xi32>, vector<16xi32>], vector<16xf32>,
        %mul3A_1617 = arith.mulf %gather3A_1616, %gather3A_360 : vector<16xf32>
        %add3A_1618 = arith.addf %add3A_1578, %mul3A_1617 : vector<16xf32>
        %broadcast_in_dim3A_1619 = arith.constant 13 : i32
        %broadcast_in_dim3A_1620 = vector.broadcast %broadcast_in_dim3A_1619 : i32 to vector<16xi32>
        %gather3A_1621 = arith.constant 0 : i32
        %gather3A_1622 = arith.constant 0 : i32
        %gather3A_1623 = arith.constant 0 : i32
        %gather3A_1624 = tpu.memref_slice %arg14[%gather3A_1621, %gather3A_1622, %gather3A_1623] : memref<2x640x32xf32, #tpu.memory_space<vmem>> -> memref<1x640x32xf32, #tpu.memory_space<vmem>>
        %gather3A_1625 = tpu.memref_squeeze %gather3A_1624 : memref<1x640x32xf32, #tpu.memory_space<vmem>> -> memref<640x32xf32, #tpu.memory_space<vmem>>
        %gather3A_1626 = tpu.vector_load_idx %gather3A_1625[%add3A_1480, %broadcast_in_dim3A_1620] : memref<640x32xf32, #tpu.memory_space<vmem>>[vector<16xi32>, vector<16xi32>], vector<16xf32>,
        %mul3A_1627 = arith.mulf %gather3A_1626, %gather3A_363 : vector<16xf32>
        %add3A_1628 = arith.addf %add3A_1588, %mul3A_1627 : vector<16xf32>
        %broadcast_in_dim3A_1629 = arith.constant 14 : i32
        %broadcast_in_dim3A_1630 = vector.broadcast %broadcast_in_dim3A_1629 : i32 to vector<16xi32>
        %gather3A_1631 = arith.constant 0 : i32
        %gather3A_1632 = arith.constant 0 : i32
        %gather3A_1633 = arith.constant 0 : i32
        %gather3A_1634 = tpu.memref_slice %arg14[%gather3A_1631, %gather3A_1632, %gather3A_1633] : memref<2x640x32xf32, #tpu.memory_space<vmem>> -> memref<1x640x32xf32, #tpu.memory_space<vmem>>
        %gather3A_1635 = tpu.memref_squeeze %gather3A_1634 : memref<1x640x32xf32, #tpu.memory_space<vmem>> -> memref<640x32xf32, #tpu.memory_space<vmem>>
        %gather3A_1636 = tpu.vector_load_idx %gather3A_1635[%add3A_1480, %broadcast_in_dim3A_1630] : memref<640x32xf32, #tpu.memory_space<vmem>>[vector<16xi32>, vector<16xi32>], vector<16xf32>,
        %mul3A_1637 = arith.mulf %gather3A_1636, %gather3A_366 : vector<16xf32>
        %add3A_1638 = arith.addf %add3A_1598, %mul3A_1637 : vector<16xf32>
        %broadcast_in_dim3A_1639 = arith.constant 15 : i32
        %broadcast_in_dim3A_1640 = vector.broadcast %broadcast_in_dim3A_1639 : i32 to vector<16xi32>
        %gather3A_1641 = arith.constant 0 : i32
        %gather3A_1642 = arith.constant 0 : i32
        %gather3A_1643 = arith.constant 0 : i32
        %gather3A_1644 = tpu.memref_slice %arg14[%gather3A_1641, %gather3A_1642, %gather3A_1643] : memref<2x640x32xf32, #tpu.memory_space<vmem>> -> memref<1x640x32xf32, #tpu.memory_space<vmem>>
        %gather3A_1645 = tpu.memref_squeeze %gather3A_1644 : memref<1x640x32xf32, #tpu.memory_space<vmem>> -> memref<640x32xf32, #tpu.memory_space<vmem>>
        %gather3A_1646 = tpu.vector_load_idx %gather3A_1645[%add3A_1480, %broadcast_in_dim3A_1640] : memref<640x32xf32, #tpu.memory_space<vmem>>[vector<16xi32>, vector<16xi32>], vector<16xf32>,
        %mul3A_1647 = arith.mulf %gather3A_1646, %gather3A_369 : vector<16xf32>
        %add3A_1648 = arith.addf %add3A_1608, %mul3A_1647 : vector<16xf32>
        %broadcast_in_dim3A_1649 = arith.constant 16 : i32
        %broadcast_in_dim3A_1650 = vector.broadcast %broadcast_in_dim3A_1649 : i32 to vector<16xi32>
        %gather3A_1651 = arith.constant 0 : i32
        %gather3A_1652 = arith.constant 0 : i32
        %gather3A_1653 = arith.constant 0 : i32
        %gather3A_1654 = tpu.memref_slice %arg14[%gather3A_1651, %gather3A_1652, %gather3A_1653] : memref<2x640x32xf32, #tpu.memory_space<vmem>> -> memref<1x640x32xf32, #tpu.memory_space<vmem>>
        %gather3A_1655 = tpu.memref_squeeze %gather3A_1654 : memref<1x640x32xf32, #tpu.memory_space<vmem>> -> memref<640x32xf32, #tpu.memory_space<vmem>>
        %gather3A_1656 = tpu.vector_load_idx %gather3A_1655[%add3A_1480, %broadcast_in_dim3A_1650] : memref<640x32xf32, #tpu.memory_space<vmem>>[vector<16xi32>, vector<16xi32>], vector<16xf32>,
        %mul3A_1657 = arith.mulf %gather3A_1656, %gather3A_372 : vector<16xf32>
        %add3A_1658 = arith.addf %add3A_1618, %mul3A_1657 : vector<16xf32>
        %broadcast_in_dim3A_1659 = arith.constant 17 : i32
        %broadcast_in_dim3A_1660 = vector.broadcast %broadcast_in_dim3A_1659 : i32 to vector<16xi32>
        %gather3A_1661 = arith.constant 0 : i32
        %gather3A_1662 = arith.constant 0 : i32
        %gather3A_1663 = arith.constant 0 : i32
        %gather3A_1664 = tpu.memref_slice %arg14[%gather3A_1661, %gather3A_1662, %gather3A_1663] : memref<2x640x32xf32, #tpu.memory_space<vmem>> -> memref<1x640x32xf32, #tpu.memory_space<vmem>>
        %gather3A_1665 = tpu.memref_squeeze %gather3A_1664 : memref<1x640x32xf32, #tpu.memory_space<vmem>> -> memref<640x32xf32, #tpu.memory_space<vmem>>
        %gather3A_1666 = tpu.vector_load_idx %gather3A_1665[%add3A_1480, %broadcast_in_dim3A_1660] : memref<640x32xf32, #tpu.memory_space<vmem>>[vector<16xi32>, vector<16xi32>], vector<16xf32>,
        %mul3A_1667 = arith.mulf %gather3A_1666, %gather3A_375 : vector<16xf32>
        %add3A_1668 = arith.addf %add3A_1628, %mul3A_1667 : vector<16xf32>
        %broadcast_in_dim3A_1669 = arith.constant 18 : i32
        %broadcast_in_dim3A_1670 = vector.broadcast %broadcast_in_dim3A_1669 : i32 to vector<16xi32>
        %gather3A_1671 = arith.constant 0 : i32
        %gather3A_1672 = arith.constant 0 : i32
        %gather3A_1673 = arith.constant 0 : i32
        %gather3A_1674 = tpu.memref_slice %arg14[%gather3A_1671, %gather3A_1672, %gather3A_1673] : memref<2x640x32xf32, #tpu.memory_space<vmem>> -> memref<1x640x32xf32, #tpu.memory_space<vmem>>
        %gather3A_1675 = tpu.memref_squeeze %gather3A_1674 : memref<1x640x32xf32, #tpu.memory_space<vmem>> -> memref<640x32xf32, #tpu.memory_space<vmem>>
        %gather3A_1676 = tpu.vector_load_idx %gather3A_1675[%add3A_1480, %broadcast_in_dim3A_1670] : memref<640x32xf32, #tpu.memory_space<vmem>>[vector<16xi32>, vector<16xi32>], vector<16xf32>,
        %mul3A_1677 = arith.mulf %gather3A_1676, %gather3A_378 : vector<16xf32>
        %add3A_1678 = arith.addf %add3A_1638, %mul3A_1677 : vector<16xf32>
        %broadcast_in_dim3A_1679 = arith.constant 19 : i32
        %broadcast_in_dim3A_1680 = vector.broadcast %broadcast_in_dim3A_1679 : i32 to vector<16xi32>
        %gather3A_1681 = arith.constant 0 : i32
        %gather3A_1682 = arith.constant 0 : i32
        %gather3A_1683 = arith.constant 0 : i32
        %gather3A_1684 = tpu.memref_slice %arg14[%gather3A_1681, %gather3A_1682, %gather3A_1683] : memref<2x640x32xf32, #tpu.memory_space<vmem>> -> memref<1x640x32xf32, #tpu.memory_space<vmem>>
        %gather3A_1685 = tpu.memref_squeeze %gather3A_1684 : memref<1x640x32xf32, #tpu.memory_space<vmem>> -> memref<640x32xf32, #tpu.memory_space<vmem>>
        %gather3A_1686 = tpu.vector_load_idx %gather3A_1685[%add3A_1480, %broadcast_in_dim3A_1680] : memref<640x32xf32, #tpu.memory_space<vmem>>[vector<16xi32>, vector<16xi32>], vector<16xf32>,
        %mul3A_1687 = arith.mulf %gather3A_1686, %gather3A_381 : vector<16xf32>
        %add3A_1688 = arith.addf %add3A_1648, %mul3A_1687 : vector<16xf32>
        %broadcast_in_dim3A_1689 = arith.constant 20 : i32
        %broadcast_in_dim3A_1690 = vector.broadcast %broadcast_in_dim3A_1689 : i32 to vector<16xi32>
        %gather3A_1691 = arith.constant 0 : i32
        %gather3A_1692 = arith.constant 0 : i32
        %gather3A_1693 = arith.constant 0 : i32
        %gather3A_1694 = tpu.memref_slice %arg14[%gather3A_1691, %gather3A_1692, %gather3A_1693] : memref<2x640x32xf32, #tpu.memory_space<vmem>> -> memref<1x640x32xf32, #tpu.memory_space<vmem>>
        %gather3A_1695 = tpu.memref_squeeze %gather3A_1694 : memref<1x640x32xf32, #tpu.memory_space<vmem>> -> memref<640x32xf32, #tpu.memory_space<vmem>>
        %gather3A_1696 = tpu.vector_load_idx %gather3A_1695[%add3A_1480, %broadcast_in_dim3A_1690] : memref<640x32xf32, #tpu.memory_space<vmem>>[vector<16xi32>, vector<16xi32>], vector<16xf32>,
        %mul3A_1697 = arith.mulf %gather3A_1696, %gather3A_384 : vector<16xf32>
        %add3A_1698 = arith.addf %add3A_1658, %mul3A_1697 : vector<16xf32>
        %broadcast_in_dim3A_1699 = arith.constant 21 : i32
        %broadcast_in_dim3A_1700 = vector.broadcast %broadcast_in_dim3A_1699 : i32 to vector<16xi32>
        %gather3A_1701 = arith.constant 0 : i32
        %gather3A_1702 = arith.constant 0 : i32
        %gather3A_1703 = arith.constant 0 : i32
        %gather3A_1704 = tpu.memref_slice %arg14[%gather3A_1701, %gather3A_1702, %gather3A_1703] : memref<2x640x32xf32, #tpu.memory_space<vmem>> -> memref<1x640x32xf32, #tpu.memory_space<vmem>>
        %gather3A_1705 = tpu.memref_squeeze %gather3A_1704 : memref<1x640x32xf32, #tpu.memory_space<vmem>> -> memref<640x32xf32, #tpu.memory_space<vmem>>
        %gather3A_1706 = tpu.vector_load_idx %gather3A_1705[%add3A_1480, %broadcast_in_dim3A_1700] : memref<640x32xf32, #tpu.memory_space<vmem>>[vector<16xi32>, vector<16xi32>], vector<16xf32>,
        %mul3A_1707 = arith.mulf %gather3A_1706, %gather3A_387 : vector<16xf32>
        %add3A_1708 = arith.addf %add3A_1668, %mul3A_1707 : vector<16xf32>
        %broadcast_in_dim3A_1709 = arith.constant 22 : i32
        %broadcast_in_dim3A_1710 = vector.broadcast %broadcast_in_dim3A_1709 : i32 to vector<16xi32>
        %gather3A_1711 = arith.constant 0 : i32
        %gather3A_1712 = arith.constant 0 : i32
        %gather3A_1713 = arith.constant 0 : i32
        %gather3A_1714 = tpu.memref_slice %arg14[%gather3A_1711, %gather3A_1712, %gather3A_1713] : memref<2x640x32xf32, #tpu.memory_space<vmem>> -> memref<1x640x32xf32, #tpu.memory_space<vmem>>
        %gather3A_1715 = tpu.memref_squeeze %gather3A_1714 : memref<1x640x32xf32, #tpu.memory_space<vmem>> -> memref<640x32xf32, #tpu.memory_space<vmem>>
        %gather3A_1716 = tpu.vector_load_idx %gather3A_1715[%add3A_1480, %broadcast_in_dim3A_1710] : memref<640x32xf32, #tpu.memory_space<vmem>>[vector<16xi32>, vector<16xi32>], vector<16xf32>,
        %mul3A_1717 = arith.mulf %gather3A_1716, %gather3A_390 : vector<16xf32>
        %add3A_1718 = arith.addf %add3A_1678, %mul3A_1717 : vector<16xf32>
        %broadcast_in_dim3A_1719 = arith.constant 23 : i32
        %broadcast_in_dim3A_1720 = vector.broadcast %broadcast_in_dim3A_1719 : i32 to vector<16xi32>
        %gather3A_1721 = arith.constant 0 : i32
        %gather3A_1722 = arith.constant 0 : i32
        %gather3A_1723 = arith.constant 0 : i32
        %gather3A_1724 = tpu.memref_slice %arg14[%gather3A_1721, %gather3A_1722, %gather3A_1723] : memref<2x640x32xf32, #tpu.memory_space<vmem>> -> memref<1x640x32xf32, #tpu.memory_space<vmem>>
        %gather3A_1725 = tpu.memref_squeeze %gather3A_1724 : memref<1x640x32xf32, #tpu.memory_space<vmem>> -> memref<640x32xf32, #tpu.memory_space<vmem>>
        %gather3A_1726 = tpu.vector_load_idx %gather3A_1725[%add3A_1480, %broadcast_in_dim3A_1720] : memref<640x32xf32, #tpu.memory_space<vmem>>[vector<16xi32>, vector<16xi32>], vector<16xf32>,
        %mul3A_1727 = arith.mulf %gather3A_1726, %gather3A_393 : vector<16xf32>
        %add3A_1728 = arith.addf %add3A_1688, %mul3A_1727 : vector<16xf32>
        %broadcast_in_dim3A_1729 = arith.constant 24 : i32
        %broadcast_in_dim3A_1730 = vector.broadcast %broadcast_in_dim3A_1729 : i32 to vector<16xi32>
        %gather3A_1731 = arith.constant 0 : i32
        %gather3A_1732 = arith.constant 0 : i32
        %gather3A_1733 = arith.constant 0 : i32
        %gather3A_1734 = tpu.memref_slice %arg14[%gather3A_1731, %gather3A_1732, %gather3A_1733] : memref<2x640x32xf32, #tpu.memory_space<vmem>> -> memref<1x640x32xf32, #tpu.memory_space<vmem>>
        %gather3A_1735 = tpu.memref_squeeze %gather3A_1734 : memref<1x640x32xf32, #tpu.memory_space<vmem>> -> memref<640x32xf32, #tpu.memory_space<vmem>>
        %gather3A_1736 = tpu.vector_load_idx %gather3A_1735[%add3A_1480, %broadcast_in_dim3A_1730] : memref<640x32xf32, #tpu.memory_space<vmem>>[vector<16xi32>, vector<16xi32>], vector<16xf32>,
        %mul3A_1737 = arith.mulf %gather3A_1736, %gather3A_396 : vector<16xf32>
        %add3A_1738 = arith.addf %add3A_1698, %mul3A_1737 : vector<16xf32>
        %broadcast_in_dim3A_1739 = arith.constant 25 : i32
        %broadcast_in_dim3A_1740 = vector.broadcast %broadcast_in_dim3A_1739 : i32 to vector<16xi32>
        %gather3A_1741 = arith.constant 0 : i32
        %gather3A_1742 = arith.constant 0 : i32
        %gather3A_1743 = arith.constant 0 : i32
        %gather3A_1744 = tpu.memref_slice %arg14[%gather3A_1741, %gather3A_1742, %gather3A_1743] : memref<2x640x32xf32, #tpu.memory_space<vmem>> -> memref<1x640x32xf32, #tpu.memory_space<vmem>>
        %gather3A_1745 = tpu.memref_squeeze %gather3A_1744 : memref<1x640x32xf32, #tpu.memory_space<vmem>> -> memref<640x32xf32, #tpu.memory_space<vmem>>
        %gather3A_1746 = tpu.vector_load_idx %gather3A_1745[%add3A_1480, %broadcast_in_dim3A_1740] : memref<640x32xf32, #tpu.memory_space<vmem>>[vector<16xi32>, vector<16xi32>], vector<16xf32>,
        %mul3A_1747 = arith.mulf %gather3A_1746, %gather3A_399 : vector<16xf32>
        %add3A_1748 = arith.addf %add3A_1708, %mul3A_1747 : vector<16xf32>
        %broadcast_in_dim3A_1749 = arith.constant 26 : i32
        %broadcast_in_dim3A_1750 = vector.broadcast %broadcast_in_dim3A_1749 : i32 to vector<16xi32>
        %gather3A_1751 = arith.constant 0 : i32
        %gather3A_1752 = arith.constant 0 : i32
        %gather3A_1753 = arith.constant 0 : i32
        %gather3A_1754 = tpu.memref_slice %arg14[%gather3A_1751, %gather3A_1752, %gather3A_1753] : memref<2x640x32xf32, #tpu.memory_space<vmem>> -> memref<1x640x32xf32, #tpu.memory_space<vmem>>
        %gather3A_1755 = tpu.memref_squeeze %gather3A_1754 : memref<1x640x32xf32, #tpu.memory_space<vmem>> -> memref<640x32xf32, #tpu.memory_space<vmem>>
        %gather3A_1756 = tpu.vector_load_idx %gather3A_1755[%add3A_1480, %broadcast_in_dim3A_1750] : memref<640x32xf32, #tpu.memory_space<vmem>>[vector<16xi32>, vector<16xi32>], vector<16xf32>,
        %mul3A_1757 = arith.mulf %gather3A_1756, %gather3A_402 : vector<16xf32>
        %add3A_1758 = arith.addf %add3A_1718, %mul3A_1757 : vector<16xf32>
        %broadcast_in_dim3A_1759 = arith.constant 27 : i32
        %broadcast_in_dim3A_1760 = vector.broadcast %broadcast_in_dim3A_1759 : i32 to vector<16xi32>
        %gather3A_1761 = arith.constant 0 : i32
        %gather3A_1762 = arith.constant 0 : i32
        %gather3A_1763 = arith.constant 0 : i32
        %gather3A_1764 = tpu.memref_slice %arg14[%gather3A_1761, %gather3A_1762, %gather3A_1763] : memref<2x640x32xf32, #tpu.memory_space<vmem>> -> memref<1x640x32xf32, #tpu.memory_space<vmem>>
        %gather3A_1765 = tpu.memref_squeeze %gather3A_1764 : memref<1x640x32xf32, #tpu.memory_space<vmem>> -> memref<640x32xf32, #tpu.memory_space<vmem>>
        %gather3A_1766 = tpu.vector_load_idx %gather3A_1765[%add3A_1480, %broadcast_in_dim3A_1760] : memref<640x32xf32, #tpu.memory_space<vmem>>[vector<16xi32>, vector<16xi32>], vector<16xf32>,
        %mul3A_1767 = arith.mulf %gather3A_1766, %gather3A_405 : vector<16xf32>
        %add3A_1768 = arith.addf %add3A_1728, %mul3A_1767 : vector<16xf32>
        %broadcast_in_dim3A_1769 = arith.constant 28 : i32
        %broadcast_in_dim3A_1770 = vector.broadcast %broadcast_in_dim3A_1769 : i32 to vector<16xi32>
        %gather3A_1771 = arith.constant 0 : i32
        %gather3A_1772 = arith.constant 0 : i32
        %gather3A_1773 = arith.constant 0 : i32
        %gather3A_1774 = tpu.memref_slice %arg14[%gather3A_1771, %gather3A_1772, %gather3A_1773] : memref<2x640x32xf32, #tpu.memory_space<vmem>> -> memref<1x640x32xf32, #tpu.memory_space<vmem>>
        %gather3A_1775 = tpu.memref_squeeze %gather3A_1774 : memref<1x640x32xf32, #tpu.memory_space<vmem>> -> memref<640x32xf32, #tpu.memory_space<vmem>>
        %gather3A_1776 = tpu.vector_load_idx %gather3A_1775[%add3A_1480, %broadcast_in_dim3A_1770] : memref<640x32xf32, #tpu.memory_space<vmem>>[vector<16xi32>, vector<16xi32>], vector<16xf32>,
        %mul3A_1777 = arith.mulf %gather3A_1776, %gather3A_408 : vector<16xf32>
        %add3A_1778 = arith.addf %add3A_1738, %mul3A_1777 : vector<16xf32>
        %broadcast_in_dim3A_1779 = arith.constant 29 : i32
        %broadcast_in_dim3A_1780 = vector.broadcast %broadcast_in_dim3A_1779 : i32 to vector<16xi32>
        %gather3A_1781 = arith.constant 0 : i32
        %gather3A_1782 = arith.constant 0 : i32
        %gather3A_1783 = arith.constant 0 : i32
        %gather3A_1784 = tpu.memref_slice %arg14[%gather3A_1781, %gather3A_1782, %gather3A_1783] : memref<2x640x32xf32, #tpu.memory_space<vmem>> -> memref<1x640x32xf32, #tpu.memory_space<vmem>>
        %gather3A_1785 = tpu.memref_squeeze %gather3A_1784 : memref<1x640x32xf32, #tpu.memory_space<vmem>> -> memref<640x32xf32, #tpu.memory_space<vmem>>
        %gather3A_1786 = tpu.vector_load_idx %gather3A_1785[%add3A_1480, %broadcast_in_dim3A_1780] : memref<640x32xf32, #tpu.memory_space<vmem>>[vector<16xi32>, vector<16xi32>], vector<16xf32>,
        %mul3A_1787 = arith.mulf %gather3A_1786, %gather3A_411 : vector<16xf32>
        %add3A_1788 = arith.addf %add3A_1748, %mul3A_1787 : vector<16xf32>
        %broadcast_in_dim3A_1789 = arith.constant 30 : i32
        %broadcast_in_dim3A_1790 = vector.broadcast %broadcast_in_dim3A_1789 : i32 to vector<16xi32>
        %gather3A_1791 = arith.constant 0 : i32
        %gather3A_1792 = arith.constant 0 : i32
        %gather3A_1793 = arith.constant 0 : i32
        %gather3A_1794 = tpu.memref_slice %arg14[%gather3A_1791, %gather3A_1792, %gather3A_1793] : memref<2x640x32xf32, #tpu.memory_space<vmem>> -> memref<1x640x32xf32, #tpu.memory_space<vmem>>
        %gather3A_1795 = tpu.memref_squeeze %gather3A_1794 : memref<1x640x32xf32, #tpu.memory_space<vmem>> -> memref<640x32xf32, #tpu.memory_space<vmem>>
        %gather3A_1796 = tpu.vector_load_idx %gather3A_1795[%add3A_1480, %broadcast_in_dim3A_1790] : memref<640x32xf32, #tpu.memory_space<vmem>>[vector<16xi32>, vector<16xi32>], vector<16xf32>,
        %mul3A_1797 = arith.mulf %gather3A_1796, %gather3A_414 : vector<16xf32>
        %add3A_1798 = arith.addf %add3A_1758, %mul3A_1797 : vector<16xf32>
        %broadcast_in_dim3A_1799 = arith.constant 31 : i32
        %broadcast_in_dim3A_1800 = vector.broadcast %broadcast_in_dim3A_1799 : i32 to vector<16xi32>
        %gather3A_1801 = arith.constant 0 : i32
        %gather3A_1802 = arith.constant 0 : i32
        %gather3A_1803 = arith.constant 0 : i32
        %gather3A_1804 = tpu.memref_slice %arg14[%gather3A_1801, %gather3A_1802, %gather3A_1803] : memref<2x640x32xf32, #tpu.memory_space<vmem>> -> memref<1x640x32xf32, #tpu.memory_space<vmem>>
        %gather3A_1805 = tpu.memref_squeeze %gather3A_1804 : memref<1x640x32xf32, #tpu.memory_space<vmem>> -> memref<640x32xf32, #tpu.memory_space<vmem>>
        %gather3A_1806 = tpu.vector_load_idx %gather3A_1805[%add3A_1480, %broadcast_in_dim3A_1800] : memref<640x32xf32, #tpu.memory_space<vmem>>[vector<16xi32>, vector<16xi32>], vector<16xf32>,
        %mul3A_1807 = arith.mulf %gather3A_1806, %gather3A_417 : vector<16xf32>
        %add3A_1808 = arith.addf %add3A_1768, %mul3A_1807 : vector<16xf32>
        %add3A_1809 = vector.broadcast %mul3A_591 : i32 to vector<16xi32>
        %add3A_1810 = arith.addi %add3A_1809, %mul3A_287 : vector<16xi32>
        %add3A_1811 = vector.broadcast %add3A_1475 : i32 to vector<16xi32>
        %add3A_1812 = arith.addi %add3A_1810, %add3A_1811 : vector<16xi32>
        %add3A_1813 = arith.addf %add3A_1778, %add3A_1788 : vector<16xf32>
        %add3A_1814 = arith.addf %add3A_1798, %add3A_1808 : vector<16xf32>
        %add3A_1815 = arith.addf %add3A_1813, %add3A_1814 : vector<16xf32>
        tpu.vector_store_idx %arg16[%add3A_1812], %add3A_1815 : memref<10240xf32, #tpu.memory_space<vmem>>[vector<16xi32>], vector<16xf32>,
      }
      %scan3A_596 = arith.constant 20 : i32
      %mul3A_597 = arith.constant 32 : i32
      %mul3A_598 = arith.muli %add3A_302, %mul3A_597 : i32
      %add3A_599 = arith.constant 16 : i32
      %add3A_600 = arith.addi %mul3A_598, %add3A_599 : i32
      %add3A_601 = vector.broadcast %add3A_600 : i32 to vector<16xi32>
      %add3A_602 = arith.addi %add3A_601, %iota3A : vector<16xi32>
      %broadcast_in_dim3A_603 = arith.constant 0 : i32
      %broadcast_in_dim3A_604 = vector.broadcast %broadcast_in_dim3A_603 : i32 to vector<16xi32>
      %gather3A_605 = tpu.vector_load_idx %arg12[%add3A_602, %broadcast_in_dim3A_604] : memref<512x32xf32, #tpu.memory_space<vmem>>[vector<16xi32>, vector<16xi32>], vector<16xf32>,
      %broadcast_in_dim3A_606 = arith.constant 1 : i32
      %broadcast_in_dim3A_607 = vector.broadcast %broadcast_in_dim3A_606 : i32 to vector<16xi32>
      %gather3A_608 = tpu.vector_load_idx %arg12[%add3A_602, %broadcast_in_dim3A_607] : memref<512x32xf32, #tpu.memory_space<vmem>>[vector<16xi32>, vector<16xi32>], vector<16xf32>,
      %broadcast_in_dim3A_609 = arith.constant 2 : i32
      %broadcast_in_dim3A_610 = vector.broadcast %broadcast_in_dim3A_609 : i32 to vector<16xi32>
      %gather3A_611 = tpu.vector_load_idx %arg12[%add3A_602, %broadcast_in_dim3A_610] : memref<512x32xf32, #tpu.memory_space<vmem>>[vector<16xi32>, vector<16xi32>], vector<16xf32>,
      %broadcast_in_dim3A_612 = arith.constant 3 : i32
      %broadcast_in_dim3A_613 = vector.broadcast %broadcast_in_dim3A_612 : i32 to vector<16xi32>
      %gather3A_614 = tpu.vector_load_idx %arg12[%add3A_602, %broadcast_in_dim3A_613] : memref<512x32xf32, #tpu.memory_space<vmem>>[vector<16xi32>, vector<16xi32>], vector<16xf32>,
      %broadcast_in_dim3A_615 = arith.constant 4 : i32
      %broadcast_in_dim3A_616 = vector.broadcast %broadcast_in_dim3A_615 : i32 to vector<16xi32>
      %gather3A_617 = tpu.vector_load_idx %arg12[%add3A_602, %broadcast_in_dim3A_616] : memref<512x32xf32, #tpu.memory_space<vmem>>[vector<16xi32>, vector<16xi32>], vector<16xf32>,
      %broadcast_in_dim3A_618 = arith.constant 5 : i32
      %broadcast_in_dim3A_619 = vector.broadcast %broadcast_in_dim3A_618 : i32 to vector<16xi32>
      %gather3A_620 = tpu.vector_load_idx %arg12[%add3A_602, %broadcast_in_dim3A_619] : memref<512x32xf32, #tpu.memory_space<vmem>>[vector<16xi32>, vector<16xi32>], vector<16xf32>,
      %broadcast_in_dim3A_621 = arith.constant 6 : i32
      %broadcast_in_dim3A_622 = vector.broadcast %broadcast_in_dim3A_621 : i32 to vector<16xi32>
      %gather3A_623 = tpu.vector_load_idx %arg12[%add3A_602, %broadcast_in_dim3A_622] : memref<512x32xf32, #tpu.memory_space<vmem>>[vector<16xi32>, vector<16xi32>], vector<16xf32>,
      %broadcast_in_dim3A_624 = arith.constant 7 : i32
      %broadcast_in_dim3A_625 = vector.broadcast %broadcast_in_dim3A_624 : i32 to vector<16xi32>
      %gather3A_626 = tpu.vector_load_idx %arg12[%add3A_602, %broadcast_in_dim3A_625] : memref<512x32xf32, #tpu.memory_space<vmem>>[vector<16xi32>, vector<16xi32>], vector<16xf32>,
      %broadcast_in_dim3A_627 = arith.constant 8 : i32
      %broadcast_in_dim3A_628 = vector.broadcast %broadcast_in_dim3A_627 : i32 to vector<16xi32>
      %gather3A_629 = tpu.vector_load_idx %arg12[%add3A_602, %broadcast_in_dim3A_628] : memref<512x32xf32, #tpu.memory_space<vmem>>[vector<16xi32>, vector<16xi32>], vector<16xf32>,
      %broadcast_in_dim3A_630 = arith.constant 9 : i32
      %broadcast_in_dim3A_631 = vector.broadcast %broadcast_in_dim3A_630 : i32 to vector<16xi32>
      %gather3A_632 = tpu.vector_load_idx %arg12[%add3A_602, %broadcast_in_dim3A_631] : memref<512x32xf32, #tpu.memory_space<vmem>>[vector<16xi32>, vector<16xi32>], vector<16xf32>,
      %broadcast_in_dim3A_633 = arith.constant 10 : i32
      %broadcast_in_dim3A_634 = vector.broadcast %broadcast_in_dim3A_633 : i32 to vector<16xi32>
      %gather3A_635 = tpu.vector_load_idx %arg12[%add3A_602, %broadcast_in_dim3A_634] : memref<512x32xf32, #tpu.memory_space<vmem>>[vector<16xi32>, vector<16xi32>], vector<16xf32>,
      %broadcast_in_dim3A_636 = arith.constant 11 : i32
      %broadcast_in_dim3A_637 = vector.broadcast %broadcast_in_dim3A_636 : i32 to vector<16xi32>
      %gather3A_638 = tpu.vector_load_idx %arg12[%add3A_602, %broadcast_in_dim3A_637] : memref<512x32xf32, #tpu.memory_space<vmem>>[vector<16xi32>, vector<16xi32>], vector<16xf32>,
      %broadcast_in_dim3A_639 = arith.constant 12 : i32
      %broadcast_in_dim3A_640 = vector.broadcast %broadcast_in_dim3A_639 : i32 to vector<16xi32>
      %gather3A_641 = tpu.vector_load_idx %arg12[%add3A_602, %broadcast_in_dim3A_640] : memref<512x32xf32, #tpu.memory_space<vmem>>[vector<16xi32>, vector<16xi32>], vector<16xf32>,
      %broadcast_in_dim3A_642 = arith.constant 13 : i32
      %broadcast_in_dim3A_643 = vector.broadcast %broadcast_in_dim3A_642 : i32 to vector<16xi32>
      %gather3A_644 = tpu.vector_load_idx %arg12[%add3A_602, %broadcast_in_dim3A_643] : memref<512x32xf32, #tpu.memory_space<vmem>>[vector<16xi32>, vector<16xi32>], vector<16xf32>,
      %broadcast_in_dim3A_645 = arith.constant 14 : i32
      %broadcast_in_dim3A_646 = vector.broadcast %broadcast_in_dim3A_645 : i32 to vector<16xi32>
      %gather3A_647 = tpu.vector_load_idx %arg12[%add3A_602, %broadcast_in_dim3A_646] : memref<512x32xf32, #tpu.memory_space<vmem>>[vector<16xi32>, vector<16xi32>], vector<16xf32>,
      %broadcast_in_dim3A_648 = arith.constant 15 : i32
      %broadcast_in_dim3A_649 = vector.broadcast %broadcast_in_dim3A_648 : i32 to vector<16xi32>
      %gather3A_650 = tpu.vector_load_idx %arg12[%add3A_602, %broadcast_in_dim3A_649] : memref<512x32xf32, #tpu.memory_space<vmem>>[vector<16xi32>, vector<16xi32>], vector<16xf32>,
      %broadcast_in_dim3A_651 = arith.constant 16 : i32
      %broadcast_in_dim3A_652 = vector.broadcast %broadcast_in_dim3A_651 : i32 to vector<16xi32>
      %gather3A_653 = tpu.vector_load_idx %arg12[%add3A_602, %broadcast_in_dim3A_652] : memref<512x32xf32, #tpu.memory_space<vmem>>[vector<16xi32>, vector<16xi32>], vector<16xf32>,
      %broadcast_in_dim3A_654 = arith.constant 17 : i32
      %broadcast_in_dim3A_655 = vector.broadcast %broadcast_in_dim3A_654 : i32 to vector<16xi32>
      %gather3A_656 = tpu.vector_load_idx %arg12[%add3A_602, %broadcast_in_dim3A_655] : memref<512x32xf32, #tpu.memory_space<vmem>>[vector<16xi32>, vector<16xi32>], vector<16xf32>,
      %broadcast_in_dim3A_657 = arith.constant 18 : i32
      %broadcast_in_dim3A_658 = vector.broadcast %broadcast_in_dim3A_657 : i32 to vector<16xi32>
      %gather3A_659 = tpu.vector_load_idx %arg12[%add3A_602, %broadcast_in_dim3A_658] : memref<512x32xf32, #tpu.memory_space<vmem>>[vector<16xi32>, vector<16xi32>], vector<16xf32>,
      %broadcast_in_dim3A_660 = arith.constant 19 : i32
      %broadcast_in_dim3A_661 = vector.broadcast %broadcast_in_dim3A_660 : i32 to vector<16xi32>
      %gather3A_662 = tpu.vector_load_idx %arg12[%add3A_602, %broadcast_in_dim3A_661] : memref<512x32xf32, #tpu.memory_space<vmem>>[vector<16xi32>, vector<16xi32>], vector<16xf32>,
      %broadcast_in_dim3A_663 = arith.constant 20 : i32
      %broadcast_in_dim3A_664 = vector.broadcast %broadcast_in_dim3A_663 : i32 to vector<16xi32>
      %gather3A_665 = tpu.vector_load_idx %arg12[%add3A_602, %broadcast_in_dim3A_664] : memref<512x32xf32, #tpu.memory_space<vmem>>[vector<16xi32>, vector<16xi32>], vector<16xf32>,
      %broadcast_in_dim3A_666 = arith.constant 21 : i32
      %broadcast_in_dim3A_667 = vector.broadcast %broadcast_in_dim3A_666 : i32 to vector<16xi32>
      %gather3A_668 = tpu.vector_load_idx %arg12[%add3A_602, %broadcast_in_dim3A_667] : memref<512x32xf32, #tpu.memory_space<vmem>>[vector<16xi32>, vector<16xi32>], vector<16xf32>,
      %broadcast_in_dim3A_669 = arith.constant 22 : i32
      %broadcast_in_dim3A_670 = vector.broadcast %broadcast_in_dim3A_669 : i32 to vector<16xi32>
      %gather3A_671 = tpu.vector_load_idx %arg12[%add3A_602, %broadcast_in_dim3A_670] : memref<512x32xf32, #tpu.memory_space<vmem>>[vector<16xi32>, vector<16xi32>], vector<16xf32>,
      %broadcast_in_dim3A_672 = arith.constant 23 : i32
      %broadcast_in_dim3A_673 = vector.broadcast %broadcast_in_dim3A_672 : i32 to vector<16xi32>
      %gather3A_674 = tpu.vector_load_idx %arg12[%add3A_602, %broadcast_in_dim3A_673] : memref<512x32xf32, #tpu.memory_space<vmem>>[vector<16xi32>, vector<16xi32>], vector<16xf32>,
      %broadcast_in_dim3A_675 = arith.constant 24 : i32
      %broadcast_in_dim3A_676 = vector.broadcast %broadcast_in_dim3A_675 : i32 to vector<16xi32>
      %gather3A_677 = tpu.vector_load_idx %arg12[%add3A_602, %broadcast_in_dim3A_676] : memref<512x32xf32, #tpu.memory_space<vmem>>[vector<16xi32>, vector<16xi32>], vector<16xf32>,
      %broadcast_in_dim3A_678 = arith.constant 25 : i32
      %broadcast_in_dim3A_679 = vector.broadcast %broadcast_in_dim3A_678 : i32 to vector<16xi32>
      %gather3A_680 = tpu.vector_load_idx %arg12[%add3A_602, %broadcast_in_dim3A_679] : memref<512x32xf32, #tpu.memory_space<vmem>>[vector<16xi32>, vector<16xi32>], vector<16xf32>,
      %broadcast_in_dim3A_681 = arith.constant 26 : i32
      %broadcast_in_dim3A_682 = vector.broadcast %broadcast_in_dim3A_681 : i32 to vector<16xi32>
      %gather3A_683 = tpu.vector_load_idx %arg12[%add3A_602, %broadcast_in_dim3A_682] : memref<512x32xf32, #tpu.memory_space<vmem>>[vector<16xi32>, vector<16xi32>], vector<16xf32>,
      %broadcast_in_dim3A_684 = arith.constant 27 : i32
      %broadcast_in_dim3A_685 = vector.broadcast %broadcast_in_dim3A_684 : i32 to vector<16xi32>
      %gather3A_686 = tpu.vector_load_idx %arg12[%add3A_602, %broadcast_in_dim3A_685] : memref<512x32xf32, #tpu.memory_space<vmem>>[vector<16xi32>, vector<16xi32>], vector<16xf32>,
      %broadcast_in_dim3A_687 = arith.constant 28 : i32
      %broadcast_in_dim3A_688 = vector.broadcast %broadcast_in_dim3A_687 : i32 to vector<16xi32>
      %gather3A_689 = tpu.vector_load_idx %arg12[%add3A_602, %broadcast_in_dim3A_688] : memref<512x32xf32, #tpu.memory_space<vmem>>[vector<16xi32>, vector<16xi32>], vector<16xf32>,
      %broadcast_in_dim3A_690 = arith.constant 29 : i32
      %broadcast_in_dim3A_691 = vector.broadcast %broadcast_in_dim3A_690 : i32 to vector<16xi32>
      %gather3A_692 = tpu.vector_load_idx %arg12[%add3A_602, %broadcast_in_dim3A_691] : memref<512x32xf32, #tpu.memory_space<vmem>>[vector<16xi32>, vector<16xi32>], vector<16xf32>,
      %broadcast_in_dim3A_693 = arith.constant 30 : i32
      %broadcast_in_dim3A_694 = vector.broadcast %broadcast_in_dim3A_693 : i32 to vector<16xi32>
      %gather3A_695 = tpu.vector_load_idx %arg12[%add3A_602, %broadcast_in_dim3A_694] : memref<512x32xf32, #tpu.memory_space<vmem>>[vector<16xi32>, vector<16xi32>], vector<16xf32>,
      %broadcast_in_dim3A_696 = arith.constant 31 : i32
      %broadcast_in_dim3A_697 = vector.broadcast %broadcast_in_dim3A_696 : i32 to vector<16xi32>
      %gather3A_698 = tpu.vector_load_idx %arg12[%add3A_602, %broadcast_in_dim3A_697] : memref<512x32xf32, #tpu.memory_space<vmem>>[vector<16xi32>, vector<16xi32>], vector<16xf32>,
      %broadcast_in_dim3A_699 = arith.constant 0.000000e+00 : f32
      %broadcast_in_dim3A_700 = vector.broadcast %broadcast_in_dim3A_699 : f32 to vector<16xf32>
      %broadcast_in_dim3A_701 = arith.constant 0.000000e+00 : f32
      %broadcast_in_dim3A_702 = vector.broadcast %broadcast_in_dim3A_701 : f32 to vector<16xf32>
      %broadcast_in_dim3A_703 = arith.constant 0.000000e+00 : f32
      %broadcast_in_dim3A_704 = vector.broadcast %broadcast_in_dim3A_703 : f32 to vector<16xf32>
      %broadcast_in_dim3A_705 = arith.constant 0.000000e+00 : f32
      %broadcast_in_dim3A_706 = vector.broadcast %broadcast_in_dim3A_705 : f32 to vector<16xf32>
      %broadcast_in_dim3A_707 = arith.constant 0 : i32
      %broadcast_in_dim3A_708 = vector.broadcast %broadcast_in_dim3A_707 : i32 to vector<16xi32>
      %gather3A_709 = tpu.vector_load_idx %arg13[%add3A_602, %broadcast_in_dim3A_708] : memref<512x32xf32, #tpu.memory_space<vmem>>[vector<16xi32>, vector<16xi32>], vector<16xf32>,
      %mul3A_710 = arith.mulf %gather3A_709, %gather3A_605 : vector<16xf32>
      %add3A_711 = arith.addf %broadcast_in_dim3A_700, %mul3A_710 : vector<16xf32>
      %broadcast_in_dim3A_712 = arith.constant 1 : i32
      %broadcast_in_dim3A_713 = vector.broadcast %broadcast_in_dim3A_712 : i32 to vector<16xi32>
      %gather3A_714 = tpu.vector_load_idx %arg13[%add3A_602, %broadcast_in_dim3A_713] : memref<512x32xf32, #tpu.memory_space<vmem>>[vector<16xi32>, vector<16xi32>], vector<16xf32>,
      %mul3A_715 = arith.mulf %gather3A_714, %gather3A_608 : vector<16xf32>
      %add3A_716 = arith.addf %broadcast_in_dim3A_702, %mul3A_715 : vector<16xf32>
      %broadcast_in_dim3A_717 = arith.constant 2 : i32
      %broadcast_in_dim3A_718 = vector.broadcast %broadcast_in_dim3A_717 : i32 to vector<16xi32>
      %gather3A_719 = tpu.vector_load_idx %arg13[%add3A_602, %broadcast_in_dim3A_718] : memref<512x32xf32, #tpu.memory_space<vmem>>[vector<16xi32>, vector<16xi32>], vector<16xf32>,
      %mul3A_720 = arith.mulf %gather3A_719, %gather3A_611 : vector<16xf32>
      %add3A_721 = arith.addf %broadcast_in_dim3A_704, %mul3A_720 : vector<16xf32>
      %broadcast_in_dim3A_722 = arith.constant 3 : i32
      %broadcast_in_dim3A_723 = vector.broadcast %broadcast_in_dim3A_722 : i32 to vector<16xi32>
      %gather3A_724 = tpu.vector_load_idx %arg13[%add3A_602, %broadcast_in_dim3A_723] : memref<512x32xf32, #tpu.memory_space<vmem>>[vector<16xi32>, vector<16xi32>], vector<16xf32>,
      %mul3A_725 = arith.mulf %gather3A_724, %gather3A_614 : vector<16xf32>
      %add3A_726 = arith.addf %broadcast_in_dim3A_706, %mul3A_725 : vector<16xf32>
      %broadcast_in_dim3A_727 = arith.constant 4 : i32
      %broadcast_in_dim3A_728 = vector.broadcast %broadcast_in_dim3A_727 : i32 to vector<16xi32>
      %gather3A_729 = tpu.vector_load_idx %arg13[%add3A_602, %broadcast_in_dim3A_728] : memref<512x32xf32, #tpu.memory_space<vmem>>[vector<16xi32>, vector<16xi32>], vector<16xf32>,
      %mul3A_730 = arith.mulf %gather3A_729, %gather3A_617 : vector<16xf32>
      %add3A_731 = arith.addf %add3A_711, %mul3A_730 : vector<16xf32>
      %broadcast_in_dim3A_732 = arith.constant 5 : i32
      %broadcast_in_dim3A_733 = vector.broadcast %broadcast_in_dim3A_732 : i32 to vector<16xi32>
      %gather3A_734 = tpu.vector_load_idx %arg13[%add3A_602, %broadcast_in_dim3A_733] : memref<512x32xf32, #tpu.memory_space<vmem>>[vector<16xi32>, vector<16xi32>], vector<16xf32>,
      %mul3A_735 = arith.mulf %gather3A_734, %gather3A_620 : vector<16xf32>
      %add3A_736 = arith.addf %add3A_716, %mul3A_735 : vector<16xf32>
      %broadcast_in_dim3A_737 = arith.constant 6 : i32
      %broadcast_in_dim3A_738 = vector.broadcast %broadcast_in_dim3A_737 : i32 to vector<16xi32>
      %gather3A_739 = tpu.vector_load_idx %arg13[%add3A_602, %broadcast_in_dim3A_738] : memref<512x32xf32, #tpu.memory_space<vmem>>[vector<16xi32>, vector<16xi32>], vector<16xf32>,
      %mul3A_740 = arith.mulf %gather3A_739, %gather3A_623 : vector<16xf32>
      %add3A_741 = arith.addf %add3A_721, %mul3A_740 : vector<16xf32>
      %broadcast_in_dim3A_742 = arith.constant 7 : i32
      %broadcast_in_dim3A_743 = vector.broadcast %broadcast_in_dim3A_742 : i32 to vector<16xi32>
      %gather3A_744 = tpu.vector_load_idx %arg13[%add3A_602, %broadcast_in_dim3A_743] : memref<512x32xf32, #tpu.memory_space<vmem>>[vector<16xi32>, vector<16xi32>], vector<16xf32>,
      %mul3A_745 = arith.mulf %gather3A_744, %gather3A_626 : vector<16xf32>
      %add3A_746 = arith.addf %add3A_726, %mul3A_745 : vector<16xf32>
      %broadcast_in_dim3A_747 = arith.constant 8 : i32
      %broadcast_in_dim3A_748 = vector.broadcast %broadcast_in_dim3A_747 : i32 to vector<16xi32>
      %gather3A_749 = tpu.vector_load_idx %arg13[%add3A_602, %broadcast_in_dim3A_748] : memref<512x32xf32, #tpu.memory_space<vmem>>[vector<16xi32>, vector<16xi32>], vector<16xf32>,
      %mul3A_750 = arith.mulf %gather3A_749, %gather3A_629 : vector<16xf32>
      %add3A_751 = arith.addf %add3A_731, %mul3A_750 : vector<16xf32>
      %broadcast_in_dim3A_752 = arith.constant 9 : i32
      %broadcast_in_dim3A_753 = vector.broadcast %broadcast_in_dim3A_752 : i32 to vector<16xi32>
      %gather3A_754 = tpu.vector_load_idx %arg13[%add3A_602, %broadcast_in_dim3A_753] : memref<512x32xf32, #tpu.memory_space<vmem>>[vector<16xi32>, vector<16xi32>], vector<16xf32>,
      %mul3A_755 = arith.mulf %gather3A_754, %gather3A_632 : vector<16xf32>
      %add3A_756 = arith.addf %add3A_736, %mul3A_755 : vector<16xf32>
      %broadcast_in_dim3A_757 = arith.constant 10 : i32
      %broadcast_in_dim3A_758 = vector.broadcast %broadcast_in_dim3A_757 : i32 to vector<16xi32>
      %gather3A_759 = tpu.vector_load_idx %arg13[%add3A_602, %broadcast_in_dim3A_758] : memref<512x32xf32, #tpu.memory_space<vmem>>[vector<16xi32>, vector<16xi32>], vector<16xf32>,
      %mul3A_760 = arith.mulf %gather3A_759, %gather3A_635 : vector<16xf32>
      %add3A_761 = arith.addf %add3A_741, %mul3A_760 : vector<16xf32>
      %broadcast_in_dim3A_762 = arith.constant 11 : i32
      %broadcast_in_dim3A_763 = vector.broadcast %broadcast_in_dim3A_762 : i32 to vector<16xi32>
      %gather3A_764 = tpu.vector_load_idx %arg13[%add3A_602, %broadcast_in_dim3A_763] : memref<512x32xf32, #tpu.memory_space<vmem>>[vector<16xi32>, vector<16xi32>], vector<16xf32>,
      %mul3A_765 = arith.mulf %gather3A_764, %gather3A_638 : vector<16xf32>
      %add3A_766 = arith.addf %add3A_746, %mul3A_765 : vector<16xf32>
      %broadcast_in_dim3A_767 = arith.constant 12 : i32
      %broadcast_in_dim3A_768 = vector.broadcast %broadcast_in_dim3A_767 : i32 to vector<16xi32>
      %gather3A_769 = tpu.vector_load_idx %arg13[%add3A_602, %broadcast_in_dim3A_768] : memref<512x32xf32, #tpu.memory_space<vmem>>[vector<16xi32>, vector<16xi32>], vector<16xf32>,
      %mul3A_770 = arith.mulf %gather3A_769, %gather3A_641 : vector<16xf32>
      %add3A_771 = arith.addf %add3A_751, %mul3A_770 : vector<16xf32>
      %broadcast_in_dim3A_772 = arith.constant 13 : i32
      %broadcast_in_dim3A_773 = vector.broadcast %broadcast_in_dim3A_772 : i32 to vector<16xi32>
      %gather3A_774 = tpu.vector_load_idx %arg13[%add3A_602, %broadcast_in_dim3A_773] : memref<512x32xf32, #tpu.memory_space<vmem>>[vector<16xi32>, vector<16xi32>], vector<16xf32>,
      %mul3A_775 = arith.mulf %gather3A_774, %gather3A_644 : vector<16xf32>
      %add3A_776 = arith.addf %add3A_756, %mul3A_775 : vector<16xf32>
      %broadcast_in_dim3A_777 = arith.constant 14 : i32
      %broadcast_in_dim3A_778 = vector.broadcast %broadcast_in_dim3A_777 : i32 to vector<16xi32>
      %gather3A_779 = tpu.vector_load_idx %arg13[%add3A_602, %broadcast_in_dim3A_778] : memref<512x32xf32, #tpu.memory_space<vmem>>[vector<16xi32>, vector<16xi32>], vector<16xf32>,
      %mul3A_780 = arith.mulf %gather3A_779, %gather3A_647 : vector<16xf32>
      %add3A_781 = arith.addf %add3A_761, %mul3A_780 : vector<16xf32>
      %broadcast_in_dim3A_782 = arith.constant 15 : i32
      %broadcast_in_dim3A_783 = vector.broadcast %broadcast_in_dim3A_782 : i32 to vector<16xi32>
      %gather3A_784 = tpu.vector_load_idx %arg13[%add3A_602, %broadcast_in_dim3A_783] : memref<512x32xf32, #tpu.memory_space<vmem>>[vector<16xi32>, vector<16xi32>], vector<16xf32>,
      %mul3A_785 = arith.mulf %gather3A_784, %gather3A_650 : vector<16xf32>
      %add3A_786 = arith.addf %add3A_766, %mul3A_785 : vector<16xf32>
      %broadcast_in_dim3A_787 = arith.constant 16 : i32
      %broadcast_in_dim3A_788 = vector.broadcast %broadcast_in_dim3A_787 : i32 to vector<16xi32>
      %gather3A_789 = tpu.vector_load_idx %arg13[%add3A_602, %broadcast_in_dim3A_788] : memref<512x32xf32, #tpu.memory_space<vmem>>[vector<16xi32>, vector<16xi32>], vector<16xf32>,
      %mul3A_790 = arith.mulf %gather3A_789, %gather3A_653 : vector<16xf32>
      %add3A_791 = arith.addf %add3A_771, %mul3A_790 : vector<16xf32>
      %broadcast_in_dim3A_792 = arith.constant 17 : i32
      %broadcast_in_dim3A_793 = vector.broadcast %broadcast_in_dim3A_792 : i32 to vector<16xi32>
      %gather3A_794 = tpu.vector_load_idx %arg13[%add3A_602, %broadcast_in_dim3A_793] : memref<512x32xf32, #tpu.memory_space<vmem>>[vector<16xi32>, vector<16xi32>], vector<16xf32>,
      %mul3A_795 = arith.mulf %gather3A_794, %gather3A_656 : vector<16xf32>
      %add3A_796 = arith.addf %add3A_776, %mul3A_795 : vector<16xf32>
      %broadcast_in_dim3A_797 = arith.constant 18 : i32
      %broadcast_in_dim3A_798 = vector.broadcast %broadcast_in_dim3A_797 : i32 to vector<16xi32>
      %gather3A_799 = tpu.vector_load_idx %arg13[%add3A_602, %broadcast_in_dim3A_798] : memref<512x32xf32, #tpu.memory_space<vmem>>[vector<16xi32>, vector<16xi32>], vector<16xf32>,
      %mul3A_800 = arith.mulf %gather3A_799, %gather3A_659 : vector<16xf32>
      %add3A_801 = arith.addf %add3A_781, %mul3A_800 : vector<16xf32>
      %broadcast_in_dim3A_802 = arith.constant 19 : i32
      %broadcast_in_dim3A_803 = vector.broadcast %broadcast_in_dim3A_802 : i32 to vector<16xi32>
      %gather3A_804 = tpu.vector_load_idx %arg13[%add3A_602, %broadcast_in_dim3A_803] : memref<512x32xf32, #tpu.memory_space<vmem>>[vector<16xi32>, vector<16xi32>], vector<16xf32>,
      %mul3A_805 = arith.mulf %gather3A_804, %gather3A_662 : vector<16xf32>
      %add3A_806 = arith.addf %add3A_786, %mul3A_805 : vector<16xf32>
      %broadcast_in_dim3A_807 = arith.constant 20 : i32
      %broadcast_in_dim3A_808 = vector.broadcast %broadcast_in_dim3A_807 : i32 to vector<16xi32>
      %gather3A_809 = tpu.vector_load_idx %arg13[%add3A_602, %broadcast_in_dim3A_808] : memref<512x32xf32, #tpu.memory_space<vmem>>[vector<16xi32>, vector<16xi32>], vector<16xf32>,
      %mul3A_810 = arith.mulf %gather3A_809, %gather3A_665 : vector<16xf32>
      %add3A_811 = arith.addf %add3A_791, %mul3A_810 : vector<16xf32>
      %broadcast_in_dim3A_812 = arith.constant 21 : i32
      %broadcast_in_dim3A_813 = vector.broadcast %broadcast_in_dim3A_812 : i32 to vector<16xi32>
      %gather3A_814 = tpu.vector_load_idx %arg13[%add3A_602, %broadcast_in_dim3A_813] : memref<512x32xf32, #tpu.memory_space<vmem>>[vector<16xi32>, vector<16xi32>], vector<16xf32>,
      %mul3A_815 = arith.mulf %gather3A_814, %gather3A_668 : vector<16xf32>
      %add3A_816 = arith.addf %add3A_796, %mul3A_815 : vector<16xf32>
      %broadcast_in_dim3A_817 = arith.constant 22 : i32
      %broadcast_in_dim3A_818 = vector.broadcast %broadcast_in_dim3A_817 : i32 to vector<16xi32>
      %gather3A_819 = tpu.vector_load_idx %arg13[%add3A_602, %broadcast_in_dim3A_818] : memref<512x32xf32, #tpu.memory_space<vmem>>[vector<16xi32>, vector<16xi32>], vector<16xf32>,
      %mul3A_820 = arith.mulf %gather3A_819, %gather3A_671 : vector<16xf32>
      %add3A_821 = arith.addf %add3A_801, %mul3A_820 : vector<16xf32>
      %broadcast_in_dim3A_822 = arith.constant 23 : i32
      %broadcast_in_dim3A_823 = vector.broadcast %broadcast_in_dim3A_822 : i32 to vector<16xi32>
      %gather3A_824 = tpu.vector_load_idx %arg13[%add3A_602, %broadcast_in_dim3A_823] : memref<512x32xf32, #tpu.memory_space<vmem>>[vector<16xi32>, vector<16xi32>], vector<16xf32>,
      %mul3A_825 = arith.mulf %gather3A_824, %gather3A_674 : vector<16xf32>
      %add3A_826 = arith.addf %add3A_806, %mul3A_825 : vector<16xf32>
      %broadcast_in_dim3A_827 = arith.constant 24 : i32
      %broadcast_in_dim3A_828 = vector.broadcast %broadcast_in_dim3A_827 : i32 to vector<16xi32>
      %gather3A_829 = tpu.vector_load_idx %arg13[%add3A_602, %broadcast_in_dim3A_828] : memref<512x32xf32, #tpu.memory_space<vmem>>[vector<16xi32>, vector<16xi32>], vector<16xf32>,
      %mul3A_830 = arith.mulf %gather3A_829, %gather3A_677 : vector<16xf32>
      %add3A_831 = arith.addf %add3A_811, %mul3A_830 : vector<16xf32>
      %broadcast_in_dim3A_832 = arith.constant 25 : i32
      %broadcast_in_dim3A_833 = vector.broadcast %broadcast_in_dim3A_832 : i32 to vector<16xi32>
      %gather3A_834 = tpu.vector_load_idx %arg13[%add3A_602, %broadcast_in_dim3A_833] : memref<512x32xf32, #tpu.memory_space<vmem>>[vector<16xi32>, vector<16xi32>], vector<16xf32>,
      %mul3A_835 = arith.mulf %gather3A_834, %gather3A_680 : vector<16xf32>
      %add3A_836 = arith.addf %add3A_816, %mul3A_835 : vector<16xf32>
      %broadcast_in_dim3A_837 = arith.constant 26 : i32
      %broadcast_in_dim3A_838 = vector.broadcast %broadcast_in_dim3A_837 : i32 to vector<16xi32>
      %gather3A_839 = tpu.vector_load_idx %arg13[%add3A_602, %broadcast_in_dim3A_838] : memref<512x32xf32, #tpu.memory_space<vmem>>[vector<16xi32>, vector<16xi32>], vector<16xf32>,
      %mul3A_840 = arith.mulf %gather3A_839, %gather3A_683 : vector<16xf32>
      %add3A_841 = arith.addf %add3A_821, %mul3A_840 : vector<16xf32>
      %broadcast_in_dim3A_842 = arith.constant 27 : i32
      %broadcast_in_dim3A_843 = vector.broadcast %broadcast_in_dim3A_842 : i32 to vector<16xi32>
      %gather3A_844 = tpu.vector_load_idx %arg13[%add3A_602, %broadcast_in_dim3A_843] : memref<512x32xf32, #tpu.memory_space<vmem>>[vector<16xi32>, vector<16xi32>], vector<16xf32>,
      %mul3A_845 = arith.mulf %gather3A_844, %gather3A_686 : vector<16xf32>
      %add3A_846 = arith.addf %add3A_826, %mul3A_845 : vector<16xf32>
      %broadcast_in_dim3A_847 = arith.constant 28 : i32
      %broadcast_in_dim3A_848 = vector.broadcast %broadcast_in_dim3A_847 : i32 to vector<16xi32>
      %gather3A_849 = tpu.vector_load_idx %arg13[%add3A_602, %broadcast_in_dim3A_848] : memref<512x32xf32, #tpu.memory_space<vmem>>[vector<16xi32>, vector<16xi32>], vector<16xf32>,
      %mul3A_850 = arith.mulf %gather3A_849, %gather3A_689 : vector<16xf32>
      %add3A_851 = arith.addf %add3A_831, %mul3A_850 : vector<16xf32>
      %broadcast_in_dim3A_852 = arith.constant 29 : i32
      %broadcast_in_dim3A_853 = vector.broadcast %broadcast_in_dim3A_852 : i32 to vector<16xi32>
      %gather3A_854 = tpu.vector_load_idx %arg13[%add3A_602, %broadcast_in_dim3A_853] : memref<512x32xf32, #tpu.memory_space<vmem>>[vector<16xi32>, vector<16xi32>], vector<16xf32>,
      %mul3A_855 = arith.mulf %gather3A_854, %gather3A_692 : vector<16xf32>
      %add3A_856 = arith.addf %add3A_836, %mul3A_855 : vector<16xf32>
      %broadcast_in_dim3A_857 = arith.constant 30 : i32
      %broadcast_in_dim3A_858 = vector.broadcast %broadcast_in_dim3A_857 : i32 to vector<16xi32>
      %gather3A_859 = tpu.vector_load_idx %arg13[%add3A_602, %broadcast_in_dim3A_858] : memref<512x32xf32, #tpu.memory_space<vmem>>[vector<16xi32>, vector<16xi32>], vector<16xf32>,
      %mul3A_860 = arith.mulf %gather3A_859, %gather3A_695 : vector<16xf32>
      %add3A_861 = arith.addf %add3A_841, %mul3A_860 : vector<16xf32>
      %broadcast_in_dim3A_862 = arith.constant 31 : i32
      %broadcast_in_dim3A_863 = vector.broadcast %broadcast_in_dim3A_862 : i32 to vector<16xi32>
      %gather3A_864 = tpu.vector_load_idx %arg13[%add3A_602, %broadcast_in_dim3A_863] : memref<512x32xf32, #tpu.memory_space<vmem>>[vector<16xi32>, vector<16xi32>], vector<16xf32>,
      %mul3A_865 = arith.mulf %gather3A_864, %gather3A_698 : vector<16xf32>
      %add3A_866 = arith.addf %add3A_846, %mul3A_865 : vector<16xf32>
      %add3A_867 = arith.addf %add3A_851, %add3A_856 : vector<16xf32>
      %add3A_868 = arith.addf %add3A_861, %add3A_866 : vector<16xf32>
      %add3A_869 = arith.addf %add3A_867, %add3A_868 : vector<16xf32>
      %swap3A_870 = arith.index_cast %add3A_600 : i32 to index
      %swap3A_871 = tpu.vector_load %arg15[%swap3A_870] {strides = array<i32>} : memref<512xf32, #tpu.memory_space<vmem>>, vector<16xf32>,
      tpu.vector_store %arg15[%swap3A_870], %add3A_869 {strides = array<i32>} : memref<512xf32, #tpu.memory_space<vmem>>, vector<16xf32>,
      %mul3A_872 = arith.constant 20 : i32
      %mul3A_873 = arith.muli %add3A_600, %mul3A_872 : i32
      %scan3A_874 = arith.constant 0 : i32
      %scan3A_875 = arith.constant 20 : i32
      %scan3A_876 = arith.addi %scan3A_874, %scan3A_875 : i32
      %scan3A_877 = arith.constant 1 : i32
      scf.for %scan3A_1471 = %scan3A_874 to %scan3A_876 step %scan3A_877  : i32 {
        %mul3A_1472 = arith.constant 1 : i32
        %mul3A_1473 = arith.muli %scan3A_1471, %mul3A_1472 : i32
        %add3A_1474 = arith.constant 0 : i32
        %add3A_1475 = arith.addi %add3A_1474, %mul3A_1473 : i32
        %add3A_1476 = arith.constant 320 : i32
        %add3A_1477 = vector.broadcast %add3A_1476 : i32 to vector<16xi32>
        %add3A_1478 = arith.addi %add3A_1477, %mul3A_287 : vector<16xi32>
        %add3A_1479 = vector.broadcast %add3A_1475 : i32 to vector<16xi32>
        %add3A_1480 = arith.addi %add3A_1478, %add3A_1479 : vector<16xi32>
        %broadcast_in_dim3A_1481 = arith.constant 0.000000e+00 : f32
        %broadcast_in_dim3A_1482 = vector.broadcast %broadcast_in_dim3A_1481 : f32 to vector<16xf32>
        %broadcast_in_dim3A_1483 = arith.constant 0.000000e+00 : f32
        %broadcast_in_dim3A_1484 = vector.broadcast %broadcast_in_dim3A_1483 : f32 to vector<16xf32>
        %broadcast_in_dim3A_1485 = arith.constant 0.000000e+00 : f32
        %broadcast_in_dim3A_1486 = vector.broadcast %broadcast_in_dim3A_1485 : f32 to vector<16xf32>
        %broadcast_in_dim3A_1487 = arith.constant 0.000000e+00 : f32
        %broadcast_in_dim3A_1488 = vector.broadcast %broadcast_in_dim3A_1487 : f32 to vector<16xf32>
        %broadcast_in_dim3A_1489 = arith.constant 0 : i32
        %broadcast_in_dim3A_1490 = vector.broadcast %broadcast_in_dim3A_1489 : i32 to vector<16xi32>
        %gather3A_1491 = arith.constant 0 : i32
        %gather3A_1492 = arith.constant 0 : i32
        %gather3A_1493 = arith.constant 0 : i32
        %gather3A_1494 = tpu.memref_slice %arg14[%gather3A_1491, %gather3A_1492, %gather3A_1493] : memref<2x640x32xf32, #tpu.memory_space<vmem>> -> memref<1x640x32xf32, #tpu.memory_space<vmem>>
        %gather3A_1495 = tpu.memref_squeeze %gather3A_1494 : memref<1x640x32xf32, #tpu.memory_space<vmem>> -> memref<640x32xf32, #tpu.memory_space<vmem>>
        %gather3A_1496 = tpu.vector_load_idx %gather3A_1495[%add3A_1480, %broadcast_in_dim3A_1490] : memref<640x32xf32, #tpu.memory_space<vmem>>[vector<16xi32>, vector<16xi32>], vector<16xf32>,
        %mul3A_1497 = arith.mulf %gather3A_1496, %gather3A_605 : vector<16xf32>
        %add3A_1498 = arith.addf %broadcast_in_dim3A_1482, %mul3A_1497 : vector<16xf32>
        %broadcast_in_dim3A_1499 = arith.constant 1 : i32
        %broadcast_in_dim3A_1500 = vector.broadcast %broadcast_in_dim3A_1499 : i32 to vector<16xi32>
        %gather3A_1501 = arith.constant 0 : i32
        %gather3A_1502 = arith.constant 0 : i32
        %gather3A_1503 = arith.constant 0 : i32
        %gather3A_1504 = tpu.memref_slice %arg14[%gather3A_1501, %gather3A_1502, %gather3A_1503] : memref<2x640x32xf32, #tpu.memory_space<vmem>> -> memref<1x640x32xf32, #tpu.memory_space<vmem>>
        %gather3A_1505 = tpu.memref_squeeze %gather3A_1504 : memref<1x640x32xf32, #tpu.memory_space<vmem>> -> memref<640x32xf32, #tpu.memory_space<vmem>>
        %gather3A_1506 = tpu.vector_load_idx %gather3A_1505[%add3A_1480, %broadcast_in_dim3A_1500] : memref<640x32xf32, #tpu.memory_space<vmem>>[vector<16xi32>, vector<16xi32>], vector<16xf32>,
        %mul3A_1507 = arith.mulf %gather3A_1506, %gather3A_608 : vector<16xf32>
        %add3A_1508 = arith.addf %broadcast_in_dim3A_1484, %mul3A_1507 : vector<16xf32>
        %broadcast_in_dim3A_1509 = arith.constant 2 : i32
        %broadcast_in_dim3A_1510 = vector.broadcast %broadcast_in_dim3A_1509 : i32 to vector<16xi32>
        %gather3A_1511 = arith.constant 0 : i32
        %gather3A_1512 = arith.constant 0 : i32
        %gather3A_1513 = arith.constant 0 : i32
        %gather3A_1514 = tpu.memref_slice %arg14[%gather3A_1511, %gather3A_1512, %gather3A_1513] : memref<2x640x32xf32, #tpu.memory_space<vmem>> -> memref<1x640x32xf32, #tpu.memory_space<vmem>>
        %gather3A_1515 = tpu.memref_squeeze %gather3A_1514 : memref<1x640x32xf32, #tpu.memory_space<vmem>> -> memref<640x32xf32, #tpu.memory_space<vmem>>
        %gather3A_1516 = tpu.vector_load_idx %gather3A_1515[%add3A_1480, %broadcast_in_dim3A_1510] : memref<640x32xf32, #tpu.memory_space<vmem>>[vector<16xi32>, vector<16xi32>], vector<16xf32>,
        %mul3A_1517 = arith.mulf %gather3A_1516, %gather3A_611 : vector<16xf32>
        %add3A_1518 = arith.addf %broadcast_in_dim3A_1486, %mul3A_1517 : vector<16xf32>
        %broadcast_in_dim3A_1519 = arith.constant 3 : i32
        %broadcast_in_dim3A_1520 = vector.broadcast %broadcast_in_dim3A_1519 : i32 to vector<16xi32>
        %gather3A_1521 = arith.constant 0 : i32
        %gather3A_1522 = arith.constant 0 : i32
        %gather3A_1523 = arith.constant 0 : i32
        %gather3A_1524 = tpu.memref_slice %arg14[%gather3A_1521, %gather3A_1522, %gather3A_1523] : memref<2x640x32xf32, #tpu.memory_space<vmem>> -> memref<1x640x32xf32, #tpu.memory_space<vmem>>
        %gather3A_1525 = tpu.memref_squeeze %gather3A_1524 : memref<1x640x32xf32, #tpu.memory_space<vmem>> -> memref<640x32xf32, #tpu.memory_space<vmem>>
        %gather3A_1526 = tpu.vector_load_idx %gather3A_1525[%add3A_1480, %broadcast_in_dim3A_1520] : memref<640x32xf32, #tpu.memory_space<vmem>>[vector<16xi32>, vector<16xi32>], vector<16xf32>,
        %mul3A_1527 = arith.mulf %gather3A_1526, %gather3A_614 : vector<16xf32>
        %add3A_1528 = arith.addf %broadcast_in_dim3A_1488, %mul3A_1527 : vector<16xf32>
        %broadcast_in_dim3A_1529 = arith.constant 4 : i32
        %broadcast_in_dim3A_1530 = vector.broadcast %broadcast_in_dim3A_1529 : i32 to vector<16xi32>
        %gather3A_1531 = arith.constant 0 : i32
        %gather3A_1532 = arith.constant 0 : i32
        %gather3A_1533 = arith.constant 0 : i32
        %gather3A_1534 = tpu.memref_slice %arg14[%gather3A_1531, %gather3A_1532, %gather3A_1533] : memref<2x640x32xf32, #tpu.memory_space<vmem>> -> memref<1x640x32xf32, #tpu.memory_space<vmem>>
        %gather3A_1535 = tpu.memref_squeeze %gather3A_1534 : memref<1x640x32xf32, #tpu.memory_space<vmem>> -> memref<640x32xf32, #tpu.memory_space<vmem>>
        %gather3A_1536 = tpu.vector_load_idx %gather3A_1535[%add3A_1480, %broadcast_in_dim3A_1530] : memref<640x32xf32, #tpu.memory_space<vmem>>[vector<16xi32>, vector<16xi32>], vector<16xf32>,
        %mul3A_1537 = arith.mulf %gather3A_1536, %gather3A_617 : vector<16xf32>
        %add3A_1538 = arith.addf %add3A_1498, %mul3A_1537 : vector<16xf32>
        %broadcast_in_dim3A_1539 = arith.constant 5 : i32
        %broadcast_in_dim3A_1540 = vector.broadcast %broadcast_in_dim3A_1539 : i32 to vector<16xi32>
        %gather3A_1541 = arith.constant 0 : i32
        %gather3A_1542 = arith.constant 0 : i32
        %gather3A_1543 = arith.constant 0 : i32
        %gather3A_1544 = tpu.memref_slice %arg14[%gather3A_1541, %gather3A_1542, %gather3A_1543] : memref<2x640x32xf32, #tpu.memory_space<vmem>> -> memref<1x640x32xf32, #tpu.memory_space<vmem>>
        %gather3A_1545 = tpu.memref_squeeze %gather3A_1544 : memref<1x640x32xf32, #tpu.memory_space<vmem>> -> memref<640x32xf32, #tpu.memory_space<vmem>>
        %gather3A_1546 = tpu.vector_load_idx %gather3A_1545[%add3A_1480, %broadcast_in_dim3A_1540] : memref<640x32xf32, #tpu.memory_space<vmem>>[vector<16xi32>, vector<16xi32>], vector<16xf32>,
        %mul3A_1547 = arith.mulf %gather3A_1546, %gather3A_620 : vector<16xf32>
        %add3A_1548 = arith.addf %add3A_1508, %mul3A_1547 : vector<16xf32>
        %broadcast_in_dim3A_1549 = arith.constant 6 : i32
        %broadcast_in_dim3A_1550 = vector.broadcast %broadcast_in_dim3A_1549 : i32 to vector<16xi32>
        %gather3A_1551 = arith.constant 0 : i32
        %gather3A_1552 = arith.constant 0 : i32
        %gather3A_1553 = arith.constant 0 : i32
        %gather3A_1554 = tpu.memref_slice %arg14[%gather3A_1551, %gather3A_1552, %gather3A_1553] : memref<2x640x32xf32, #tpu.memory_space<vmem>> -> memref<1x640x32xf32, #tpu.memory_space<vmem>>
        %gather3A_1555 = tpu.memref_squeeze %gather3A_1554 : memref<1x640x32xf32, #tpu.memory_space<vmem>> -> memref<640x32xf32, #tpu.memory_space<vmem>>
        %gather3A_1556 = tpu.vector_load_idx %gather3A_1555[%add3A_1480, %broadcast_in_dim3A_1550] : memref<640x32xf32, #tpu.memory_space<vmem>>[vector<16xi32>, vector<16xi32>], vector<16xf32>,
        %mul3A_1557 = arith.mulf %gather3A_1556, %gather3A_623 : vector<16xf32>
        %add3A_1558 = arith.addf %add3A_1518, %mul3A_1557 : vector<16xf32>
        %broadcast_in_dim3A_1559 = arith.constant 7 : i32
        %broadcast_in_dim3A_1560 = vector.broadcast %broadcast_in_dim3A_1559 : i32 to vector<16xi32>
        %gather3A_1561 = arith.constant 0 : i32
        %gather3A_1562 = arith.constant 0 : i32
        %gather3A_1563 = arith.constant 0 : i32
        %gather3A_1564 = tpu.memref_slice %arg14[%gather3A_1561, %gather3A_1562, %gather3A_1563] : memref<2x640x32xf32, #tpu.memory_space<vmem>> -> memref<1x640x32xf32, #tpu.memory_space<vmem>>
        %gather3A_1565 = tpu.memref_squeeze %gather3A_1564 : memref<1x640x32xf32, #tpu.memory_space<vmem>> -> memref<640x32xf32, #tpu.memory_space<vmem>>
        %gather3A_1566 = tpu.vector_load_idx %gather3A_1565[%add3A_1480, %broadcast_in_dim3A_1560] : memref<640x32xf32, #tpu.memory_space<vmem>>[vector<16xi32>, vector<16xi32>], vector<16xf32>,
        %mul3A_1567 = arith.mulf %gather3A_1566, %gather3A_626 : vector<16xf32>
        %add3A_1568 = arith.addf %add3A_1528, %mul3A_1567 : vector<16xf32>
        %broadcast_in_dim3A_1569 = arith.constant 8 : i32
        %broadcast_in_dim3A_1570 = vector.broadcast %broadcast_in_dim3A_1569 : i32 to vector<16xi32>
        %gather3A_1571 = arith.constant 0 : i32
        %gather3A_1572 = arith.constant 0 : i32
        %gather3A_1573 = arith.constant 0 : i32
        %gather3A_1574 = tpu.memref_slice %arg14[%gather3A_1571, %gather3A_1572, %gather3A_1573] : memref<2x640x32xf32, #tpu.memory_space<vmem>> -> memref<1x640x32xf32, #tpu.memory_space<vmem>>
        %gather3A_1575 = tpu.memref_squeeze %gather3A_1574 : memref<1x640x32xf32, #tpu.memory_space<vmem>> -> memref<640x32xf32, #tpu.memory_space<vmem>>
        %gather3A_1576 = tpu.vector_load_idx %gather3A_1575[%add3A_1480, %broadcast_in_dim3A_1570] : memref<640x32xf32, #tpu.memory_space<vmem>>[vector<16xi32>, vector<16xi32>], vector<16xf32>,
        %mul3A_1577 = arith.mulf %gather3A_1576, %gather3A_629 : vector<16xf32>
        %add3A_1578 = arith.addf %add3A_1538, %mul3A_1577 : vector<16xf32>
        %broadcast_in_dim3A_1579 = arith.constant 9 : i32
        %broadcast_in_dim3A_1580 = vector.broadcast %broadcast_in_dim3A_1579 : i32 to vector<16xi32>
        %gather3A_1581 = arith.constant 0 : i32
        %gather3A_1582 = arith.constant 0 : i32
        %gather3A_1583 = arith.constant 0 : i32
        %gather3A_1584 = tpu.memref_slice %arg14[%gather3A_1581, %gather3A_1582, %gather3A_1583] : memref<2x640x32xf32, #tpu.memory_space<vmem>> -> memref<1x640x32xf32, #tpu.memory_space<vmem>>
        %gather3A_1585 = tpu.memref_squeeze %gather3A_1584 : memref<1x640x32xf32, #tpu.memory_space<vmem>> -> memref<640x32xf32, #tpu.memory_space<vmem>>
        %gather3A_1586 = tpu.vector_load_idx %gather3A_1585[%add3A_1480, %broadcast_in_dim3A_1580] : memref<640x32xf32, #tpu.memory_space<vmem>>[vector<16xi32>, vector<16xi32>], vector<16xf32>,
        %mul3A_1587 = arith.mulf %gather3A_1586, %gather3A_632 : vector<16xf32>
        %add3A_1588 = arith.addf %add3A_1548, %mul3A_1587 : vector<16xf32>
        %broadcast_in_dim3A_1589 = arith.constant 10 : i32
        %broadcast_in_dim3A_1590 = vector.broadcast %broadcast_in_dim3A_1589 : i32 to vector<16xi32>
        %gather3A_1591 = arith.constant 0 : i32
        %gather3A_1592 = arith.constant 0 : i32
        %gather3A_1593 = arith.constant 0 : i32
        %gather3A_1594 = tpu.memref_slice %arg14[%gather3A_1591, %gather3A_1592, %gather3A_1593] : memref<2x640x32xf32, #tpu.memory_space<vmem>> -> memref<1x640x32xf32, #tpu.memory_space<vmem>>
        %gather3A_1595 = tpu.memref_squeeze %gather3A_1594 : memref<1x640x32xf32, #tpu.memory_space<vmem>> -> memref<640x32xf32, #tpu.memory_space<vmem>>
        %gather3A_1596 = tpu.vector_load_idx %gather3A_1595[%add3A_1480, %broadcast_in_dim3A_1590] : memref<640x32xf32, #tpu.memory_space<vmem>>[vector<16xi32>, vector<16xi32>], vector<16xf32>,
        %mul3A_1597 = arith.mulf %gather3A_1596, %gather3A_635 : vector<16xf32>
        %add3A_1598 = arith.addf %add3A_1558, %mul3A_1597 : vector<16xf32>
        %broadcast_in_dim3A_1599 = arith.constant 11 : i32
        %broadcast_in_dim3A_1600 = vector.broadcast %broadcast_in_dim3A_1599 : i32 to vector<16xi32>
        %gather3A_1601 = arith.constant 0 : i32
        %gather3A_1602 = arith.constant 0 : i32
        %gather3A_1603 = arith.constant 0 : i32
        %gather3A_1604 = tpu.memref_slice %arg14[%gather3A_1601, %gather3A_1602, %gather3A_1603] : memref<2x640x32xf32, #tpu.memory_space<vmem>> -> memref<1x640x32xf32, #tpu.memory_space<vmem>>
        %gather3A_1605 = tpu.memref_squeeze %gather3A_1604 : memref<1x640x32xf32, #tpu.memory_space<vmem>> -> memref<640x32xf32, #tpu.memory_space<vmem>>
        %gather3A_1606 = tpu.vector_load_idx %gather3A_1605[%add3A_1480, %broadcast_in_dim3A_1600] : memref<640x32xf32, #tpu.memory_space<vmem>>[vector<16xi32>, vector<16xi32>], vector<16xf32>,
        %mul3A_1607 = arith.mulf %gather3A_1606, %gather3A_638 : vector<16xf32>
        %add3A_1608 = arith.addf %add3A_1568, %mul3A_1607 : vector<16xf32>
        %broadcast_in_dim3A_1609 = arith.constant 12 : i32
        %broadcast_in_dim3A_1610 = vector.broadcast %broadcast_in_dim3A_1609 : i32 to vector<16xi32>
        %gather3A_1611 = arith.constant 0 : i32
        %gather3A_1612 = arith.constant 0 : i32
        %gather3A_1613 = arith.constant 0 : i32
        %gather3A_1614 = tpu.memref_slice %arg14[%gather3A_1611, %gather3A_1612, %gather3A_1613] : memref<2x640x32xf32, #tpu.memory_space<vmem>> -> memref<1x640x32xf32, #tpu.memory_space<vmem>>
        %gather3A_1615 = tpu.memref_squeeze %gather3A_1614 : memref<1x640x32xf32, #tpu.memory_space<vmem>> -> memref<640x32xf32, #tpu.memory_space<vmem>>
        %gather3A_1616 = tpu.vector_load_idx %gather3A_1615[%add3A_1480, %broadcast_in_dim3A_1610] : memref<640x32xf32, #tpu.memory_space<vmem>>[vector<16xi32>, vector<16xi32>], vector<16xf32>,
        %mul3A_1617 = arith.mulf %gather3A_1616, %gather3A_641 : vector<16xf32>
        %add3A_1618 = arith.addf %add3A_1578, %mul3A_1617 : vector<16xf32>
        %broadcast_in_dim3A_1619 = arith.constant 13 : i32
        %broadcast_in_dim3A_1620 = vector.broadcast %broadcast_in_dim3A_1619 : i32 to vector<16xi32>
        %gather3A_1621 = arith.constant 0 : i32
        %gather3A_1622 = arith.constant 0 : i32
        %gather3A_1623 = arith.constant 0 : i32
        %gather3A_1624 = tpu.memref_slice %arg14[%gather3A_1621, %gather3A_1622, %gather3A_1623] : memref<2x640x32xf32, #tpu.memory_space<vmem>> -> memref<1x640x32xf32, #tpu.memory_space<vmem>>
        %gather3A_1625 = tpu.memref_squeeze %gather3A_1624 : memref<1x640x32xf32, #tpu.memory_space<vmem>> -> memref<640x32xf32, #tpu.memory_space<vmem>>
        %gather3A_1626 = tpu.vector_load_idx %gather3A_1625[%add3A_1480, %broadcast_in_dim3A_1620] : memref<640x32xf32, #tpu.memory_space<vmem>>[vector<16xi32>, vector<16xi32>], vector<16xf32>,
        %mul3A_1627 = arith.mulf %gather3A_1626, %gather3A_644 : vector<16xf32>
        %add3A_1628 = arith.addf %add3A_1588, %mul3A_1627 : vector<16xf32>
        %broadcast_in_dim3A_1629 = arith.constant 14 : i32
        %broadcast_in_dim3A_1630 = vector.broadcast %broadcast_in_dim3A_1629 : i32 to vector<16xi32>
        %gather3A_1631 = arith.constant 0 : i32
        %gather3A_1632 = arith.constant 0 : i32
        %gather3A_1633 = arith.constant 0 : i32
        %gather3A_1634 = tpu.memref_slice %arg14[%gather3A_1631, %gather3A_1632, %gather3A_1633] : memref<2x640x32xf32, #tpu.memory_space<vmem>> -> memref<1x640x32xf32, #tpu.memory_space<vmem>>
        %gather3A_1635 = tpu.memref_squeeze %gather3A_1634 : memref<1x640x32xf32, #tpu.memory_space<vmem>> -> memref<640x32xf32, #tpu.memory_space<vmem>>
        %gather3A_1636 = tpu.vector_load_idx %gather3A_1635[%add3A_1480, %broadcast_in_dim3A_1630] : memref<640x32xf32, #tpu.memory_space<vmem>>[vector<16xi32>, vector<16xi32>], vector<16xf32>,
        %mul3A_1637 = arith.mulf %gather3A_1636, %gather3A_647 : vector<16xf32>
        %add3A_1638 = arith.addf %add3A_1598, %mul3A_1637 : vector<16xf32>
        %broadcast_in_dim3A_1639 = arith.constant 15 : i32
        %broadcast_in_dim3A_1640 = vector.broadcast %broadcast_in_dim3A_1639 : i32 to vector<16xi32>
        %gather3A_1641 = arith.constant 0 : i32
        %gather3A_1642 = arith.constant 0 : i32
        %gather3A_1643 = arith.constant 0 : i32
        %gather3A_1644 = tpu.memref_slice %arg14[%gather3A_1641, %gather3A_1642, %gather3A_1643] : memref<2x640x32xf32, #tpu.memory_space<vmem>> -> memref<1x640x32xf32, #tpu.memory_space<vmem>>
        %gather3A_1645 = tpu.memref_squeeze %gather3A_1644 : memref<1x640x32xf32, #tpu.memory_space<vmem>> -> memref<640x32xf32, #tpu.memory_space<vmem>>
        %gather3A_1646 = tpu.vector_load_idx %gather3A_1645[%add3A_1480, %broadcast_in_dim3A_1640] : memref<640x32xf32, #tpu.memory_space<vmem>>[vector<16xi32>, vector<16xi32>], vector<16xf32>,
        %mul3A_1647 = arith.mulf %gather3A_1646, %gather3A_650 : vector<16xf32>
        %add3A_1648 = arith.addf %add3A_1608, %mul3A_1647 : vector<16xf32>
        %broadcast_in_dim3A_1649 = arith.constant 16 : i32
        %broadcast_in_dim3A_1650 = vector.broadcast %broadcast_in_dim3A_1649 : i32 to vector<16xi32>
        %gather3A_1651 = arith.constant 0 : i32
        %gather3A_1652 = arith.constant 0 : i32
        %gather3A_1653 = arith.constant 0 : i32
        %gather3A_1654 = tpu.memref_slice %arg14[%gather3A_1651, %gather3A_1652, %gather3A_1653] : memref<2x640x32xf32, #tpu.memory_space<vmem>> -> memref<1x640x32xf32, #tpu.memory_space<vmem>>
        %gather3A_1655 = tpu.memref_squeeze %gather3A_1654 : memref<1x640x32xf32, #tpu.memory_space<vmem>> -> memref<640x32xf32, #tpu.memory_space<vmem>>
        %gather3A_1656 = tpu.vector_load_idx %gather3A_1655[%add3A_1480, %broadcast_in_dim3A_1650] : memref<640x32xf32, #tpu.memory_space<vmem>>[vector<16xi32>, vector<16xi32>], vector<16xf32>,
        %mul3A_1657 = arith.mulf %gather3A_1656, %gather3A_653 : vector<16xf32>
        %add3A_1658 = arith.addf %add3A_1618, %mul3A_1657 : vector<16xf32>
        %broadcast_in_dim3A_1659 = arith.constant 17 : i32
        %broadcast_in_dim3A_1660 = vector.broadcast %broadcast_in_dim3A_1659 : i32 to vector<16xi32>
        %gather3A_1661 = arith.constant 0 : i32
        %gather3A_1662 = arith.constant 0 : i32
        %gather3A_1663 = arith.constant 0 : i32
        %gather3A_1664 = tpu.memref_slice %arg14[%gather3A_1661, %gather3A_1662, %gather3A_1663] : memref<2x640x32xf32, #tpu.memory_space<vmem>> -> memref<1x640x32xf32, #tpu.memory_space<vmem>>
        %gather3A_1665 = tpu.memref_squeeze %gather3A_1664 : memref<1x640x32xf32, #tpu.memory_space<vmem>> -> memref<640x32xf32, #tpu.memory_space<vmem>>
        %gather3A_1666 = tpu.vector_load_idx %gather3A_1665[%add3A_1480, %broadcast_in_dim3A_1660] : memref<640x32xf32, #tpu.memory_space<vmem>>[vector<16xi32>, vector<16xi32>], vector<16xf32>,
        %mul3A_1667 = arith.mulf %gather3A_1666, %gather3A_656 : vector<16xf32>
        %add3A_1668 = arith.addf %add3A_1628, %mul3A_1667 : vector<16xf32>
        %broadcast_in_dim3A_1669 = arith.constant 18 : i32
        %broadcast_in_dim3A_1670 = vector.broadcast %broadcast_in_dim3A_1669 : i32 to vector<16xi32>
        %gather3A_1671 = arith.constant 0 : i32
        %gather3A_1672 = arith.constant 0 : i32
        %gather3A_1673 = arith.constant 0 : i32
        %gather3A_1674 = tpu.memref_slice %arg14[%gather3A_1671, %gather3A_1672, %gather3A_1673] : memref<2x640x32xf32, #tpu.memory_space<vmem>> -> memref<1x640x32xf32, #tpu.memory_space<vmem>>
        %gather3A_1675 = tpu.memref_squeeze %gather3A_1674 : memref<1x640x32xf32, #tpu.memory_space<vmem>> -> memref<640x32xf32, #tpu.memory_space<vmem>>
        %gather3A_1676 = tpu.vector_load_idx %gather3A_1675[%add3A_1480, %broadcast_in_dim3A_1670] : memref<640x32xf32, #tpu.memory_space<vmem>>[vector<16xi32>, vector<16xi32>], vector<16xf32>,
        %mul3A_1677 = arith.mulf %gather3A_1676, %gather3A_659 : vector<16xf32>
        %add3A_1678 = arith.addf %add3A_1638, %mul3A_1677 : vector<16xf32>
        %broadcast_in_dim3A_1679 = arith.constant 19 : i32
        %broadcast_in_dim3A_1680 = vector.broadcast %broadcast_in_dim3A_1679 : i32 to vector<16xi32>
        %gather3A_1681 = arith.constant 0 : i32
        %gather3A_1682 = arith.constant 0 : i32
        %gather3A_1683 = arith.constant 0 : i32
        %gather3A_1684 = tpu.memref_slice %arg14[%gather3A_1681, %gather3A_1682, %gather3A_1683] : memref<2x640x32xf32, #tpu.memory_space<vmem>> -> memref<1x640x32xf32, #tpu.memory_space<vmem>>
        %gather3A_1685 = tpu.memref_squeeze %gather3A_1684 : memref<1x640x32xf32, #tpu.memory_space<vmem>> -> memref<640x32xf32, #tpu.memory_space<vmem>>
        %gather3A_1686 = tpu.vector_load_idx %gather3A_1685[%add3A_1480, %broadcast_in_dim3A_1680] : memref<640x32xf32, #tpu.memory_space<vmem>>[vector<16xi32>, vector<16xi32>], vector<16xf32>,
        %mul3A_1687 = arith.mulf %gather3A_1686, %gather3A_662 : vector<16xf32>
        %add3A_1688 = arith.addf %add3A_1648, %mul3A_1687 : vector<16xf32>
        %broadcast_in_dim3A_1689 = arith.constant 20 : i32
        %broadcast_in_dim3A_1690 = vector.broadcast %broadcast_in_dim3A_1689 : i32 to vector<16xi32>
        %gather3A_1691 = arith.constant 0 : i32
        %gather3A_1692 = arith.constant 0 : i32
        %gather3A_1693 = arith.constant 0 : i32
        %gather3A_1694 = tpu.memref_slice %arg14[%gather3A_1691, %gather3A_1692, %gather3A_1693] : memref<2x640x32xf32, #tpu.memory_space<vmem>> -> memref<1x640x32xf32, #tpu.memory_space<vmem>>
        %gather3A_1695 = tpu.memref_squeeze %gather3A_1694 : memref<1x640x32xf32, #tpu.memory_space<vmem>> -> memref<640x32xf32, #tpu.memory_space<vmem>>
        %gather3A_1696 = tpu.vector_load_idx %gather3A_1695[%add3A_1480, %broadcast_in_dim3A_1690] : memref<640x32xf32, #tpu.memory_space<vmem>>[vector<16xi32>, vector<16xi32>], vector<16xf32>,
        %mul3A_1697 = arith.mulf %gather3A_1696, %gather3A_665 : vector<16xf32>
        %add3A_1698 = arith.addf %add3A_1658, %mul3A_1697 : vector<16xf32>
        %broadcast_in_dim3A_1699 = arith.constant 21 : i32
        %broadcast_in_dim3A_1700 = vector.broadcast %broadcast_in_dim3A_1699 : i32 to vector<16xi32>
        %gather3A_1701 = arith.constant 0 : i32
        %gather3A_1702 = arith.constant 0 : i32
        %gather3A_1703 = arith.constant 0 : i32
        %gather3A_1704 = tpu.memref_slice %arg14[%gather3A_1701, %gather3A_1702, %gather3A_1703] : memref<2x640x32xf32, #tpu.memory_space<vmem>> -> memref<1x640x32xf32, #tpu.memory_space<vmem>>
        %gather3A_1705 = tpu.memref_squeeze %gather3A_1704 : memref<1x640x32xf32, #tpu.memory_space<vmem>> -> memref<640x32xf32, #tpu.memory_space<vmem>>
        %gather3A_1706 = tpu.vector_load_idx %gather3A_1705[%add3A_1480, %broadcast_in_dim3A_1700] : memref<640x32xf32, #tpu.memory_space<vmem>>[vector<16xi32>, vector<16xi32>], vector<16xf32>,
        %mul3A_1707 = arith.mulf %gather3A_1706, %gather3A_668 : vector<16xf32>
        %add3A_1708 = arith.addf %add3A_1668, %mul3A_1707 : vector<16xf32>
        %broadcast_in_dim3A_1709 = arith.constant 22 : i32
        %broadcast_in_dim3A_1710 = vector.broadcast %broadcast_in_dim3A_1709 : i32 to vector<16xi32>
        %gather3A_1711 = arith.constant 0 : i32
        %gather3A_1712 = arith.constant 0 : i32
        %gather3A_1713 = arith.constant 0 : i32
        %gather3A_1714 = tpu.memref_slice %arg14[%gather3A_1711, %gather3A_1712, %gather3A_1713] : memref<2x640x32xf32, #tpu.memory_space<vmem>> -> memref<1x640x32xf32, #tpu.memory_space<vmem>>
        %gather3A_1715 = tpu.memref_squeeze %gather3A_1714 : memref<1x640x32xf32, #tpu.memory_space<vmem>> -> memref<640x32xf32, #tpu.memory_space<vmem>>
        %gather3A_1716 = tpu.vector_load_idx %gather3A_1715[%add3A_1480, %broadcast_in_dim3A_1710] : memref<640x32xf32, #tpu.memory_space<vmem>>[vector<16xi32>, vector<16xi32>], vector<16xf32>,
        %mul3A_1717 = arith.mulf %gather3A_1716, %gather3A_671 : vector<16xf32>
        %add3A_1718 = arith.addf %add3A_1678, %mul3A_1717 : vector<16xf32>
        %broadcast_in_dim3A_1719 = arith.constant 23 : i32
        %broadcast_in_dim3A_1720 = vector.broadcast %broadcast_in_dim3A_1719 : i32 to vector<16xi32>
        %gather3A_1721 = arith.constant 0 : i32
        %gather3A_1722 = arith.constant 0 : i32
        %gather3A_1723 = arith.constant 0 : i32
        %gather3A_1724 = tpu.memref_slice %arg14[%gather3A_1721, %gather3A_1722, %gather3A_1723] : memref<2x640x32xf32, #tpu.memory_space<vmem>> -> memref<1x640x32xf32, #tpu.memory_space<vmem>>
        %gather3A_1725 = tpu.memref_squeeze %gather3A_1724 : memref<1x640x32xf32, #tpu.memory_space<vmem>> -> memref<640x32xf32, #tpu.memory_space<vmem>>
        %gather3A_1726 = tpu.vector_load_idx %gather3A_1725[%add3A_1480, %broadcast_in_dim3A_1720] : memref<640x32xf32, #tpu.memory_space<vmem>>[vector<16xi32>, vector<16xi32>], vector<16xf32>,
        %mul3A_1727 = arith.mulf %gather3A_1726, %gather3A_674 : vector<16xf32>
        %add3A_1728 = arith.addf %add3A_1688, %mul3A_1727 : vector<16xf32>
        %broadcast_in_dim3A_1729 = arith.constant 24 : i32
        %broadcast_in_dim3A_1730 = vector.broadcast %broadcast_in_dim3A_1729 : i32 to vector<16xi32>
        %gather3A_1731 = arith.constant 0 : i32
        %gather3A_1732 = arith.constant 0 : i32
        %gather3A_1733 = arith.constant 0 : i32
        %gather3A_1734 = tpu.memref_slice %arg14[%gather3A_1731, %gather3A_1732, %gather3A_1733] : memref<2x640x32xf32, #tpu.memory_space<vmem>> -> memref<1x640x32xf32, #tpu.memory_space<vmem>>
        %gather3A_1735 = tpu.memref_squeeze %gather3A_1734 : memref<1x640x32xf32, #tpu.memory_space<vmem>> -> memref<640x32xf32, #tpu.memory_space<vmem>>
        %gather3A_1736 = tpu.vector_load_idx %gather3A_1735[%add3A_1480, %broadcast_in_dim3A_1730] : memref<640x32xf32, #tpu.memory_space<vmem>>[vector<16xi32>, vector<16xi32>], vector<16xf32>,
        %mul3A_1737 = arith.mulf %gather3A_1736, %gather3A_677 : vector<16xf32>
        %add3A_1738 = arith.addf %add3A_1698, %mul3A_1737 : vector<16xf32>
        %broadcast_in_dim3A_1739 = arith.constant 25 : i32
        %broadcast_in_dim3A_1740 = vector.broadcast %broadcast_in_dim3A_1739 : i32 to vector<16xi32>
        %gather3A_1741 = arith.constant 0 : i32
        %gather3A_1742 = arith.constant 0 : i32
        %gather3A_1743 = arith.constant 0 : i32
        %gather3A_1744 = tpu.memref_slice %arg14[%gather3A_1741, %gather3A_1742, %gather3A_1743] : memref<2x640x32xf32, #tpu.memory_space<vmem>> -> memref<1x640x32xf32, #tpu.memory_space<vmem>>
        %gather3A_1745 = tpu.memref_squeeze %gather3A_1744 : memref<1x640x32xf32, #tpu.memory_space<vmem>> -> memref<640x32xf32, #tpu.memory_space<vmem>>
        %gather3A_1746 = tpu.vector_load_idx %gather3A_1745[%add3A_1480, %broadcast_in_dim3A_1740] : memref<640x32xf32, #tpu.memory_space<vmem>>[vector<16xi32>, vector<16xi32>], vector<16xf32>,
        %mul3A_1747 = arith.mulf %gather3A_1746, %gather3A_680 : vector<16xf32>
        %add3A_1748 = arith.addf %add3A_1708, %mul3A_1747 : vector<16xf32>
        %broadcast_in_dim3A_1749 = arith.constant 26 : i32
        %broadcast_in_dim3A_1750 = vector.broadcast %broadcast_in_dim3A_1749 : i32 to vector<16xi32>
        %gather3A_1751 = arith.constant 0 : i32
        %gather3A_1752 = arith.constant 0 : i32
        %gather3A_1753 = arith.constant 0 : i32
        %gather3A_1754 = tpu.memref_slice %arg14[%gather3A_1751, %gather3A_1752, %gather3A_1753] : memref<2x640x32xf32, #tpu.memory_space<vmem>> -> memref<1x640x32xf32, #tpu.memory_space<vmem>>
        %gather3A_1755 = tpu.memref_squeeze %gather3A_1754 : memref<1x640x32xf32, #tpu.memory_space<vmem>> -> memref<640x32xf32, #tpu.memory_space<vmem>>
        %gather3A_1756 = tpu.vector_load_idx %gather3A_1755[%add3A_1480, %broadcast_in_dim3A_1750] : memref<640x32xf32, #tpu.memory_space<vmem>>[vector<16xi32>, vector<16xi32>], vector<16xf32>,
        %mul3A_1757 = arith.mulf %gather3A_1756, %gather3A_683 : vector<16xf32>
        %add3A_1758 = arith.addf %add3A_1718, %mul3A_1757 : vector<16xf32>
        %broadcast_in_dim3A_1759 = arith.constant 27 : i32
        %broadcast_in_dim3A_1760 = vector.broadcast %broadcast_in_dim3A_1759 : i32 to vector<16xi32>
        %gather3A_1761 = arith.constant 0 : i32
        %gather3A_1762 = arith.constant 0 : i32
        %gather3A_1763 = arith.constant 0 : i32
        %gather3A_1764 = tpu.memref_slice %arg14[%gather3A_1761, %gather3A_1762, %gather3A_1763] : memref<2x640x32xf32, #tpu.memory_space<vmem>> -> memref<1x640x32xf32, #tpu.memory_space<vmem>>
        %gather3A_1765 = tpu.memref_squeeze %gather3A_1764 : memref<1x640x32xf32, #tpu.memory_space<vmem>> -> memref<640x32xf32, #tpu.memory_space<vmem>>
        %gather3A_1766 = tpu.vector_load_idx %gather3A_1765[%add3A_1480, %broadcast_in_dim3A_1760] : memref<640x32xf32, #tpu.memory_space<vmem>>[vector<16xi32>, vector<16xi32>], vector<16xf32>,
        %mul3A_1767 = arith.mulf %gather3A_1766, %gather3A_686 : vector<16xf32>
        %add3A_1768 = arith.addf %add3A_1728, %mul3A_1767 : vector<16xf32>
        %broadcast_in_dim3A_1769 = arith.constant 28 : i32
        %broadcast_in_dim3A_1770 = vector.broadcast %broadcast_in_dim3A_1769 : i32 to vector<16xi32>
        %gather3A_1771 = arith.constant 0 : i32
        %gather3A_1772 = arith.constant 0 : i32
        %gather3A_1773 = arith.constant 0 : i32
        %gather3A_1774 = tpu.memref_slice %arg14[%gather3A_1771, %gather3A_1772, %gather3A_1773] : memref<2x640x32xf32, #tpu.memory_space<vmem>> -> memref<1x640x32xf32, #tpu.memory_space<vmem>>
        %gather3A_1775 = tpu.memref_squeeze %gather3A_1774 : memref<1x640x32xf32, #tpu.memory_space<vmem>> -> memref<640x32xf32, #tpu.memory_space<vmem>>
        %gather3A_1776 = tpu.vector_load_idx %gather3A_1775[%add3A_1480, %broadcast_in_dim3A_1770] : memref<640x32xf32, #tpu.memory_space<vmem>>[vector<16xi32>, vector<16xi32>], vector<16xf32>,
        %mul3A_1777 = arith.mulf %gather3A_1776, %gather3A_689 : vector<16xf32>
        %add3A_1778 = arith.addf %add3A_1738, %mul3A_1777 : vector<16xf32>
        %broadcast_in_dim3A_1779 = arith.constant 29 : i32
        %broadcast_in_dim3A_1780 = vector.broadcast %broadcast_in_dim3A_1779 : i32 to vector<16xi32>
        %gather3A_1781 = arith.constant 0 : i32
        %gather3A_1782 = arith.constant 0 : i32
        %gather3A_1783 = arith.constant 0 : i32
        %gather3A_1784 = tpu.memref_slice %arg14[%gather3A_1781, %gather3A_1782, %gather3A_1783] : memref<2x640x32xf32, #tpu.memory_space<vmem>> -> memref<1x640x32xf32, #tpu.memory_space<vmem>>
        %gather3A_1785 = tpu.memref_squeeze %gather3A_1784 : memref<1x640x32xf32, #tpu.memory_space<vmem>> -> memref<640x32xf32, #tpu.memory_space<vmem>>
        %gather3A_1786 = tpu.vector_load_idx %gather3A_1785[%add3A_1480, %broadcast_in_dim3A_1780] : memref<640x32xf32, #tpu.memory_space<vmem>>[vector<16xi32>, vector<16xi32>], vector<16xf32>,
        %mul3A_1787 = arith.mulf %gather3A_1786, %gather3A_692 : vector<16xf32>
        %add3A_1788 = arith.addf %add3A_1748, %mul3A_1787 : vector<16xf32>
        %broadcast_in_dim3A_1789 = arith.constant 30 : i32
        %broadcast_in_dim3A_1790 = vector.broadcast %broadcast_in_dim3A_1789 : i32 to vector<16xi32>
        %gather3A_1791 = arith.constant 0 : i32
        %gather3A_1792 = arith.constant 0 : i32
        %gather3A_1793 = arith.constant 0 : i32
        %gather3A_1794 = tpu.memref_slice %arg14[%gather3A_1791, %gather3A_1792, %gather3A_1793] : memref<2x640x32xf32, #tpu.memory_space<vmem>> -> memref<1x640x32xf32, #tpu.memory_space<vmem>>
        %gather3A_1795 = tpu.memref_squeeze %gather3A_1794 : memref<1x640x32xf32, #tpu.memory_space<vmem>> -> memref<640x32xf32, #tpu.memory_space<vmem>>
        %gather3A_1796 = tpu.vector_load_idx %gather3A_1795[%add3A_1480, %broadcast_in_dim3A_1790] : memref<640x32xf32, #tpu.memory_space<vmem>>[vector<16xi32>, vector<16xi32>], vector<16xf32>,
        %mul3A_1797 = arith.mulf %gather3A_1796, %gather3A_695 : vector<16xf32>
        %add3A_1798 = arith.addf %add3A_1758, %mul3A_1797 : vector<16xf32>
        %broadcast_in_dim3A_1799 = arith.constant 31 : i32
        %broadcast_in_dim3A_1800 = vector.broadcast %broadcast_in_dim3A_1799 : i32 to vector<16xi32>
        %gather3A_1801 = arith.constant 0 : i32
        %gather3A_1802 = arith.constant 0 : i32
        %gather3A_1803 = arith.constant 0 : i32
        %gather3A_1804 = tpu.memref_slice %arg14[%gather3A_1801, %gather3A_1802, %gather3A_1803] : memref<2x640x32xf32, #tpu.memory_space<vmem>> -> memref<1x640x32xf32, #tpu.memory_space<vmem>>
        %gather3A_1805 = tpu.memref_squeeze %gather3A_1804 : memref<1x640x32xf32, #tpu.memory_space<vmem>> -> memref<640x32xf32, #tpu.memory_space<vmem>>
        %gather3A_1806 = tpu.vector_load_idx %gather3A_1805[%add3A_1480, %broadcast_in_dim3A_1800] : memref<640x32xf32, #tpu.memory_space<vmem>>[vector<16xi32>, vector<16xi32>], vector<16xf32>,
        %mul3A_1807 = arith.mulf %gather3A_1806, %gather3A_698 : vector<16xf32>
        %add3A_1808 = arith.addf %add3A_1768, %mul3A_1807 : vector<16xf32>
        %add3A_1809 = vector.broadcast %mul3A_873 : i32 to vector<16xi32>
        %add3A_1810 = arith.addi %add3A_1809, %mul3A_287 : vector<16xi32>
        %add3A_1811 = vector.broadcast %add3A_1475 : i32 to vector<16xi32>
        %add3A_1812 = arith.addi %add3A_1810, %add3A_1811 : vector<16xi32>
        %add3A_1813 = arith.addf %add3A_1778, %add3A_1788 : vector<16xf32>
        %add3A_1814 = arith.addf %add3A_1798, %add3A_1808 : vector<16xf32>
        %add3A_1815 = arith.addf %add3A_1813, %add3A_1814 : vector<16xf32>
        tpu.vector_store_idx %arg16[%add3A_1812], %add3A_1815 : memref<10240xf32, #tpu.memory_space<vmem>>[vector<16xi32>], vector<16xf32>,
      }
      %scan3A_878 = arith.constant 20 : i32
      %add3A_879 = arith.constant 2 : i32
      %add3A_880 = arith.addi %add3A_302, %add3A_879 : i32
      %lt3A = arith.constant 16 : i32
      %lt3A_881 = arith.cmpi slt, %add3A_880, %lt3A : i32
      %convert_element_type3A = arith.extui %lt3A_881 : i1 to i32
      %cond3A = arith.constant 0 : i32
      %cond3A_882 = arith.cmpi ne, %convert_element_type3A, %cond3A : i32
      scf.if %cond3A_882 {
        %add3A_1471 = arith.constant 2 : i32
        %add3A_1472 = arith.addi %add3A_302, %add3A_1471 : i32
        %mul3A_1473 = arith.constant 5 : i32
        %mul3A_1474 = arith.muli %add3A_1472, %mul3A_1473 : i32
        %add3A_1475 = arith.constant 0 : i32
        %add3A_1476 = arith.addi %mul3A_1474, %add3A_1475 : i32
        %dma_start3A_1477 = arith.constant 0 : i32
        %dma_start3A_1478 = arith.constant 0 : i32
        %dma_start3A_1479 = arith.constant 0 : i32
        %dma_start3A_1480 = tpu.memref_slice %arg14[%dma_start3A_1477, %dma_start3A_1478, %dma_start3A_1479] : memref<2x640x32xf32, #tpu.memory_space<vmem>> -> memref<1x128x32xf32, #tpu.memory_space<vmem>>
        %dma_start3A_1481 = tpu.memref_squeeze %dma_start3A_1480 : memref<1x128x32xf32, #tpu.memory_space<vmem>> -> memref<128x32xf32, #tpu.memory_space<vmem>>
        %dma_start3A_1482 = arith.constant 0 : i32
        %dma_start3A_1483 = tpu.memref_slice %arg11[%add3A_1476, %dma_start3A_1482] : memref<80x128xi32, #tpu.memory_space<vmem>> -> memref<1x128xi32, #tpu.memory_space<vmem>>
        %dma_start3A_1484 = tpu.memref_squeeze %dma_start3A_1483 : memref<1x128xi32, #tpu.memory_space<vmem>> -> memref<128xi32, #tpu.memory_space<vmem>>
        %dma_start3A_1485 = arith.constant 0 : i32
        %dma_start3A_1486 = arith.constant 0 : i32
        %dma_start3A_1487 = tpu.memref_slice %arg3[%dma_start3A_1485, %dma_start3A_1486] : memref<1000000x32xf32, #tpu.memory_space<hbm>> -> memref<1000000x32xf32, #tpu.memory_space<hbm>>
        tpu.enqueue_indirect_dma source(%dma_start3A_1487 : memref<1000000x32xf32, #tpu.memory_space<hbm>>) target(%dma_start3A_1481 : memref<128x32xf32, #tpu.memory_space<vmem>>) offsets(%dma_start3A_1484 : memref<128xi32, #tpu.memory_space<vmem>>) semaphore(%arg18 : memref<!tpu.dma_semaphore, #tpu.memory_space<semaphore_mem>>)
        %mul3A_1488 = arith.constant 5 : i32
        %mul3A_1489 = arith.muli %add3A_1472, %mul3A_1488 : i32
        %add3A_1490 = arith.constant 1 : i32
        %add3A_1491 = arith.addi %mul3A_1489, %add3A_1490 : i32
        %dma_start3A_1492 = arith.constant 0 : i32
        %dma_start3A_1493 = arith.constant 128 : i32
        %dma_start3A_1494 = arith.constant 0 : i32
        %dma_start3A_1495 = tpu.memref_slice %arg14[%dma_start3A_1492, %dma_start3A_1493, %dma_start3A_1494] : memref<2x640x32xf32, #tpu.memory_space<vmem>> -> memref<1x128x32xf32, #tpu.memory_space<vmem>>
        %dma_start3A_1496 = tpu.memref_squeeze %dma_start3A_1495 : memref<1x128x32xf32, #tpu.memory_space<vmem>> -> memref<128x32xf32, #tpu.memory_space<vmem>>
        %dma_start3A_1497 = arith.constant 0 : i32
        %dma_start3A_1498 = tpu.memref_slice %arg11[%add3A_1491, %dma_start3A_1497] : memref<80x128xi32, #tpu.memory_space<vmem>> -> memref<1x128xi32, #tpu.memory_space<vmem>>
        %dma_start3A_1499 = tpu.memref_squeeze %dma_start3A_1498 : memref<1x128xi32, #tpu.memory_space<vmem>> -> memref<128xi32, #tpu.memory_space<vmem>>
        %dma_start3A_1500 = arith.constant 0 : i32
        %dma_start3A_1501 = arith.constant 0 : i32
        %dma_start3A_1502 = tpu.memref_slice %arg3[%dma_start3A_1500, %dma_start3A_1501] : memref<1000000x32xf32, #tpu.memory_space<hbm>> -> memref<1000000x32xf32, #tpu.memory_space<hbm>>
        tpu.enqueue_indirect_dma source(%dma_start3A_1502 : memref<1000000x32xf32, #tpu.memory_space<hbm>>) target(%dma_start3A_1496 : memref<128x32xf32, #tpu.memory_space<vmem>>) offsets(%dma_start3A_1499 : memref<128xi32, #tpu.memory_space<vmem>>) semaphore(%arg18 : memref<!tpu.dma_semaphore, #tpu.memory_space<semaphore_mem>>)
        %mul3A_1503 = arith.constant 5 : i32
        %mul3A_1504 = arith.muli %add3A_1472, %mul3A_1503 : i32
        %add3A_1505 = arith.constant 2 : i32
        %add3A_1506 = arith.addi %mul3A_1504, %add3A_1505 : i32
        %dma_start3A_1507 = arith.constant 0 : i32
        %dma_start3A_1508 = arith.constant 256 : i32
        %dma_start3A_1509 = arith.constant 0 : i32
        %dma_start3A_1510 = tpu.memref_slice %arg14[%dma_start3A_1507, %dma_start3A_1508, %dma_start3A_1509] : memref<2x640x32xf32, #tpu.memory_space<vmem>> -> memref<1x128x32xf32, #tpu.memory_space<vmem>>
        %dma_start3A_1511 = tpu.memref_squeeze %dma_start3A_1510 : memref<1x128x32xf32, #tpu.memory_space<vmem>> -> memref<128x32xf32, #tpu.memory_space<vmem>>
        %dma_start3A_1512 = arith.constant 0 : i32
        %dma_start3A_1513 = tpu.memref_slice %arg11[%add3A_1506, %dma_start3A_1512] : memref<80x128xi32, #tpu.memory_space<vmem>> -> memref<1x128xi32, #tpu.memory_space<vmem>>
        %dma_start3A_1514 = tpu.memref_squeeze %dma_start3A_1513 : memref<1x128xi32, #tpu.memory_space<vmem>> -> memref<128xi32, #tpu.memory_space<vmem>>
        %dma_start3A_1515 = arith.constant 0 : i32
        %dma_start3A_1516 = arith.constant 0 : i32
        %dma_start3A_1517 = tpu.memref_slice %arg3[%dma_start3A_1515, %dma_start3A_1516] : memref<1000000x32xf32, #tpu.memory_space<hbm>> -> memref<1000000x32xf32, #tpu.memory_space<hbm>>
        tpu.enqueue_indirect_dma source(%dma_start3A_1517 : memref<1000000x32xf32, #tpu.memory_space<hbm>>) target(%dma_start3A_1511 : memref<128x32xf32, #tpu.memory_space<vmem>>) offsets(%dma_start3A_1514 : memref<128xi32, #tpu.memory_space<vmem>>) semaphore(%arg18 : memref<!tpu.dma_semaphore, #tpu.memory_space<semaphore_mem>>)
        %mul3A_1518 = arith.constant 5 : i32
        %mul3A_1519 = arith.muli %add3A_1472, %mul3A_1518 : i32
        %add3A_1520 = arith.constant 3 : i32
        %add3A_1521 = arith.addi %mul3A_1519, %add3A_1520 : i32
        %dma_start3A_1522 = arith.constant 0 : i32
        %dma_start3A_1523 = arith.constant 384 : i32
        %dma_start3A_1524 = arith.constant 0 : i32
        %dma_start3A_1525 = tpu.memref_slice %arg14[%dma_start3A_1522, %dma_start3A_1523, %dma_start3A_1524] : memref<2x640x32xf32, #tpu.memory_space<vmem>> -> memref<1x128x32xf32, #tpu.memory_space<vmem>>
        %dma_start3A_1526 = tpu.memref_squeeze %dma_start3A_1525 : memref<1x128x32xf32, #tpu.memory_space<vmem>> -> memref<128x32xf32, #tpu.memory_space<vmem>>
        %dma_start3A_1527 = arith.constant 0 : i32
        %dma_start3A_1528 = tpu.memref_slice %arg11[%add3A_1521, %dma_start3A_1527] : memref<80x128xi32, #tpu.memory_space<vmem>> -> memref<1x128xi32, #tpu.memory_space<vmem>>
        %dma_start3A_1529 = tpu.memref_squeeze %dma_start3A_1528 : memref<1x128xi32, #tpu.memory_space<vmem>> -> memref<128xi32, #tpu.memory_space<vmem>>
        %dma_start3A_1530 = arith.constant 0 : i32
        %dma_start3A_1531 = arith.constant 0 : i32
        %dma_start3A_1532 = tpu.memref_slice %arg3[%dma_start3A_1530, %dma_start3A_1531] : memref<1000000x32xf32, #tpu.memory_space<hbm>> -> memref<1000000x32xf32, #tpu.memory_space<hbm>>
        tpu.enqueue_indirect_dma source(%dma_start3A_1532 : memref<1000000x32xf32, #tpu.memory_space<hbm>>) target(%dma_start3A_1526 : memref<128x32xf32, #tpu.memory_space<vmem>>) offsets(%dma_start3A_1529 : memref<128xi32, #tpu.memory_space<vmem>>) semaphore(%arg18 : memref<!tpu.dma_semaphore, #tpu.memory_space<semaphore_mem>>)
        %mul3A_1533 = arith.constant 5 : i32
        %mul3A_1534 = arith.muli %add3A_1472, %mul3A_1533 : i32
        %add3A_1535 = arith.constant 4 : i32
        %add3A_1536 = arith.addi %mul3A_1534, %add3A_1535 : i32
        %dma_start3A_1537 = arith.constant 0 : i32
        %dma_start3A_1538 = arith.constant 512 : i32
        %dma_start3A_1539 = arith.constant 0 : i32
        %dma_start3A_1540 = tpu.memref_slice %arg14[%dma_start3A_1537, %dma_start3A_1538, %dma_start3A_1539] : memref<2x640x32xf32, #tpu.memory_space<vmem>> -> memref<1x128x32xf32, #tpu.memory_space<vmem>>
        %dma_start3A_1541 = tpu.memref_squeeze %dma_start3A_1540 : memref<1x128x32xf32, #tpu.memory_space<vmem>> -> memref<128x32xf32, #tpu.memory_space<vmem>>
        %dma_start3A_1542 = arith.constant 0 : i32
        %dma_start3A_1543 = tpu.memref_slice %arg11[%add3A_1536, %dma_start3A_1542] : memref<80x128xi32, #tpu.memory_space<vmem>> -> memref<1x128xi32, #tpu.memory_space<vmem>>
        %dma_start3A_1544 = tpu.memref_squeeze %dma_start3A_1543 : memref<1x128xi32, #tpu.memory_space<vmem>> -> memref<128xi32, #tpu.memory_space<vmem>>
        %dma_start3A_1545 = arith.constant 0 : i32
        %dma_start3A_1546 = arith.constant 0 : i32
        %dma_start3A_1547 = tpu.memref_slice %arg3[%dma_start3A_1545, %dma_start3A_1546] : memref<1000000x32xf32, #tpu.memory_space<hbm>> -> memref<1000000x32xf32, #tpu.memory_space<hbm>>
        tpu.enqueue_indirect_dma source(%dma_start3A_1547 : memref<1000000x32xf32, #tpu.memory_space<hbm>>) target(%dma_start3A_1541 : memref<128x32xf32, #tpu.memory_space<vmem>>) offsets(%dma_start3A_1544 : memref<128xi32, #tpu.memory_space<vmem>>) semaphore(%arg18 : memref<!tpu.dma_semaphore, #tpu.memory_space<semaphore_mem>>)
      } else {
      }
      %add3A_883 = arith.constant 1 : i32
      %add3A_884 = arith.addi %add3A_300, %add3A_883 : i32
      %dma_wait3A_885 = arith.constant 1 : i32
      %dma_wait3A_886 = arith.constant 0 : i32
      %dma_wait3A_887 = arith.constant 0 : i32
      %dma_wait3A_888 = tpu.memref_slice %arg14[%dma_wait3A_885, %dma_wait3A_886, %dma_wait3A_887] : memref<2x640x32xf32, #tpu.memory_space<vmem>> -> memref<1x640x32xf32, #tpu.memory_space<vmem>>
      %dma_wait3A_889 = tpu.memref_squeeze %dma_wait3A_888 : memref<1x640x32xf32, #tpu.memory_space<vmem>> -> memref<640x32xf32, #tpu.memory_space<vmem>>
      %dma_wait3A_890 = arith.constant 0 : i32
      %dma_wait3A_891 = arith.constant 0 : i32
      %dma_wait3A_892 = tpu.memref_slice %arg3[%dma_wait3A_890, %dma_wait3A_891] : memref<1000000x32xf32, #tpu.memory_space<hbm>> -> memref<640x32xf32, #tpu.memory_space<hbm>>
      %dma_wait3A_893 = arith.constant 0 : i32
      %dma_wait3A_894 = arith.constant 0 : i32
      %dma_wait3A_895 = tpu.memref_slice %arg14[%dma_wait3A_885, %dma_wait3A_893, %dma_wait3A_894] : memref<2x640x32xf32, #tpu.memory_space<vmem>> -> memref<1x640x32xf32, #tpu.memory_space<vmem>>
      %dma_wait3A_896 = tpu.memref_squeeze %dma_wait3A_895 : memref<1x640x32xf32, #tpu.memory_space<vmem>> -> memref<640x32xf32, #tpu.memory_space<vmem>>
      %dma_wait3A_897 = arith.constant 0 : i32
      %dma_wait3A_898 = arith.constant 0 : i32
      %dma_wait3A_899 = tpu.memref_slice %arg3[%dma_wait3A_897, %dma_wait3A_898] : memref<1000000x32xf32, #tpu.memory_space<hbm>> -> memref<640x32xf32, #tpu.memory_space<hbm>>
      tpu.wait_dma2 semaphore(%arg19 : memref<!tpu.dma_semaphore, #tpu.memory_space<semaphore_mem>>) src(%dma_wait3A_899 : memref<640x32xf32, #tpu.memory_space<hbm>>) dst(%dma_wait3A_896 : memref<640x32xf32, #tpu.memory_space<vmem>>)
      %mul3A_900 = arith.constant 32 : i32
      %mul3A_901 = arith.muli %add3A_884, %mul3A_900 : i32
      %add3A_902 = arith.constant 0 : i32
      %add3A_903 = arith.addi %mul3A_901, %add3A_902 : i32
      %add3A_904 = vector.broadcast %add3A_903 : i32 to vector<16xi32>
      %add3A_905 = arith.addi %add3A_904, %iota3A : vector<16xi32>
      %broadcast_in_dim3A_906 = arith.constant 0 : i32
      %broadcast_in_dim3A_907 = vector.broadcast %broadcast_in_dim3A_906 : i32 to vector<16xi32>
      %gather3A_908 = tpu.vector_load_idx %arg12[%add3A_905, %broadcast_in_dim3A_907] : memref<512x32xf32, #tpu.memory_space<vmem>>[vector<16xi32>, vector<16xi32>], vector<16xf32>,
      %broadcast_in_dim3A_909 = arith.constant 1 : i32
      %broadcast_in_dim3A_910 = vector.broadcast %broadcast_in_dim3A_909 : i32 to vector<16xi32>
      %gather3A_911 = tpu.vector_load_idx %arg12[%add3A_905, %broadcast_in_dim3A_910] : memref<512x32xf32, #tpu.memory_space<vmem>>[vector<16xi32>, vector<16xi32>], vector<16xf32>,
      %broadcast_in_dim3A_912 = arith.constant 2 : i32
      %broadcast_in_dim3A_913 = vector.broadcast %broadcast_in_dim3A_912 : i32 to vector<16xi32>
      %gather3A_914 = tpu.vector_load_idx %arg12[%add3A_905, %broadcast_in_dim3A_913] : memref<512x32xf32, #tpu.memory_space<vmem>>[vector<16xi32>, vector<16xi32>], vector<16xf32>,
      %broadcast_in_dim3A_915 = arith.constant 3 : i32
      %broadcast_in_dim3A_916 = vector.broadcast %broadcast_in_dim3A_915 : i32 to vector<16xi32>
      %gather3A_917 = tpu.vector_load_idx %arg12[%add3A_905, %broadcast_in_dim3A_916] : memref<512x32xf32, #tpu.memory_space<vmem>>[vector<16xi32>, vector<16xi32>], vector<16xf32>,
      %broadcast_in_dim3A_918 = arith.constant 4 : i32
      %broadcast_in_dim3A_919 = vector.broadcast %broadcast_in_dim3A_918 : i32 to vector<16xi32>
      %gather3A_920 = tpu.vector_load_idx %arg12[%add3A_905, %broadcast_in_dim3A_919] : memref<512x32xf32, #tpu.memory_space<vmem>>[vector<16xi32>, vector<16xi32>], vector<16xf32>,
      %broadcast_in_dim3A_921 = arith.constant 5 : i32
      %broadcast_in_dim3A_922 = vector.broadcast %broadcast_in_dim3A_921 : i32 to vector<16xi32>
      %gather3A_923 = tpu.vector_load_idx %arg12[%add3A_905, %broadcast_in_dim3A_922] : memref<512x32xf32, #tpu.memory_space<vmem>>[vector<16xi32>, vector<16xi32>], vector<16xf32>,
      %broadcast_in_dim3A_924 = arith.constant 6 : i32
      %broadcast_in_dim3A_925 = vector.broadcast %broadcast_in_dim3A_924 : i32 to vector<16xi32>
      %gather3A_926 = tpu.vector_load_idx %arg12[%add3A_905, %broadcast_in_dim3A_925] : memref<512x32xf32, #tpu.memory_space<vmem>>[vector<16xi32>, vector<16xi32>], vector<16xf32>,
      %broadcast_in_dim3A_927 = arith.constant 7 : i32
      %broadcast_in_dim3A_928 = vector.broadcast %broadcast_in_dim3A_927 : i32 to vector<16xi32>
      %gather3A_929 = tpu.vector_load_idx %arg12[%add3A_905, %broadcast_in_dim3A_928] : memref<512x32xf32, #tpu.memory_space<vmem>>[vector<16xi32>, vector<16xi32>], vector<16xf32>,
      %broadcast_in_dim3A_930 = arith.constant 8 : i32
      %broadcast_in_dim3A_931 = vector.broadcast %broadcast_in_dim3A_930 : i32 to vector<16xi32>
      %gather3A_932 = tpu.vector_load_idx %arg12[%add3A_905, %broadcast_in_dim3A_931] : memref<512x32xf32, #tpu.memory_space<vmem>>[vector<16xi32>, vector<16xi32>], vector<16xf32>,
      %broadcast_in_dim3A_933 = arith.constant 9 : i32
      %broadcast_in_dim3A_934 = vector.broadcast %broadcast_in_dim3A_933 : i32 to vector<16xi32>
      %gather3A_935 = tpu.vector_load_idx %arg12[%add3A_905, %broadcast_in_dim3A_934] : memref<512x32xf32, #tpu.memory_space<vmem>>[vector<16xi32>, vector<16xi32>], vector<16xf32>,
      %broadcast_in_dim3A_936 = arith.constant 10 : i32
      %broadcast_in_dim3A_937 = vector.broadcast %broadcast_in_dim3A_936 : i32 to vector<16xi32>
      %gather3A_938 = tpu.vector_load_idx %arg12[%add3A_905, %broadcast_in_dim3A_937] : memref<512x32xf32, #tpu.memory_space<vmem>>[vector<16xi32>, vector<16xi32>], vector<16xf32>,
      %broadcast_in_dim3A_939 = arith.constant 11 : i32
      %broadcast_in_dim3A_940 = vector.broadcast %broadcast_in_dim3A_939 : i32 to vector<16xi32>
      %gather3A_941 = tpu.vector_load_idx %arg12[%add3A_905, %broadcast_in_dim3A_940] : memref<512x32xf32, #tpu.memory_space<vmem>>[vector<16xi32>, vector<16xi32>], vector<16xf32>,
      %broadcast_in_dim3A_942 = arith.constant 12 : i32
      %broadcast_in_dim3A_943 = vector.broadcast %broadcast_in_dim3A_942 : i32 to vector<16xi32>
      %gather3A_944 = tpu.vector_load_idx %arg12[%add3A_905, %broadcast_in_dim3A_943] : memref<512x32xf32, #tpu.memory_space<vmem>>[vector<16xi32>, vector<16xi32>], vector<16xf32>,
      %broadcast_in_dim3A_945 = arith.constant 13 : i32
      %broadcast_in_dim3A_946 = vector.broadcast %broadcast_in_dim3A_945 : i32 to vector<16xi32>
      %gather3A_947 = tpu.vector_load_idx %arg12[%add3A_905, %broadcast_in_dim3A_946] : memref<512x32xf32, #tpu.memory_space<vmem>>[vector<16xi32>, vector<16xi32>], vector<16xf32>,
      %broadcast_in_dim3A_948 = arith.constant 14 : i32
      %broadcast_in_dim3A_949 = vector.broadcast %broadcast_in_dim3A_948 : i32 to vector<16xi32>
      %gather3A_950 = tpu.vector_load_idx %arg12[%add3A_905, %broadcast_in_dim3A_949] : memref<512x32xf32, #tpu.memory_space<vmem>>[vector<16xi32>, vector<16xi32>], vector<16xf32>,
      %broadcast_in_dim3A_951 = arith.constant 15 : i32
      %broadcast_in_dim3A_952 = vector.broadcast %broadcast_in_dim3A_951 : i32 to vector<16xi32>
      %gather3A_953 = tpu.vector_load_idx %arg12[%add3A_905, %broadcast_in_dim3A_952] : memref<512x32xf32, #tpu.memory_space<vmem>>[vector<16xi32>, vector<16xi32>], vector<16xf32>,
      %broadcast_in_dim3A_954 = arith.constant 16 : i32
      %broadcast_in_dim3A_955 = vector.broadcast %broadcast_in_dim3A_954 : i32 to vector<16xi32>
      %gather3A_956 = tpu.vector_load_idx %arg12[%add3A_905, %broadcast_in_dim3A_955] : memref<512x32xf32, #tpu.memory_space<vmem>>[vector<16xi32>, vector<16xi32>], vector<16xf32>,
      %broadcast_in_dim3A_957 = arith.constant 17 : i32
      %broadcast_in_dim3A_958 = vector.broadcast %broadcast_in_dim3A_957 : i32 to vector<16xi32>
      %gather3A_959 = tpu.vector_load_idx %arg12[%add3A_905, %broadcast_in_dim3A_958] : memref<512x32xf32, #tpu.memory_space<vmem>>[vector<16xi32>, vector<16xi32>], vector<16xf32>,
      %broadcast_in_dim3A_960 = arith.constant 18 : i32
      %broadcast_in_dim3A_961 = vector.broadcast %broadcast_in_dim3A_960 : i32 to vector<16xi32>
      %gather3A_962 = tpu.vector_load_idx %arg12[%add3A_905, %broadcast_in_dim3A_961] : memref<512x32xf32, #tpu.memory_space<vmem>>[vector<16xi32>, vector<16xi32>], vector<16xf32>,
      %broadcast_in_dim3A_963 = arith.constant 19 : i32
      %broadcast_in_dim3A_964 = vector.broadcast %broadcast_in_dim3A_963 : i32 to vector<16xi32>
      %gather3A_965 = tpu.vector_load_idx %arg12[%add3A_905, %broadcast_in_dim3A_964] : memref<512x32xf32, #tpu.memory_space<vmem>>[vector<16xi32>, vector<16xi32>], vector<16xf32>,
      %broadcast_in_dim3A_966 = arith.constant 20 : i32
      %broadcast_in_dim3A_967 = vector.broadcast %broadcast_in_dim3A_966 : i32 to vector<16xi32>
      %gather3A_968 = tpu.vector_load_idx %arg12[%add3A_905, %broadcast_in_dim3A_967] : memref<512x32xf32, #tpu.memory_space<vmem>>[vector<16xi32>, vector<16xi32>], vector<16xf32>,
      %broadcast_in_dim3A_969 = arith.constant 21 : i32
      %broadcast_in_dim3A_970 = vector.broadcast %broadcast_in_dim3A_969 : i32 to vector<16xi32>
      %gather3A_971 = tpu.vector_load_idx %arg12[%add3A_905, %broadcast_in_dim3A_970] : memref<512x32xf32, #tpu.memory_space<vmem>>[vector<16xi32>, vector<16xi32>], vector<16xf32>,
      %broadcast_in_dim3A_972 = arith.constant 22 : i32
      %broadcast_in_dim3A_973 = vector.broadcast %broadcast_in_dim3A_972 : i32 to vector<16xi32>
      %gather3A_974 = tpu.vector_load_idx %arg12[%add3A_905, %broadcast_in_dim3A_973] : memref<512x32xf32, #tpu.memory_space<vmem>>[vector<16xi32>, vector<16xi32>], vector<16xf32>,
      %broadcast_in_dim3A_975 = arith.constant 23 : i32
      %broadcast_in_dim3A_976 = vector.broadcast %broadcast_in_dim3A_975 : i32 to vector<16xi32>
      %gather3A_977 = tpu.vector_load_idx %arg12[%add3A_905, %broadcast_in_dim3A_976] : memref<512x32xf32, #tpu.memory_space<vmem>>[vector<16xi32>, vector<16xi32>], vector<16xf32>,
      %broadcast_in_dim3A_978 = arith.constant 24 : i32
      %broadcast_in_dim3A_979 = vector.broadcast %broadcast_in_dim3A_978 : i32 to vector<16xi32>
      %gather3A_980 = tpu.vector_load_idx %arg12[%add3A_905, %broadcast_in_dim3A_979] : memref<512x32xf32, #tpu.memory_space<vmem>>[vector<16xi32>, vector<16xi32>], vector<16xf32>,
      %broadcast_in_dim3A_981 = arith.constant 25 : i32
      %broadcast_in_dim3A_982 = vector.broadcast %broadcast_in_dim3A_981 : i32 to vector<16xi32>
      %gather3A_983 = tpu.vector_load_idx %arg12[%add3A_905, %broadcast_in_dim3A_982] : memref<512x32xf32, #tpu.memory_space<vmem>>[vector<16xi32>, vector<16xi32>], vector<16xf32>,
      %broadcast_in_dim3A_984 = arith.constant 26 : i32
      %broadcast_in_dim3A_985 = vector.broadcast %broadcast_in_dim3A_984 : i32 to vector<16xi32>
      %gather3A_986 = tpu.vector_load_idx %arg12[%add3A_905, %broadcast_in_dim3A_985] : memref<512x32xf32, #tpu.memory_space<vmem>>[vector<16xi32>, vector<16xi32>], vector<16xf32>,
      %broadcast_in_dim3A_987 = arith.constant 27 : i32
      %broadcast_in_dim3A_988 = vector.broadcast %broadcast_in_dim3A_987 : i32 to vector<16xi32>
      %gather3A_989 = tpu.vector_load_idx %arg12[%add3A_905, %broadcast_in_dim3A_988] : memref<512x32xf32, #tpu.memory_space<vmem>>[vector<16xi32>, vector<16xi32>], vector<16xf32>,
      %broadcast_in_dim3A_990 = arith.constant 28 : i32
      %broadcast_in_dim3A_991 = vector.broadcast %broadcast_in_dim3A_990 : i32 to vector<16xi32>
      %gather3A_992 = tpu.vector_load_idx %arg12[%add3A_905, %broadcast_in_dim3A_991] : memref<512x32xf32, #tpu.memory_space<vmem>>[vector<16xi32>, vector<16xi32>], vector<16xf32>,
      %broadcast_in_dim3A_993 = arith.constant 29 : i32
      %broadcast_in_dim3A_994 = vector.broadcast %broadcast_in_dim3A_993 : i32 to vector<16xi32>
      %gather3A_995 = tpu.vector_load_idx %arg12[%add3A_905, %broadcast_in_dim3A_994] : memref<512x32xf32, #tpu.memory_space<vmem>>[vector<16xi32>, vector<16xi32>], vector<16xf32>,
      %broadcast_in_dim3A_996 = arith.constant 30 : i32
      %broadcast_in_dim3A_997 = vector.broadcast %broadcast_in_dim3A_996 : i32 to vector<16xi32>
      %gather3A_998 = tpu.vector_load_idx %arg12[%add3A_905, %broadcast_in_dim3A_997] : memref<512x32xf32, #tpu.memory_space<vmem>>[vector<16xi32>, vector<16xi32>], vector<16xf32>,
      %broadcast_in_dim3A_999 = arith.constant 31 : i32
      %broadcast_in_dim3A_1000 = vector.broadcast %broadcast_in_dim3A_999 : i32 to vector<16xi32>
      %gather3A_1001 = tpu.vector_load_idx %arg12[%add3A_905, %broadcast_in_dim3A_1000] : memref<512x32xf32, #tpu.memory_space<vmem>>[vector<16xi32>, vector<16xi32>], vector<16xf32>,
      %broadcast_in_dim3A_1002 = arith.constant 0.000000e+00 : f32
      %broadcast_in_dim3A_1003 = vector.broadcast %broadcast_in_dim3A_1002 : f32 to vector<16xf32>
      %broadcast_in_dim3A_1004 = arith.constant 0.000000e+00 : f32
      %broadcast_in_dim3A_1005 = vector.broadcast %broadcast_in_dim3A_1004 : f32 to vector<16xf32>
      %broadcast_in_dim3A_1006 = arith.constant 0.000000e+00 : f32
      %broadcast_in_dim3A_1007 = vector.broadcast %broadcast_in_dim3A_1006 : f32 to vector<16xf32>
      %broadcast_in_dim3A_1008 = arith.constant 0.000000e+00 : f32
      %broadcast_in_dim3A_1009 = vector.broadcast %broadcast_in_dim3A_1008 : f32 to vector<16xf32>
      %broadcast_in_dim3A_1010 = arith.constant 0 : i32
      %broadcast_in_dim3A_1011 = vector.broadcast %broadcast_in_dim3A_1010 : i32 to vector<16xi32>
      %gather3A_1012 = tpu.vector_load_idx %arg13[%add3A_905, %broadcast_in_dim3A_1011] : memref<512x32xf32, #tpu.memory_space<vmem>>[vector<16xi32>, vector<16xi32>], vector<16xf32>,
      %mul3A_1013 = arith.mulf %gather3A_1012, %gather3A_908 : vector<16xf32>
      %add3A_1014 = arith.addf %broadcast_in_dim3A_1003, %mul3A_1013 : vector<16xf32>
      %broadcast_in_dim3A_1015 = arith.constant 1 : i32
      %broadcast_in_dim3A_1016 = vector.broadcast %broadcast_in_dim3A_1015 : i32 to vector<16xi32>
      %gather3A_1017 = tpu.vector_load_idx %arg13[%add3A_905, %broadcast_in_dim3A_1016] : memref<512x32xf32, #tpu.memory_space<vmem>>[vector<16xi32>, vector<16xi32>], vector<16xf32>,
      %mul3A_1018 = arith.mulf %gather3A_1017, %gather3A_911 : vector<16xf32>
      %add3A_1019 = arith.addf %broadcast_in_dim3A_1005, %mul3A_1018 : vector<16xf32>
      %broadcast_in_dim3A_1020 = arith.constant 2 : i32
      %broadcast_in_dim3A_1021 = vector.broadcast %broadcast_in_dim3A_1020 : i32 to vector<16xi32>
      %gather3A_1022 = tpu.vector_load_idx %arg13[%add3A_905, %broadcast_in_dim3A_1021] : memref<512x32xf32, #tpu.memory_space<vmem>>[vector<16xi32>, vector<16xi32>], vector<16xf32>,
      %mul3A_1023 = arith.mulf %gather3A_1022, %gather3A_914 : vector<16xf32>
      %add3A_1024 = arith.addf %broadcast_in_dim3A_1007, %mul3A_1023 : vector<16xf32>
      %broadcast_in_dim3A_1025 = arith.constant 3 : i32
      %broadcast_in_dim3A_1026 = vector.broadcast %broadcast_in_dim3A_1025 : i32 to vector<16xi32>
      %gather3A_1027 = tpu.vector_load_idx %arg13[%add3A_905, %broadcast_in_dim3A_1026] : memref<512x32xf32, #tpu.memory_space<vmem>>[vector<16xi32>, vector<16xi32>], vector<16xf32>,
      %mul3A_1028 = arith.mulf %gather3A_1027, %gather3A_917 : vector<16xf32>
      %add3A_1029 = arith.addf %broadcast_in_dim3A_1009, %mul3A_1028 : vector<16xf32>
      %broadcast_in_dim3A_1030 = arith.constant 4 : i32
      %broadcast_in_dim3A_1031 = vector.broadcast %broadcast_in_dim3A_1030 : i32 to vector<16xi32>
      %gather3A_1032 = tpu.vector_load_idx %arg13[%add3A_905, %broadcast_in_dim3A_1031] : memref<512x32xf32, #tpu.memory_space<vmem>>[vector<16xi32>, vector<16xi32>], vector<16xf32>,
      %mul3A_1033 = arith.mulf %gather3A_1032, %gather3A_920 : vector<16xf32>
      %add3A_1034 = arith.addf %add3A_1014, %mul3A_1033 : vector<16xf32>
      %broadcast_in_dim3A_1035 = arith.constant 5 : i32
      %broadcast_in_dim3A_1036 = vector.broadcast %broadcast_in_dim3A_1035 : i32 to vector<16xi32>
      %gather3A_1037 = tpu.vector_load_idx %arg13[%add3A_905, %broadcast_in_dim3A_1036] : memref<512x32xf32, #tpu.memory_space<vmem>>[vector<16xi32>, vector<16xi32>], vector<16xf32>,
      %mul3A_1038 = arith.mulf %gather3A_1037, %gather3A_923 : vector<16xf32>
      %add3A_1039 = arith.addf %add3A_1019, %mul3A_1038 : vector<16xf32>
      %broadcast_in_dim3A_1040 = arith.constant 6 : i32
      %broadcast_in_dim3A_1041 = vector.broadcast %broadcast_in_dim3A_1040 : i32 to vector<16xi32>
      %gather3A_1042 = tpu.vector_load_idx %arg13[%add3A_905, %broadcast_in_dim3A_1041] : memref<512x32xf32, #tpu.memory_space<vmem>>[vector<16xi32>, vector<16xi32>], vector<16xf32>,
      %mul3A_1043 = arith.mulf %gather3A_1042, %gather3A_926 : vector<16xf32>
      %add3A_1044 = arith.addf %add3A_1024, %mul3A_1043 : vector<16xf32>
      %broadcast_in_dim3A_1045 = arith.constant 7 : i32
      %broadcast_in_dim3A_1046 = vector.broadcast %broadcast_in_dim3A_1045 : i32 to vector<16xi32>
      %gather3A_1047 = tpu.vector_load_idx %arg13[%add3A_905, %broadcast_in_dim3A_1046] : memref<512x32xf32, #tpu.memory_space<vmem>>[vector<16xi32>, vector<16xi32>], vector<16xf32>,
      %mul3A_1048 = arith.mulf %gather3A_1047, %gather3A_929 : vector<16xf32>
      %add3A_1049 = arith.addf %add3A_1029, %mul3A_1048 : vector<16xf32>
      %broadcast_in_dim3A_1050 = arith.constant 8 : i32
      %broadcast_in_dim3A_1051 = vector.broadcast %broadcast_in_dim3A_1050 : i32 to vector<16xi32>
      %gather3A_1052 = tpu.vector_load_idx %arg13[%add3A_905, %broadcast_in_dim3A_1051] : memref<512x32xf32, #tpu.memory_space<vmem>>[vector<16xi32>, vector<16xi32>], vector<16xf32>,
      %mul3A_1053 = arith.mulf %gather3A_1052, %gather3A_932 : vector<16xf32>
      %add3A_1054 = arith.addf %add3A_1034, %mul3A_1053 : vector<16xf32>
      %broadcast_in_dim3A_1055 = arith.constant 9 : i32
      %broadcast_in_dim3A_1056 = vector.broadcast %broadcast_in_dim3A_1055 : i32 to vector<16xi32>
      %gather3A_1057 = tpu.vector_load_idx %arg13[%add3A_905, %broadcast_in_dim3A_1056] : memref<512x32xf32, #tpu.memory_space<vmem>>[vector<16xi32>, vector<16xi32>], vector<16xf32>,
      %mul3A_1058 = arith.mulf %gather3A_1057, %gather3A_935 : vector<16xf32>
      %add3A_1059 = arith.addf %add3A_1039, %mul3A_1058 : vector<16xf32>
      %broadcast_in_dim3A_1060 = arith.constant 10 : i32
      %broadcast_in_dim3A_1061 = vector.broadcast %broadcast_in_dim3A_1060 : i32 to vector<16xi32>
      %gather3A_1062 = tpu.vector_load_idx %arg13[%add3A_905, %broadcast_in_dim3A_1061] : memref<512x32xf32, #tpu.memory_space<vmem>>[vector<16xi32>, vector<16xi32>], vector<16xf32>,
      %mul3A_1063 = arith.mulf %gather3A_1062, %gather3A_938 : vector<16xf32>
      %add3A_1064 = arith.addf %add3A_1044, %mul3A_1063 : vector<16xf32>
      %broadcast_in_dim3A_1065 = arith.constant 11 : i32
      %broadcast_in_dim3A_1066 = vector.broadcast %broadcast_in_dim3A_1065 : i32 to vector<16xi32>
      %gather3A_1067 = tpu.vector_load_idx %arg13[%add3A_905, %broadcast_in_dim3A_1066] : memref<512x32xf32, #tpu.memory_space<vmem>>[vector<16xi32>, vector<16xi32>], vector<16xf32>,
      %mul3A_1068 = arith.mulf %gather3A_1067, %gather3A_941 : vector<16xf32>
      %add3A_1069 = arith.addf %add3A_1049, %mul3A_1068 : vector<16xf32>
      %broadcast_in_dim3A_1070 = arith.constant 12 : i32
      %broadcast_in_dim3A_1071 = vector.broadcast %broadcast_in_dim3A_1070 : i32 to vector<16xi32>
      %gather3A_1072 = tpu.vector_load_idx %arg13[%add3A_905, %broadcast_in_dim3A_1071] : memref<512x32xf32, #tpu.memory_space<vmem>>[vector<16xi32>, vector<16xi32>], vector<16xf32>,
      %mul3A_1073 = arith.mulf %gather3A_1072, %gather3A_944 : vector<16xf32>
      %add3A_1074 = arith.addf %add3A_1054, %mul3A_1073 : vector<16xf32>
      %broadcast_in_dim3A_1075 = arith.constant 13 : i32
      %broadcast_in_dim3A_1076 = vector.broadcast %broadcast_in_dim3A_1075 : i32 to vector<16xi32>
      %gather3A_1077 = tpu.vector_load_idx %arg13[%add3A_905, %broadcast_in_dim3A_1076] : memref<512x32xf32, #tpu.memory_space<vmem>>[vector<16xi32>, vector<16xi32>], vector<16xf32>,
      %mul3A_1078 = arith.mulf %gather3A_1077, %gather3A_947 : vector<16xf32>
      %add3A_1079 = arith.addf %add3A_1059, %mul3A_1078 : vector<16xf32>
      %broadcast_in_dim3A_1080 = arith.constant 14 : i32
      %broadcast_in_dim3A_1081 = vector.broadcast %broadcast_in_dim3A_1080 : i32 to vector<16xi32>
      %gather3A_1082 = tpu.vector_load_idx %arg13[%add3A_905, %broadcast_in_dim3A_1081] : memref<512x32xf32, #tpu.memory_space<vmem>>[vector<16xi32>, vector<16xi32>], vector<16xf32>,
      %mul3A_1083 = arith.mulf %gather3A_1082, %gather3A_950 : vector<16xf32>
      %add3A_1084 = arith.addf %add3A_1064, %mul3A_1083 : vector<16xf32>
      %broadcast_in_dim3A_1085 = arith.constant 15 : i32
      %broadcast_in_dim3A_1086 = vector.broadcast %broadcast_in_dim3A_1085 : i32 to vector<16xi32>
      %gather3A_1087 = tpu.vector_load_idx %arg13[%add3A_905, %broadcast_in_dim3A_1086] : memref<512x32xf32, #tpu.memory_space<vmem>>[vector<16xi32>, vector<16xi32>], vector<16xf32>,
      %mul3A_1088 = arith.mulf %gather3A_1087, %gather3A_953 : vector<16xf32>
      %add3A_1089 = arith.addf %add3A_1069, %mul3A_1088 : vector<16xf32>
      %broadcast_in_dim3A_1090 = arith.constant 16 : i32
      %broadcast_in_dim3A_1091 = vector.broadcast %broadcast_in_dim3A_1090 : i32 to vector<16xi32>
      %gather3A_1092 = tpu.vector_load_idx %arg13[%add3A_905, %broadcast_in_dim3A_1091] : memref<512x32xf32, #tpu.memory_space<vmem>>[vector<16xi32>, vector<16xi32>], vector<16xf32>,
      %mul3A_1093 = arith.mulf %gather3A_1092, %gather3A_956 : vector<16xf32>
      %add3A_1094 = arith.addf %add3A_1074, %mul3A_1093 : vector<16xf32>
      %broadcast_in_dim3A_1095 = arith.constant 17 : i32
      %broadcast_in_dim3A_1096 = vector.broadcast %broadcast_in_dim3A_1095 : i32 to vector<16xi32>
      %gather3A_1097 = tpu.vector_load_idx %arg13[%add3A_905, %broadcast_in_dim3A_1096] : memref<512x32xf32, #tpu.memory_space<vmem>>[vector<16xi32>, vector<16xi32>], vector<16xf32>,
      %mul3A_1098 = arith.mulf %gather3A_1097, %gather3A_959 : vector<16xf32>
      %add3A_1099 = arith.addf %add3A_1079, %mul3A_1098 : vector<16xf32>
      %broadcast_in_dim3A_1100 = arith.constant 18 : i32
      %broadcast_in_dim3A_1101 = vector.broadcast %broadcast_in_dim3A_1100 : i32 to vector<16xi32>
      %gather3A_1102 = tpu.vector_load_idx %arg13[%add3A_905, %broadcast_in_dim3A_1101] : memref<512x32xf32, #tpu.memory_space<vmem>>[vector<16xi32>, vector<16xi32>], vector<16xf32>,
      %mul3A_1103 = arith.mulf %gather3A_1102, %gather3A_962 : vector<16xf32>
      %add3A_1104 = arith.addf %add3A_1084, %mul3A_1103 : vector<16xf32>
      %broadcast_in_dim3A_1105 = arith.constant 19 : i32
      %broadcast_in_dim3A_1106 = vector.broadcast %broadcast_in_dim3A_1105 : i32 to vector<16xi32>
      %gather3A_1107 = tpu.vector_load_idx %arg13[%add3A_905, %broadcast_in_dim3A_1106] : memref<512x32xf32, #tpu.memory_space<vmem>>[vector<16xi32>, vector<16xi32>], vector<16xf32>,
      %mul3A_1108 = arith.mulf %gather3A_1107, %gather3A_965 : vector<16xf32>
      %add3A_1109 = arith.addf %add3A_1089, %mul3A_1108 : vector<16xf32>
      %broadcast_in_dim3A_1110 = arith.constant 20 : i32
      %broadcast_in_dim3A_1111 = vector.broadcast %broadcast_in_dim3A_1110 : i32 to vector<16xi32>
      %gather3A_1112 = tpu.vector_load_idx %arg13[%add3A_905, %broadcast_in_dim3A_1111] : memref<512x32xf32, #tpu.memory_space<vmem>>[vector<16xi32>, vector<16xi32>], vector<16xf32>,
      %mul3A_1113 = arith.mulf %gather3A_1112, %gather3A_968 : vector<16xf32>
      %add3A_1114 = arith.addf %add3A_1094, %mul3A_1113 : vector<16xf32>
      %broadcast_in_dim3A_1115 = arith.constant 21 : i32
      %broadcast_in_dim3A_1116 = vector.broadcast %broadcast_in_dim3A_1115 : i32 to vector<16xi32>
      %gather3A_1117 = tpu.vector_load_idx %arg13[%add3A_905, %broadcast_in_dim3A_1116] : memref<512x32xf32, #tpu.memory_space<vmem>>[vector<16xi32>, vector<16xi32>], vector<16xf32>,
      %mul3A_1118 = arith.mulf %gather3A_1117, %gather3A_971 : vector<16xf32>
      %add3A_1119 = arith.addf %add3A_1099, %mul3A_1118 : vector<16xf32>
      %broadcast_in_dim3A_1120 = arith.constant 22 : i32
      %broadcast_in_dim3A_1121 = vector.broadcast %broadcast_in_dim3A_1120 : i32 to vector<16xi32>
      %gather3A_1122 = tpu.vector_load_idx %arg13[%add3A_905, %broadcast_in_dim3A_1121] : memref<512x32xf32, #tpu.memory_space<vmem>>[vector<16xi32>, vector<16xi32>], vector<16xf32>,
      %mul3A_1123 = arith.mulf %gather3A_1122, %gather3A_974 : vector<16xf32>
      %add3A_1124 = arith.addf %add3A_1104, %mul3A_1123 : vector<16xf32>
      %broadcast_in_dim3A_1125 = arith.constant 23 : i32
      %broadcast_in_dim3A_1126 = vector.broadcast %broadcast_in_dim3A_1125 : i32 to vector<16xi32>
      %gather3A_1127 = tpu.vector_load_idx %arg13[%add3A_905, %broadcast_in_dim3A_1126] : memref<512x32xf32, #tpu.memory_space<vmem>>[vector<16xi32>, vector<16xi32>], vector<16xf32>,
      %mul3A_1128 = arith.mulf %gather3A_1127, %gather3A_977 : vector<16xf32>
      %add3A_1129 = arith.addf %add3A_1109, %mul3A_1128 : vector<16xf32>
      %broadcast_in_dim3A_1130 = arith.constant 24 : i32
      %broadcast_in_dim3A_1131 = vector.broadcast %broadcast_in_dim3A_1130 : i32 to vector<16xi32>
      %gather3A_1132 = tpu.vector_load_idx %arg13[%add3A_905, %broadcast_in_dim3A_1131] : memref<512x32xf32, #tpu.memory_space<vmem>>[vector<16xi32>, vector<16xi32>], vector<16xf32>,
      %mul3A_1133 = arith.mulf %gather3A_1132, %gather3A_980 : vector<16xf32>
      %add3A_1134 = arith.addf %add3A_1114, %mul3A_1133 : vector<16xf32>
      %broadcast_in_dim3A_1135 = arith.constant 25 : i32
      %broadcast_in_dim3A_1136 = vector.broadcast %broadcast_in_dim3A_1135 : i32 to vector<16xi32>
      %gather3A_1137 = tpu.vector_load_idx %arg13[%add3A_905, %broadcast_in_dim3A_1136] : memref<512x32xf32, #tpu.memory_space<vmem>>[vector<16xi32>, vector<16xi32>], vector<16xf32>,
      %mul3A_1138 = arith.mulf %gather3A_1137, %gather3A_983 : vector<16xf32>
      %add3A_1139 = arith.addf %add3A_1119, %mul3A_1138 : vector<16xf32>
      %broadcast_in_dim3A_1140 = arith.constant 26 : i32
      %broadcast_in_dim3A_1141 = vector.broadcast %broadcast_in_dim3A_1140 : i32 to vector<16xi32>
      %gather3A_1142 = tpu.vector_load_idx %arg13[%add3A_905, %broadcast_in_dim3A_1141] : memref<512x32xf32, #tpu.memory_space<vmem>>[vector<16xi32>, vector<16xi32>], vector<16xf32>,
      %mul3A_1143 = arith.mulf %gather3A_1142, %gather3A_986 : vector<16xf32>
      %add3A_1144 = arith.addf %add3A_1124, %mul3A_1143 : vector<16xf32>
      %broadcast_in_dim3A_1145 = arith.constant 27 : i32
      %broadcast_in_dim3A_1146 = vector.broadcast %broadcast_in_dim3A_1145 : i32 to vector<16xi32>
      %gather3A_1147 = tpu.vector_load_idx %arg13[%add3A_905, %broadcast_in_dim3A_1146] : memref<512x32xf32, #tpu.memory_space<vmem>>[vector<16xi32>, vector<16xi32>], vector<16xf32>,
      %mul3A_1148 = arith.mulf %gather3A_1147, %gather3A_989 : vector<16xf32>
      %add3A_1149 = arith.addf %add3A_1129, %mul3A_1148 : vector<16xf32>
      %broadcast_in_dim3A_1150 = arith.constant 28 : i32
      %broadcast_in_dim3A_1151 = vector.broadcast %broadcast_in_dim3A_1150 : i32 to vector<16xi32>
      %gather3A_1152 = tpu.vector_load_idx %arg13[%add3A_905, %broadcast_in_dim3A_1151] : memref<512x32xf32, #tpu.memory_space<vmem>>[vector<16xi32>, vector<16xi32>], vector<16xf32>,
      %mul3A_1153 = arith.mulf %gather3A_1152, %gather3A_992 : vector<16xf32>
      %add3A_1154 = arith.addf %add3A_1134, %mul3A_1153 : vector<16xf32>
      %broadcast_in_dim3A_1155 = arith.constant 29 : i32
      %broadcast_in_dim3A_1156 = vector.broadcast %broadcast_in_dim3A_1155 : i32 to vector<16xi32>
      %gather3A_1157 = tpu.vector_load_idx %arg13[%add3A_905, %broadcast_in_dim3A_1156] : memref<512x32xf32, #tpu.memory_space<vmem>>[vector<16xi32>, vector<16xi32>], vector<16xf32>,
      %mul3A_1158 = arith.mulf %gather3A_1157, %gather3A_995 : vector<16xf32>
      %add3A_1159 = arith.addf %add3A_1139, %mul3A_1158 : vector<16xf32>
      %broadcast_in_dim3A_1160 = arith.constant 30 : i32
      %broadcast_in_dim3A_1161 = vector.broadcast %broadcast_in_dim3A_1160 : i32 to vector<16xi32>
      %gather3A_1162 = tpu.vector_load_idx %arg13[%add3A_905, %broadcast_in_dim3A_1161] : memref<512x32xf32, #tpu.memory_space<vmem>>[vector<16xi32>, vector<16xi32>], vector<16xf32>,
      %mul3A_1163 = arith.mulf %gather3A_1162, %gather3A_998 : vector<16xf32>
      %add3A_1164 = arith.addf %add3A_1144, %mul3A_1163 : vector<16xf32>
      %broadcast_in_dim3A_1165 = arith.constant 31 : i32
      %broadcast_in_dim3A_1166 = vector.broadcast %broadcast_in_dim3A_1165 : i32 to vector<16xi32>
      %gather3A_1167 = tpu.vector_load_idx %arg13[%add3A_905, %broadcast_in_dim3A_1166] : memref<512x32xf32, #tpu.memory_space<vmem>>[vector<16xi32>, vector<16xi32>], vector<16xf32>,
      %mul3A_1168 = arith.mulf %gather3A_1167, %gather3A_1001 : vector<16xf32>
      %add3A_1169 = arith.addf %add3A_1149, %mul3A_1168 : vector<16xf32>
      %add3A_1170 = arith.addf %add3A_1154, %add3A_1159 : vector<16xf32>
      %add3A_1171 = arith.addf %add3A_1164, %add3A_1169 : vector<16xf32>
      %add3A_1172 = arith.addf %add3A_1170, %add3A_1171 : vector<16xf32>
      %swap3A_1173 = arith.index_cast %add3A_903 : i32 to index
      %swap3A_1174 = tpu.vector_load %arg15[%swap3A_1173] {strides = array<i32>} : memref<512xf32, #tpu.memory_space<vmem>>, vector<16xf32>,
      tpu.vector_store %arg15[%swap3A_1173], %add3A_1172 {strides = array<i32>} : memref<512xf32, #tpu.memory_space<vmem>>, vector<16xf32>,
      %mul3A_1175 = arith.constant 20 : i32
      %mul3A_1176 = arith.muli %add3A_903, %mul3A_1175 : i32
      %scan3A_1177 = arith.constant 0 : i32
      %scan3A_1178 = arith.constant 20 : i32
      %scan3A_1179 = arith.addi %scan3A_1177, %scan3A_1178 : i32
      %scan3A_1180 = arith.constant 1 : i32
      scf.for %scan3A_1471 = %scan3A_1177 to %scan3A_1179 step %scan3A_1180  : i32 {
        %mul3A_1472 = arith.constant 1 : i32
        %mul3A_1473 = arith.muli %scan3A_1471, %mul3A_1472 : i32
        %add3A_1474 = arith.constant 0 : i32
        %add3A_1475 = arith.addi %add3A_1474, %mul3A_1473 : i32
        %add3A_1476 = arith.constant 0 : i32
        %add3A_1477 = vector.broadcast %add3A_1476 : i32 to vector<16xi32>
        %add3A_1478 = arith.addi %add3A_1477, %mul3A_287 : vector<16xi32>
        %add3A_1479 = vector.broadcast %add3A_1475 : i32 to vector<16xi32>
        %add3A_1480 = arith.addi %add3A_1478, %add3A_1479 : vector<16xi32>
        %broadcast_in_dim3A_1481 = arith.constant 0.000000e+00 : f32
        %broadcast_in_dim3A_1482 = vector.broadcast %broadcast_in_dim3A_1481 : f32 to vector<16xf32>
        %broadcast_in_dim3A_1483 = arith.constant 0.000000e+00 : f32
        %broadcast_in_dim3A_1484 = vector.broadcast %broadcast_in_dim3A_1483 : f32 to vector<16xf32>
        %broadcast_in_dim3A_1485 = arith.constant 0.000000e+00 : f32
        %broadcast_in_dim3A_1486 = vector.broadcast %broadcast_in_dim3A_1485 : f32 to vector<16xf32>
        %broadcast_in_dim3A_1487 = arith.constant 0.000000e+00 : f32
        %broadcast_in_dim3A_1488 = vector.broadcast %broadcast_in_dim3A_1487 : f32 to vector<16xf32>
        %broadcast_in_dim3A_1489 = arith.constant 0 : i32
        %broadcast_in_dim3A_1490 = vector.broadcast %broadcast_in_dim3A_1489 : i32 to vector<16xi32>
        %gather3A_1491 = arith.constant 1 : i32
        %gather3A_1492 = arith.constant 0 : i32
        %gather3A_1493 = arith.constant 0 : i32
        %gather3A_1494 = tpu.memref_slice %arg14[%gather3A_1491, %gather3A_1492, %gather3A_1493] : memref<2x640x32xf32, #tpu.memory_space<vmem>> -> memref<1x640x32xf32, #tpu.memory_space<vmem>>
        %gather3A_1495 = tpu.memref_squeeze %gather3A_1494 : memref<1x640x32xf32, #tpu.memory_space<vmem>> -> memref<640x32xf32, #tpu.memory_space<vmem>>
        %gather3A_1496 = tpu.vector_load_idx %gather3A_1495[%add3A_1480, %broadcast_in_dim3A_1490] : memref<640x32xf32, #tpu.memory_space<vmem>>[vector<16xi32>, vector<16xi32>], vector<16xf32>,
        %mul3A_1497 = arith.mulf %gather3A_1496, %gather3A_908 : vector<16xf32>
        %add3A_1498 = arith.addf %broadcast_in_dim3A_1482, %mul3A_1497 : vector<16xf32>
        %broadcast_in_dim3A_1499 = arith.constant 1 : i32
        %broadcast_in_dim3A_1500 = vector.broadcast %broadcast_in_dim3A_1499 : i32 to vector<16xi32>
        %gather3A_1501 = arith.constant 1 : i32
        %gather3A_1502 = arith.constant 0 : i32
        %gather3A_1503 = arith.constant 0 : i32
        %gather3A_1504 = tpu.memref_slice %arg14[%gather3A_1501, %gather3A_1502, %gather3A_1503] : memref<2x640x32xf32, #tpu.memory_space<vmem>> -> memref<1x640x32xf32, #tpu.memory_space<vmem>>
        %gather3A_1505 = tpu.memref_squeeze %gather3A_1504 : memref<1x640x32xf32, #tpu.memory_space<vmem>> -> memref<640x32xf32, #tpu.memory_space<vmem>>
        %gather3A_1506 = tpu.vector_load_idx %gather3A_1505[%add3A_1480, %broadcast_in_dim3A_1500] : memref<640x32xf32, #tpu.memory_space<vmem>>[vector<16xi32>, vector<16xi32>], vector<16xf32>,
        %mul3A_1507 = arith.mulf %gather3A_1506, %gather3A_911 : vector<16xf32>
        %add3A_1508 = arith.addf %broadcast_in_dim3A_1484, %mul3A_1507 : vector<16xf32>
        %broadcast_in_dim3A_1509 = arith.constant 2 : i32
        %broadcast_in_dim3A_1510 = vector.broadcast %broadcast_in_dim3A_1509 : i32 to vector<16xi32>
        %gather3A_1511 = arith.constant 1 : i32
        %gather3A_1512 = arith.constant 0 : i32
        %gather3A_1513 = arith.constant 0 : i32
        %gather3A_1514 = tpu.memref_slice %arg14[%gather3A_1511, %gather3A_1512, %gather3A_1513] : memref<2x640x32xf32, #tpu.memory_space<vmem>> -> memref<1x640x32xf32, #tpu.memory_space<vmem>>
        %gather3A_1515 = tpu.memref_squeeze %gather3A_1514 : memref<1x640x32xf32, #tpu.memory_space<vmem>> -> memref<640x32xf32, #tpu.memory_space<vmem>>
        %gather3A_1516 = tpu.vector_load_idx %gather3A_1515[%add3A_1480, %broadcast_in_dim3A_1510] : memref<640x32xf32, #tpu.memory_space<vmem>>[vector<16xi32>, vector<16xi32>], vector<16xf32>,
        %mul3A_1517 = arith.mulf %gather3A_1516, %gather3A_914 : vector<16xf32>
        %add3A_1518 = arith.addf %broadcast_in_dim3A_1486, %mul3A_1517 : vector<16xf32>
        %broadcast_in_dim3A_1519 = arith.constant 3 : i32
        %broadcast_in_dim3A_1520 = vector.broadcast %broadcast_in_dim3A_1519 : i32 to vector<16xi32>
        %gather3A_1521 = arith.constant 1 : i32
        %gather3A_1522 = arith.constant 0 : i32
        %gather3A_1523 = arith.constant 0 : i32
        %gather3A_1524 = tpu.memref_slice %arg14[%gather3A_1521, %gather3A_1522, %gather3A_1523] : memref<2x640x32xf32, #tpu.memory_space<vmem>> -> memref<1x640x32xf32, #tpu.memory_space<vmem>>
        %gather3A_1525 = tpu.memref_squeeze %gather3A_1524 : memref<1x640x32xf32, #tpu.memory_space<vmem>> -> memref<640x32xf32, #tpu.memory_space<vmem>>
        %gather3A_1526 = tpu.vector_load_idx %gather3A_1525[%add3A_1480, %broadcast_in_dim3A_1520] : memref<640x32xf32, #tpu.memory_space<vmem>>[vector<16xi32>, vector<16xi32>], vector<16xf32>,
        %mul3A_1527 = arith.mulf %gather3A_1526, %gather3A_917 : vector<16xf32>
        %add3A_1528 = arith.addf %broadcast_in_dim3A_1488, %mul3A_1527 : vector<16xf32>
        %broadcast_in_dim3A_1529 = arith.constant 4 : i32
        %broadcast_in_dim3A_1530 = vector.broadcast %broadcast_in_dim3A_1529 : i32 to vector<16xi32>
        %gather3A_1531 = arith.constant 1 : i32
        %gather3A_1532 = arith.constant 0 : i32
        %gather3A_1533 = arith.constant 0 : i32
        %gather3A_1534 = tpu.memref_slice %arg14[%gather3A_1531, %gather3A_1532, %gather3A_1533] : memref<2x640x32xf32, #tpu.memory_space<vmem>> -> memref<1x640x32xf32, #tpu.memory_space<vmem>>
        %gather3A_1535 = tpu.memref_squeeze %gather3A_1534 : memref<1x640x32xf32, #tpu.memory_space<vmem>> -> memref<640x32xf32, #tpu.memory_space<vmem>>
        %gather3A_1536 = tpu.vector_load_idx %gather3A_1535[%add3A_1480, %broadcast_in_dim3A_1530] : memref<640x32xf32, #tpu.memory_space<vmem>>[vector<16xi32>, vector<16xi32>], vector<16xf32>,
        %mul3A_1537 = arith.mulf %gather3A_1536, %gather3A_920 : vector<16xf32>
        %add3A_1538 = arith.addf %add3A_1498, %mul3A_1537 : vector<16xf32>
        %broadcast_in_dim3A_1539 = arith.constant 5 : i32
        %broadcast_in_dim3A_1540 = vector.broadcast %broadcast_in_dim3A_1539 : i32 to vector<16xi32>
        %gather3A_1541 = arith.constant 1 : i32
        %gather3A_1542 = arith.constant 0 : i32
        %gather3A_1543 = arith.constant 0 : i32
        %gather3A_1544 = tpu.memref_slice %arg14[%gather3A_1541, %gather3A_1542, %gather3A_1543] : memref<2x640x32xf32, #tpu.memory_space<vmem>> -> memref<1x640x32xf32, #tpu.memory_space<vmem>>
        %gather3A_1545 = tpu.memref_squeeze %gather3A_1544 : memref<1x640x32xf32, #tpu.memory_space<vmem>> -> memref<640x32xf32, #tpu.memory_space<vmem>>
        %gather3A_1546 = tpu.vector_load_idx %gather3A_1545[%add3A_1480, %broadcast_in_dim3A_1540] : memref<640x32xf32, #tpu.memory_space<vmem>>[vector<16xi32>, vector<16xi32>], vector<16xf32>,
        %mul3A_1547 = arith.mulf %gather3A_1546, %gather3A_923 : vector<16xf32>
        %add3A_1548 = arith.addf %add3A_1508, %mul3A_1547 : vector<16xf32>
        %broadcast_in_dim3A_1549 = arith.constant 6 : i32
        %broadcast_in_dim3A_1550 = vector.broadcast %broadcast_in_dim3A_1549 : i32 to vector<16xi32>
        %gather3A_1551 = arith.constant 1 : i32
        %gather3A_1552 = arith.constant 0 : i32
        %gather3A_1553 = arith.constant 0 : i32
        %gather3A_1554 = tpu.memref_slice %arg14[%gather3A_1551, %gather3A_1552, %gather3A_1553] : memref<2x640x32xf32, #tpu.memory_space<vmem>> -> memref<1x640x32xf32, #tpu.memory_space<vmem>>
        %gather3A_1555 = tpu.memref_squeeze %gather3A_1554 : memref<1x640x32xf32, #tpu.memory_space<vmem>> -> memref<640x32xf32, #tpu.memory_space<vmem>>
        %gather3A_1556 = tpu.vector_load_idx %gather3A_1555[%add3A_1480, %broadcast_in_dim3A_1550] : memref<640x32xf32, #tpu.memory_space<vmem>>[vector<16xi32>, vector<16xi32>], vector<16xf32>,
        %mul3A_1557 = arith.mulf %gather3A_1556, %gather3A_926 : vector<16xf32>
        %add3A_1558 = arith.addf %add3A_1518, %mul3A_1557 : vector<16xf32>
        %broadcast_in_dim3A_1559 = arith.constant 7 : i32
        %broadcast_in_dim3A_1560 = vector.broadcast %broadcast_in_dim3A_1559 : i32 to vector<16xi32>
        %gather3A_1561 = arith.constant 1 : i32
        %gather3A_1562 = arith.constant 0 : i32
        %gather3A_1563 = arith.constant 0 : i32
        %gather3A_1564 = tpu.memref_slice %arg14[%gather3A_1561, %gather3A_1562, %gather3A_1563] : memref<2x640x32xf32, #tpu.memory_space<vmem>> -> memref<1x640x32xf32, #tpu.memory_space<vmem>>
        %gather3A_1565 = tpu.memref_squeeze %gather3A_1564 : memref<1x640x32xf32, #tpu.memory_space<vmem>> -> memref<640x32xf32, #tpu.memory_space<vmem>>
        %gather3A_1566 = tpu.vector_load_idx %gather3A_1565[%add3A_1480, %broadcast_in_dim3A_1560] : memref<640x32xf32, #tpu.memory_space<vmem>>[vector<16xi32>, vector<16xi32>], vector<16xf32>,
        %mul3A_1567 = arith.mulf %gather3A_1566, %gather3A_929 : vector<16xf32>
        %add3A_1568 = arith.addf %add3A_1528, %mul3A_1567 : vector<16xf32>
        %broadcast_in_dim3A_1569 = arith.constant 8 : i32
        %broadcast_in_dim3A_1570 = vector.broadcast %broadcast_in_dim3A_1569 : i32 to vector<16xi32>
        %gather3A_1571 = arith.constant 1 : i32
        %gather3A_1572 = arith.constant 0 : i32
        %gather3A_1573 = arith.constant 0 : i32
        %gather3A_1574 = tpu.memref_slice %arg14[%gather3A_1571, %gather3A_1572, %gather3A_1573] : memref<2x640x32xf32, #tpu.memory_space<vmem>> -> memref<1x640x32xf32, #tpu.memory_space<vmem>>
        %gather3A_1575 = tpu.memref_squeeze %gather3A_1574 : memref<1x640x32xf32, #tpu.memory_space<vmem>> -> memref<640x32xf32, #tpu.memory_space<vmem>>
        %gather3A_1576 = tpu.vector_load_idx %gather3A_1575[%add3A_1480, %broadcast_in_dim3A_1570] : memref<640x32xf32, #tpu.memory_space<vmem>>[vector<16xi32>, vector<16xi32>], vector<16xf32>,
        %mul3A_1577 = arith.mulf %gather3A_1576, %gather3A_932 : vector<16xf32>
        %add3A_1578 = arith.addf %add3A_1538, %mul3A_1577 : vector<16xf32>
        %broadcast_in_dim3A_1579 = arith.constant 9 : i32
        %broadcast_in_dim3A_1580 = vector.broadcast %broadcast_in_dim3A_1579 : i32 to vector<16xi32>
        %gather3A_1581 = arith.constant 1 : i32
        %gather3A_1582 = arith.constant 0 : i32
        %gather3A_1583 = arith.constant 0 : i32
        %gather3A_1584 = tpu.memref_slice %arg14[%gather3A_1581, %gather3A_1582, %gather3A_1583] : memref<2x640x32xf32, #tpu.memory_space<vmem>> -> memref<1x640x32xf32, #tpu.memory_space<vmem>>
        %gather3A_1585 = tpu.memref_squeeze %gather3A_1584 : memref<1x640x32xf32, #tpu.memory_space<vmem>> -> memref<640x32xf32, #tpu.memory_space<vmem>>
        %gather3A_1586 = tpu.vector_load_idx %gather3A_1585[%add3A_1480, %broadcast_in_dim3A_1580] : memref<640x32xf32, #tpu.memory_space<vmem>>[vector<16xi32>, vector<16xi32>], vector<16xf32>,
        %mul3A_1587 = arith.mulf %gather3A_1586, %gather3A_935 : vector<16xf32>
        %add3A_1588 = arith.addf %add3A_1548, %mul3A_1587 : vector<16xf32>
        %broadcast_in_dim3A_1589 = arith.constant 10 : i32
        %broadcast_in_dim3A_1590 = vector.broadcast %broadcast_in_dim3A_1589 : i32 to vector<16xi32>
        %gather3A_1591 = arith.constant 1 : i32
        %gather3A_1592 = arith.constant 0 : i32
        %gather3A_1593 = arith.constant 0 : i32
        %gather3A_1594 = tpu.memref_slice %arg14[%gather3A_1591, %gather3A_1592, %gather3A_1593] : memref<2x640x32xf32, #tpu.memory_space<vmem>> -> memref<1x640x32xf32, #tpu.memory_space<vmem>>
        %gather3A_1595 = tpu.memref_squeeze %gather3A_1594 : memref<1x640x32xf32, #tpu.memory_space<vmem>> -> memref<640x32xf32, #tpu.memory_space<vmem>>
        %gather3A_1596 = tpu.vector_load_idx %gather3A_1595[%add3A_1480, %broadcast_in_dim3A_1590] : memref<640x32xf32, #tpu.memory_space<vmem>>[vector<16xi32>, vector<16xi32>], vector<16xf32>,
        %mul3A_1597 = arith.mulf %gather3A_1596, %gather3A_938 : vector<16xf32>
        %add3A_1598 = arith.addf %add3A_1558, %mul3A_1597 : vector<16xf32>
        %broadcast_in_dim3A_1599 = arith.constant 11 : i32
        %broadcast_in_dim3A_1600 = vector.broadcast %broadcast_in_dim3A_1599 : i32 to vector<16xi32>
        %gather3A_1601 = arith.constant 1 : i32
        %gather3A_1602 = arith.constant 0 : i32
        %gather3A_1603 = arith.constant 0 : i32
        %gather3A_1604 = tpu.memref_slice %arg14[%gather3A_1601, %gather3A_1602, %gather3A_1603] : memref<2x640x32xf32, #tpu.memory_space<vmem>> -> memref<1x640x32xf32, #tpu.memory_space<vmem>>
        %gather3A_1605 = tpu.memref_squeeze %gather3A_1604 : memref<1x640x32xf32, #tpu.memory_space<vmem>> -> memref<640x32xf32, #tpu.memory_space<vmem>>
        %gather3A_1606 = tpu.vector_load_idx %gather3A_1605[%add3A_1480, %broadcast_in_dim3A_1600] : memref<640x32xf32, #tpu.memory_space<vmem>>[vector<16xi32>, vector<16xi32>], vector<16xf32>,
        %mul3A_1607 = arith.mulf %gather3A_1606, %gather3A_941 : vector<16xf32>
        %add3A_1608 = arith.addf %add3A_1568, %mul3A_1607 : vector<16xf32>
        %broadcast_in_dim3A_1609 = arith.constant 12 : i32
        %broadcast_in_dim3A_1610 = vector.broadcast %broadcast_in_dim3A_1609 : i32 to vector<16xi32>
        %gather3A_1611 = arith.constant 1 : i32
        %gather3A_1612 = arith.constant 0 : i32
        %gather3A_1613 = arith.constant 0 : i32
        %gather3A_1614 = tpu.memref_slice %arg14[%gather3A_1611, %gather3A_1612, %gather3A_1613] : memref<2x640x32xf32, #tpu.memory_space<vmem>> -> memref<1x640x32xf32, #tpu.memory_space<vmem>>
        %gather3A_1615 = tpu.memref_squeeze %gather3A_1614 : memref<1x640x32xf32, #tpu.memory_space<vmem>> -> memref<640x32xf32, #tpu.memory_space<vmem>>
        %gather3A_1616 = tpu.vector_load_idx %gather3A_1615[%add3A_1480, %broadcast_in_dim3A_1610] : memref<640x32xf32, #tpu.memory_space<vmem>>[vector<16xi32>, vector<16xi32>], vector<16xf32>,
        %mul3A_1617 = arith.mulf %gather3A_1616, %gather3A_944 : vector<16xf32>
        %add3A_1618 = arith.addf %add3A_1578, %mul3A_1617 : vector<16xf32>
        %broadcast_in_dim3A_1619 = arith.constant 13 : i32
        %broadcast_in_dim3A_1620 = vector.broadcast %broadcast_in_dim3A_1619 : i32 to vector<16xi32>
        %gather3A_1621 = arith.constant 1 : i32
        %gather3A_1622 = arith.constant 0 : i32
        %gather3A_1623 = arith.constant 0 : i32
        %gather3A_1624 = tpu.memref_slice %arg14[%gather3A_1621, %gather3A_1622, %gather3A_1623] : memref<2x640x32xf32, #tpu.memory_space<vmem>> -> memref<1x640x32xf32, #tpu.memory_space<vmem>>
        %gather3A_1625 = tpu.memref_squeeze %gather3A_1624 : memref<1x640x32xf32, #tpu.memory_space<vmem>> -> memref<640x32xf32, #tpu.memory_space<vmem>>
        %gather3A_1626 = tpu.vector_load_idx %gather3A_1625[%add3A_1480, %broadcast_in_dim3A_1620] : memref<640x32xf32, #tpu.memory_space<vmem>>[vector<16xi32>, vector<16xi32>], vector<16xf32>,
        %mul3A_1627 = arith.mulf %gather3A_1626, %gather3A_947 : vector<16xf32>
        %add3A_1628 = arith.addf %add3A_1588, %mul3A_1627 : vector<16xf32>
        %broadcast_in_dim3A_1629 = arith.constant 14 : i32
        %broadcast_in_dim3A_1630 = vector.broadcast %broadcast_in_dim3A_1629 : i32 to vector<16xi32>
        %gather3A_1631 = arith.constant 1 : i32
        %gather3A_1632 = arith.constant 0 : i32
        %gather3A_1633 = arith.constant 0 : i32
        %gather3A_1634 = tpu.memref_slice %arg14[%gather3A_1631, %gather3A_1632, %gather3A_1633] : memref<2x640x32xf32, #tpu.memory_space<vmem>> -> memref<1x640x32xf32, #tpu.memory_space<vmem>>
        %gather3A_1635 = tpu.memref_squeeze %gather3A_1634 : memref<1x640x32xf32, #tpu.memory_space<vmem>> -> memref<640x32xf32, #tpu.memory_space<vmem>>
        %gather3A_1636 = tpu.vector_load_idx %gather3A_1635[%add3A_1480, %broadcast_in_dim3A_1630] : memref<640x32xf32, #tpu.memory_space<vmem>>[vector<16xi32>, vector<16xi32>], vector<16xf32>,
        %mul3A_1637 = arith.mulf %gather3A_1636, %gather3A_950 : vector<16xf32>
        %add3A_1638 = arith.addf %add3A_1598, %mul3A_1637 : vector<16xf32>
        %broadcast_in_dim3A_1639 = arith.constant 15 : i32
        %broadcast_in_dim3A_1640 = vector.broadcast %broadcast_in_dim3A_1639 : i32 to vector<16xi32>
        %gather3A_1641 = arith.constant 1 : i32
        %gather3A_1642 = arith.constant 0 : i32
        %gather3A_1643 = arith.constant 0 : i32
        %gather3A_1644 = tpu.memref_slice %arg14[%gather3A_1641, %gather3A_1642, %gather3A_1643] : memref<2x640x32xf32, #tpu.memory_space<vmem>> -> memref<1x640x32xf32, #tpu.memory_space<vmem>>
        %gather3A_1645 = tpu.memref_squeeze %gather3A_1644 : memref<1x640x32xf32, #tpu.memory_space<vmem>> -> memref<640x32xf32, #tpu.memory_space<vmem>>
        %gather3A_1646 = tpu.vector_load_idx %gather3A_1645[%add3A_1480, %broadcast_in_dim3A_1640] : memref<640x32xf32, #tpu.memory_space<vmem>>[vector<16xi32>, vector<16xi32>], vector<16xf32>,
        %mul3A_1647 = arith.mulf %gather3A_1646, %gather3A_953 : vector<16xf32>
        %add3A_1648 = arith.addf %add3A_1608, %mul3A_1647 : vector<16xf32>
        %broadcast_in_dim3A_1649 = arith.constant 16 : i32
        %broadcast_in_dim3A_1650 = vector.broadcast %broadcast_in_dim3A_1649 : i32 to vector<16xi32>
        %gather3A_1651 = arith.constant 1 : i32
        %gather3A_1652 = arith.constant 0 : i32
        %gather3A_1653 = arith.constant 0 : i32
        %gather3A_1654 = tpu.memref_slice %arg14[%gather3A_1651, %gather3A_1652, %gather3A_1653] : memref<2x640x32xf32, #tpu.memory_space<vmem>> -> memref<1x640x32xf32, #tpu.memory_space<vmem>>
        %gather3A_1655 = tpu.memref_squeeze %gather3A_1654 : memref<1x640x32xf32, #tpu.memory_space<vmem>> -> memref<640x32xf32, #tpu.memory_space<vmem>>
        %gather3A_1656 = tpu.vector_load_idx %gather3A_1655[%add3A_1480, %broadcast_in_dim3A_1650] : memref<640x32xf32, #tpu.memory_space<vmem>>[vector<16xi32>, vector<16xi32>], vector<16xf32>,
        %mul3A_1657 = arith.mulf %gather3A_1656, %gather3A_956 : vector<16xf32>
        %add3A_1658 = arith.addf %add3A_1618, %mul3A_1657 : vector<16xf32>
        %broadcast_in_dim3A_1659 = arith.constant 17 : i32
        %broadcast_in_dim3A_1660 = vector.broadcast %broadcast_in_dim3A_1659 : i32 to vector<16xi32>
        %gather3A_1661 = arith.constant 1 : i32
        %gather3A_1662 = arith.constant 0 : i32
        %gather3A_1663 = arith.constant 0 : i32
        %gather3A_1664 = tpu.memref_slice %arg14[%gather3A_1661, %gather3A_1662, %gather3A_1663] : memref<2x640x32xf32, #tpu.memory_space<vmem>> -> memref<1x640x32xf32, #tpu.memory_space<vmem>>
        %gather3A_1665 = tpu.memref_squeeze %gather3A_1664 : memref<1x640x32xf32, #tpu.memory_space<vmem>> -> memref<640x32xf32, #tpu.memory_space<vmem>>
        %gather3A_1666 = tpu.vector_load_idx %gather3A_1665[%add3A_1480, %broadcast_in_dim3A_1660] : memref<640x32xf32, #tpu.memory_space<vmem>>[vector<16xi32>, vector<16xi32>], vector<16xf32>,
        %mul3A_1667 = arith.mulf %gather3A_1666, %gather3A_959 : vector<16xf32>
        %add3A_1668 = arith.addf %add3A_1628, %mul3A_1667 : vector<16xf32>
        %broadcast_in_dim3A_1669 = arith.constant 18 : i32
        %broadcast_in_dim3A_1670 = vector.broadcast %broadcast_in_dim3A_1669 : i32 to vector<16xi32>
        %gather3A_1671 = arith.constant 1 : i32
        %gather3A_1672 = arith.constant 0 : i32
        %gather3A_1673 = arith.constant 0 : i32
        %gather3A_1674 = tpu.memref_slice %arg14[%gather3A_1671, %gather3A_1672, %gather3A_1673] : memref<2x640x32xf32, #tpu.memory_space<vmem>> -> memref<1x640x32xf32, #tpu.memory_space<vmem>>
        %gather3A_1675 = tpu.memref_squeeze %gather3A_1674 : memref<1x640x32xf32, #tpu.memory_space<vmem>> -> memref<640x32xf32, #tpu.memory_space<vmem>>
        %gather3A_1676 = tpu.vector_load_idx %gather3A_1675[%add3A_1480, %broadcast_in_dim3A_1670] : memref<640x32xf32, #tpu.memory_space<vmem>>[vector<16xi32>, vector<16xi32>], vector<16xf32>,
        %mul3A_1677 = arith.mulf %gather3A_1676, %gather3A_962 : vector<16xf32>
        %add3A_1678 = arith.addf %add3A_1638, %mul3A_1677 : vector<16xf32>
        %broadcast_in_dim3A_1679 = arith.constant 19 : i32
        %broadcast_in_dim3A_1680 = vector.broadcast %broadcast_in_dim3A_1679 : i32 to vector<16xi32>
        %gather3A_1681 = arith.constant 1 : i32
        %gather3A_1682 = arith.constant 0 : i32
        %gather3A_1683 = arith.constant 0 : i32
        %gather3A_1684 = tpu.memref_slice %arg14[%gather3A_1681, %gather3A_1682, %gather3A_1683] : memref<2x640x32xf32, #tpu.memory_space<vmem>> -> memref<1x640x32xf32, #tpu.memory_space<vmem>>
        %gather3A_1685 = tpu.memref_squeeze %gather3A_1684 : memref<1x640x32xf32, #tpu.memory_space<vmem>> -> memref<640x32xf32, #tpu.memory_space<vmem>>
        %gather3A_1686 = tpu.vector_load_idx %gather3A_1685[%add3A_1480, %broadcast_in_dim3A_1680] : memref<640x32xf32, #tpu.memory_space<vmem>>[vector<16xi32>, vector<16xi32>], vector<16xf32>,
        %mul3A_1687 = arith.mulf %gather3A_1686, %gather3A_965 : vector<16xf32>
        %add3A_1688 = arith.addf %add3A_1648, %mul3A_1687 : vector<16xf32>
        %broadcast_in_dim3A_1689 = arith.constant 20 : i32
        %broadcast_in_dim3A_1690 = vector.broadcast %broadcast_in_dim3A_1689 : i32 to vector<16xi32>
        %gather3A_1691 = arith.constant 1 : i32
        %gather3A_1692 = arith.constant 0 : i32
        %gather3A_1693 = arith.constant 0 : i32
        %gather3A_1694 = tpu.memref_slice %arg14[%gather3A_1691, %gather3A_1692, %gather3A_1693] : memref<2x640x32xf32, #tpu.memory_space<vmem>> -> memref<1x640x32xf32, #tpu.memory_space<vmem>>
        %gather3A_1695 = tpu.memref_squeeze %gather3A_1694 : memref<1x640x32xf32, #tpu.memory_space<vmem>> -> memref<640x32xf32, #tpu.memory_space<vmem>>
        %gather3A_1696 = tpu.vector_load_idx %gather3A_1695[%add3A_1480, %broadcast_in_dim3A_1690] : memref<640x32xf32, #tpu.memory_space<vmem>>[vector<16xi32>, vector<16xi32>], vector<16xf32>,
        %mul3A_1697 = arith.mulf %gather3A_1696, %gather3A_968 : vector<16xf32>
        %add3A_1698 = arith.addf %add3A_1658, %mul3A_1697 : vector<16xf32>
        %broadcast_in_dim3A_1699 = arith.constant 21 : i32
        %broadcast_in_dim3A_1700 = vector.broadcast %broadcast_in_dim3A_1699 : i32 to vector<16xi32>
        %gather3A_1701 = arith.constant 1 : i32
        %gather3A_1702 = arith.constant 0 : i32
        %gather3A_1703 = arith.constant 0 : i32
        %gather3A_1704 = tpu.memref_slice %arg14[%gather3A_1701, %gather3A_1702, %gather3A_1703] : memref<2x640x32xf32, #tpu.memory_space<vmem>> -> memref<1x640x32xf32, #tpu.memory_space<vmem>>
        %gather3A_1705 = tpu.memref_squeeze %gather3A_1704 : memref<1x640x32xf32, #tpu.memory_space<vmem>> -> memref<640x32xf32, #tpu.memory_space<vmem>>
        %gather3A_1706 = tpu.vector_load_idx %gather3A_1705[%add3A_1480, %broadcast_in_dim3A_1700] : memref<640x32xf32, #tpu.memory_space<vmem>>[vector<16xi32>, vector<16xi32>], vector<16xf32>,
        %mul3A_1707 = arith.mulf %gather3A_1706, %gather3A_971 : vector<16xf32>
        %add3A_1708 = arith.addf %add3A_1668, %mul3A_1707 : vector<16xf32>
        %broadcast_in_dim3A_1709 = arith.constant 22 : i32
        %broadcast_in_dim3A_1710 = vector.broadcast %broadcast_in_dim3A_1709 : i32 to vector<16xi32>
        %gather3A_1711 = arith.constant 1 : i32
        %gather3A_1712 = arith.constant 0 : i32
        %gather3A_1713 = arith.constant 0 : i32
        %gather3A_1714 = tpu.memref_slice %arg14[%gather3A_1711, %gather3A_1712, %gather3A_1713] : memref<2x640x32xf32, #tpu.memory_space<vmem>> -> memref<1x640x32xf32, #tpu.memory_space<vmem>>
        %gather3A_1715 = tpu.memref_squeeze %gather3A_1714 : memref<1x640x32xf32, #tpu.memory_space<vmem>> -> memref<640x32xf32, #tpu.memory_space<vmem>>
        %gather3A_1716 = tpu.vector_load_idx %gather3A_1715[%add3A_1480, %broadcast_in_dim3A_1710] : memref<640x32xf32, #tpu.memory_space<vmem>>[vector<16xi32>, vector<16xi32>], vector<16xf32>,
        %mul3A_1717 = arith.mulf %gather3A_1716, %gather3A_974 : vector<16xf32>
        %add3A_1718 = arith.addf %add3A_1678, %mul3A_1717 : vector<16xf32>
        %broadcast_in_dim3A_1719 = arith.constant 23 : i32
        %broadcast_in_dim3A_1720 = vector.broadcast %broadcast_in_dim3A_1719 : i32 to vector<16xi32>
        %gather3A_1721 = arith.constant 1 : i32
        %gather3A_1722 = arith.constant 0 : i32
        %gather3A_1723 = arith.constant 0 : i32
        %gather3A_1724 = tpu.memref_slice %arg14[%gather3A_1721, %gather3A_1722, %gather3A_1723] : memref<2x640x32xf32, #tpu.memory_space<vmem>> -> memref<1x640x32xf32, #tpu.memory_space<vmem>>
        %gather3A_1725 = tpu.memref_squeeze %gather3A_1724 : memref<1x640x32xf32, #tpu.memory_space<vmem>> -> memref<640x32xf32, #tpu.memory_space<vmem>>
        %gather3A_1726 = tpu.vector_load_idx %gather3A_1725[%add3A_1480, %broadcast_in_dim3A_1720] : memref<640x32xf32, #tpu.memory_space<vmem>>[vector<16xi32>, vector<16xi32>], vector<16xf32>,
        %mul3A_1727 = arith.mulf %gather3A_1726, %gather3A_977 : vector<16xf32>
        %add3A_1728 = arith.addf %add3A_1688, %mul3A_1727 : vector<16xf32>
        %broadcast_in_dim3A_1729 = arith.constant 24 : i32
        %broadcast_in_dim3A_1730 = vector.broadcast %broadcast_in_dim3A_1729 : i32 to vector<16xi32>
        %gather3A_1731 = arith.constant 1 : i32
        %gather3A_1732 = arith.constant 0 : i32
        %gather3A_1733 = arith.constant 0 : i32
        %gather3A_1734 = tpu.memref_slice %arg14[%gather3A_1731, %gather3A_1732, %gather3A_1733] : memref<2x640x32xf32, #tpu.memory_space<vmem>> -> memref<1x640x32xf32, #tpu.memory_space<vmem>>
        %gather3A_1735 = tpu.memref_squeeze %gather3A_1734 : memref<1x640x32xf32, #tpu.memory_space<vmem>> -> memref<640x32xf32, #tpu.memory_space<vmem>>
        %gather3A_1736 = tpu.vector_load_idx %gather3A_1735[%add3A_1480, %broadcast_in_dim3A_1730] : memref<640x32xf32, #tpu.memory_space<vmem>>[vector<16xi32>, vector<16xi32>], vector<16xf32>,
        %mul3A_1737 = arith.mulf %gather3A_1736, %gather3A_980 : vector<16xf32>
        %add3A_1738 = arith.addf %add3A_1698, %mul3A_1737 : vector<16xf32>
        %broadcast_in_dim3A_1739 = arith.constant 25 : i32
        %broadcast_in_dim3A_1740 = vector.broadcast %broadcast_in_dim3A_1739 : i32 to vector<16xi32>
        %gather3A_1741 = arith.constant 1 : i32
        %gather3A_1742 = arith.constant 0 : i32
        %gather3A_1743 = arith.constant 0 : i32
        %gather3A_1744 = tpu.memref_slice %arg14[%gather3A_1741, %gather3A_1742, %gather3A_1743] : memref<2x640x32xf32, #tpu.memory_space<vmem>> -> memref<1x640x32xf32, #tpu.memory_space<vmem>>
        %gather3A_1745 = tpu.memref_squeeze %gather3A_1744 : memref<1x640x32xf32, #tpu.memory_space<vmem>> -> memref<640x32xf32, #tpu.memory_space<vmem>>
        %gather3A_1746 = tpu.vector_load_idx %gather3A_1745[%add3A_1480, %broadcast_in_dim3A_1740] : memref<640x32xf32, #tpu.memory_space<vmem>>[vector<16xi32>, vector<16xi32>], vector<16xf32>,
        %mul3A_1747 = arith.mulf %gather3A_1746, %gather3A_983 : vector<16xf32>
        %add3A_1748 = arith.addf %add3A_1708, %mul3A_1747 : vector<16xf32>
        %broadcast_in_dim3A_1749 = arith.constant 26 : i32
        %broadcast_in_dim3A_1750 = vector.broadcast %broadcast_in_dim3A_1749 : i32 to vector<16xi32>
        %gather3A_1751 = arith.constant 1 : i32
        %gather3A_1752 = arith.constant 0 : i32
        %gather3A_1753 = arith.constant 0 : i32
        %gather3A_1754 = tpu.memref_slice %arg14[%gather3A_1751, %gather3A_1752, %gather3A_1753] : memref<2x640x32xf32, #tpu.memory_space<vmem>> -> memref<1x640x32xf32, #tpu.memory_space<vmem>>
        %gather3A_1755 = tpu.memref_squeeze %gather3A_1754 : memref<1x640x32xf32, #tpu.memory_space<vmem>> -> memref<640x32xf32, #tpu.memory_space<vmem>>
        %gather3A_1756 = tpu.vector_load_idx %gather3A_1755[%add3A_1480, %broadcast_in_dim3A_1750] : memref<640x32xf32, #tpu.memory_space<vmem>>[vector<16xi32>, vector<16xi32>], vector<16xf32>,
        %mul3A_1757 = arith.mulf %gather3A_1756, %gather3A_986 : vector<16xf32>
        %add3A_1758 = arith.addf %add3A_1718, %mul3A_1757 : vector<16xf32>
        %broadcast_in_dim3A_1759 = arith.constant 27 : i32
        %broadcast_in_dim3A_1760 = vector.broadcast %broadcast_in_dim3A_1759 : i32 to vector<16xi32>
        %gather3A_1761 = arith.constant 1 : i32
        %gather3A_1762 = arith.constant 0 : i32
        %gather3A_1763 = arith.constant 0 : i32
        %gather3A_1764 = tpu.memref_slice %arg14[%gather3A_1761, %gather3A_1762, %gather3A_1763] : memref<2x640x32xf32, #tpu.memory_space<vmem>> -> memref<1x640x32xf32, #tpu.memory_space<vmem>>
        %gather3A_1765 = tpu.memref_squeeze %gather3A_1764 : memref<1x640x32xf32, #tpu.memory_space<vmem>> -> memref<640x32xf32, #tpu.memory_space<vmem>>
        %gather3A_1766 = tpu.vector_load_idx %gather3A_1765[%add3A_1480, %broadcast_in_dim3A_1760] : memref<640x32xf32, #tpu.memory_space<vmem>>[vector<16xi32>, vector<16xi32>], vector<16xf32>,
        %mul3A_1767 = arith.mulf %gather3A_1766, %gather3A_989 : vector<16xf32>
        %add3A_1768 = arith.addf %add3A_1728, %mul3A_1767 : vector<16xf32>
        %broadcast_in_dim3A_1769 = arith.constant 28 : i32
        %broadcast_in_dim3A_1770 = vector.broadcast %broadcast_in_dim3A_1769 : i32 to vector<16xi32>
        %gather3A_1771 = arith.constant 1 : i32
        %gather3A_1772 = arith.constant 0 : i32
        %gather3A_1773 = arith.constant 0 : i32
        %gather3A_1774 = tpu.memref_slice %arg14[%gather3A_1771, %gather3A_1772, %gather3A_1773] : memref<2x640x32xf32, #tpu.memory_space<vmem>> -> memref<1x640x32xf32, #tpu.memory_space<vmem>>
        %gather3A_1775 = tpu.memref_squeeze %gather3A_1774 : memref<1x640x32xf32, #tpu.memory_space<vmem>> -> memref<640x32xf32, #tpu.memory_space<vmem>>
        %gather3A_1776 = tpu.vector_load_idx %gather3A_1775[%add3A_1480, %broadcast_in_dim3A_1770] : memref<640x32xf32, #tpu.memory_space<vmem>>[vector<16xi32>, vector<16xi32>], vector<16xf32>,
        %mul3A_1777 = arith.mulf %gather3A_1776, %gather3A_992 : vector<16xf32>
        %add3A_1778 = arith.addf %add3A_1738, %mul3A_1777 : vector<16xf32>
        %broadcast_in_dim3A_1779 = arith.constant 29 : i32
        %broadcast_in_dim3A_1780 = vector.broadcast %broadcast_in_dim3A_1779 : i32 to vector<16xi32>
        %gather3A_1781 = arith.constant 1 : i32
        %gather3A_1782 = arith.constant 0 : i32
        %gather3A_1783 = arith.constant 0 : i32
        %gather3A_1784 = tpu.memref_slice %arg14[%gather3A_1781, %gather3A_1782, %gather3A_1783] : memref<2x640x32xf32, #tpu.memory_space<vmem>> -> memref<1x640x32xf32, #tpu.memory_space<vmem>>
        %gather3A_1785 = tpu.memref_squeeze %gather3A_1784 : memref<1x640x32xf32, #tpu.memory_space<vmem>> -> memref<640x32xf32, #tpu.memory_space<vmem>>
        %gather3A_1786 = tpu.vector_load_idx %gather3A_1785[%add3A_1480, %broadcast_in_dim3A_1780] : memref<640x32xf32, #tpu.memory_space<vmem>>[vector<16xi32>, vector<16xi32>], vector<16xf32>,
        %mul3A_1787 = arith.mulf %gather3A_1786, %gather3A_995 : vector<16xf32>
        %add3A_1788 = arith.addf %add3A_1748, %mul3A_1787 : vector<16xf32>
        %broadcast_in_dim3A_1789 = arith.constant 30 : i32
        %broadcast_in_dim3A_1790 = vector.broadcast %broadcast_in_dim3A_1789 : i32 to vector<16xi32>
        %gather3A_1791 = arith.constant 1 : i32
        %gather3A_1792 = arith.constant 0 : i32
        %gather3A_1793 = arith.constant 0 : i32
        %gather3A_1794 = tpu.memref_slice %arg14[%gather3A_1791, %gather3A_1792, %gather3A_1793] : memref<2x640x32xf32, #tpu.memory_space<vmem>> -> memref<1x640x32xf32, #tpu.memory_space<vmem>>
        %gather3A_1795 = tpu.memref_squeeze %gather3A_1794 : memref<1x640x32xf32, #tpu.memory_space<vmem>> -> memref<640x32xf32, #tpu.memory_space<vmem>>
        %gather3A_1796 = tpu.vector_load_idx %gather3A_1795[%add3A_1480, %broadcast_in_dim3A_1790] : memref<640x32xf32, #tpu.memory_space<vmem>>[vector<16xi32>, vector<16xi32>], vector<16xf32>,
        %mul3A_1797 = arith.mulf %gather3A_1796, %gather3A_998 : vector<16xf32>
        %add3A_1798 = arith.addf %add3A_1758, %mul3A_1797 : vector<16xf32>
        %broadcast_in_dim3A_1799 = arith.constant 31 : i32
        %broadcast_in_dim3A_1800 = vector.broadcast %broadcast_in_dim3A_1799 : i32 to vector<16xi32>
        %gather3A_1801 = arith.constant 1 : i32
        %gather3A_1802 = arith.constant 0 : i32
        %gather3A_1803 = arith.constant 0 : i32
        %gather3A_1804 = tpu.memref_slice %arg14[%gather3A_1801, %gather3A_1802, %gather3A_1803] : memref<2x640x32xf32, #tpu.memory_space<vmem>> -> memref<1x640x32xf32, #tpu.memory_space<vmem>>
        %gather3A_1805 = tpu.memref_squeeze %gather3A_1804 : memref<1x640x32xf32, #tpu.memory_space<vmem>> -> memref<640x32xf32, #tpu.memory_space<vmem>>
        %gather3A_1806 = tpu.vector_load_idx %gather3A_1805[%add3A_1480, %broadcast_in_dim3A_1800] : memref<640x32xf32, #tpu.memory_space<vmem>>[vector<16xi32>, vector<16xi32>], vector<16xf32>,
        %mul3A_1807 = arith.mulf %gather3A_1806, %gather3A_1001 : vector<16xf32>
        %add3A_1808 = arith.addf %add3A_1768, %mul3A_1807 : vector<16xf32>
        %add3A_1809 = vector.broadcast %mul3A_1176 : i32 to vector<16xi32>
        %add3A_1810 = arith.addi %add3A_1809, %mul3A_287 : vector<16xi32>
        %add3A_1811 = vector.broadcast %add3A_1475 : i32 to vector<16xi32>
        %add3A_1812 = arith.addi %add3A_1810, %add3A_1811 : vector<16xi32>
        %add3A_1813 = arith.addf %add3A_1778, %add3A_1788 : vector<16xf32>
        %add3A_1814 = arith.addf %add3A_1798, %add3A_1808 : vector<16xf32>
        %add3A_1815 = arith.addf %add3A_1813, %add3A_1814 : vector<16xf32>
        tpu.vector_store_idx %arg16[%add3A_1812], %add3A_1815 : memref<10240xf32, #tpu.memory_space<vmem>>[vector<16xi32>], vector<16xf32>,
      }
      %scan3A_1181 = arith.constant 20 : i32
      %mul3A_1182 = arith.constant 32 : i32
      %mul3A_1183 = arith.muli %add3A_884, %mul3A_1182 : i32
      %add3A_1184 = arith.constant 16 : i32
      %add3A_1185 = arith.addi %mul3A_1183, %add3A_1184 : i32
      %add3A_1186 = vector.broadcast %add3A_1185 : i32 to vector<16xi32>
      %add3A_1187 = arith.addi %add3A_1186, %iota3A : vector<16xi32>
      %broadcast_in_dim3A_1188 = arith.constant 0 : i32
      %broadcast_in_dim3A_1189 = vector.broadcast %broadcast_in_dim3A_1188 : i32 to vector<16xi32>
      %gather3A_1190 = tpu.vector_load_idx %arg12[%add3A_1187, %broadcast_in_dim3A_1189] : memref<512x32xf32, #tpu.memory_space<vmem>>[vector<16xi32>, vector<16xi32>], vector<16xf32>,
      %broadcast_in_dim3A_1191 = arith.constant 1 : i32
      %broadcast_in_dim3A_1192 = vector.broadcast %broadcast_in_dim3A_1191 : i32 to vector<16xi32>
      %gather3A_1193 = tpu.vector_load_idx %arg12[%add3A_1187, %broadcast_in_dim3A_1192] : memref<512x32xf32, #tpu.memory_space<vmem>>[vector<16xi32>, vector<16xi32>], vector<16xf32>,
      %broadcast_in_dim3A_1194 = arith.constant 2 : i32
      %broadcast_in_dim3A_1195 = vector.broadcast %broadcast_in_dim3A_1194 : i32 to vector<16xi32>
      %gather3A_1196 = tpu.vector_load_idx %arg12[%add3A_1187, %broadcast_in_dim3A_1195] : memref<512x32xf32, #tpu.memory_space<vmem>>[vector<16xi32>, vector<16xi32>], vector<16xf32>,
      %broadcast_in_dim3A_1197 = arith.constant 3 : i32
      %broadcast_in_dim3A_1198 = vector.broadcast %broadcast_in_dim3A_1197 : i32 to vector<16xi32>
      %gather3A_1199 = tpu.vector_load_idx %arg12[%add3A_1187, %broadcast_in_dim3A_1198] : memref<512x32xf32, #tpu.memory_space<vmem>>[vector<16xi32>, vector<16xi32>], vector<16xf32>,
      %broadcast_in_dim3A_1200 = arith.constant 4 : i32
      %broadcast_in_dim3A_1201 = vector.broadcast %broadcast_in_dim3A_1200 : i32 to vector<16xi32>
      %gather3A_1202 = tpu.vector_load_idx %arg12[%add3A_1187, %broadcast_in_dim3A_1201] : memref<512x32xf32, #tpu.memory_space<vmem>>[vector<16xi32>, vector<16xi32>], vector<16xf32>,
      %broadcast_in_dim3A_1203 = arith.constant 5 : i32
      %broadcast_in_dim3A_1204 = vector.broadcast %broadcast_in_dim3A_1203 : i32 to vector<16xi32>
      %gather3A_1205 = tpu.vector_load_idx %arg12[%add3A_1187, %broadcast_in_dim3A_1204] : memref<512x32xf32, #tpu.memory_space<vmem>>[vector<16xi32>, vector<16xi32>], vector<16xf32>,
      %broadcast_in_dim3A_1206 = arith.constant 6 : i32
      %broadcast_in_dim3A_1207 = vector.broadcast %broadcast_in_dim3A_1206 : i32 to vector<16xi32>
      %gather3A_1208 = tpu.vector_load_idx %arg12[%add3A_1187, %broadcast_in_dim3A_1207] : memref<512x32xf32, #tpu.memory_space<vmem>>[vector<16xi32>, vector<16xi32>], vector<16xf32>,
      %broadcast_in_dim3A_1209 = arith.constant 7 : i32
      %broadcast_in_dim3A_1210 = vector.broadcast %broadcast_in_dim3A_1209 : i32 to vector<16xi32>
      %gather3A_1211 = tpu.vector_load_idx %arg12[%add3A_1187, %broadcast_in_dim3A_1210] : memref<512x32xf32, #tpu.memory_space<vmem>>[vector<16xi32>, vector<16xi32>], vector<16xf32>,
      %broadcast_in_dim3A_1212 = arith.constant 8 : i32
      %broadcast_in_dim3A_1213 = vector.broadcast %broadcast_in_dim3A_1212 : i32 to vector<16xi32>
      %gather3A_1214 = tpu.vector_load_idx %arg12[%add3A_1187, %broadcast_in_dim3A_1213] : memref<512x32xf32, #tpu.memory_space<vmem>>[vector<16xi32>, vector<16xi32>], vector<16xf32>,
      %broadcast_in_dim3A_1215 = arith.constant 9 : i32
      %broadcast_in_dim3A_1216 = vector.broadcast %broadcast_in_dim3A_1215 : i32 to vector<16xi32>
      %gather3A_1217 = tpu.vector_load_idx %arg12[%add3A_1187, %broadcast_in_dim3A_1216] : memref<512x32xf32, #tpu.memory_space<vmem>>[vector<16xi32>, vector<16xi32>], vector<16xf32>,
      %broadcast_in_dim3A_1218 = arith.constant 10 : i32
      %broadcast_in_dim3A_1219 = vector.broadcast %broadcast_in_dim3A_1218 : i32 to vector<16xi32>
      %gather3A_1220 = tpu.vector_load_idx %arg12[%add3A_1187, %broadcast_in_dim3A_1219] : memref<512x32xf32, #tpu.memory_space<vmem>>[vector<16xi32>, vector<16xi32>], vector<16xf32>,
      %broadcast_in_dim3A_1221 = arith.constant 11 : i32
      %broadcast_in_dim3A_1222 = vector.broadcast %broadcast_in_dim3A_1221 : i32 to vector<16xi32>
      %gather3A_1223 = tpu.vector_load_idx %arg12[%add3A_1187, %broadcast_in_dim3A_1222] : memref<512x32xf32, #tpu.memory_space<vmem>>[vector<16xi32>, vector<16xi32>], vector<16xf32>,
      %broadcast_in_dim3A_1224 = arith.constant 12 : i32
      %broadcast_in_dim3A_1225 = vector.broadcast %broadcast_in_dim3A_1224 : i32 to vector<16xi32>
      %gather3A_1226 = tpu.vector_load_idx %arg12[%add3A_1187, %broadcast_in_dim3A_1225] : memref<512x32xf32, #tpu.memory_space<vmem>>[vector<16xi32>, vector<16xi32>], vector<16xf32>,
      %broadcast_in_dim3A_1227 = arith.constant 13 : i32
      %broadcast_in_dim3A_1228 = vector.broadcast %broadcast_in_dim3A_1227 : i32 to vector<16xi32>
      %gather3A_1229 = tpu.vector_load_idx %arg12[%add3A_1187, %broadcast_in_dim3A_1228] : memref<512x32xf32, #tpu.memory_space<vmem>>[vector<16xi32>, vector<16xi32>], vector<16xf32>,
      %broadcast_in_dim3A_1230 = arith.constant 14 : i32
      %broadcast_in_dim3A_1231 = vector.broadcast %broadcast_in_dim3A_1230 : i32 to vector<16xi32>
      %gather3A_1232 = tpu.vector_load_idx %arg12[%add3A_1187, %broadcast_in_dim3A_1231] : memref<512x32xf32, #tpu.memory_space<vmem>>[vector<16xi32>, vector<16xi32>], vector<16xf32>,
      %broadcast_in_dim3A_1233 = arith.constant 15 : i32
      %broadcast_in_dim3A_1234 = vector.broadcast %broadcast_in_dim3A_1233 : i32 to vector<16xi32>
      %gather3A_1235 = tpu.vector_load_idx %arg12[%add3A_1187, %broadcast_in_dim3A_1234] : memref<512x32xf32, #tpu.memory_space<vmem>>[vector<16xi32>, vector<16xi32>], vector<16xf32>,
      %broadcast_in_dim3A_1236 = arith.constant 16 : i32
      %broadcast_in_dim3A_1237 = vector.broadcast %broadcast_in_dim3A_1236 : i32 to vector<16xi32>
      %gather3A_1238 = tpu.vector_load_idx %arg12[%add3A_1187, %broadcast_in_dim3A_1237] : memref<512x32xf32, #tpu.memory_space<vmem>>[vector<16xi32>, vector<16xi32>], vector<16xf32>,
      %broadcast_in_dim3A_1239 = arith.constant 17 : i32
      %broadcast_in_dim3A_1240 = vector.broadcast %broadcast_in_dim3A_1239 : i32 to vector<16xi32>
      %gather3A_1241 = tpu.vector_load_idx %arg12[%add3A_1187, %broadcast_in_dim3A_1240] : memref<512x32xf32, #tpu.memory_space<vmem>>[vector<16xi32>, vector<16xi32>], vector<16xf32>,
      %broadcast_in_dim3A_1242 = arith.constant 18 : i32
      %broadcast_in_dim3A_1243 = vector.broadcast %broadcast_in_dim3A_1242 : i32 to vector<16xi32>
      %gather3A_1244 = tpu.vector_load_idx %arg12[%add3A_1187, %broadcast_in_dim3A_1243] : memref<512x32xf32, #tpu.memory_space<vmem>>[vector<16xi32>, vector<16xi32>], vector<16xf32>,
      %broadcast_in_dim3A_1245 = arith.constant 19 : i32
      %broadcast_in_dim3A_1246 = vector.broadcast %broadcast_in_dim3A_1245 : i32 to vector<16xi32>
      %gather3A_1247 = tpu.vector_load_idx %arg12[%add3A_1187, %broadcast_in_dim3A_1246] : memref<512x32xf32, #tpu.memory_space<vmem>>[vector<16xi32>, vector<16xi32>], vector<16xf32>,
      %broadcast_in_dim3A_1248 = arith.constant 20 : i32
      %broadcast_in_dim3A_1249 = vector.broadcast %broadcast_in_dim3A_1248 : i32 to vector<16xi32>
      %gather3A_1250 = tpu.vector_load_idx %arg12[%add3A_1187, %broadcast_in_dim3A_1249] : memref<512x32xf32, #tpu.memory_space<vmem>>[vector<16xi32>, vector<16xi32>], vector<16xf32>,
      %broadcast_in_dim3A_1251 = arith.constant 21 : i32
      %broadcast_in_dim3A_1252 = vector.broadcast %broadcast_in_dim3A_1251 : i32 to vector<16xi32>
      %gather3A_1253 = tpu.vector_load_idx %arg12[%add3A_1187, %broadcast_in_dim3A_1252] : memref<512x32xf32, #tpu.memory_space<vmem>>[vector<16xi32>, vector<16xi32>], vector<16xf32>,
      %broadcast_in_dim3A_1254 = arith.constant 22 : i32
      %broadcast_in_dim3A_1255 = vector.broadcast %broadcast_in_dim3A_1254 : i32 to vector<16xi32>
      %gather3A_1256 = tpu.vector_load_idx %arg12[%add3A_1187, %broadcast_in_dim3A_1255] : memref<512x32xf32, #tpu.memory_space<vmem>>[vector<16xi32>, vector<16xi32>], vector<16xf32>,
      %broadcast_in_dim3A_1257 = arith.constant 23 : i32
      %broadcast_in_dim3A_1258 = vector.broadcast %broadcast_in_dim3A_1257 : i32 to vector<16xi32>
      %gather3A_1259 = tpu.vector_load_idx %arg12[%add3A_1187, %broadcast_in_dim3A_1258] : memref<512x32xf32, #tpu.memory_space<vmem>>[vector<16xi32>, vector<16xi32>], vector<16xf32>,
      %broadcast_in_dim3A_1260 = arith.constant 24 : i32
      %broadcast_in_dim3A_1261 = vector.broadcast %broadcast_in_dim3A_1260 : i32 to vector<16xi32>
      %gather3A_1262 = tpu.vector_load_idx %arg12[%add3A_1187, %broadcast_in_dim3A_1261] : memref<512x32xf32, #tpu.memory_space<vmem>>[vector<16xi32>, vector<16xi32>], vector<16xf32>,
      %broadcast_in_dim3A_1263 = arith.constant 25 : i32
      %broadcast_in_dim3A_1264 = vector.broadcast %broadcast_in_dim3A_1263 : i32 to vector<16xi32>
      %gather3A_1265 = tpu.vector_load_idx %arg12[%add3A_1187, %broadcast_in_dim3A_1264] : memref<512x32xf32, #tpu.memory_space<vmem>>[vector<16xi32>, vector<16xi32>], vector<16xf32>,
      %broadcast_in_dim3A_1266 = arith.constant 26 : i32
      %broadcast_in_dim3A_1267 = vector.broadcast %broadcast_in_dim3A_1266 : i32 to vector<16xi32>
      %gather3A_1268 = tpu.vector_load_idx %arg12[%add3A_1187, %broadcast_in_dim3A_1267] : memref<512x32xf32, #tpu.memory_space<vmem>>[vector<16xi32>, vector<16xi32>], vector<16xf32>,
      %broadcast_in_dim3A_1269 = arith.constant 27 : i32
      %broadcast_in_dim3A_1270 = vector.broadcast %broadcast_in_dim3A_1269 : i32 to vector<16xi32>
      %gather3A_1271 = tpu.vector_load_idx %arg12[%add3A_1187, %broadcast_in_dim3A_1270] : memref<512x32xf32, #tpu.memory_space<vmem>>[vector<16xi32>, vector<16xi32>], vector<16xf32>,
      %broadcast_in_dim3A_1272 = arith.constant 28 : i32
      %broadcast_in_dim3A_1273 = vector.broadcast %broadcast_in_dim3A_1272 : i32 to vector<16xi32>
      %gather3A_1274 = tpu.vector_load_idx %arg12[%add3A_1187, %broadcast_in_dim3A_1273] : memref<512x32xf32, #tpu.memory_space<vmem>>[vector<16xi32>, vector<16xi32>], vector<16xf32>,
      %broadcast_in_dim3A_1275 = arith.constant 29 : i32
      %broadcast_in_dim3A_1276 = vector.broadcast %broadcast_in_dim3A_1275 : i32 to vector<16xi32>
      %gather3A_1277 = tpu.vector_load_idx %arg12[%add3A_1187, %broadcast_in_dim3A_1276] : memref<512x32xf32, #tpu.memory_space<vmem>>[vector<16xi32>, vector<16xi32>], vector<16xf32>,
      %broadcast_in_dim3A_1278 = arith.constant 30 : i32
      %broadcast_in_dim3A_1279 = vector.broadcast %broadcast_in_dim3A_1278 : i32 to vector<16xi32>
      %gather3A_1280 = tpu.vector_load_idx %arg12[%add3A_1187, %broadcast_in_dim3A_1279] : memref<512x32xf32, #tpu.memory_space<vmem>>[vector<16xi32>, vector<16xi32>], vector<16xf32>,
      %broadcast_in_dim3A_1281 = arith.constant 31 : i32
      %broadcast_in_dim3A_1282 = vector.broadcast %broadcast_in_dim3A_1281 : i32 to vector<16xi32>
      %gather3A_1283 = tpu.vector_load_idx %arg12[%add3A_1187, %broadcast_in_dim3A_1282] : memref<512x32xf32, #tpu.memory_space<vmem>>[vector<16xi32>, vector<16xi32>], vector<16xf32>,
      %broadcast_in_dim3A_1284 = arith.constant 0.000000e+00 : f32
      %broadcast_in_dim3A_1285 = vector.broadcast %broadcast_in_dim3A_1284 : f32 to vector<16xf32>
      %broadcast_in_dim3A_1286 = arith.constant 0.000000e+00 : f32
      %broadcast_in_dim3A_1287 = vector.broadcast %broadcast_in_dim3A_1286 : f32 to vector<16xf32>
      %broadcast_in_dim3A_1288 = arith.constant 0.000000e+00 : f32
      %broadcast_in_dim3A_1289 = vector.broadcast %broadcast_in_dim3A_1288 : f32 to vector<16xf32>
      %broadcast_in_dim3A_1290 = arith.constant 0.000000e+00 : f32
      %broadcast_in_dim3A_1291 = vector.broadcast %broadcast_in_dim3A_1290 : f32 to vector<16xf32>
      %broadcast_in_dim3A_1292 = arith.constant 0 : i32
      %broadcast_in_dim3A_1293 = vector.broadcast %broadcast_in_dim3A_1292 : i32 to vector<16xi32>
      %gather3A_1294 = tpu.vector_load_idx %arg13[%add3A_1187, %broadcast_in_dim3A_1293] : memref<512x32xf32, #tpu.memory_space<vmem>>[vector<16xi32>, vector<16xi32>], vector<16xf32>,
      %mul3A_1295 = arith.mulf %gather3A_1294, %gather3A_1190 : vector<16xf32>
      %add3A_1296 = arith.addf %broadcast_in_dim3A_1285, %mul3A_1295 : vector<16xf32>
      %broadcast_in_dim3A_1297 = arith.constant 1 : i32
      %broadcast_in_dim3A_1298 = vector.broadcast %broadcast_in_dim3A_1297 : i32 to vector<16xi32>
      %gather3A_1299 = tpu.vector_load_idx %arg13[%add3A_1187, %broadcast_in_dim3A_1298] : memref<512x32xf32, #tpu.memory_space<vmem>>[vector<16xi32>, vector<16xi32>], vector<16xf32>,
      %mul3A_1300 = arith.mulf %gather3A_1299, %gather3A_1193 : vector<16xf32>
      %add3A_1301 = arith.addf %broadcast_in_dim3A_1287, %mul3A_1300 : vector<16xf32>
      %broadcast_in_dim3A_1302 = arith.constant 2 : i32
      %broadcast_in_dim3A_1303 = vector.broadcast %broadcast_in_dim3A_1302 : i32 to vector<16xi32>
      %gather3A_1304 = tpu.vector_load_idx %arg13[%add3A_1187, %broadcast_in_dim3A_1303] : memref<512x32xf32, #tpu.memory_space<vmem>>[vector<16xi32>, vector<16xi32>], vector<16xf32>,
      %mul3A_1305 = arith.mulf %gather3A_1304, %gather3A_1196 : vector<16xf32>
      %add3A_1306 = arith.addf %broadcast_in_dim3A_1289, %mul3A_1305 : vector<16xf32>
      %broadcast_in_dim3A_1307 = arith.constant 3 : i32
      %broadcast_in_dim3A_1308 = vector.broadcast %broadcast_in_dim3A_1307 : i32 to vector<16xi32>
      %gather3A_1309 = tpu.vector_load_idx %arg13[%add3A_1187, %broadcast_in_dim3A_1308] : memref<512x32xf32, #tpu.memory_space<vmem>>[vector<16xi32>, vector<16xi32>], vector<16xf32>,
      %mul3A_1310 = arith.mulf %gather3A_1309, %gather3A_1199 : vector<16xf32>
      %add3A_1311 = arith.addf %broadcast_in_dim3A_1291, %mul3A_1310 : vector<16xf32>
      %broadcast_in_dim3A_1312 = arith.constant 4 : i32
      %broadcast_in_dim3A_1313 = vector.broadcast %broadcast_in_dim3A_1312 : i32 to vector<16xi32>
      %gather3A_1314 = tpu.vector_load_idx %arg13[%add3A_1187, %broadcast_in_dim3A_1313] : memref<512x32xf32, #tpu.memory_space<vmem>>[vector<16xi32>, vector<16xi32>], vector<16xf32>,
      %mul3A_1315 = arith.mulf %gather3A_1314, %gather3A_1202 : vector<16xf32>
      %add3A_1316 = arith.addf %add3A_1296, %mul3A_1315 : vector<16xf32>
      %broadcast_in_dim3A_1317 = arith.constant 5 : i32
      %broadcast_in_dim3A_1318 = vector.broadcast %broadcast_in_dim3A_1317 : i32 to vector<16xi32>
      %gather3A_1319 = tpu.vector_load_idx %arg13[%add3A_1187, %broadcast_in_dim3A_1318] : memref<512x32xf32, #tpu.memory_space<vmem>>[vector<16xi32>, vector<16xi32>], vector<16xf32>,
      %mul3A_1320 = arith.mulf %gather3A_1319, %gather3A_1205 : vector<16xf32>
      %add3A_1321 = arith.addf %add3A_1301, %mul3A_1320 : vector<16xf32>
      %broadcast_in_dim3A_1322 = arith.constant 6 : i32
      %broadcast_in_dim3A_1323 = vector.broadcast %broadcast_in_dim3A_1322 : i32 to vector<16xi32>
      %gather3A_1324 = tpu.vector_load_idx %arg13[%add3A_1187, %broadcast_in_dim3A_1323] : memref<512x32xf32, #tpu.memory_space<vmem>>[vector<16xi32>, vector<16xi32>], vector<16xf32>,
      %mul3A_1325 = arith.mulf %gather3A_1324, %gather3A_1208 : vector<16xf32>
      %add3A_1326 = arith.addf %add3A_1306, %mul3A_1325 : vector<16xf32>
      %broadcast_in_dim3A_1327 = arith.constant 7 : i32
      %broadcast_in_dim3A_1328 = vector.broadcast %broadcast_in_dim3A_1327 : i32 to vector<16xi32>
      %gather3A_1329 = tpu.vector_load_idx %arg13[%add3A_1187, %broadcast_in_dim3A_1328] : memref<512x32xf32, #tpu.memory_space<vmem>>[vector<16xi32>, vector<16xi32>], vector<16xf32>,
      %mul3A_1330 = arith.mulf %gather3A_1329, %gather3A_1211 : vector<16xf32>
      %add3A_1331 = arith.addf %add3A_1311, %mul3A_1330 : vector<16xf32>
      %broadcast_in_dim3A_1332 = arith.constant 8 : i32
      %broadcast_in_dim3A_1333 = vector.broadcast %broadcast_in_dim3A_1332 : i32 to vector<16xi32>
      %gather3A_1334 = tpu.vector_load_idx %arg13[%add3A_1187, %broadcast_in_dim3A_1333] : memref<512x32xf32, #tpu.memory_space<vmem>>[vector<16xi32>, vector<16xi32>], vector<16xf32>,
      %mul3A_1335 = arith.mulf %gather3A_1334, %gather3A_1214 : vector<16xf32>
      %add3A_1336 = arith.addf %add3A_1316, %mul3A_1335 : vector<16xf32>
      %broadcast_in_dim3A_1337 = arith.constant 9 : i32
      %broadcast_in_dim3A_1338 = vector.broadcast %broadcast_in_dim3A_1337 : i32 to vector<16xi32>
      %gather3A_1339 = tpu.vector_load_idx %arg13[%add3A_1187, %broadcast_in_dim3A_1338] : memref<512x32xf32, #tpu.memory_space<vmem>>[vector<16xi32>, vector<16xi32>], vector<16xf32>,
      %mul3A_1340 = arith.mulf %gather3A_1339, %gather3A_1217 : vector<16xf32>
      %add3A_1341 = arith.addf %add3A_1321, %mul3A_1340 : vector<16xf32>
      %broadcast_in_dim3A_1342 = arith.constant 10 : i32
      %broadcast_in_dim3A_1343 = vector.broadcast %broadcast_in_dim3A_1342 : i32 to vector<16xi32>
      %gather3A_1344 = tpu.vector_load_idx %arg13[%add3A_1187, %broadcast_in_dim3A_1343] : memref<512x32xf32, #tpu.memory_space<vmem>>[vector<16xi32>, vector<16xi32>], vector<16xf32>,
      %mul3A_1345 = arith.mulf %gather3A_1344, %gather3A_1220 : vector<16xf32>
      %add3A_1346 = arith.addf %add3A_1326, %mul3A_1345 : vector<16xf32>
      %broadcast_in_dim3A_1347 = arith.constant 11 : i32
      %broadcast_in_dim3A_1348 = vector.broadcast %broadcast_in_dim3A_1347 : i32 to vector<16xi32>
      %gather3A_1349 = tpu.vector_load_idx %arg13[%add3A_1187, %broadcast_in_dim3A_1348] : memref<512x32xf32, #tpu.memory_space<vmem>>[vector<16xi32>, vector<16xi32>], vector<16xf32>,
      %mul3A_1350 = arith.mulf %gather3A_1349, %gather3A_1223 : vector<16xf32>
      %add3A_1351 = arith.addf %add3A_1331, %mul3A_1350 : vector<16xf32>
      %broadcast_in_dim3A_1352 = arith.constant 12 : i32
      %broadcast_in_dim3A_1353 = vector.broadcast %broadcast_in_dim3A_1352 : i32 to vector<16xi32>
      %gather3A_1354 = tpu.vector_load_idx %arg13[%add3A_1187, %broadcast_in_dim3A_1353] : memref<512x32xf32, #tpu.memory_space<vmem>>[vector<16xi32>, vector<16xi32>], vector<16xf32>,
      %mul3A_1355 = arith.mulf %gather3A_1354, %gather3A_1226 : vector<16xf32>
      %add3A_1356 = arith.addf %add3A_1336, %mul3A_1355 : vector<16xf32>
      %broadcast_in_dim3A_1357 = arith.constant 13 : i32
      %broadcast_in_dim3A_1358 = vector.broadcast %broadcast_in_dim3A_1357 : i32 to vector<16xi32>
      %gather3A_1359 = tpu.vector_load_idx %arg13[%add3A_1187, %broadcast_in_dim3A_1358] : memref<512x32xf32, #tpu.memory_space<vmem>>[vector<16xi32>, vector<16xi32>], vector<16xf32>,
      %mul3A_1360 = arith.mulf %gather3A_1359, %gather3A_1229 : vector<16xf32>
      %add3A_1361 = arith.addf %add3A_1341, %mul3A_1360 : vector<16xf32>
      %broadcast_in_dim3A_1362 = arith.constant 14 : i32
      %broadcast_in_dim3A_1363 = vector.broadcast %broadcast_in_dim3A_1362 : i32 to vector<16xi32>
      %gather3A_1364 = tpu.vector_load_idx %arg13[%add3A_1187, %broadcast_in_dim3A_1363] : memref<512x32xf32, #tpu.memory_space<vmem>>[vector<16xi32>, vector<16xi32>], vector<16xf32>,
      %mul3A_1365 = arith.mulf %gather3A_1364, %gather3A_1232 : vector<16xf32>
      %add3A_1366 = arith.addf %add3A_1346, %mul3A_1365 : vector<16xf32>
      %broadcast_in_dim3A_1367 = arith.constant 15 : i32
      %broadcast_in_dim3A_1368 = vector.broadcast %broadcast_in_dim3A_1367 : i32 to vector<16xi32>
      %gather3A_1369 = tpu.vector_load_idx %arg13[%add3A_1187, %broadcast_in_dim3A_1368] : memref<512x32xf32, #tpu.memory_space<vmem>>[vector<16xi32>, vector<16xi32>], vector<16xf32>,
      %mul3A_1370 = arith.mulf %gather3A_1369, %gather3A_1235 : vector<16xf32>
      %add3A_1371 = arith.addf %add3A_1351, %mul3A_1370 : vector<16xf32>
      %broadcast_in_dim3A_1372 = arith.constant 16 : i32
      %broadcast_in_dim3A_1373 = vector.broadcast %broadcast_in_dim3A_1372 : i32 to vector<16xi32>
      %gather3A_1374 = tpu.vector_load_idx %arg13[%add3A_1187, %broadcast_in_dim3A_1373] : memref<512x32xf32, #tpu.memory_space<vmem>>[vector<16xi32>, vector<16xi32>], vector<16xf32>,
      %mul3A_1375 = arith.mulf %gather3A_1374, %gather3A_1238 : vector<16xf32>
      %add3A_1376 = arith.addf %add3A_1356, %mul3A_1375 : vector<16xf32>
      %broadcast_in_dim3A_1377 = arith.constant 17 : i32
      %broadcast_in_dim3A_1378 = vector.broadcast %broadcast_in_dim3A_1377 : i32 to vector<16xi32>
      %gather3A_1379 = tpu.vector_load_idx %arg13[%add3A_1187, %broadcast_in_dim3A_1378] : memref<512x32xf32, #tpu.memory_space<vmem>>[vector<16xi32>, vector<16xi32>], vector<16xf32>,
      %mul3A_1380 = arith.mulf %gather3A_1379, %gather3A_1241 : vector<16xf32>
      %add3A_1381 = arith.addf %add3A_1361, %mul3A_1380 : vector<16xf32>
      %broadcast_in_dim3A_1382 = arith.constant 18 : i32
      %broadcast_in_dim3A_1383 = vector.broadcast %broadcast_in_dim3A_1382 : i32 to vector<16xi32>
      %gather3A_1384 = tpu.vector_load_idx %arg13[%add3A_1187, %broadcast_in_dim3A_1383] : memref<512x32xf32, #tpu.memory_space<vmem>>[vector<16xi32>, vector<16xi32>], vector<16xf32>,
      %mul3A_1385 = arith.mulf %gather3A_1384, %gather3A_1244 : vector<16xf32>
      %add3A_1386 = arith.addf %add3A_1366, %mul3A_1385 : vector<16xf32>
      %broadcast_in_dim3A_1387 = arith.constant 19 : i32
      %broadcast_in_dim3A_1388 = vector.broadcast %broadcast_in_dim3A_1387 : i32 to vector<16xi32>
      %gather3A_1389 = tpu.vector_load_idx %arg13[%add3A_1187, %broadcast_in_dim3A_1388] : memref<512x32xf32, #tpu.memory_space<vmem>>[vector<16xi32>, vector<16xi32>], vector<16xf32>,
      %mul3A_1390 = arith.mulf %gather3A_1389, %gather3A_1247 : vector<16xf32>
      %add3A_1391 = arith.addf %add3A_1371, %mul3A_1390 : vector<16xf32>
      %broadcast_in_dim3A_1392 = arith.constant 20 : i32
      %broadcast_in_dim3A_1393 = vector.broadcast %broadcast_in_dim3A_1392 : i32 to vector<16xi32>
      %gather3A_1394 = tpu.vector_load_idx %arg13[%add3A_1187, %broadcast_in_dim3A_1393] : memref<512x32xf32, #tpu.memory_space<vmem>>[vector<16xi32>, vector<16xi32>], vector<16xf32>,
      %mul3A_1395 = arith.mulf %gather3A_1394, %gather3A_1250 : vector<16xf32>
      %add3A_1396 = arith.addf %add3A_1376, %mul3A_1395 : vector<16xf32>
      %broadcast_in_dim3A_1397 = arith.constant 21 : i32
      %broadcast_in_dim3A_1398 = vector.broadcast %broadcast_in_dim3A_1397 : i32 to vector<16xi32>
      %gather3A_1399 = tpu.vector_load_idx %arg13[%add3A_1187, %broadcast_in_dim3A_1398] : memref<512x32xf32, #tpu.memory_space<vmem>>[vector<16xi32>, vector<16xi32>], vector<16xf32>,
      %mul3A_1400 = arith.mulf %gather3A_1399, %gather3A_1253 : vector<16xf32>
      %add3A_1401 = arith.addf %add3A_1381, %mul3A_1400 : vector<16xf32>
      %broadcast_in_dim3A_1402 = arith.constant 22 : i32
      %broadcast_in_dim3A_1403 = vector.broadcast %broadcast_in_dim3A_1402 : i32 to vector<16xi32>
      %gather3A_1404 = tpu.vector_load_idx %arg13[%add3A_1187, %broadcast_in_dim3A_1403] : memref<512x32xf32, #tpu.memory_space<vmem>>[vector<16xi32>, vector<16xi32>], vector<16xf32>,
      %mul3A_1405 = arith.mulf %gather3A_1404, %gather3A_1256 : vector<16xf32>
      %add3A_1406 = arith.addf %add3A_1386, %mul3A_1405 : vector<16xf32>
      %broadcast_in_dim3A_1407 = arith.constant 23 : i32
      %broadcast_in_dim3A_1408 = vector.broadcast %broadcast_in_dim3A_1407 : i32 to vector<16xi32>
      %gather3A_1409 = tpu.vector_load_idx %arg13[%add3A_1187, %broadcast_in_dim3A_1408] : memref<512x32xf32, #tpu.memory_space<vmem>>[vector<16xi32>, vector<16xi32>], vector<16xf32>,
      %mul3A_1410 = arith.mulf %gather3A_1409, %gather3A_1259 : vector<16xf32>
      %add3A_1411 = arith.addf %add3A_1391, %mul3A_1410 : vector<16xf32>
      %broadcast_in_dim3A_1412 = arith.constant 24 : i32
      %broadcast_in_dim3A_1413 = vector.broadcast %broadcast_in_dim3A_1412 : i32 to vector<16xi32>
      %gather3A_1414 = tpu.vector_load_idx %arg13[%add3A_1187, %broadcast_in_dim3A_1413] : memref<512x32xf32, #tpu.memory_space<vmem>>[vector<16xi32>, vector<16xi32>], vector<16xf32>,
      %mul3A_1415 = arith.mulf %gather3A_1414, %gather3A_1262 : vector<16xf32>
      %add3A_1416 = arith.addf %add3A_1396, %mul3A_1415 : vector<16xf32>
      %broadcast_in_dim3A_1417 = arith.constant 25 : i32
      %broadcast_in_dim3A_1418 = vector.broadcast %broadcast_in_dim3A_1417 : i32 to vector<16xi32>
      %gather3A_1419 = tpu.vector_load_idx %arg13[%add3A_1187, %broadcast_in_dim3A_1418] : memref<512x32xf32, #tpu.memory_space<vmem>>[vector<16xi32>, vector<16xi32>], vector<16xf32>,
      %mul3A_1420 = arith.mulf %gather3A_1419, %gather3A_1265 : vector<16xf32>
      %add3A_1421 = arith.addf %add3A_1401, %mul3A_1420 : vector<16xf32>
      %broadcast_in_dim3A_1422 = arith.constant 26 : i32
      %broadcast_in_dim3A_1423 = vector.broadcast %broadcast_in_dim3A_1422 : i32 to vector<16xi32>
      %gather3A_1424 = tpu.vector_load_idx %arg13[%add3A_1187, %broadcast_in_dim3A_1423] : memref<512x32xf32, #tpu.memory_space<vmem>>[vector<16xi32>, vector<16xi32>], vector<16xf32>,
      %mul3A_1425 = arith.mulf %gather3A_1424, %gather3A_1268 : vector<16xf32>
      %add3A_1426 = arith.addf %add3A_1406, %mul3A_1425 : vector<16xf32>
      %broadcast_in_dim3A_1427 = arith.constant 27 : i32
      %broadcast_in_dim3A_1428 = vector.broadcast %broadcast_in_dim3A_1427 : i32 to vector<16xi32>
      %gather3A_1429 = tpu.vector_load_idx %arg13[%add3A_1187, %broadcast_in_dim3A_1428] : memref<512x32xf32, #tpu.memory_space<vmem>>[vector<16xi32>, vector<16xi32>], vector<16xf32>,
      %mul3A_1430 = arith.mulf %gather3A_1429, %gather3A_1271 : vector<16xf32>
      %add3A_1431 = arith.addf %add3A_1411, %mul3A_1430 : vector<16xf32>
      %broadcast_in_dim3A_1432 = arith.constant 28 : i32
      %broadcast_in_dim3A_1433 = vector.broadcast %broadcast_in_dim3A_1432 : i32 to vector<16xi32>
      %gather3A_1434 = tpu.vector_load_idx %arg13[%add3A_1187, %broadcast_in_dim3A_1433] : memref<512x32xf32, #tpu.memory_space<vmem>>[vector<16xi32>, vector<16xi32>], vector<16xf32>,
      %mul3A_1435 = arith.mulf %gather3A_1434, %gather3A_1274 : vector<16xf32>
      %add3A_1436 = arith.addf %add3A_1416, %mul3A_1435 : vector<16xf32>
      %broadcast_in_dim3A_1437 = arith.constant 29 : i32
      %broadcast_in_dim3A_1438 = vector.broadcast %broadcast_in_dim3A_1437 : i32 to vector<16xi32>
      %gather3A_1439 = tpu.vector_load_idx %arg13[%add3A_1187, %broadcast_in_dim3A_1438] : memref<512x32xf32, #tpu.memory_space<vmem>>[vector<16xi32>, vector<16xi32>], vector<16xf32>,
      %mul3A_1440 = arith.mulf %gather3A_1439, %gather3A_1277 : vector<16xf32>
      %add3A_1441 = arith.addf %add3A_1421, %mul3A_1440 : vector<16xf32>
      %broadcast_in_dim3A_1442 = arith.constant 30 : i32
      %broadcast_in_dim3A_1443 = vector.broadcast %broadcast_in_dim3A_1442 : i32 to vector<16xi32>
      %gather3A_1444 = tpu.vector_load_idx %arg13[%add3A_1187, %broadcast_in_dim3A_1443] : memref<512x32xf32, #tpu.memory_space<vmem>>[vector<16xi32>, vector<16xi32>], vector<16xf32>,
      %mul3A_1445 = arith.mulf %gather3A_1444, %gather3A_1280 : vector<16xf32>
      %add3A_1446 = arith.addf %add3A_1426, %mul3A_1445 : vector<16xf32>
      %broadcast_in_dim3A_1447 = arith.constant 31 : i32
      %broadcast_in_dim3A_1448 = vector.broadcast %broadcast_in_dim3A_1447 : i32 to vector<16xi32>
      %gather3A_1449 = tpu.vector_load_idx %arg13[%add3A_1187, %broadcast_in_dim3A_1448] : memref<512x32xf32, #tpu.memory_space<vmem>>[vector<16xi32>, vector<16xi32>], vector<16xf32>,
      %mul3A_1450 = arith.mulf %gather3A_1449, %gather3A_1283 : vector<16xf32>
      %add3A_1451 = arith.addf %add3A_1431, %mul3A_1450 : vector<16xf32>
      %add3A_1452 = arith.addf %add3A_1436, %add3A_1441 : vector<16xf32>
      %add3A_1453 = arith.addf %add3A_1446, %add3A_1451 : vector<16xf32>
      %add3A_1454 = arith.addf %add3A_1452, %add3A_1453 : vector<16xf32>
      %swap3A_1455 = arith.index_cast %add3A_1185 : i32 to index
      %swap3A_1456 = tpu.vector_load %arg15[%swap3A_1455] {strides = array<i32>} : memref<512xf32, #tpu.memory_space<vmem>>, vector<16xf32>,
      tpu.vector_store %arg15[%swap3A_1455], %add3A_1454 {strides = array<i32>} : memref<512xf32, #tpu.memory_space<vmem>>, vector<16xf32>,
      %mul3A_1457 = arith.constant 20 : i32
      %mul3A_1458 = arith.muli %add3A_1185, %mul3A_1457 : i32
      %scan3A_1459 = arith.constant 0 : i32
      %scan3A_1460 = arith.constant 20 : i32
      %scan3A_1461 = arith.addi %scan3A_1459, %scan3A_1460 : i32
      %scan3A_1462 = arith.constant 1 : i32
      scf.for %scan3A_1471 = %scan3A_1459 to %scan3A_1461 step %scan3A_1462  : i32 {
        %mul3A_1472 = arith.constant 1 : i32
        %mul3A_1473 = arith.muli %scan3A_1471, %mul3A_1472 : i32
        %add3A_1474 = arith.constant 0 : i32
        %add3A_1475 = arith.addi %add3A_1474, %mul3A_1473 : i32
        %add3A_1476 = arith.constant 320 : i32
        %add3A_1477 = vector.broadcast %add3A_1476 : i32 to vector<16xi32>
        %add3A_1478 = arith.addi %add3A_1477, %mul3A_287 : vector<16xi32>
        %add3A_1479 = vector.broadcast %add3A_1475 : i32 to vector<16xi32>
        %add3A_1480 = arith.addi %add3A_1478, %add3A_1479 : vector<16xi32>
        %broadcast_in_dim3A_1481 = arith.constant 0.000000e+00 : f32
        %broadcast_in_dim3A_1482 = vector.broadcast %broadcast_in_dim3A_1481 : f32 to vector<16xf32>
        %broadcast_in_dim3A_1483 = arith.constant 0.000000e+00 : f32
        %broadcast_in_dim3A_1484 = vector.broadcast %broadcast_in_dim3A_1483 : f32 to vector<16xf32>
        %broadcast_in_dim3A_1485 = arith.constant 0.000000e+00 : f32
        %broadcast_in_dim3A_1486 = vector.broadcast %broadcast_in_dim3A_1485 : f32 to vector<16xf32>
        %broadcast_in_dim3A_1487 = arith.constant 0.000000e+00 : f32
        %broadcast_in_dim3A_1488 = vector.broadcast %broadcast_in_dim3A_1487 : f32 to vector<16xf32>
        %broadcast_in_dim3A_1489 = arith.constant 0 : i32
        %broadcast_in_dim3A_1490 = vector.broadcast %broadcast_in_dim3A_1489 : i32 to vector<16xi32>
        %gather3A_1491 = arith.constant 1 : i32
        %gather3A_1492 = arith.constant 0 : i32
        %gather3A_1493 = arith.constant 0 : i32
        %gather3A_1494 = tpu.memref_slice %arg14[%gather3A_1491, %gather3A_1492, %gather3A_1493] : memref<2x640x32xf32, #tpu.memory_space<vmem>> -> memref<1x640x32xf32, #tpu.memory_space<vmem>>
        %gather3A_1495 = tpu.memref_squeeze %gather3A_1494 : memref<1x640x32xf32, #tpu.memory_space<vmem>> -> memref<640x32xf32, #tpu.memory_space<vmem>>
        %gather3A_1496 = tpu.vector_load_idx %gather3A_1495[%add3A_1480, %broadcast_in_dim3A_1490] : memref<640x32xf32, #tpu.memory_space<vmem>>[vector<16xi32>, vector<16xi32>], vector<16xf32>,
        %mul3A_1497 = arith.mulf %gather3A_1496, %gather3A_1190 : vector<16xf32>
        %add3A_1498 = arith.addf %broadcast_in_dim3A_1482, %mul3A_1497 : vector<16xf32>
        %broadcast_in_dim3A_1499 = arith.constant 1 : i32
        %broadcast_in_dim3A_1500 = vector.broadcast %broadcast_in_dim3A_1499 : i32 to vector<16xi32>
        %gather3A_1501 = arith.constant 1 : i32
        %gather3A_1502 = arith.constant 0 : i32
        %gather3A_1503 = arith.constant 0 : i32
        %gather3A_1504 = tpu.memref_slice %arg14[%gather3A_1501, %gather3A_1502, %gather3A_1503] : memref<2x640x32xf32, #tpu.memory_space<vmem>> -> memref<1x640x32xf32, #tpu.memory_space<vmem>>
        %gather3A_1505 = tpu.memref_squeeze %gather3A_1504 : memref<1x640x32xf32, #tpu.memory_space<vmem>> -> memref<640x32xf32, #tpu.memory_space<vmem>>
        %gather3A_1506 = tpu.vector_load_idx %gather3A_1505[%add3A_1480, %broadcast_in_dim3A_1500] : memref<640x32xf32, #tpu.memory_space<vmem>>[vector<16xi32>, vector<16xi32>], vector<16xf32>,
        %mul3A_1507 = arith.mulf %gather3A_1506, %gather3A_1193 : vector<16xf32>
        %add3A_1508 = arith.addf %broadcast_in_dim3A_1484, %mul3A_1507 : vector<16xf32>
        %broadcast_in_dim3A_1509 = arith.constant 2 : i32
        %broadcast_in_dim3A_1510 = vector.broadcast %broadcast_in_dim3A_1509 : i32 to vector<16xi32>
        %gather3A_1511 = arith.constant 1 : i32
        %gather3A_1512 = arith.constant 0 : i32
        %gather3A_1513 = arith.constant 0 : i32
        %gather3A_1514 = tpu.memref_slice %arg14[%gather3A_1511, %gather3A_1512, %gather3A_1513] : memref<2x640x32xf32, #tpu.memory_space<vmem>> -> memref<1x640x32xf32, #tpu.memory_space<vmem>>
        %gather3A_1515 = tpu.memref_squeeze %gather3A_1514 : memref<1x640x32xf32, #tpu.memory_space<vmem>> -> memref<640x32xf32, #tpu.memory_space<vmem>>
        %gather3A_1516 = tpu.vector_load_idx %gather3A_1515[%add3A_1480, %broadcast_in_dim3A_1510] : memref<640x32xf32, #tpu.memory_space<vmem>>[vector<16xi32>, vector<16xi32>], vector<16xf32>,
        %mul3A_1517 = arith.mulf %gather3A_1516, %gather3A_1196 : vector<16xf32>
        %add3A_1518 = arith.addf %broadcast_in_dim3A_1486, %mul3A_1517 : vector<16xf32>
        %broadcast_in_dim3A_1519 = arith.constant 3 : i32
        %broadcast_in_dim3A_1520 = vector.broadcast %broadcast_in_dim3A_1519 : i32 to vector<16xi32>
        %gather3A_1521 = arith.constant 1 : i32
        %gather3A_1522 = arith.constant 0 : i32
        %gather3A_1523 = arith.constant 0 : i32
        %gather3A_1524 = tpu.memref_slice %arg14[%gather3A_1521, %gather3A_1522, %gather3A_1523] : memref<2x640x32xf32, #tpu.memory_space<vmem>> -> memref<1x640x32xf32, #tpu.memory_space<vmem>>
        %gather3A_1525 = tpu.memref_squeeze %gather3A_1524 : memref<1x640x32xf32, #tpu.memory_space<vmem>> -> memref<640x32xf32, #tpu.memory_space<vmem>>
        %gather3A_1526 = tpu.vector_load_idx %gather3A_1525[%add3A_1480, %broadcast_in_dim3A_1520] : memref<640x32xf32, #tpu.memory_space<vmem>>[vector<16xi32>, vector<16xi32>], vector<16xf32>,
        %mul3A_1527 = arith.mulf %gather3A_1526, %gather3A_1199 : vector<16xf32>
        %add3A_1528 = arith.addf %broadcast_in_dim3A_1488, %mul3A_1527 : vector<16xf32>
        %broadcast_in_dim3A_1529 = arith.constant 4 : i32
        %broadcast_in_dim3A_1530 = vector.broadcast %broadcast_in_dim3A_1529 : i32 to vector<16xi32>
        %gather3A_1531 = arith.constant 1 : i32
        %gather3A_1532 = arith.constant 0 : i32
        %gather3A_1533 = arith.constant 0 : i32
        %gather3A_1534 = tpu.memref_slice %arg14[%gather3A_1531, %gather3A_1532, %gather3A_1533] : memref<2x640x32xf32, #tpu.memory_space<vmem>> -> memref<1x640x32xf32, #tpu.memory_space<vmem>>
        %gather3A_1535 = tpu.memref_squeeze %gather3A_1534 : memref<1x640x32xf32, #tpu.memory_space<vmem>> -> memref<640x32xf32, #tpu.memory_space<vmem>>
        %gather3A_1536 = tpu.vector_load_idx %gather3A_1535[%add3A_1480, %broadcast_in_dim3A_1530] : memref<640x32xf32, #tpu.memory_space<vmem>>[vector<16xi32>, vector<16xi32>], vector<16xf32>,
        %mul3A_1537 = arith.mulf %gather3A_1536, %gather3A_1202 : vector<16xf32>
        %add3A_1538 = arith.addf %add3A_1498, %mul3A_1537 : vector<16xf32>
        %broadcast_in_dim3A_1539 = arith.constant 5 : i32
        %broadcast_in_dim3A_1540 = vector.broadcast %broadcast_in_dim3A_1539 : i32 to vector<16xi32>
        %gather3A_1541 = arith.constant 1 : i32
        %gather3A_1542 = arith.constant 0 : i32
        %gather3A_1543 = arith.constant 0 : i32
        %gather3A_1544 = tpu.memref_slice %arg14[%gather3A_1541, %gather3A_1542, %gather3A_1543] : memref<2x640x32xf32, #tpu.memory_space<vmem>> -> memref<1x640x32xf32, #tpu.memory_space<vmem>>
        %gather3A_1545 = tpu.memref_squeeze %gather3A_1544 : memref<1x640x32xf32, #tpu.memory_space<vmem>> -> memref<640x32xf32, #tpu.memory_space<vmem>>
        %gather3A_1546 = tpu.vector_load_idx %gather3A_1545[%add3A_1480, %broadcast_in_dim3A_1540] : memref<640x32xf32, #tpu.memory_space<vmem>>[vector<16xi32>, vector<16xi32>], vector<16xf32>,
        %mul3A_1547 = arith.mulf %gather3A_1546, %gather3A_1205 : vector<16xf32>
        %add3A_1548 = arith.addf %add3A_1508, %mul3A_1547 : vector<16xf32>
        %broadcast_in_dim3A_1549 = arith.constant 6 : i32
        %broadcast_in_dim3A_1550 = vector.broadcast %broadcast_in_dim3A_1549 : i32 to vector<16xi32>
        %gather3A_1551 = arith.constant 1 : i32
        %gather3A_1552 = arith.constant 0 : i32
        %gather3A_1553 = arith.constant 0 : i32
        %gather3A_1554 = tpu.memref_slice %arg14[%gather3A_1551, %gather3A_1552, %gather3A_1553] : memref<2x640x32xf32, #tpu.memory_space<vmem>> -> memref<1x640x32xf32, #tpu.memory_space<vmem>>
        %gather3A_1555 = tpu.memref_squeeze %gather3A_1554 : memref<1x640x32xf32, #tpu.memory_space<vmem>> -> memref<640x32xf32, #tpu.memory_space<vmem>>
        %gather3A_1556 = tpu.vector_load_idx %gather3A_1555[%add3A_1480, %broadcast_in_dim3A_1550] : memref<640x32xf32, #tpu.memory_space<vmem>>[vector<16xi32>, vector<16xi32>], vector<16xf32>,
        %mul3A_1557 = arith.mulf %gather3A_1556, %gather3A_1208 : vector<16xf32>
        %add3A_1558 = arith.addf %add3A_1518, %mul3A_1557 : vector<16xf32>
        %broadcast_in_dim3A_1559 = arith.constant 7 : i32
        %broadcast_in_dim3A_1560 = vector.broadcast %broadcast_in_dim3A_1559 : i32 to vector<16xi32>
        %gather3A_1561 = arith.constant 1 : i32
        %gather3A_1562 = arith.constant 0 : i32
        %gather3A_1563 = arith.constant 0 : i32
        %gather3A_1564 = tpu.memref_slice %arg14[%gather3A_1561, %gather3A_1562, %gather3A_1563] : memref<2x640x32xf32, #tpu.memory_space<vmem>> -> memref<1x640x32xf32, #tpu.memory_space<vmem>>
        %gather3A_1565 = tpu.memref_squeeze %gather3A_1564 : memref<1x640x32xf32, #tpu.memory_space<vmem>> -> memref<640x32xf32, #tpu.memory_space<vmem>>
        %gather3A_1566 = tpu.vector_load_idx %gather3A_1565[%add3A_1480, %broadcast_in_dim3A_1560] : memref<640x32xf32, #tpu.memory_space<vmem>>[vector<16xi32>, vector<16xi32>], vector<16xf32>,
        %mul3A_1567 = arith.mulf %gather3A_1566, %gather3A_1211 : vector<16xf32>
        %add3A_1568 = arith.addf %add3A_1528, %mul3A_1567 : vector<16xf32>
        %broadcast_in_dim3A_1569 = arith.constant 8 : i32
        %broadcast_in_dim3A_1570 = vector.broadcast %broadcast_in_dim3A_1569 : i32 to vector<16xi32>
        %gather3A_1571 = arith.constant 1 : i32
        %gather3A_1572 = arith.constant 0 : i32
        %gather3A_1573 = arith.constant 0 : i32
        %gather3A_1574 = tpu.memref_slice %arg14[%gather3A_1571, %gather3A_1572, %gather3A_1573] : memref<2x640x32xf32, #tpu.memory_space<vmem>> -> memref<1x640x32xf32, #tpu.memory_space<vmem>>
        %gather3A_1575 = tpu.memref_squeeze %gather3A_1574 : memref<1x640x32xf32, #tpu.memory_space<vmem>> -> memref<640x32xf32, #tpu.memory_space<vmem>>
        %gather3A_1576 = tpu.vector_load_idx %gather3A_1575[%add3A_1480, %broadcast_in_dim3A_1570] : memref<640x32xf32, #tpu.memory_space<vmem>>[vector<16xi32>, vector<16xi32>], vector<16xf32>,
        %mul3A_1577 = arith.mulf %gather3A_1576, %gather3A_1214 : vector<16xf32>
        %add3A_1578 = arith.addf %add3A_1538, %mul3A_1577 : vector<16xf32>
        %broadcast_in_dim3A_1579 = arith.constant 9 : i32
        %broadcast_in_dim3A_1580 = vector.broadcast %broadcast_in_dim3A_1579 : i32 to vector<16xi32>
        %gather3A_1581 = arith.constant 1 : i32
        %gather3A_1582 = arith.constant 0 : i32
        %gather3A_1583 = arith.constant 0 : i32
        %gather3A_1584 = tpu.memref_slice %arg14[%gather3A_1581, %gather3A_1582, %gather3A_1583] : memref<2x640x32xf32, #tpu.memory_space<vmem>> -> memref<1x640x32xf32, #tpu.memory_space<vmem>>
        %gather3A_1585 = tpu.memref_squeeze %gather3A_1584 : memref<1x640x32xf32, #tpu.memory_space<vmem>> -> memref<640x32xf32, #tpu.memory_space<vmem>>
        %gather3A_1586 = tpu.vector_load_idx %gather3A_1585[%add3A_1480, %broadcast_in_dim3A_1580] : memref<640x32xf32, #tpu.memory_space<vmem>>[vector<16xi32>, vector<16xi32>], vector<16xf32>,
        %mul3A_1587 = arith.mulf %gather3A_1586, %gather3A_1217 : vector<16xf32>
        %add3A_1588 = arith.addf %add3A_1548, %mul3A_1587 : vector<16xf32>
        %broadcast_in_dim3A_1589 = arith.constant 10 : i32
        %broadcast_in_dim3A_1590 = vector.broadcast %broadcast_in_dim3A_1589 : i32 to vector<16xi32>
        %gather3A_1591 = arith.constant 1 : i32
        %gather3A_1592 = arith.constant 0 : i32
        %gather3A_1593 = arith.constant 0 : i32
        %gather3A_1594 = tpu.memref_slice %arg14[%gather3A_1591, %gather3A_1592, %gather3A_1593] : memref<2x640x32xf32, #tpu.memory_space<vmem>> -> memref<1x640x32xf32, #tpu.memory_space<vmem>>
        %gather3A_1595 = tpu.memref_squeeze %gather3A_1594 : memref<1x640x32xf32, #tpu.memory_space<vmem>> -> memref<640x32xf32, #tpu.memory_space<vmem>>
        %gather3A_1596 = tpu.vector_load_idx %gather3A_1595[%add3A_1480, %broadcast_in_dim3A_1590] : memref<640x32xf32, #tpu.memory_space<vmem>>[vector<16xi32>, vector<16xi32>], vector<16xf32>,
        %mul3A_1597 = arith.mulf %gather3A_1596, %gather3A_1220 : vector<16xf32>
        %add3A_1598 = arith.addf %add3A_1558, %mul3A_1597 : vector<16xf32>
        %broadcast_in_dim3A_1599 = arith.constant 11 : i32
        %broadcast_in_dim3A_1600 = vector.broadcast %broadcast_in_dim3A_1599 : i32 to vector<16xi32>
        %gather3A_1601 = arith.constant 1 : i32
        %gather3A_1602 = arith.constant 0 : i32
        %gather3A_1603 = arith.constant 0 : i32
        %gather3A_1604 = tpu.memref_slice %arg14[%gather3A_1601, %gather3A_1602, %gather3A_1603] : memref<2x640x32xf32, #tpu.memory_space<vmem>> -> memref<1x640x32xf32, #tpu.memory_space<vmem>>
        %gather3A_1605 = tpu.memref_squeeze %gather3A_1604 : memref<1x640x32xf32, #tpu.memory_space<vmem>> -> memref<640x32xf32, #tpu.memory_space<vmem>>
        %gather3A_1606 = tpu.vector_load_idx %gather3A_1605[%add3A_1480, %broadcast_in_dim3A_1600] : memref<640x32xf32, #tpu.memory_space<vmem>>[vector<16xi32>, vector<16xi32>], vector<16xf32>,
        %mul3A_1607 = arith.mulf %gather3A_1606, %gather3A_1223 : vector<16xf32>
        %add3A_1608 = arith.addf %add3A_1568, %mul3A_1607 : vector<16xf32>
        %broadcast_in_dim3A_1609 = arith.constant 12 : i32
        %broadcast_in_dim3A_1610 = vector.broadcast %broadcast_in_dim3A_1609 : i32 to vector<16xi32>
        %gather3A_1611 = arith.constant 1 : i32
        %gather3A_1612 = arith.constant 0 : i32
        %gather3A_1613 = arith.constant 0 : i32
        %gather3A_1614 = tpu.memref_slice %arg14[%gather3A_1611, %gather3A_1612, %gather3A_1613] : memref<2x640x32xf32, #tpu.memory_space<vmem>> -> memref<1x640x32xf32, #tpu.memory_space<vmem>>
        %gather3A_1615 = tpu.memref_squeeze %gather3A_1614 : memref<1x640x32xf32, #tpu.memory_space<vmem>> -> memref<640x32xf32, #tpu.memory_space<vmem>>
        %gather3A_1616 = tpu.vector_load_idx %gather3A_1615[%add3A_1480, %broadcast_in_dim3A_1610] : memref<640x32xf32, #tpu.memory_space<vmem>>[vector<16xi32>, vector<16xi32>], vector<16xf32>,
        %mul3A_1617 = arith.mulf %gather3A_1616, %gather3A_1226 : vector<16xf32>
        %add3A_1618 = arith.addf %add3A_1578, %mul3A_1617 : vector<16xf32>
        %broadcast_in_dim3A_1619 = arith.constant 13 : i32
        %broadcast_in_dim3A_1620 = vector.broadcast %broadcast_in_dim3A_1619 : i32 to vector<16xi32>
        %gather3A_1621 = arith.constant 1 : i32
        %gather3A_1622 = arith.constant 0 : i32
        %gather3A_1623 = arith.constant 0 : i32
        %gather3A_1624 = tpu.memref_slice %arg14[%gather3A_1621, %gather3A_1622, %gather3A_1623] : memref<2x640x32xf32, #tpu.memory_space<vmem>> -> memref<1x640x32xf32, #tpu.memory_space<vmem>>
        %gather3A_1625 = tpu.memref_squeeze %gather3A_1624 : memref<1x640x32xf32, #tpu.memory_space<vmem>> -> memref<640x32xf32, #tpu.memory_space<vmem>>
        %gather3A_1626 = tpu.vector_load_idx %gather3A_1625[%add3A_1480, %broadcast_in_dim3A_1620] : memref<640x32xf32, #tpu.memory_space<vmem>>[vector<16xi32>, vector<16xi32>], vector<16xf32>,
        %mul3A_1627 = arith.mulf %gather3A_1626, %gather3A_1229 : vector<16xf32>
        %add3A_1628 = arith.addf %add3A_1588, %mul3A_1627 : vector<16xf32>
        %broadcast_in_dim3A_1629 = arith.constant 14 : i32
        %broadcast_in_dim3A_1630 = vector.broadcast %broadcast_in_dim3A_1629 : i32 to vector<16xi32>
        %gather3A_1631 = arith.constant 1 : i32
        %gather3A_1632 = arith.constant 0 : i32
        %gather3A_1633 = arith.constant 0 : i32
        %gather3A_1634 = tpu.memref_slice %arg14[%gather3A_1631, %gather3A_1632, %gather3A_1633] : memref<2x640x32xf32, #tpu.memory_space<vmem>> -> memref<1x640x32xf32, #tpu.memory_space<vmem>>
        %gather3A_1635 = tpu.memref_squeeze %gather3A_1634 : memref<1x640x32xf32, #tpu.memory_space<vmem>> -> memref<640x32xf32, #tpu.memory_space<vmem>>
        %gather3A_1636 = tpu.vector_load_idx %gather3A_1635[%add3A_1480, %broadcast_in_dim3A_1630] : memref<640x32xf32, #tpu.memory_space<vmem>>[vector<16xi32>, vector<16xi32>], vector<16xf32>,
        %mul3A_1637 = arith.mulf %gather3A_1636, %gather3A_1232 : vector<16xf32>
        %add3A_1638 = arith.addf %add3A_1598, %mul3A_1637 : vector<16xf32>
        %broadcast_in_dim3A_1639 = arith.constant 15 : i32
        %broadcast_in_dim3A_1640 = vector.broadcast %broadcast_in_dim3A_1639 : i32 to vector<16xi32>
        %gather3A_1641 = arith.constant 1 : i32
        %gather3A_1642 = arith.constant 0 : i32
        %gather3A_1643 = arith.constant 0 : i32
        %gather3A_1644 = tpu.memref_slice %arg14[%gather3A_1641, %gather3A_1642, %gather3A_1643] : memref<2x640x32xf32, #tpu.memory_space<vmem>> -> memref<1x640x32xf32, #tpu.memory_space<vmem>>
        %gather3A_1645 = tpu.memref_squeeze %gather3A_1644 : memref<1x640x32xf32, #tpu.memory_space<vmem>> -> memref<640x32xf32, #tpu.memory_space<vmem>>
        %gather3A_1646 = tpu.vector_load_idx %gather3A_1645[%add3A_1480, %broadcast_in_dim3A_1640] : memref<640x32xf32, #tpu.memory_space<vmem>>[vector<16xi32>, vector<16xi32>], vector<16xf32>,
        %mul3A_1647 = arith.mulf %gather3A_1646, %gather3A_1235 : vector<16xf32>
        %add3A_1648 = arith.addf %add3A_1608, %mul3A_1647 : vector<16xf32>
        %broadcast_in_dim3A_1649 = arith.constant 16 : i32
        %broadcast_in_dim3A_1650 = vector.broadcast %broadcast_in_dim3A_1649 : i32 to vector<16xi32>
        %gather3A_1651 = arith.constant 1 : i32
        %gather3A_1652 = arith.constant 0 : i32
        %gather3A_1653 = arith.constant 0 : i32
        %gather3A_1654 = tpu.memref_slice %arg14[%gather3A_1651, %gather3A_1652, %gather3A_1653] : memref<2x640x32xf32, #tpu.memory_space<vmem>> -> memref<1x640x32xf32, #tpu.memory_space<vmem>>
        %gather3A_1655 = tpu.memref_squeeze %gather3A_1654 : memref<1x640x32xf32, #tpu.memory_space<vmem>> -> memref<640x32xf32, #tpu.memory_space<vmem>>
        %gather3A_1656 = tpu.vector_load_idx %gather3A_1655[%add3A_1480, %broadcast_in_dim3A_1650] : memref<640x32xf32, #tpu.memory_space<vmem>>[vector<16xi32>, vector<16xi32>], vector<16xf32>,
        %mul3A_1657 = arith.mulf %gather3A_1656, %gather3A_1238 : vector<16xf32>
        %add3A_1658 = arith.addf %add3A_1618, %mul3A_1657 : vector<16xf32>
        %broadcast_in_dim3A_1659 = arith.constant 17 : i32
        %broadcast_in_dim3A_1660 = vector.broadcast %broadcast_in_dim3A_1659 : i32 to vector<16xi32>
        %gather3A_1661 = arith.constant 1 : i32
        %gather3A_1662 = arith.constant 0 : i32
        %gather3A_1663 = arith.constant 0 : i32
        %gather3A_1664 = tpu.memref_slice %arg14[%gather3A_1661, %gather3A_1662, %gather3A_1663] : memref<2x640x32xf32, #tpu.memory_space<vmem>> -> memref<1x640x32xf32, #tpu.memory_space<vmem>>
        %gather3A_1665 = tpu.memref_squeeze %gather3A_1664 : memref<1x640x32xf32, #tpu.memory_space<vmem>> -> memref<640x32xf32, #tpu.memory_space<vmem>>
        %gather3A_1666 = tpu.vector_load_idx %gather3A_1665[%add3A_1480, %broadcast_in_dim3A_1660] : memref<640x32xf32, #tpu.memory_space<vmem>>[vector<16xi32>, vector<16xi32>], vector<16xf32>,
        %mul3A_1667 = arith.mulf %gather3A_1666, %gather3A_1241 : vector<16xf32>
        %add3A_1668 = arith.addf %add3A_1628, %mul3A_1667 : vector<16xf32>
        %broadcast_in_dim3A_1669 = arith.constant 18 : i32
        %broadcast_in_dim3A_1670 = vector.broadcast %broadcast_in_dim3A_1669 : i32 to vector<16xi32>
        %gather3A_1671 = arith.constant 1 : i32
        %gather3A_1672 = arith.constant 0 : i32
        %gather3A_1673 = arith.constant 0 : i32
        %gather3A_1674 = tpu.memref_slice %arg14[%gather3A_1671, %gather3A_1672, %gather3A_1673] : memref<2x640x32xf32, #tpu.memory_space<vmem>> -> memref<1x640x32xf32, #tpu.memory_space<vmem>>
        %gather3A_1675 = tpu.memref_squeeze %gather3A_1674 : memref<1x640x32xf32, #tpu.memory_space<vmem>> -> memref<640x32xf32, #tpu.memory_space<vmem>>
        %gather3A_1676 = tpu.vector_load_idx %gather3A_1675[%add3A_1480, %broadcast_in_dim3A_1670] : memref<640x32xf32, #tpu.memory_space<vmem>>[vector<16xi32>, vector<16xi32>], vector<16xf32>,
        %mul3A_1677 = arith.mulf %gather3A_1676, %gather3A_1244 : vector<16xf32>
        %add3A_1678 = arith.addf %add3A_1638, %mul3A_1677 : vector<16xf32>
        %broadcast_in_dim3A_1679 = arith.constant 19 : i32
        %broadcast_in_dim3A_1680 = vector.broadcast %broadcast_in_dim3A_1679 : i32 to vector<16xi32>
        %gather3A_1681 = arith.constant 1 : i32
        %gather3A_1682 = arith.constant 0 : i32
        %gather3A_1683 = arith.constant 0 : i32
        %gather3A_1684 = tpu.memref_slice %arg14[%gather3A_1681, %gather3A_1682, %gather3A_1683] : memref<2x640x32xf32, #tpu.memory_space<vmem>> -> memref<1x640x32xf32, #tpu.memory_space<vmem>>
        %gather3A_1685 = tpu.memref_squeeze %gather3A_1684 : memref<1x640x32xf32, #tpu.memory_space<vmem>> -> memref<640x32xf32, #tpu.memory_space<vmem>>
        %gather3A_1686 = tpu.vector_load_idx %gather3A_1685[%add3A_1480, %broadcast_in_dim3A_1680] : memref<640x32xf32, #tpu.memory_space<vmem>>[vector<16xi32>, vector<16xi32>], vector<16xf32>,
        %mul3A_1687 = arith.mulf %gather3A_1686, %gather3A_1247 : vector<16xf32>
        %add3A_1688 = arith.addf %add3A_1648, %mul3A_1687 : vector<16xf32>
        %broadcast_in_dim3A_1689 = arith.constant 20 : i32
        %broadcast_in_dim3A_1690 = vector.broadcast %broadcast_in_dim3A_1689 : i32 to vector<16xi32>
        %gather3A_1691 = arith.constant 1 : i32
        %gather3A_1692 = arith.constant 0 : i32
        %gather3A_1693 = arith.constant 0 : i32
        %gather3A_1694 = tpu.memref_slice %arg14[%gather3A_1691, %gather3A_1692, %gather3A_1693] : memref<2x640x32xf32, #tpu.memory_space<vmem>> -> memref<1x640x32xf32, #tpu.memory_space<vmem>>
        %gather3A_1695 = tpu.memref_squeeze %gather3A_1694 : memref<1x640x32xf32, #tpu.memory_space<vmem>> -> memref<640x32xf32, #tpu.memory_space<vmem>>
        %gather3A_1696 = tpu.vector_load_idx %gather3A_1695[%add3A_1480, %broadcast_in_dim3A_1690] : memref<640x32xf32, #tpu.memory_space<vmem>>[vector<16xi32>, vector<16xi32>], vector<16xf32>,
        %mul3A_1697 = arith.mulf %gather3A_1696, %gather3A_1250 : vector<16xf32>
        %add3A_1698 = arith.addf %add3A_1658, %mul3A_1697 : vector<16xf32>
        %broadcast_in_dim3A_1699 = arith.constant 21 : i32
        %broadcast_in_dim3A_1700 = vector.broadcast %broadcast_in_dim3A_1699 : i32 to vector<16xi32>
        %gather3A_1701 = arith.constant 1 : i32
        %gather3A_1702 = arith.constant 0 : i32
        %gather3A_1703 = arith.constant 0 : i32
        %gather3A_1704 = tpu.memref_slice %arg14[%gather3A_1701, %gather3A_1702, %gather3A_1703] : memref<2x640x32xf32, #tpu.memory_space<vmem>> -> memref<1x640x32xf32, #tpu.memory_space<vmem>>
        %gather3A_1705 = tpu.memref_squeeze %gather3A_1704 : memref<1x640x32xf32, #tpu.memory_space<vmem>> -> memref<640x32xf32, #tpu.memory_space<vmem>>
        %gather3A_1706 = tpu.vector_load_idx %gather3A_1705[%add3A_1480, %broadcast_in_dim3A_1700] : memref<640x32xf32, #tpu.memory_space<vmem>>[vector<16xi32>, vector<16xi32>], vector<16xf32>,
        %mul3A_1707 = arith.mulf %gather3A_1706, %gather3A_1253 : vector<16xf32>
        %add3A_1708 = arith.addf %add3A_1668, %mul3A_1707 : vector<16xf32>
        %broadcast_in_dim3A_1709 = arith.constant 22 : i32
        %broadcast_in_dim3A_1710 = vector.broadcast %broadcast_in_dim3A_1709 : i32 to vector<16xi32>
        %gather3A_1711 = arith.constant 1 : i32
        %gather3A_1712 = arith.constant 0 : i32
        %gather3A_1713 = arith.constant 0 : i32
        %gather3A_1714 = tpu.memref_slice %arg14[%gather3A_1711, %gather3A_1712, %gather3A_1713] : memref<2x640x32xf32, #tpu.memory_space<vmem>> -> memref<1x640x32xf32, #tpu.memory_space<vmem>>
        %gather3A_1715 = tpu.memref_squeeze %gather3A_1714 : memref<1x640x32xf32, #tpu.memory_space<vmem>> -> memref<640x32xf32, #tpu.memory_space<vmem>>
        %gather3A_1716 = tpu.vector_load_idx %gather3A_1715[%add3A_1480, %broadcast_in_dim3A_1710] : memref<640x32xf32, #tpu.memory_space<vmem>>[vector<16xi32>, vector<16xi32>], vector<16xf32>,
        %mul3A_1717 = arith.mulf %gather3A_1716, %gather3A_1256 : vector<16xf32>
        %add3A_1718 = arith.addf %add3A_1678, %mul3A_1717 : vector<16xf32>
        %broadcast_in_dim3A_1719 = arith.constant 23 : i32
        %broadcast_in_dim3A_1720 = vector.broadcast %broadcast_in_dim3A_1719 : i32 to vector<16xi32>
        %gather3A_1721 = arith.constant 1 : i32
        %gather3A_1722 = arith.constant 0 : i32
        %gather3A_1723 = arith.constant 0 : i32
        %gather3A_1724 = tpu.memref_slice %arg14[%gather3A_1721, %gather3A_1722, %gather3A_1723] : memref<2x640x32xf32, #tpu.memory_space<vmem>> -> memref<1x640x32xf32, #tpu.memory_space<vmem>>
        %gather3A_1725 = tpu.memref_squeeze %gather3A_1724 : memref<1x640x32xf32, #tpu.memory_space<vmem>> -> memref<640x32xf32, #tpu.memory_space<vmem>>
        %gather3A_1726 = tpu.vector_load_idx %gather3A_1725[%add3A_1480, %broadcast_in_dim3A_1720] : memref<640x32xf32, #tpu.memory_space<vmem>>[vector<16xi32>, vector<16xi32>], vector<16xf32>,
        %mul3A_1727 = arith.mulf %gather3A_1726, %gather3A_1259 : vector<16xf32>
        %add3A_1728 = arith.addf %add3A_1688, %mul3A_1727 : vector<16xf32>
        %broadcast_in_dim3A_1729 = arith.constant 24 : i32
        %broadcast_in_dim3A_1730 = vector.broadcast %broadcast_in_dim3A_1729 : i32 to vector<16xi32>
        %gather3A_1731 = arith.constant 1 : i32
        %gather3A_1732 = arith.constant 0 : i32
        %gather3A_1733 = arith.constant 0 : i32
        %gather3A_1734 = tpu.memref_slice %arg14[%gather3A_1731, %gather3A_1732, %gather3A_1733] : memref<2x640x32xf32, #tpu.memory_space<vmem>> -> memref<1x640x32xf32, #tpu.memory_space<vmem>>
        %gather3A_1735 = tpu.memref_squeeze %gather3A_1734 : memref<1x640x32xf32, #tpu.memory_space<vmem>> -> memref<640x32xf32, #tpu.memory_space<vmem>>
        %gather3A_1736 = tpu.vector_load_idx %gather3A_1735[%add3A_1480, %broadcast_in_dim3A_1730] : memref<640x32xf32, #tpu.memory_space<vmem>>[vector<16xi32>, vector<16xi32>], vector<16xf32>,
        %mul3A_1737 = arith.mulf %gather3A_1736, %gather3A_1262 : vector<16xf32>
        %add3A_1738 = arith.addf %add3A_1698, %mul3A_1737 : vector<16xf32>
        %broadcast_in_dim3A_1739 = arith.constant 25 : i32
        %broadcast_in_dim3A_1740 = vector.broadcast %broadcast_in_dim3A_1739 : i32 to vector<16xi32>
        %gather3A_1741 = arith.constant 1 : i32
        %gather3A_1742 = arith.constant 0 : i32
        %gather3A_1743 = arith.constant 0 : i32
        %gather3A_1744 = tpu.memref_slice %arg14[%gather3A_1741, %gather3A_1742, %gather3A_1743] : memref<2x640x32xf32, #tpu.memory_space<vmem>> -> memref<1x640x32xf32, #tpu.memory_space<vmem>>
        %gather3A_1745 = tpu.memref_squeeze %gather3A_1744 : memref<1x640x32xf32, #tpu.memory_space<vmem>> -> memref<640x32xf32, #tpu.memory_space<vmem>>
        %gather3A_1746 = tpu.vector_load_idx %gather3A_1745[%add3A_1480, %broadcast_in_dim3A_1740] : memref<640x32xf32, #tpu.memory_space<vmem>>[vector<16xi32>, vector<16xi32>], vector<16xf32>,
        %mul3A_1747 = arith.mulf %gather3A_1746, %gather3A_1265 : vector<16xf32>
        %add3A_1748 = arith.addf %add3A_1708, %mul3A_1747 : vector<16xf32>
        %broadcast_in_dim3A_1749 = arith.constant 26 : i32
        %broadcast_in_dim3A_1750 = vector.broadcast %broadcast_in_dim3A_1749 : i32 to vector<16xi32>
        %gather3A_1751 = arith.constant 1 : i32
        %gather3A_1752 = arith.constant 0 : i32
        %gather3A_1753 = arith.constant 0 : i32
        %gather3A_1754 = tpu.memref_slice %arg14[%gather3A_1751, %gather3A_1752, %gather3A_1753] : memref<2x640x32xf32, #tpu.memory_space<vmem>> -> memref<1x640x32xf32, #tpu.memory_space<vmem>>
        %gather3A_1755 = tpu.memref_squeeze %gather3A_1754 : memref<1x640x32xf32, #tpu.memory_space<vmem>> -> memref<640x32xf32, #tpu.memory_space<vmem>>
        %gather3A_1756 = tpu.vector_load_idx %gather3A_1755[%add3A_1480, %broadcast_in_dim3A_1750] : memref<640x32xf32, #tpu.memory_space<vmem>>[vector<16xi32>, vector<16xi32>], vector<16xf32>,
        %mul3A_1757 = arith.mulf %gather3A_1756, %gather3A_1268 : vector<16xf32>
        %add3A_1758 = arith.addf %add3A_1718, %mul3A_1757 : vector<16xf32>
        %broadcast_in_dim3A_1759 = arith.constant 27 : i32
        %broadcast_in_dim3A_1760 = vector.broadcast %broadcast_in_dim3A_1759 : i32 to vector<16xi32>
        %gather3A_1761 = arith.constant 1 : i32
        %gather3A_1762 = arith.constant 0 : i32
        %gather3A_1763 = arith.constant 0 : i32
        %gather3A_1764 = tpu.memref_slice %arg14[%gather3A_1761, %gather3A_1762, %gather3A_1763] : memref<2x640x32xf32, #tpu.memory_space<vmem>> -> memref<1x640x32xf32, #tpu.memory_space<vmem>>
        %gather3A_1765 = tpu.memref_squeeze %gather3A_1764 : memref<1x640x32xf32, #tpu.memory_space<vmem>> -> memref<640x32xf32, #tpu.memory_space<vmem>>
        %gather3A_1766 = tpu.vector_load_idx %gather3A_1765[%add3A_1480, %broadcast_in_dim3A_1760] : memref<640x32xf32, #tpu.memory_space<vmem>>[vector<16xi32>, vector<16xi32>], vector<16xf32>,
        %mul3A_1767 = arith.mulf %gather3A_1766, %gather3A_1271 : vector<16xf32>
        %add3A_1768 = arith.addf %add3A_1728, %mul3A_1767 : vector<16xf32>
        %broadcast_in_dim3A_1769 = arith.constant 28 : i32
        %broadcast_in_dim3A_1770 = vector.broadcast %broadcast_in_dim3A_1769 : i32 to vector<16xi32>
        %gather3A_1771 = arith.constant 1 : i32
        %gather3A_1772 = arith.constant 0 : i32
        %gather3A_1773 = arith.constant 0 : i32
        %gather3A_1774 = tpu.memref_slice %arg14[%gather3A_1771, %gather3A_1772, %gather3A_1773] : memref<2x640x32xf32, #tpu.memory_space<vmem>> -> memref<1x640x32xf32, #tpu.memory_space<vmem>>
        %gather3A_1775 = tpu.memref_squeeze %gather3A_1774 : memref<1x640x32xf32, #tpu.memory_space<vmem>> -> memref<640x32xf32, #tpu.memory_space<vmem>>
        %gather3A_1776 = tpu.vector_load_idx %gather3A_1775[%add3A_1480, %broadcast_in_dim3A_1770] : memref<640x32xf32, #tpu.memory_space<vmem>>[vector<16xi32>, vector<16xi32>], vector<16xf32>,
        %mul3A_1777 = arith.mulf %gather3A_1776, %gather3A_1274 : vector<16xf32>
        %add3A_1778 = arith.addf %add3A_1738, %mul3A_1777 : vector<16xf32>
        %broadcast_in_dim3A_1779 = arith.constant 29 : i32
        %broadcast_in_dim3A_1780 = vector.broadcast %broadcast_in_dim3A_1779 : i32 to vector<16xi32>
        %gather3A_1781 = arith.constant 1 : i32
        %gather3A_1782 = arith.constant 0 : i32
        %gather3A_1783 = arith.constant 0 : i32
        %gather3A_1784 = tpu.memref_slice %arg14[%gather3A_1781, %gather3A_1782, %gather3A_1783] : memref<2x640x32xf32, #tpu.memory_space<vmem>> -> memref<1x640x32xf32, #tpu.memory_space<vmem>>
        %gather3A_1785 = tpu.memref_squeeze %gather3A_1784 : memref<1x640x32xf32, #tpu.memory_space<vmem>> -> memref<640x32xf32, #tpu.memory_space<vmem>>
        %gather3A_1786 = tpu.vector_load_idx %gather3A_1785[%add3A_1480, %broadcast_in_dim3A_1780] : memref<640x32xf32, #tpu.memory_space<vmem>>[vector<16xi32>, vector<16xi32>], vector<16xf32>,
        %mul3A_1787 = arith.mulf %gather3A_1786, %gather3A_1277 : vector<16xf32>
        %add3A_1788 = arith.addf %add3A_1748, %mul3A_1787 : vector<16xf32>
        %broadcast_in_dim3A_1789 = arith.constant 30 : i32
        %broadcast_in_dim3A_1790 = vector.broadcast %broadcast_in_dim3A_1789 : i32 to vector<16xi32>
        %gather3A_1791 = arith.constant 1 : i32
        %gather3A_1792 = arith.constant 0 : i32
        %gather3A_1793 = arith.constant 0 : i32
        %gather3A_1794 = tpu.memref_slice %arg14[%gather3A_1791, %gather3A_1792, %gather3A_1793] : memref<2x640x32xf32, #tpu.memory_space<vmem>> -> memref<1x640x32xf32, #tpu.memory_space<vmem>>
        %gather3A_1795 = tpu.memref_squeeze %gather3A_1794 : memref<1x640x32xf32, #tpu.memory_space<vmem>> -> memref<640x32xf32, #tpu.memory_space<vmem>>
        %gather3A_1796 = tpu.vector_load_idx %gather3A_1795[%add3A_1480, %broadcast_in_dim3A_1790] : memref<640x32xf32, #tpu.memory_space<vmem>>[vector<16xi32>, vector<16xi32>], vector<16xf32>,
        %mul3A_1797 = arith.mulf %gather3A_1796, %gather3A_1280 : vector<16xf32>
        %add3A_1798 = arith.addf %add3A_1758, %mul3A_1797 : vector<16xf32>
        %broadcast_in_dim3A_1799 = arith.constant 31 : i32
        %broadcast_in_dim3A_1800 = vector.broadcast %broadcast_in_dim3A_1799 : i32 to vector<16xi32>
        %gather3A_1801 = arith.constant 1 : i32
        %gather3A_1802 = arith.constant 0 : i32
        %gather3A_1803 = arith.constant 0 : i32
        %gather3A_1804 = tpu.memref_slice %arg14[%gather3A_1801, %gather3A_1802, %gather3A_1803] : memref<2x640x32xf32, #tpu.memory_space<vmem>> -> memref<1x640x32xf32, #tpu.memory_space<vmem>>
        %gather3A_1805 = tpu.memref_squeeze %gather3A_1804 : memref<1x640x32xf32, #tpu.memory_space<vmem>> -> memref<640x32xf32, #tpu.memory_space<vmem>>
        %gather3A_1806 = tpu.vector_load_idx %gather3A_1805[%add3A_1480, %broadcast_in_dim3A_1800] : memref<640x32xf32, #tpu.memory_space<vmem>>[vector<16xi32>, vector<16xi32>], vector<16xf32>,
        %mul3A_1807 = arith.mulf %gather3A_1806, %gather3A_1283 : vector<16xf32>
        %add3A_1808 = arith.addf %add3A_1768, %mul3A_1807 : vector<16xf32>
        %add3A_1809 = vector.broadcast %mul3A_1458 : i32 to vector<16xi32>
        %add3A_1810 = arith.addi %add3A_1809, %mul3A_287 : vector<16xi32>
        %add3A_1811 = vector.broadcast %add3A_1475 : i32 to vector<16xi32>
        %add3A_1812 = arith.addi %add3A_1810, %add3A_1811 : vector<16xi32>
        %add3A_1813 = arith.addf %add3A_1778, %add3A_1788 : vector<16xf32>
        %add3A_1814 = arith.addf %add3A_1798, %add3A_1808 : vector<16xf32>
        %add3A_1815 = arith.addf %add3A_1813, %add3A_1814 : vector<16xf32>
        tpu.vector_store_idx %arg16[%add3A_1812], %add3A_1815 : memref<10240xf32, #tpu.memory_space<vmem>>[vector<16xi32>], vector<16xf32>,
      }
      %scan3A_1463 = arith.constant 20 : i32
      %add3A_1464 = arith.constant 2 : i32
      %add3A_1465 = arith.addi %add3A_884, %add3A_1464 : i32
      %lt3A_1466 = arith.constant 16 : i32
      %lt3A_1467 = arith.cmpi slt, %add3A_1465, %lt3A_1466 : i32
      %convert_element_type3A_1468 = arith.extui %lt3A_1467 : i1 to i32
      %cond3A_1469 = arith.constant 0 : i32
      %cond3A_1470 = arith.cmpi ne, %convert_element_type3A_1468, %cond3A_1469 : i32
      scf.if %cond3A_1470 {
        %add3A_1471 = arith.constant 2 : i32
        %add3A_1472 = arith.addi %add3A_884, %add3A_1471 : i32
        %mul3A_1473 = arith.constant 5 : i32
        %mul3A_1474 = arith.muli %add3A_1472, %mul3A_1473 : i32
        %add3A_1475 = arith.constant 0 : i32
        %add3A_1476 = arith.addi %mul3A_1474, %add3A_1475 : i32
        %dma_start3A_1477 = arith.constant 1 : i32
        %dma_start3A_1478 = arith.constant 0 : i32
        %dma_start3A_1479 = arith.constant 0 : i32
        %dma_start3A_1480 = tpu.memref_slice %arg14[%dma_start3A_1477, %dma_start3A_1478, %dma_start3A_1479] : memref<2x640x32xf32, #tpu.memory_space<vmem>> -> memref<1x128x32xf32, #tpu.memory_space<vmem>>
        %dma_start3A_1481 = tpu.memref_squeeze %dma_start3A_1480 : memref<1x128x32xf32, #tpu.memory_space<vmem>> -> memref<128x32xf32, #tpu.memory_space<vmem>>
        %dma_start3A_1482 = arith.constant 0 : i32
        %dma_start3A_1483 = tpu.memref_slice %arg11[%add3A_1476, %dma_start3A_1482] : memref<80x128xi32, #tpu.memory_space<vmem>> -> memref<1x128xi32, #tpu.memory_space<vmem>>
        %dma_start3A_1484 = tpu.memref_squeeze %dma_start3A_1483 : memref<1x128xi32, #tpu.memory_space<vmem>> -> memref<128xi32, #tpu.memory_space<vmem>>
        %dma_start3A_1485 = arith.constant 0 : i32
        %dma_start3A_1486 = arith.constant 0 : i32
        %dma_start3A_1487 = tpu.memref_slice %arg3[%dma_start3A_1485, %dma_start3A_1486] : memref<1000000x32xf32, #tpu.memory_space<hbm>> -> memref<1000000x32xf32, #tpu.memory_space<hbm>>
        tpu.enqueue_indirect_dma source(%dma_start3A_1487 : memref<1000000x32xf32, #tpu.memory_space<hbm>>) target(%dma_start3A_1481 : memref<128x32xf32, #tpu.memory_space<vmem>>) offsets(%dma_start3A_1484 : memref<128xi32, #tpu.memory_space<vmem>>) semaphore(%arg19 : memref<!tpu.dma_semaphore, #tpu.memory_space<semaphore_mem>>)
        %mul3A_1488 = arith.constant 5 : i32
        %mul3A_1489 = arith.muli %add3A_1472, %mul3A_1488 : i32
        %add3A_1490 = arith.constant 1 : i32
        %add3A_1491 = arith.addi %mul3A_1489, %add3A_1490 : i32
        %dma_start3A_1492 = arith.constant 1 : i32
        %dma_start3A_1493 = arith.constant 128 : i32
        %dma_start3A_1494 = arith.constant 0 : i32
        %dma_start3A_1495 = tpu.memref_slice %arg14[%dma_start3A_1492, %dma_start3A_1493, %dma_start3A_1494] : memref<2x640x32xf32, #tpu.memory_space<vmem>> -> memref<1x128x32xf32, #tpu.memory_space<vmem>>
        %dma_start3A_1496 = tpu.memref_squeeze %dma_start3A_1495 : memref<1x128x32xf32, #tpu.memory_space<vmem>> -> memref<128x32xf32, #tpu.memory_space<vmem>>
        %dma_start3A_1497 = arith.constant 0 : i32
        %dma_start3A_1498 = tpu.memref_slice %arg11[%add3A_1491, %dma_start3A_1497] : memref<80x128xi32, #tpu.memory_space<vmem>> -> memref<1x128xi32, #tpu.memory_space<vmem>>
        %dma_start3A_1499 = tpu.memref_squeeze %dma_start3A_1498 : memref<1x128xi32, #tpu.memory_space<vmem>> -> memref<128xi32, #tpu.memory_space<vmem>>
        %dma_start3A_1500 = arith.constant 0 : i32
        %dma_start3A_1501 = arith.constant 0 : i32
        %dma_start3A_1502 = tpu.memref_slice %arg3[%dma_start3A_1500, %dma_start3A_1501] : memref<1000000x32xf32, #tpu.memory_space<hbm>> -> memref<1000000x32xf32, #tpu.memory_space<hbm>>
        tpu.enqueue_indirect_dma source(%dma_start3A_1502 : memref<1000000x32xf32, #tpu.memory_space<hbm>>) target(%dma_start3A_1496 : memref<128x32xf32, #tpu.memory_space<vmem>>) offsets(%dma_start3A_1499 : memref<128xi32, #tpu.memory_space<vmem>>) semaphore(%arg19 : memref<!tpu.dma_semaphore, #tpu.memory_space<semaphore_mem>>)
        %mul3A_1503 = arith.constant 5 : i32
        %mul3A_1504 = arith.muli %add3A_1472, %mul3A_1503 : i32
        %add3A_1505 = arith.constant 2 : i32
        %add3A_1506 = arith.addi %mul3A_1504, %add3A_1505 : i32
        %dma_start3A_1507 = arith.constant 1 : i32
        %dma_start3A_1508 = arith.constant 256 : i32
        %dma_start3A_1509 = arith.constant 0 : i32
        %dma_start3A_1510 = tpu.memref_slice %arg14[%dma_start3A_1507, %dma_start3A_1508, %dma_start3A_1509] : memref<2x640x32xf32, #tpu.memory_space<vmem>> -> memref<1x128x32xf32, #tpu.memory_space<vmem>>
        %dma_start3A_1511 = tpu.memref_squeeze %dma_start3A_1510 : memref<1x128x32xf32, #tpu.memory_space<vmem>> -> memref<128x32xf32, #tpu.memory_space<vmem>>
        %dma_start3A_1512 = arith.constant 0 : i32
        %dma_start3A_1513 = tpu.memref_slice %arg11[%add3A_1506, %dma_start3A_1512] : memref<80x128xi32, #tpu.memory_space<vmem>> -> memref<1x128xi32, #tpu.memory_space<vmem>>
        %dma_start3A_1514 = tpu.memref_squeeze %dma_start3A_1513 : memref<1x128xi32, #tpu.memory_space<vmem>> -> memref<128xi32, #tpu.memory_space<vmem>>
        %dma_start3A_1515 = arith.constant 0 : i32
        %dma_start3A_1516 = arith.constant 0 : i32
        %dma_start3A_1517 = tpu.memref_slice %arg3[%dma_start3A_1515, %dma_start3A_1516] : memref<1000000x32xf32, #tpu.memory_space<hbm>> -> memref<1000000x32xf32, #tpu.memory_space<hbm>>
        tpu.enqueue_indirect_dma source(%dma_start3A_1517 : memref<1000000x32xf32, #tpu.memory_space<hbm>>) target(%dma_start3A_1511 : memref<128x32xf32, #tpu.memory_space<vmem>>) offsets(%dma_start3A_1514 : memref<128xi32, #tpu.memory_space<vmem>>) semaphore(%arg19 : memref<!tpu.dma_semaphore, #tpu.memory_space<semaphore_mem>>)
        %mul3A_1518 = arith.constant 5 : i32
        %mul3A_1519 = arith.muli %add3A_1472, %mul3A_1518 : i32
        %add3A_1520 = arith.constant 3 : i32
        %add3A_1521 = arith.addi %mul3A_1519, %add3A_1520 : i32
        %dma_start3A_1522 = arith.constant 1 : i32
        %dma_start3A_1523 = arith.constant 384 : i32
        %dma_start3A_1524 = arith.constant 0 : i32
        %dma_start3A_1525 = tpu.memref_slice %arg14[%dma_start3A_1522, %dma_start3A_1523, %dma_start3A_1524] : memref<2x640x32xf32, #tpu.memory_space<vmem>> -> memref<1x128x32xf32, #tpu.memory_space<vmem>>
        %dma_start3A_1526 = tpu.memref_squeeze %dma_start3A_1525 : memref<1x128x32xf32, #tpu.memory_space<vmem>> -> memref<128x32xf32, #tpu.memory_space<vmem>>
        %dma_start3A_1527 = arith.constant 0 : i32
        %dma_start3A_1528 = tpu.memref_slice %arg11[%add3A_1521, %dma_start3A_1527] : memref<80x128xi32, #tpu.memory_space<vmem>> -> memref<1x128xi32, #tpu.memory_space<vmem>>
        %dma_start3A_1529 = tpu.memref_squeeze %dma_start3A_1528 : memref<1x128xi32, #tpu.memory_space<vmem>> -> memref<128xi32, #tpu.memory_space<vmem>>
        %dma_start3A_1530 = arith.constant 0 : i32
        %dma_start3A_1531 = arith.constant 0 : i32
        %dma_start3A_1532 = tpu.memref_slice %arg3[%dma_start3A_1530, %dma_start3A_1531] : memref<1000000x32xf32, #tpu.memory_space<hbm>> -> memref<1000000x32xf32, #tpu.memory_space<hbm>>
        tpu.enqueue_indirect_dma source(%dma_start3A_1532 : memref<1000000x32xf32, #tpu.memory_space<hbm>>) target(%dma_start3A_1526 : memref<128x32xf32, #tpu.memory_space<vmem>>) offsets(%dma_start3A_1529 : memref<128xi32, #tpu.memory_space<vmem>>) semaphore(%arg19 : memref<!tpu.dma_semaphore, #tpu.memory_space<semaphore_mem>>)
        %mul3A_1533 = arith.constant 5 : i32
        %mul3A_1534 = arith.muli %add3A_1472, %mul3A_1533 : i32
        %add3A_1535 = arith.constant 4 : i32
        %add3A_1536 = arith.addi %mul3A_1534, %add3A_1535 : i32
        %dma_start3A_1537 = arith.constant 1 : i32
        %dma_start3A_1538 = arith.constant 512 : i32
        %dma_start3A_1539 = arith.constant 0 : i32
        %dma_start3A_1540 = tpu.memref_slice %arg14[%dma_start3A_1537, %dma_start3A_1538, %dma_start3A_1539] : memref<2x640x32xf32, #tpu.memory_space<vmem>> -> memref<1x128x32xf32, #tpu.memory_space<vmem>>
        %dma_start3A_1541 = tpu.memref_squeeze %dma_start3A_1540 : memref<1x128x32xf32, #tpu.memory_space<vmem>> -> memref<128x32xf32, #tpu.memory_space<vmem>>
        %dma_start3A_1542 = arith.constant 0 : i32
        %dma_start3A_1543 = tpu.memref_slice %arg11[%add3A_1536, %dma_start3A_1542] : memref<80x128xi32, #tpu.memory_space<vmem>> -> memref<1x128xi32, #tpu.memory_space<vmem>>
        %dma_start3A_1544 = tpu.memref_squeeze %dma_start3A_1543 : memref<1x128xi32, #tpu.memory_space<vmem>> -> memref<128xi32, #tpu.memory_space<vmem>>
        %dma_start3A_1545 = arith.constant 0 : i32
        %dma_start3A_1546 = arith.constant 0 : i32
        %dma_start3A_1547 = tpu.memref_slice %arg3[%dma_start3A_1545, %dma_start3A_1546] : memref<1000000x32xf32, #tpu.memory_space<hbm>> -> memref<1000000x32xf32, #tpu.memory_space<hbm>>
        tpu.enqueue_indirect_dma source(%dma_start3A_1547 : memref<1000000x32xf32, #tpu.memory_space<hbm>>) target(%dma_start3A_1541 : memref<128x32xf32, #tpu.memory_space<vmem>>) offsets(%dma_start3A_1544 : memref<128xi32, #tpu.memory_space<vmem>>) semaphore(%arg19 : memref<!tpu.dma_semaphore, #tpu.memory_space<semaphore_mem>>)
      } else {
      }
    }
    %scan3A_291 = arith.constant 8 : i32
    %mul3A_292 = arith.constant 512 : i32
    %mul3A_293 = arith.muli %add3A, %mul3A_292 : i32
    "tpu.region"() ({
      %run_scoped3A = tpu.sem_alloc : memref<!tpu.dma_semaphore, #tpu.memory_space<semaphore_mem>>
      %dma_start3A_296 = tpu.memref_slice %arg7[%mul3A_293] : memref<16384xf32, #tpu.memory_space<hbm>> -> memref<512xf32, #tpu.memory_space<hbm>>
      %dma_start3A_297 = tpu.memref_slice %arg7[%mul3A_293] : memref<16384xf32, #tpu.memory_space<hbm>> -> memref<512xf32, #tpu.memory_space<hbm>>
      tpu.enqueue_dma source(%arg15 : memref<512xf32, #tpu.memory_space<vmem>>) target(%dma_start3A_297 : memref<512xf32, #tpu.memory_space<hbm>>) target_semaphore(%run_scoped3A : memref<!tpu.dma_semaphore, #tpu.memory_space<semaphore_mem>>)
      %dma_wait3A_298 = tpu.memref_slice %arg7[%mul3A_293] : memref<16384xf32, #tpu.memory_space<hbm>> -> memref<512xf32, #tpu.memory_space<hbm>>
      %dma_wait3A_299 = tpu.memref_slice %arg7[%mul3A_293] : memref<16384xf32, #tpu.memory_space<hbm>> -> memref<512xf32, #tpu.memory_space<hbm>>
      tpu.wait_dma2 semaphore(%run_scoped3A : memref<!tpu.dma_semaphore, #tpu.memory_space<semaphore_mem>>) src(%arg15 : memref<512xf32, #tpu.memory_space<vmem>>) dst(%dma_wait3A_299 : memref<512xf32, #tpu.memory_space<hbm>>)
      tpu.yield
    }) : () -> ()
    %mul3A_294 = arith.constant 10240 : i32
    %mul3A_295 = arith.muli %add3A, %mul3A_294 : i32
    "tpu.region"() ({
      %run_scoped3A = tpu.sem_alloc : memref<!tpu.dma_semaphore, #tpu.memory_space<semaphore_mem>>
      %dma_start3A_296 = tpu.memref_slice %arg8[%mul3A_295] : memref<327680xf32, #tpu.memory_space<hbm>> -> memref<10240xf32, #tpu.memory_space<hbm>>
      %dma_start3A_297 = tpu.memref_slice %arg8[%mul3A_295] : memref<327680xf32, #tpu.memory_space<hbm>> -> memref<10240xf32, #tpu.memory_space<hbm>>
      tpu.enqueue_dma source(%arg16 : memref<10240xf32, #tpu.memory_space<vmem>>) target(%dma_start3A_297 : memref<10240xf32, #tpu.memory_space<hbm>>) target_semaphore(%run_scoped3A : memref<!tpu.dma_semaphore, #tpu.memory_space<semaphore_mem>>)
      %dma_wait3A_298 = tpu.memref_slice %arg8[%mul3A_295] : memref<327680xf32, #tpu.memory_space<hbm>> -> memref<10240xf32, #tpu.memory_space<hbm>>
      %dma_wait3A_299 = tpu.memref_slice %arg8[%mul3A_295] : memref<327680xf32, #tpu.memory_space<hbm>> -> memref<10240xf32, #tpu.memory_space<hbm>>
      tpu.wait_dma2 semaphore(%run_scoped3A : memref<!tpu.dma_semaphore, #tpu.memory_space<semaphore_mem>>) src(%arg16 : memref<10240xf32, #tpu.memory_space<vmem>>) dst(%dma_wait3A_299 : memref<10240xf32, #tpu.memory_space<hbm>>)
      tpu.yield
    }) : () -> ()
    return
  }
}

module attributes {stable_mosaic.version = 14 : i64} {
  func.func @body(%arg0: memref<128x128xf32, #tpu.memory_space<vmem>>, %arg1: memref<2560x128xf32, #tpu.memory_space<vmem>>, %arg2: memref<1x1xf32, #tpu.memory_space<smem>>) attributes {dimension_semantics = [], scalar_prefetch = 0 : i64, scratch_operands = 0 : i64, tpu.core_type = #tpu.core_type<tc>} {
    %get3A = arith.constant 0 : index
    %get3A_0 = arith.constant 0 : index
    %get3A_1 = vector.load %arg0[%get3A, %get3A_0] : memref<128x128xf32, #tpu.memory_space<vmem>>, vector<128x128xf32>
    %min3A = arith.constant 0.000000e+00 : f32
    %min3A_2 = vector.broadcast %min3A : f32 to vector<128x128xf32>
    %min3A_3 = arith.minimumf %get3A_1, %min3A_2 : vector<128x128xf32>
    %abs3A = math.absf %get3A_1 : vector<128x128xf32>
    %neg3A = arith.constant 0.000000e+00 : f32
    %neg3A_4 = vector.broadcast %neg3A : f32 to vector<128x128xf32>
    %neg3A_5 = arith.subf %neg3A_4, %abs3A : vector<128x128xf32>
    %exp3A = math.exp %neg3A_5 : vector<128x128xf32>
    %log1p3A = math.log1p %exp3A : vector<128x128xf32>
    %sub3A = arith.subf %min3A_3, %log1p3A : vector<128x128xf32>
    %reduce_sum3A = vector.shape_cast %sub3A : vector<128x128xf32> to vector<1x128x128xf32>
    %reduce_sum3A_6 = arith.constant dense<0.000000e+00> : vector<1xf32>
    %reduce_sum3A_7 = vector.multi_reduction <add>, %reduce_sum3A, %reduce_sum3A_6 [1, 2] : vector<1x128x128xf32> to vector<1xf32>
    %reduce_sum3A_8 = vector.shape_cast %reduce_sum3A_7 : vector<1xf32> to vector<1x1x1xf32>
    %reduce_sum3A_9 = vector.extract %reduce_sum3A_8[0, 0, 0] : f32 from vector<1x1x1xf32>
    %get3A_10 = arith.constant 0 : index
    %get3A_11 = arith.constant 0 : index
    %get3A_12 = vector.load %arg1[%get3A_10, %get3A_11] : memref<2560x128xf32, #tpu.memory_space<vmem>>, vector<2560x128xf32>
    %neg3A_13 = arith.constant 0.000000e+00 : f32
    %neg3A_14 = vector.broadcast %neg3A_13 : f32 to vector<2560x128xf32>
    %neg3A_15 = arith.subf %neg3A_14, %get3A_12 : vector<2560x128xf32>
    %min3A_16 = arith.constant 0.000000e+00 : f32
    %min3A_17 = vector.broadcast %min3A_16 : f32 to vector<2560x128xf32>
    %min3A_18 = arith.minimumf %neg3A_15, %min3A_17 : vector<2560x128xf32>
    %abs3A_19 = math.absf %neg3A_15 : vector<2560x128xf32>
    %neg3A_20 = arith.constant 0.000000e+00 : f32
    %neg3A_21 = vector.broadcast %neg3A_20 : f32 to vector<2560x128xf32>
    %neg3A_22 = arith.subf %neg3A_21, %abs3A_19 : vector<2560x128xf32>
    %exp3A_23 = math.exp %neg3A_22 : vector<2560x128xf32>
    %log1p3A_24 = math.log1p %exp3A_23 : vector<2560x128xf32>
    %sub3A_25 = arith.subf %min3A_18, %log1p3A_24 : vector<2560x128xf32>
    %reduce_sum3A_26 = vector.shape_cast %sub3A_25 : vector<2560x128xf32> to vector<1x2560x128xf32>
    %reduce_sum3A_27 = arith.constant dense<0.000000e+00> : vector<1xf32>
    %reduce_sum3A_28 = vector.multi_reduction <add>, %reduce_sum3A_26, %reduce_sum3A_27 [1, 2] : vector<1x2560x128xf32> to vector<1xf32>
    %reduce_sum3A_29 = vector.shape_cast %reduce_sum3A_28 : vector<1xf32> to vector<1x1x1xf32>
    %reduce_sum3A_30 = vector.extract %reduce_sum3A_29[0, 0, 0] : f32 from vector<1x1x1xf32>
    %add3A = arith.addf %reduce_sum3A_9, %reduce_sum3A_30 : f32
    %neg3A_31 = arith.constant 0.000000e+00 : f32
    %neg3A_32 = arith.subf %neg3A_31, %add3A : f32
    %div3A = arith.constant 1.638400e+04 : f32
    %div3A_33 = arith.divf %neg3A_32, %div3A : f32
    %swap3A = arith.constant 0 : index
    %swap3A_34 = arith.constant 0 : index
    %swap3A_35 = memref.load %arg2[%swap3A, %swap3A_34] : memref<1x1xf32, #tpu.memory_space<smem>>
    memref.store %div3A_33, %arg2[%swap3A, %swap3A_34] : memref<1x1xf32, #tpu.memory_space<smem>>
    return
  }
}

</mosaic_0001>

<sc_bundles>
// kernel: kernel.4.cloned.1.call-start
scs
__scs_entry_jumppad:
0x0: {  	(pc) =	sbr.rel $0x88, $3  }
0x1: {  	(tag) =	ssettag $0x0;
	lr =	simm.s32 $0x1  }
0x2: {  	[smem:$0x3F9C] =	sst lr;
	_ =	strace $0xD0000000  }
0x3: {  	_ = 	snop  }
0x4: {  	_ = 	snop  }
0x5: {  	_ = 	snop  }
0x6: {  	_ = 	snop  }
0x7: {  	_ = 	snop  }
__scs_overlays_trampoline_lowered:
0x8: {  	[smem:$0x3FAB] =	sst s0  }
0x9: {  	[smem:$0x3FAC] =	sst s1  }
0xa: {  	[smem:$0x3FAD] =	sst s2  }
0xb: {  	[smem:$0x3FAE] =	sst s3  }
0xc: {  	[smem:$0x3FAF] =	sst s4  }
0xd: {  	[smem:$0x3FB0] =	sst s5  }
0xe: {  	[smem:$0x3FB1] =	sst s6  }
0xf: {  	[smem:$0x3FB2] =	sst s7  }
0x10: {  	[smem:$0x3FB3] =	sst s8  }
0x11: {  	[smem:$0x3FB4] =	sst s9;
	s0 =	simm.s32 @!p0 $0x0  }
0x12: {  	s1 =	sld [smem:$0x3F9A];
	s0 =	simm.s32 @p0 $0x1  }
0x13: {  	[smem:$0x3FB5] =	sst s0;
	s0 =	simm.s32 @!p1 $0x0  }
0x14: {  	s2 =	sld [smem:$0x3F99];
	s0 =	simm.s32 @p1 $0x1  }
0x15: {  	[smem:$0x3FB6] =	sst s0;
	s0 =	simm.s32 @!p2 $0x0  }
0x16: {  	s3 =	sld [smem:$0x3FDB];
	s0 =	simm.s32 @p2 $0x1  }
0x17: {  	s4 =	simm.s32 $0x1BF5;
	[smem:$0x3FB8] =	sst s0  }
0x18: {  	s0 =	sld [smem:$0x3F9B];
	_ =	swait.ge [sflag:s4], $0x0  }
0x19: {  	s7 =	sld [smem:$0x3F9C]  }
0x1a: {  	s8 =	sadd.s32 $0xFFFFE003, lr  }
0x1b: {  	s9 =	sadd.s32 $0xFFFFFEF7, lr;
	s5 =	simm.s32 $0xFFFFFFFF;
	p2 =	slt.u32 s8, $0xFFFFF086  }
0x1c: {  	p1 =	slt.u32 s9, $0xF7A;
	s5 =	simm.s32 @!p2 $0x0  }
0x1d: {  	s5 =	simm.s32 @p1 $0x1;
	p0 =	seq.s32 s7, s2  }
0x1e: {  	s7 =	smul.u32 @!p0 $0xF7A, s2;
	p2 =	seq.s32 @!p0 s5, $0x0  }
0x1f: {  	s9 =	smul.u32 $0xF7A, s1;
	s8 =	simm.s32 @!p0 $0x1BF5;
	p2 =	por !p2, p0  }
0x20: {  	[sflag:s8] =	ssyncset.s32 @!p0 $0xFFFFF086;
	s6 =	sadd.s32 @!p0 s3, s7;
	s7 =	simm.s32 @!p0 $0x108  }
0x21: {  	s3 =	sadd.s32 s3, s9;
	s6 =	sadd.s32 @!p0 $0x88, s6;
	s7 =	simm.s32 @p2 $0x1082  }
0x22: {  	[simem:s7], [sflag:s8] =	dma.local @!p0 [hbm:s6], $0xF7A  }
0x23: {  	s9 =	sor.u32 $0xD0000000, s2;
	s6 =	simm.s32 $0x108;
	_ =	swait.ge @!p0 [sflag:s8], $0x0  }
0x24: {  	s3 =	sadd.s32 $0x88, s3;
	s6 =	simm.s32 @!p1 $0x1082;
	[sflag:s4] =	ssyncset.s32 $0xFFFFF086  }
0x25: {  	[simem:s6], [sflag:s4] =	dma.local [hbm:s3], $0xF7A  }
0x26: {  	[smem:$0x3F9C] =	sst s1;
	(tag) =	ssettag s2;
	_ =	strace s9  }
0x27: {  	s1 =	sld [smem:$0x3FAC]  }
0x28: {  	s2 =	sld [smem:$0x3FAD]  }
0x29: {  	s4 =	sld [smem:$0x3FAF]  }
0x2a: {  	p0 =	seq.s32 s5, $0x0;
	s5 =	sld [smem:$0x3FB0]  }
0x2b: {  	s6 =	sld [smem:$0x3FB1]  }
0x2c: {  	s7 =	sld [smem:$0x3FB2]  }
0x2d: {  	s3 =	simm.s32 $0x108;
	s8 =	sld [smem:$0x3FB3]  }
0x2e: {  	s3 =	simm.s32 @!p0 $0x1082;
	s9 =	sld [smem:$0x3FB4]  }
0x2f: {  	lr =	sadd.s32 s0, s3;
	s0 =	sld [smem:$0x3FAB]  }
0x30: {  	s3 =	sld [smem:$0x3FAE]  }
0x31: {  	[smem:$0x3FB7] =	sst s10  }
0x32: {  	s10 =	sld [smem:$0x3FB5];
	_ =	sdelay $0x3  }
0x33: {  	p0 =	seq.s32 s10, $0x1;
	s10 =	sld [smem:$0x3FB7];
	_ =	sdelay $0x3  }
0x34: {  	[smem:$0x3FB7] =	sst s10  }
0x35: {  	s10 =	sld [smem:$0x3FB6];
	_ =	sdelay $0x3  }
0x36: {  	p1 =	seq.s32 s10, $0x1;
	s10 =	sld [smem:$0x3FB7];
	_ =	sdelay $0x3  }
0x37: {  	[smem:$0x3FB7] =	sst s10  }
0x38: {  	s10 =	sld [smem:$0x3FB8]  }
0x39: {  	_ = 	snop;
	(pc) =	sbr.ind lr, $3  }
0x3a: {  	_ = 	snop  }
0x3b: {  	_ = 	snop  }
0x3c: {  	p2 =	seq.s32 s10, $0x1;
	s10 =	sld [smem:$0x3FB7]  }
0x3d: {  	_ =	shalt  }
0x3e: {  	_ =	shalt  }
0x3f: {  	_ =	shalt  }
0x40: {  	_ =	shalt  }
0x41: {  	_ =	shalt  }
0x42: {  	_ =	shalt  }
0x43: {  	_ =	shalt  }
0x44: {  	_ =	shalt  }
0x45: {  	_ =	shalt  }
0x46: {  	_ =	shalt  }
0x47: {  	_ =	shalt  }
0x48: {  	_ =	shalt  }
0x49: {  	_ =	shalt  }
0x4a: {  	_ =	shalt  }
0x4b: {  	_ =	shalt  }
0x4c: {  	_ =	shalt  }
0x4d: {  	_ =	shalt  }
0x4e: {  	_ =	shalt  }
0x4f: {  	_ =	shalt  }
0x50: {  	_ =	shalt  }
0x51: {  	_ =	shalt  }
0x52: {  	_ =	shalt  }
0x53: {  	_ =	shalt  }
0x54: {  	_ =	shalt  }
0x55: {  	_ =	shalt  }
0x56: {  	_ =	shalt  }
0x57: {  	_ =	shalt  }
0x58: {  	_ =	shalt  }
0x59: {  	_ =	shalt  }
0x5a: {  	_ =	shalt  }
0x5b: {  	_ =	shalt  }
0x5c: {  	_ =	shalt  }
0x5d: {  	_ =	shalt  }
0x5e: {  	_ =	shalt  }
0x5f: {  	_ =	shalt  }
0x60: {  	_ =	shalt  }
0x61: {  	_ =	shalt  }
0x62: {  	_ =	shalt  }
0x63: {  	_ =	shalt  }
0x64: {  	_ =	shalt  }
0x65: {  	_ =	shalt  }
0x66: {  	_ =	shalt  }
0x67: {  	_ =	shalt  }
0x68: {  	_ =	shalt  }
0x69: {  	_ =	shalt  }
0x6a: {  	_ =	shalt  }
0x6b: {  	_ =	shalt  }
0x6c: {  	_ =	shalt  }
0x6d: {  	_ =	shalt  }
0x6e: {  	_ =	shalt  }
0x6f: {  	_ =	shalt  }
0x70: {  	_ =	shalt  }
0x71: {  	_ =	shalt  }
0x72: {  	_ =	shalt  }
0x73: {  	_ =	shalt  }
0x74: {  	_ =	shalt  }
0x75: {  	_ =	shalt  }
0x76: {  	_ =	shalt  }
0x77: {  	_ =	shalt  }
0x78: {  	_ =	shalt  }
0x79: {  	_ =	shalt  }
0x7a: {  	_ =	shalt  }
0x7b: {  	_ =	shalt  }
0x7c: {  	_ =	shalt  }
0x7d: {  	_ =	shalt  }
0x7e: {  	_ =	shalt  }
0x7f: {  	_ =	shalt  }
0x80: {  	_ =	shalt  }
0x81: {  	_ =	shalt  }
0x82: {  	_ =	shalt  }
0x83: {  	_ =	shalt  }
0x84: {  	_ =	shalt  }
0x85: {  	_ =	shalt  }
0x86: {  	_ =	shalt  }
0x87: {  	_ =	shalt  }
.Lfunc_end0:
.L_simem_size_0:
called_computation_lowered:
.L_overlay_start_0:
0x88: {  	s2 =	sld [smem:$0x3FD9]  }
0x89: {  	s3 =	sld [smem:$0x3FFE];
	_ =	sdelay $0x1  }
0x8a: {  	s1 =	srdreg.scid  }
0x8b: {  	s0 =	sand.u32 $0x1, s1  }
0x8c: {  	s17 =	sshll.u32 s0, $0xA;
	s2 =	sadd.s32 s3, s2  }
0x8d: {  	s2 =	sadd.s32 s2, s17  }
0x8e: {  	[smem:$0x3FC3] =	sst s2  }
0x8f: {  	_ = 	snop  }
0x90: {  	s2 =	sld [smem:$0x3FC9]  }
0x91: {  	s18 =	sld [smem:$0x3FC8];
	(tm) =	ssettm $0x1  }
0x92: {  	s4 =	sld [smem:$0x3FFB];
	_ =	sdelay $0x3  }
0x93: {  	_ =	strace s4  }
0x94: {  	s4 =	sld [smem:$0x3FFC];
	_ =	sdelay $0x3  }
0x95: {  	_ =	strace s4  }
0x96: {  	s4 =	sld [smem:$0x3FFD];
	_ =	sdelay $0x3  }
0x97: {  	_ =	strace s4  }
0x98: {  	_ =	strace $0x8FFFFFFF  }
0x99: {  	s19 =	sld [smem:$0x3FDB];
	_ =	sdelay $0x1  }
0x9a: {  	s5 =	simm.s32 $_scs_section_size  }
0x9b: {  	s6 =	simm.s32 $_size__tile_overlayer_lowered;
	s7 =	simm.s32 $_tile_overlayer_lowered  }
0x9c: {  	s22 =	simm.s32 $0x1BFF;
	s21 =	sshll.u32 s7, $0x1;
	s4 =	sadd.s32 s5, s19  }
0x9d: {  	s8 =	simm.s32 $0x0;
	s20 =	sshll.u32 s6, $0x1;
	s6 =	sadd.s32 s21, s4  }
0x9e: {  	[timem:s8], [sflag:s22] =	dma.local [hbm:s6], s20  }
0x9f: {  	_ =	swait.ge [sflag:s22], s20  }
0xa0: {  	s5 =	ssub.s32 $0x0, s20;
	[sflag:s22] =	ssyncset.done $0x0  }
0xa1: {  	[sflag:s22] =	ssyncadd.s32 s5;
	_ =	sdelay $0x1  }
0xa2: {  	s23 =	simm.s32 $0x1B8B  }
0xa3: {  	_ =	swait.ge [sflag:s23], $0x1  }
0xa4: {  	[sflag:s23] =	ssyncset.done $0x0  }
0xa5: {  	s25 =	simm.s32 $0x1B8E;
	s24 =	sld [smem:$0x3FFE];
	[sflag:s23] =	ssyncadd.s32 $0xFFFFFFFF  }
0xa6: {  	s26 =	simm.s32 $execute0_lowered;
	[smem:$0x3FD2] =	sst s25  }
0xa7: {  	s6 =	sshll.u32 s26, $0x1;
	_ =	strace $0x80000046;
	[dreg:$0x1] =	wrdreg $0xFFFFFFFF  }
0xa8: {  	s28 =	simm.s32 $_size_execute0_lowered;
	s4 =	sadd.s32 s4, s6;
	[dreg:$0x0] =	wrdreg $0x0  }
0xa9: {  	s6 =	sshll.u32 s28, $0x1;
	[dreg:$0x2] =	wrdreg s4  }
0xaa: {  	[dreg:$0x3] =	wrdreg s6  }
0xab: {  	[dreg:$0x4] =	wrdreg $0xC0  }
0xac: {  	_ =	task [dreg:s8], $0x5FFFF  }
0xad: {  	[dreg:$0x1] =	wrdreg $0xFFFFFFFF  }
0xae: {  	[dreg:$0x0] =	wrdreg $0x60  }
0xaf: {  	[dreg:$0x2] =	wrdreg s24  }
0xb0: {  	[dreg:$0x3] =	wrdreg s2  }
0xb1: {  	[dreg:$0x4] =	wrdreg s18  }
0xb2: {  	[dreg:$0x5] =	wrdreg $0x9  }
0xb3: {  	_ =	task.clear_ibuf [dreg:s8], $0x6FFFF;
	_ =	strace $0x90000046  }
0xb4: {  	s29 =	simm.s32 $0x9;
	_ =	strace $0x80000048  }
0xb5: {  	_ =	swait.ge [sflag:s29], $0x1  }
0xb6: {  	[sflag:s29] =	ssyncadd.s32 $0xFFFFFFFF  }
0xb7: {  	_ =	strace $0x90000048  }
0xb8: {  	_ =	sfence  }
0xb9: {  	s30 =	sld [smem:$0x0];
	_ =	sdelay $0x2  }
0xba: {  	s31 =	sshll.u32 s1, $0xD;
	s1 =	sshrl.u32 s1, $0x2  }
0xbb: {  	s3 =	sand.u32 $0x4000, s31;
	s1 =	sadd.s32 s1, s30  }
0xbc: {  	s0 =	sor.u32 s3, s0;
	s1 =	sshll.u32 s1, $0x11  }
0xbd: {  	s0 =	sor.u32 s1, s0  }
0xbe: {  	s0 =	sadd.s32 $0x8F2B, s0  }
0xbf: {  	[sflag:s0] =	ssyncadd.remote.s32 $0x1  }
0xc0: {  	_ =	sfence.sel $0xFFFF  }
0xc1: {  	[dreg:$0x0] =	wrdreg $0xFFFFFFFF;
	(pc) =	sbr.abs _section_cstart, $3  }
0xc2: {  	[dreg:$0x1] =	wrdreg $0xFFFFFFFF  }
0xc3: {  	_ =	task.clear_ibuf [dreg:s8], $0x2FFFF;
	_ =	strace $0x9FFFFFFF  }
0xc4: {  	(tm) =	ssettm $0x7FFFFFFF  }
0xc5: {  	_ =	shalt  }
tec
execute0_lowered:
.L_overlay_start_1:
0x0: {  	(tag) =	ssettag $0x1  }
0x1: {  	s0 =	rddreg [dreg:$0x0]  }
0x2: {  	s1 =	rddreg [dreg:$0x1]  }
0x3: {  	s6 =	rddreg [dreg:$0x2]  }
0x4: {  	s2 =	simm.s32 $0x0;
	s3 =	srdreg.scid;
	s5 =	stileid.u32  }
0x5: {  	s14 =	simm.s32 $0x80;
	s15 =	simm.s32 $0x2C00;
	s16 =	simm.s32 $0x6C00  }
0x6: {  	s29 =	simm.s32 $0xAC00;
	s22 =	simm.s32 $0xFC00;
	s24 =	simm.s32 $0x10C00  }
0x7: {  	s26 =	simm.s32 $0x11C00;
	s30 =	simm.s32 $0x12C00;
	s17 =	simm.s32 $0x2  }
0x8: {  	s18 =	simm.s32 $0x14E00;
	s19 =	simm.s32 $0x3;
	s21 =	simm.s32 $0x0  }
0x9: {  	[smem:$0x7FF] =	sst s2;
	s4 =	sand.u32 $0x1, s3;
	s28 =	sshll.u32 s5, $0x1  }
0xa: {  	s3 =	sadd.s32 $0x1313C00, s0;
	_ =	strace $0x80000047;
	s5 =	sor.u32 s4, s28  }
0xb: {  	s8 =	ssub.s32 $0x2, s4;
	s4 =	sadd.s32 $0xF43200, s0;
	s7 =	smul.u32 $0x500, s5  }
.Ltmp0:
0xc: {  	v0 =	vlaneseq.u32;
	s9 =	sshll.u32 s5, $0x6;
	s31 =	sshrl.u32 s8, $0x1;
	(pc) =	sbr.rel .LBB2_1-.Ltmp0, $4  }
0xd: {  	v1 =	vmul.u32 $0x20, v0;
	s10 =	sadd.s32 s9, s0;
	s11 =	ssub.s32 s8, s31;
	s5 =	sadd.s32 s1, s9  }
0xe: {  	v0 =	vmul.u32 $0x14, v0;
	s6 =	sadd.s32 s6, s9;
	s1 =	simm.s32 $0x1;
	s0 =	sadd.s32 s7, s0  }
0xf: {  	[tilespmem:$0x1FFE0] =	vst v1;
	s8 =	sadd.s32 $0x14E00, s10;
	s10 =	smax.u32 s11, $0x1;
	s11 =	simm.s32 $0x4  }
0x10: {  	[tilespmem:$0x1FFF0] =	vst v0;
	s7 =	sadd.s32 $0xE00, s0;
	s9 =	sadd.s32 $0xAE00, s0;
	s0 =	simm.s32 $0x13C00  }
.LBB2_12:
0x11: {  	s12 =	simm.s32 $0x14C00  }
0x12: {  	[hbm4b:s8+s2] =	stream.linear.scatter [tilespmem:s12], [sflag:$0x4], $0x200, $0x38;
	[tilespmem:$0x17600] =	vst v63  }
0x13: {  	s21 =	sadd.s32 $0x1, s21;
	_ =	swait.ge [sflag:s11], $0x200  }
0x14: {  	p0 =	sne.s32 s21, s10;
	[sflag:s11] =	ssyncset.done $0x0  }
.Ltmp1:
0x15: {  	[sflag:s11] =	ssyncadd.s32 $0xFFFFFE00;
	(pc) =	sbr.rel @!p0 .LBB2_13-.Ltmp1, $4  }
0x16: {  	[hbm4b:s9+s2] =	stream.linear.scatter [tilespmem:s18], [sflag:$0x4], $0x2800, $0x38;
	[tilespmem:$0x17600] =	vst v63  }
0x17: {  	_ =	swait.ge [sflag:s11], $0x2800  }
0x18: {  	[sflag:s11] =	ssyncset.done $0x0  }
0x19: {  	[sflag:s11] =	ssyncadd.s32 $0xFFFFD800  }
.LBB2_1:
0x1a: {  	[tilespmem:s2], [sflag:$0x4] =	stream.linear.gather [hbm4b:s5+s2], $0x200, $0x38;
	[tilespmem:$0x17600] =	vst v63  }
0x1b: {  	_ =	swait.ge [sflag:s11], $0x200  }
0x1c: {  	[sflag:s11] =	ssyncset.done $0x0  }
0x1d: {  	s12 =	simm.s32 $0x200;
	[sflag:s11] =	ssyncadd.s32 $0xFFFFFE00  }
0x1e: {  	[tilespmem:s12], [sflag:$0x4] =	stream.linear.gather [hbm4b:s6+s2], $0x200, $0x38;
	[tilespmem:$0x17600] =	vst v63  }
0x1f: {  	_ =	swait.ge [sflag:s11], $0x200  }
0x20: {  	[sflag:s11] =	ssyncset.done $0x0  }
0x21: {  	s13 =	simm.s32 $0x400;
	[sflag:s11] =	ssyncadd.s32 $0xFFFFFE00  }
0x22: {  	[tilespmem:s13], [sflag:$0x4] =	stream.linear.gather [hbm4b:s7+s2], $0x2800, $0x38;
	[tilespmem:$0x17600] =	vst v63  }
0x23: {  	_ =	swait.ge [sflag:s11], $0x2800  }
0x24: {  	[sflag:s11] =	ssyncset.done $0x0  }
0x25: {  	[sflag:s11] =	ssyncadd.s32 $0xFFFFD800  }
0x26: {  	[tilespmem:s15], [sflag:$0x1] =	stream.indirect.gather [hbm4b:s3+s14], $0x20, s2, s14, $0xb8;
	[tilespmem:$0x17600] =	vst v63  }
0x27: {  	_ = 	snop  }
0x28: {  	[tilespmem:s16], [sflag:$0x1] =	stream.indirect.gather [hbm4b:s4+s14], $0x20, s12, s14, $0xb8;
	[tilespmem:$0x17600] =	vst v63  }
0x29: {  	s23 =	simm.s32 $0x3C00  }
0x2a: {  	[tilespmem:s23], [sflag:$0x1] =	stream.indirect.gather [hbm4b:s3+s14], $0x20, s14, s14, $0xb8;
	[tilespmem:$0x17600] =	vst v63  }
0x2b: {  	s25 =	simm.s32 $0x280;
	s20 =	simm.s32 $0x7C00  }
0x2c: {  	[tilespmem:s20], [sflag:$0x1] =	stream.indirect.gather [hbm4b:s4+s14], $0x20, s25, s14, $0xb8;
	[tilespmem:$0x17600] =	vst v63  }
0x2d: {  	s28 =	simm.s32 $0x100;
	s31 =	simm.s32 $0x4C00  }
0x2e: {  	[tilespmem:s31], [sflag:$0x1] =	stream.indirect.gather [hbm4b:s3+s14], $0x20, s28, s14, $0xb8;
	[tilespmem:$0x17600] =	vst v63  }
0x2f: {  	s23 =	simm.s32 $0x300;
	s25 =	simm.s32 $0x8C00  }
0x30: {  	[tilespmem:s25], [sflag:$0x1] =	stream.indirect.gather [hbm4b:s4+s14], $0x20, s23, s14, $0xb8;
	[tilespmem:$0x17600] =	vst v63  }
0x31: {  	s28 =	simm.s32 $0x180;
	s31 =	simm.s32 $0x5C00  }
0x32: {  	[tilespmem:s31], [sflag:$0x1] =	stream.indirect.gather [hbm4b:s3+s14], $0x20, s28, s14, $0xb8;
	[tilespmem:$0x17600] =	vst v63  }
0x33: {  	s23 =	simm.s32 $0x380;
	s25 =	simm.s32 $0x9C00  }
0x34: {  	[tilespmem:s25], [sflag:$0x1] =	stream.indirect.gather [hbm4b:s4+s14], $0x20, s23, s14, $0xb8;
	[tilespmem:$0x17600] =	vst v63  }
0x35: {  	_ = 	snop  }
0x36: {  	[tilespmem:s29], [sflag:$0x2] =	stream.indirect.gather [hbm4b:s4+s14], $0x20, s13, s14, $0xb8;
	[tilespmem:$0x17600] =	vst v63  }
0x37: {  	s28 =	simm.s32 $0x480;
	s31 =	simm.s32 $0xBC00  }
0x38: {  	[tilespmem:s31], [sflag:$0x2] =	stream.indirect.gather [hbm4b:s4+s14], $0x20, s28, s14, $0xb8;
	[tilespmem:$0x17600] =	vst v63  }
0x39: {  	s20 =	simm.s32 $0xCC00;
	s13 =	simm.s32 $0x500  }
0x3a: {  	[tilespmem:s20], [sflag:$0x2] =	stream.indirect.gather [hbm4b:s4+s14], $0x20, s13, s14, $0xb8;
	[tilespmem:$0x17600] =	vst v63  }
0x3b: {  	s23 =	simm.s32 $0x580;
	s25 =	simm.s32 $0xDC00  }
0x3c: {  	[tilespmem:s25], [sflag:$0x2] =	stream.indirect.gather [hbm4b:s4+s14], $0x20, s23, s14, $0xb8;
	[tilespmem:$0x17600] =	vst v63  }
0x3d: {  	s28 =	simm.s32 $0x600;
	s31 =	simm.s32 $0xEC00  }
0x3e: {  	[tilespmem:s31], [sflag:$0x2] =	stream.indirect.gather [hbm4b:s4+s14], $0x20, s28, s14, $0xb8;
	[tilespmem:$0x17600] =	vst v63  }
0x3f: {  	s20 =	simm.s32 $0x680  }
0x40: {  	[tilespmem:s22], [sflag:$0x3] =	stream.indirect.gather [hbm4b:s4+s14], $0x20, s20, s14, $0xb8;
	[tilespmem:$0x17600] =	vst v63  }
0x41: {  	s23 =	simm.s32 $0x700  }
0x42: {  	[tilespmem:s24], [sflag:$0x3] =	stream.indirect.gather [hbm4b:s4+s14], $0x20, s23, s14, $0xb8;
	[tilespmem:$0x17600] =	vst v63  }
0x43: {  	s25 =	simm.s32 $0x780  }
0x44: {  	[tilespmem:s26], [sflag:$0x3] =	stream.indirect.gather [hbm4b:s4+s14], $0x20, s25, s14, $0xb8;
	[tilespmem:$0x17600] =	vst v63  }
0x45: {  	s28 =	simm.s32 $0x800  }
0x46: {  	[tilespmem:s30], [sflag:$0x3] =	stream.indirect.gather [hbm4b:s4+s14], $0x20, s28, s14, $0xb8;
	[tilespmem:$0x17600] =	vst v63  }
0x47: {  	s31 =	simm.s32 $0x880  }
0x48: {  	[tilespmem:s0], [sflag:$0x3] =	stream.indirect.gather [hbm4b:s4+s14], $0x20, s31, s14, $0xb8;
	[tilespmem:$0x17600] =	vst v63  }
0x49: {  	_ =	swait.ge [sflag:s1], $0x1000  }
0x4a: {  	[sflag:s1] =	ssyncset.done $0x0  }
0x4b: {  	[sflag:s1] =	ssyncadd.s32 $0xFFFFF000  }
0x4c: {  	_ =	swait.ge [sflag:s1], $0x1000  }
0x4d: {  	[sflag:s1] =	ssyncset.done $0x0  }
0x4e: {  	[sflag:s1] =	ssyncadd.s32 $0xFFFFF000  }
0x4f: {  	_ =	swait.ge [sflag:s1], $0x1000  }
0x50: {  	[sflag:s1] =	ssyncset.done $0x0  }
0x51: {  	[sflag:s1] =	ssyncadd.s32 $0xFFFFF000  }
0x52: {  	_ =	swait.ge [sflag:s1], $0x1000  }
0x53: {  	[sflag:s1] =	ssyncset.done $0x0  }
0x54: {  	[sflag:s1] =	ssyncadd.s32 $0xFFFFF000  }
0x55: {  	_ =	swait.ge [sflag:s1], $0x1000  }
0x56: {  	[sflag:s1] =	ssyncset.done $0x0  }
0x57: {  	[sflag:s1] =	ssyncadd.s32 $0xFFFFF000  }
0x58: {  	_ =	swait.ge [sflag:s1], $0x1000  }
0x59: {  	[sflag:s1] =	ssyncset.done $0x0  }
0x5a: {  	[sflag:s1] =	ssyncadd.s32 $0xFFFFF000  }
0x5b: {  	_ =	swait.ge [sflag:s1], $0x1000  }
0x5c: {  	[sflag:s1] =	ssyncset.done $0x0  }
0x5d: {  	[sflag:s1] =	ssyncadd.s32 $0xFFFFF000  }
0x5e: {  	_ =	swait.ge [sflag:s1], $0x1000  }
0x5f: {  	[sflag:s1] =	ssyncset.done $0x0  }
0x60: {  	s23 =	simm.s32 $0x0;
	[sflag:s1] =	ssyncadd.s32 $0xFFFFF000  }
.LBB2_2:
0x61: {  	v0 =	vld [tilespmem:$0x1FFE0];
	_ =	sdelay $0x1  }
0x62: {  	s25 =	sshll.u32 s23, $0x6  }
0x63: {  	v3 =	vmov s25  }
0x64: {  	v3 =	vshll.u32 v3, $0x5  }
0x65: {  	v3 =	vor.u32 v0, v3  }
0x66: {  	v36 =	vor.u32 $0x1, v3  }
0x67: {  	_ =	swait.ge [sflag:s17], $0x5000;
	v37 =	vor.u32 $0x2, v3  }
0x68: {  	[sflag:s17] =	ssyncset.done $0x0;
	v38 =	vor.u32 $0x3, v3  }
0x69: {  	[sflag:s17] =	ssyncadd.s32 $0xFFFFB000;
	v39 =	vor.u32 $0x4, v3  }
0x6a: {  	v40 =	vor.u32 $0x5, v3;
	v4 =	vld.idx.msk [tilespmem:v3+s15+$0x0], $0xffff  }
0x6b: {  	v41 =	vor.u32 $0x6, v3;
	v7 =	vld.idx.msk [tilespmem:v36+s15+$0x0], $0xffff  }
0x6c: {  	v42 =	vor.u32 $0x7, v3;
	v5 =	vld.idx.msk [tilespmem:v37+s15+$0x0], $0xffff  }
0x6d: {  	v43 =	vor.u32 $0x8, v3;
	v8 =	vld.idx.msk [tilespmem:v38+s15+$0x0], $0xffff  }
0x6e: {  	v44 =	vor.u32 $0x9, v3;
	v12 =	vld.idx.msk [tilespmem:v39+s15+$0x0], $0xffff  }
0x6f: {  	v45 =	vor.u32 $0xA, v3;
	v16 =	vld.idx.msk [tilespmem:v40+s15+$0x0], $0xffff  }
0x70: {  	v46 =	vor.u32 $0xB, v3;
	v9 =	vld.idx.msk [tilespmem:v41+s15+$0x0], $0xffff  }
0x71: {  	v47 =	vor.u32 $0xC, v3;
	v0 =	vld.idx.msk [tilespmem:v42+s15+$0x0], $0xffff  }
0x72: {  	v48 =	vor.u32 $0xD, v3;
	v17 =	vld.idx.msk [tilespmem:v43+s15+$0x0], $0xffff  }
0x73: {  	v49 =	vor.u32 $0xE, v3;
	v18 =	vld.idx.msk [tilespmem:v44+s15+$0x0], $0xffff  }
0x74: {  	v50 =	vor.u32 $0xF, v3;
	v10 =	vld.idx.msk [tilespmem:v45+s15+$0x0], $0xffff  }
0x75: {  	v51 =	vor.u32 $0x10, v3;
	v2 =	vld.idx.msk [tilespmem:v46+s15+$0x0], $0xffff  }
0x76: {  	v52 =	vor.u32 $0x11, v3;
	v19 =	vld.idx.msk [tilespmem:v47+s15+$0x0], $0xffff  }
0x77: {  	v53 =	vor.u32 $0x12, v3;
	v20 =	vld.idx.msk [tilespmem:v48+s15+$0x0], $0xffff  }
0x78: {  	v54 =	vor.u32 $0x13, v3;
	v11 =	vld.idx.msk [tilespmem:v49+s15+$0x0], $0xffff  }
0x79: {  	v55 =	vor.u32 $0x14, v3;
	v30 =	vld.idx.msk [tilespmem:v50+s15+$0x0], $0xffff  }
0x7a: {  	v56 =	vor.u32 $0x15, v3;
	v22 =	vld.idx.msk [tilespmem:v51+s15+$0x0], $0xffff  }
0x7b: {  	v57 =	vor.u32 $0x16, v3;
	v23 =	vld.idx.msk [tilespmem:v52+s15+$0x0], $0xffff  }
0x7c: {  	v58 =	vor.u32 $0x17, v3;
	v32 =	vld.idx.msk [tilespmem:v53+s15+$0x0], $0xffff  }
0x7d: {  	v59 =	vor.u32 $0x18, v3;
	v33 =	vld.idx.msk [tilespmem:v54+s15+$0x0], $0xffff  }
0x7e: {  	v60 =	vor.u32 $0x19, v3;
	v15 =	vld.idx.msk [tilespmem:v55+s15+$0x0], $0xffff  }
0x7f: {  	v63 =	vor.u32 $0x1C, v3;
	v14 =	vld.idx.msk [tilespmem:v56+s15+$0x0], $0xffff  }
0x80: {  	v21 =	vld.idx.msk [tilespmem:v57+s15+$0x0], $0xffff  }
0x81: {  	v1 =	vld.idx.msk [tilespmem:v58+s15+$0x0], $0xffff  }
0x82: {  	v35 =	vld.idx.msk [tilespmem:v59+s15+$0x0], $0xffff  }
0x83: {  	v6 =	vld.idx.msk [tilespmem:v60+s15+$0x0], $0xffff  }
0x84: {  	v34 =	vld.idx.msk [tilespmem:v63+s15+$0x0], $0xffff  }
0x85: {  	v36 =	vld.idx.msk [tilespmem:v36+s16+$0x0], $0xffff  }
0x86: {  	v37 =	vld.idx.msk [tilespmem:v37+s16+$0x0], $0xffff  }
0x87: {  	v38 =	vld.idx.msk [tilespmem:v38+s16+$0x0], $0xffff  }
0x88: {  	v39 =	vld.idx.msk [tilespmem:v39+s16+$0x0], $0xffff  }
0x89: {  	v40 =	vld.idx.msk [tilespmem:v40+s16+$0x0], $0xffff  }
0x8a: {  	v41 =	vld.idx.msk [tilespmem:v41+s16+$0x0], $0xffff  }
0x8b: {  	v42 =	vld.idx.msk [tilespmem:v42+s16+$0x0], $0xffff  }
0x8c: {  	v61 =	vor.u32 $0x1A, v3;
	v43 =	vld.idx.msk [tilespmem:v43+s16+$0x0], $0xffff  }
0x8d: {  	v44 =	vld.idx.msk [tilespmem:v44+s16+$0x0], $0xffff  }
0x8e: {  	v45 =	vld.idx.msk [tilespmem:v45+s16+$0x0], $0xffff  }
0x8f: {  	v46 =	vld.idx.msk [tilespmem:v46+s16+$0x0], $0xffff  }
0x90: {  	v47 =	vld.idx.msk [tilespmem:v47+s16+$0x0], $0xffff  }
0x91: {  	v62 =	vor.u32 $0x1B, v3;
	[tilespmem:$0x1FF80] =	vst v6;
	v6 =	vld.idx.msk [tilespmem:v61+s15+$0x0], $0xffff  }
0x92: {  	v24 =	vor.u32 $0x1E, v3;
	v13 =	vor.u32 $0x1F, v3;
	[tilespmem:$0x1FF50] =	vst v1;
	v1 =	vor.u32 $0x1D, v3;
	v3 =	vld.idx.msk [tilespmem:v3+s16+$0x0], $0xffff  }
0x93: {  	v48 =	vld.idx.msk [tilespmem:v48+s16+$0x0], $0xffff  }
0x94: {  	v49 =	vld.idx.msk [tilespmem:v49+s16+$0x0], $0xffff  }
0x95: {  	v50 =	vld.idx.msk [tilespmem:v50+s16+$0x0], $0xffff  }
0x96: {  	v51 =	vld.idx.msk [tilespmem:v51+s16+$0x0], $0xffff;
	v38 =	vmul.f32 v38, v8  }
0x97: {  	[tilespmem:$0x1FF90] =	vst v6;
	v6 =	vld.idx.msk [tilespmem:v62+s15+$0x0], $0xffff;
	v3 =	vmul.f32 v3, v4  }
0x98: {  	v52 =	vld.idx.msk [tilespmem:v52+s16+$0x0], $0xffff;
	v42 =	vmul.f32 v42, v0;
	v38 =	vadd.f32 $0.0e+00, v38  }
0x99: {  	v39 =	vmul.f32 v39, v12;
	[tilespmem:$0x1FF30] =	vst v0;
	v0 =	vmul.f32 v43, v17;
	v43 =	vld.idx.msk [tilespmem:v58+s16+$0x0], $0xffff;
	v3 =	vadd.f32 $0.0e+00, v3  }
0x9a: {  	v36 =	vmul.f32 v36, v7;
	v38 =	vadd.f32 v42, v38;
	v42 =	vld.idx.msk [tilespmem:v57+s16+$0x0], $0xffff  }
0x9b: {  	v37 =	vmul.f32 v37, v5;
	v3 =	vadd.f32 v39, v3;
	v39 =	vld.idx.msk [tilespmem:v53+s16+$0x0], $0xffff  }
0x9c: {  	v40 =	vmul.f32 v40, v16;
	v36 =	vadd.f32 $0.0e+00, v36;
	[tilespmem:$0x1FFA0] =	vst v6;
	v6 =	vld.idx.msk [tilespmem:v24+s15+$0x0], $0xffff  }
0x9d: {  	v41 =	vmul.f32 v41, v9;
	v37 =	vadd.f32 $0.0e+00, v37;
	v53 =	vld.idx.msk [tilespmem:v54+s16+$0x0], $0xffff  }
0x9e: {  	[tilespmem:$0x1FF70] =	vst v35;
	v36 =	vadd.f32 v40, v36;
	v54 =	vld.idx.msk [tilespmem:v55+s16+$0x0], $0xffff;
	v55 =	vmul.f32 v44, v18  }
0x9f: {  	[tilespmem:$0x1FF10] =	vst v4;
	v45 =	vmul.f32 v45, v10;
	v37 =	vadd.f32 v41, v37;
	v4 =	vld [tilespmem:$0x1FF70]  }
0xa0: {  	v36 =	vadd.f32 v55, v36;
	v55 =	vmul.f32 v46, v2;
	v46 =	vld.idx.msk [tilespmem:v59+s16+$0x0], $0xffff  }
0xa1: {  	v58 =	vmul.f32 v49, v11;
	v37 =	vadd.f32 v45, v37;
	[tilespmem:$0x1FFB0] =	vst v6;
	v6 =	vld.idx.msk [tilespmem:v13+s15+$0x0], $0xffff  }
0xa2: {  	[tilespmem:$0x1FF40] =	vst v24;
	v57 =	vmul.f32 v48, v20;
	v48 =	vld.idx.msk [tilespmem:v60+s16+$0x0], $0xffff  }
0xa3: {  	v37 =	vadd.f32 v58, v37;
	v58 =	vld [tilespmem:$0x1FF40]  }
0xa4: {  	v44 =	vld.idx.msk [tilespmem:v56+s16+$0x0], $0xffff  }
0xa5: {  	v56 =	vmul.f32 v47, v19;
	v47 =	vld.idx.msk [tilespmem:v62+s16+$0x0], $0xffff  }
0xa6: {  	v62 =	vmul.f32 v46, v4;
	[tilespmem:$0x1FFC0] =	vst v6;
	v6 =	vmov v4;
	v4 =	vld [tilespmem:$0x1FF80]  }
0xa7: {  	v35 =	vld.idx.msk [tilespmem:v1+s15+$0x0], $0xffff  }
0xa8: {  	v45 =	vld.idx.msk [tilespmem:v61+s16+$0x0], $0xffff;
	v61 =	vmul.f32 v52, v23;
	v36 =	vadd.f32 v57, v36  }
0xa9: {  	[tilespmem:$0x1FF60] =	vst v13;
	v52 =	vmul.f32 v53, v33;
	v53 =	vld.idx.msk [tilespmem:v63+s16+$0x0], $0xffff  }
0xaa: {  	v24 =	vmovc v12;
	v12 =	vmov v7;
	v3 =	vadd.f32 v0, v3;
	v36 =	vadd.f32 v61, v36;
	v61 =	vld [tilespmem:$0x1FF60]  }
0xab: {  	v59 =	vmul.f32 v50, v30;
	v38 =	vadd.f32 v55, v38;
	v7 =	vmovc v4;
	v63 =	vmul.f32 v48, v4;
	v4 =	vld [tilespmem:$0x1FF90]  }
0xac: {  	v3 =	vadd.f32 v56, v3;
	v56 =	vld.idx.msk [tilespmem:v1+s16+$0x0], $0xffff  }
0xad: {  	v38 =	vadd.f32 v59, v38;
	v59 =	vld [tilespmem:$0x1FF50]  }
0xae: {  	v60 =	vmul.f32 v51, v22;
	v1 =	vld.idx.msk [tilespmem:v58+s16+$0x0], $0xffff  }
0xaf: {  	v31 =	vmov v23;
	v39 =	vmul.f32 v39, v32;
	v50 =	vld [tilespmem:$0x1FFB0]  }
0xb0: {  	v55 =	vmul.f32 v54, v15;
	v3 =	vadd.f32 v60, v3;
	v23 =	vmovc v4;
	v46 =	vmul.f32 v45, v4;
	v4 =	vld [tilespmem:$0x1FFA0]  }
0xb1: {  	v25 =	vmovc v16;
	v16 =	vmovc v9;
	v9 =	vmov v2;
	v44 =	vmul.f32 v44, v14;
	v37 =	vadd.f32 v39, v37;
	v51 =	vld [tilespmem:$0x1FFC0]  }
0xb2: {  	s28 =	simm.s32 $0x0;
	v57 =	vmul.f32 v42, v21;
	v38 =	vadd.f32 v52, v38;
	v3 =	vadd.f32 v55, v3;
	v2 =	vld.idx.msk [tilespmem:v61+s16+$0x0], $0xffff  }
0xb3: {  	v36 =	vadd.f32 v44, v36;
	v52 =	vmov s28;
	v60 =	vmul.f32 v43, v59  }
0xb4: {  	v37 =	vadd.f32 v57, v37;
	v0 =	vmul.f32 v56, v35;
	v3 =	vadd.f32 v62, v3  }
0xb5: {  	v49 =	vmul.f32 v53, v34;
	v38 =	vadd.f32 v60, v38;
	v48 =	vmul.f32 v47, v4  }
0xb6: {  	v53 =	vlaneseq.u32;
	v1 =	vmul.f32 v1, v50;
	v36 =	vadd.f32 v63, v36  }
0xb7: {  	v2 =	vmul.f32 v2, v51;
	v37 =	vadd.f32 v46, v37;
	v38 =	vadd.f32 v48, v38  }
0xb8: {  	v39 =	vadd.f32 v49, v3;
	v3 =	vmul.u32 $0x280, v53;
	v0 =	vadd.f32 v0, v36  }
0xb9: {  	v36 =	vshll.u32 v52, $0x5;
	v1 =	vadd.f32 v1, v37;
	v2 =	vadd.f32 v2, v38  }
0xba: {  	v37 =	vadd.s32 v3, v36  }
0xbb: {  	v0 =	vadd.f32 v0, v39;
	v54 =	vor.u32 $0x1C, v37;
	v1 =	vadd.f32 v2, v1  }
0xbc: {  	v36 =	vor.u32 $0x1D, v37  }
0xbd: {  	v55 =	vor.u32 $0x18, v37;
	v0 =	vadd.f32 v1, v0  }
0xbe: {  	v56 =	vor.u32 $0x19, v37  }
0xbf: {  	v63 =	vld [tilespmem:$0x1FFF0];
	v57 =	vor.u32 $0x14, v37;
	[tilespmem:s25+$0x14C00] =	vst v0  }
0xc0: {  	v27 =	vmov v18;
	v58 =	vor.u32 $0x15, v37;
	v38 =	vld.idx.msk [tilespmem:v54+s29+$0x0], $0xffff  }
0xc1: {  	v18 =	vmovc v11;
	v11 =	vmovc v33;
	v33 =	vmov v14;
	v14 =	vmov v59;
	v59 =	vor.u32 $0x10, v37;
	v42 =	vld.idx.msk [tilespmem:v36+s29+$0x0], $0xffff  }
0xc2: {  	v60 =	vor.u32 $0x11, v37;
	v39 =	vld.idx.msk [tilespmem:v55+s29+$0x0], $0xffff  }
0xc3: {  	v61 =	vor.u32 $0xC, v37;
	v43 =	vld.idx.msk [tilespmem:v56+s29+$0x0], $0xffff  }
0xc4: {  	v62 =	vor.u32 $0xD, v37;
	v40 =	vld.idx.msk [tilespmem:v57+s29+$0x0], $0xffff  }
0xc5: {  	v44 =	vld.idx.msk [tilespmem:v58+s29+$0x0], $0xffff  }
0xc6: {  	v26 =	vmov v17;
	v17 =	vmov v10;
	v28 =	vmov v19;
	v41 =	vld.idx.msk [tilespmem:v59+s29+$0x0], $0xffff  }
0xc7: {  	s31 =	smul.u32 $0x500, s23;
	v29 =	vmovc v20;
	v10 =	vmovc v30;
	v20 =	vmov v21;
	v19 =	vmov v32;
	v30 =	vmov v22;
	v45 =	vld.idx.msk [tilespmem:v60+s29+$0x0], $0xffff  }
0xc8: {  	[tilespmem:$0x1FF20] =	vst v5;
	v32 =	vmovc v15;
	v22 =	vmovc v50;
	v15 =	vmov v51;
	v50 =	vor.u32 $0x8, v37;
	v51 =	vor.u32 $0x9, v37;
	v46 =	vld.idx.msk [tilespmem:v61+s29+$0x0], $0xffff  }
0xc9: {  	v13 =	vmovc v8;
	[tilespmem:$0x1FFD0] =	vst v3;
	v21 =	vmovc v4;
	v49 =	vor.u32 $0x4, v37;
	v48 =	vor.u32 $0x5, v37;
	v36 =	vadd.s32 s31, v63;
	v47 =	vld.idx.msk [tilespmem:v62+s29+$0x0], $0xffff;
	s31 =	simm.s32 $0x1  }
.LBB2_3:
0xca: {  	_ =	sdelay $0x2  }
0xcb: {  	v1 =	vld.idx.msk [tilespmem:v50+s29+$0x0], $0xffff  }
0xcc: {  	v50 =	vld.idx.msk [tilespmem:v51+s29+$0x0], $0xffff  }
0xcd: {  	v2 =	vor.u32 $0x2, v37;
	v49 =	vld.idx.msk [tilespmem:v49+s29+$0x0], $0xffff  }
0xce: {  	v0 =	vor.u32 $0x1, v37;
	v48 =	vld.idx.msk [tilespmem:v48+s29+$0x0], $0xffff  }
0xcf: {  	v51 =	vor.u32 $0x3, v37;
	v55 =	vld.idx.msk [tilespmem:v37+s29+$0x0], $0xffff  }
0xd0: {  	v53 =	vor.u32 $0x6, v37;
	v5 =	vld [tilespmem:$0x1FF10]  }
0xd1: {  	v56 =	vor.u32 $0x7, v37;
	v8 =	vld [tilespmem:$0x1FF20]  }
0xd2: {  	v2 =	vld.idx.msk [tilespmem:v2+s29+$0x0], $0xffff  }
0xd3: {  	v59 =	vor.u32 $0xA, v37;
	v0 =	vld.idx.msk [tilespmem:v0+s29+$0x0], $0xffff  }
0xd4: {  	v60 =	vor.u32 $0xB, v37;
	v51 =	vld.idx.msk [tilespmem:v51+s29+$0x0], $0xffff  }
0xd5: {  	v54 =	vor.u32 $0x1E, v37;
	v61 =	vor.u32 $0xE, v37;
	v53 =	vld.idx.msk [tilespmem:v53+s29+$0x0], $0xffff  }
0xd6: {  	v57 =	vor.u32 $0x1A, v37;
	v58 =	vor.u32 $0x1F, v37;
	v62 =	vor.u32 $0xF, v37;
	v56 =	vld.idx.msk [tilespmem:v56+s29+$0x0], $0xffff  }
0xd7: {  	v3 =	vor.u32 $0x13, v37;
	v41 =	vmul.f32 v41, v30;
	v2 =	vmul.f32 v2, v8;
	v8 =	vld [tilespmem:$0x1FF30]  }
0xd8: {  	v63 =	vor.u32 $0x12, v37;
	v46 =	vmul.f32 v46, v28;
	v47 =	vmul.f32 v47, v29;
	v59 =	vld.idx.msk [tilespmem:v59+s29+$0x0], $0xffff  }
0xd9: {  	v4 =	vor.u32 $0x16, v37;
	v1 =	vmul.f32 v1, v26;
	v50 =	vmul.f32 v50, v27;
	v60 =	vld.idx.msk [tilespmem:v60+s29+$0x0], $0xffff  }
0xda: {  	v55 =	vmul.f32 v55, v5;
	v61 =	vld.idx.msk [tilespmem:v61+s29+$0x0], $0xffff;
	v5 =	vor.u32 $0x17, v37;
	v51 =	vmul.f32 v51, v13  }
0xdb: {  	v49 =	vmul.f32 v49, v24;
	v62 =	vld.idx.msk [tilespmem:v62+s29+$0x0], $0xffff;
	v53 =	vmul.f32 v53, v16;
	v2 =	vadd.f32 $0.0e+00, v2  }
0xdc: {  	v37 =	vor.u32 $0x1B, v37;
	v3 =	vld.idx.msk [tilespmem:v3+s29+$0x0], $0xffff;
	v51 =	vadd.f32 $0.0e+00, v51;
	v56 =	vmul.f32 v56, v8  }
0xdd: {  	v63 =	vld.idx.msk [tilespmem:v63+s29+$0x0], $0xffff;
	v0 =	vmul.f32 v0, v12;
	v59 =	vmul.f32 v59, v17;
	v2 =	vadd.f32 v53, v2  }
0xde: {  	v4 =	vld.idx.msk [tilespmem:v4+s29+$0x0], $0xffff;
	v55 =	vadd.f32 $0.0e+00, v55;
	v60 =	vmul.f32 v60, v9;
	v51 =	vadd.f32 v56, v51  }
0xdf: {  	v48 =	vmul.f32 v48, v25;
	v5 =	vld.idx.msk [tilespmem:v5+s29+$0x0], $0xffff;
	v0 =	vadd.f32 $0.0e+00, v0;
	v2 =	vadd.f32 v59, v2  }
0xe0: {  	v56 =	vmul.f32 v61, v18;
	v59 =	vadd.f32 v60, v51;
	v60 =	vmul.f32 v62, v10  }
0xe1: {  	v49 =	vadd.f32 v49, v55;
	v37 =	vld.idx.msk [tilespmem:v37+s29+$0x0], $0xffff;
	v3 =	vmul.f32 v3, v11;
	v0 =	vadd.f32 v48, v0  }
0xe2: {  	v61 =	vmul.f32 v63, v19;
	v2 =	vadd.f32 v56, v2;
	v48 =	vadd.f32 v60, v59  }
0xe3: {  	v4 =	vmul.f32 v4, v20;
	v1 =	vadd.f32 v1, v49;
	v0 =	vadd.f32 v50, v0;
	v63 =	vld.idx.msk [tilespmem:v58+s29+$0x0], $0xffff  }
0xe4: {  	v5 =	vmul.f32 v5, v14;
	v2 =	vadd.f32 v61, v2;
	v3 =	vadd.f32 v3, v48  }
0xe5: {  	v45 =	vmul.f32 v45, v31;
	v57 =	vld.idx.msk [tilespmem:v57+s29+$0x0], $0xffff;
	v1 =	vadd.f32 v46, v1;
	v0 =	vadd.f32 v47, v0  }
0xe6: {  	v2 =	vadd.f32 v4, v2;
	v4 =	vmul.f32 v37, v21;
	v3 =	vadd.f32 v5, v3  }
0xe7: {  	v40 =	vmul.f32 v40, v32;
	v44 =	vmul.f32 v44, v33;
	v1 =	vadd.f32 v41, v1;
	v62 =	vld.idx.msk [tilespmem:v54+s29+$0x0], $0xffff  }
0xe8: {  	v0 =	vadd.f32 v45, v0;
	v3 =	vadd.f32 v4, v3;
	v4 =	vmul.f32 v63, v15  }
0xe9: {  	v39 =	vmul.f32 v39, v6;
	v43 =	vmul.f32 v43, v7;
	v1 =	vadd.f32 v40, v1  }
0xea: {  	v53 =	vmul.f32 v57, v23;
	v0 =	vadd.f32 v44, v0;
	v3 =	vadd.f32 v4, v3;
	v4 =	vld [tilespmem:$0x1FFD0]  }
0xeb: {  	v38 =	vmul.f32 v38, v34;
	v42 =	vmul.f32 v42, v35;
	v1 =	vadd.f32 v39, v1  }
0xec: {  	v0 =	vadd.f32 v43, v0;
	v5 =	vmul.f32 v62, v22;
	v2 =	vadd.f32 v53, v2  }
0xed: {  	v52 =	vmov s31;
	v1 =	vadd.f32 v38, v1  }
0xee: {  	v54 =	vshll.u32 v52, $0x5;
	v0 =	vadd.f32 v42, v0;
	v2 =	vadd.f32 v5, v2  }
0xef: {  	v37 =	vadd.s32 v4, v54;
	v4 =	vadd.s32 s28, v36  }
0xf0: {  	v0 =	vadd.f32 v0, v1;
	v55 =	vadd.f32 v3, v2;
	v5 =	vor.u32 $0x1C, v37  }
0xf1: {  	v56 =	vor.u32 $0x1D, v37  }
0xf2: {  	v0 =	vadd.f32 v55, v0;
	v57 =	vor.u32 $0x18, v37  }
0xf3: {  	v58 =	vor.u32 $0x19, v37  }
0xf4: {  	v59 =	vor.u32 $0x14, v37;
	[tilespmem:v4+s18+$0x0] =	vst.idx.msk $0xffff, v0  }
0xf5: {  	v60 =	vor.u32 $0x15, v37;
	v38 =	vld.idx.msk [tilespmem:v5+s29+$0x0], $0xffff  }
0xf6: {  	v61 =	vor.u32 $0x11, v37;
	v42 =	vld.idx.msk [tilespmem:v56+s29+$0x0], $0xffff  }
0xf7: {  	v62 =	vor.u32 $0xC, v37;
	v39 =	vld.idx.msk [tilespmem:v57+s29+$0x0], $0xffff  }
0xf8: {  	v63 =	vor.u32 $0xD, v37;
	v43 =	vld.idx.msk [tilespmem:v58+s29+$0x0], $0xffff  }
0xf9: {  	p0 =	sne.s32 s31, $0x13;
	v4 =	vor.u32 $0x10, v37;
	v40 =	vld.idx.msk [tilespmem:v59+s29+$0x0], $0xffff  }
.Ltmp2:
0xfa: {  	v44 =	vld.idx.msk [tilespmem:v60+s29+$0x0], $0xffff;
	(pc) =	sbr.rel @p0 .LBB2_3-.Ltmp2, $4  }
0xfb: {  	v45 =	vld.idx.msk [tilespmem:v61+s29+$0x0], $0xffff  }
0xfc: {  	v46 =	vld.idx.msk [tilespmem:v62+s29+$0x0], $0xffff  }
0xfd: {  	v50 =	vor.u32 $0x8, v37;
	v47 =	vld.idx.msk [tilespmem:v63+s29+$0x0], $0xffff  }
0xfe: {  	s28 =	smov.u32 s31;
	s31 =	sadd.s32 $0x1, s31;
	v51 =	vor.u32 $0x9, v37;
	v49 =	vor.u32 $0x4, v37;
	v48 =	vor.u32 $0x5, v37;
	v41 =	vld.idx.msk [tilespmem:v4+s29+$0x0], $0xffff  }
0xff: {  	_ =	sdelay $0x3  }
0x100: {  	v1 =	vld.idx.msk [tilespmem:v50+s29+$0x0], $0xffff  }
0x101: {  	v2 =	vor.u32 $0x2, v37;
	v54 =	vld.idx.msk [tilespmem:v37+s29+$0x0], $0xffff  }
0x102: {  	v62 =	vmul.f32 v39, v6;
	v6 =	vld [tilespmem:$0x1FF10]  }
0x103: {  	v0 =	vor.u32 $0x1, v37;
	v3 =	vld.idx.msk [tilespmem:v51+s29+$0x0], $0xffff  }
0x104: {  	v4 =	vor.u32 $0x3, v37;
	v5 =	vld.idx.msk [tilespmem:v49+s29+$0x0], $0xffff  }
0x105: {  	v49 =	vor.u32 $0x6, v37;
	v48 =	vld.idx.msk [tilespmem:v48+s29+$0x0], $0xffff  }
0x106: {  	v50 =	vor.u32 $0x1E, v37;
	v51 =	vor.u32 $0x7, v37;
	v2 =	vld.idx.msk [tilespmem:v2+s29+$0x0], $0xffff  }
0x107: {  	v52 =	vor.u32 $0x1A, v37;
	v53 =	vor.u32 $0x1F, v37;
	v54 =	vmul.f32 v54, v6;
	v6 =	vld [tilespmem:$0x1FF20]  }
0x108: {  	v55 =	vor.u32 $0xA, v37;
	v34 =	vmul.f32 v38, v34;
	v35 =	vmul.f32 v42, v35;
	v0 =	vld.idx.msk [tilespmem:v0+s29+$0x0], $0xffff  }
0x109: {  	v38 =	vor.u32 $0xB, v37;
	v63 =	vmul.f32 v43, v7;
	v60 =	vmul.f32 v40, v32;
	v4 =	vld.idx.msk [tilespmem:v4+s29+$0x0], $0xffff  }
0x10a: {  	v39 =	vor.u32 $0xE, v37;
	v61 =	vmul.f32 v44, v33;
	v58 =	vmul.f32 v41, v30;
	v41 =	vld.idx.msk [tilespmem:v49+s29+$0x0], $0xffff  }
0x10b: {  	v33 =	vor.u32 $0xF, v37;
	v42 =	vor.u32 $0x12, v37;
	v59 =	vmul.f32 v45, v31;
	v43 =	vld.idx.msk [tilespmem:v51+s29+$0x0], $0xffff  }
0x10c: {  	v32 =	vor.u32 $0x1B, v37;
	v57 =	vmul.f32 v47, v29;
	v2 =	vmul.f32 v2, v6;
	v6 =	vld [tilespmem:$0x1FF30]  }
0x10d: {  	v1 =	vmul.f32 v1, v26;
	v3 =	vmul.f32 v3, v27;
	v49 =	vor.u32 $0x13, v37;
	v51 =	vld.idx.msk [tilespmem:v55+s29+$0x0], $0xffff  }
0x10e: {  	v47 =	vmul.f32 v48, v25;
	v48 =	vor.u32 $0x16, v37;
	v38 =	vld.idx.msk [tilespmem:v38+s29+$0x0], $0xffff;
	v0 =	vmul.f32 v0, v12  }
0x10f: {  	v5 =	vmul.f32 v5, v24;
	v55 =	vor.u32 $0x17, v37;
	v39 =	vld.idx.msk [tilespmem:v39+s29+$0x0], $0xffff;
	v4 =	vmul.f32 v4, v13  }
0x110: {  	v33 =	vld.idx.msk [tilespmem:v33+s29+$0x0], $0xffff;
	v7 =	vmul.f32 v41, v16;
	v0 =	vadd.f32 $0.0e+00, v0;
	v2 =	vadd.f32 $0.0e+00, v2  }
0x111: {  	v44 =	vadd.f32 $0.0e+00, v54;
	v54 =	vld.idx.msk [tilespmem:v42+s29+$0x0], $0xffff;
	v4 =	vadd.f32 $0.0e+00, v4;
	v6 =	vmul.f32 v43, v6  }
0x112: {  	v24 =	vld.idx.msk [tilespmem:v49+s29+$0x0], $0xffff;
	v8 =	vmul.f32 v51, v17;
	v0 =	vadd.f32 v47, v0;
	v2 =	vadd.f32 v7, v2  }
0x113: {  	v5 =	vadd.f32 v5, v44;
	v13 =	vld.idx.msk [tilespmem:v48+s29+$0x0], $0xffff;
	v4 =	vadd.f32 v6, v4;
	v6 =	vmul.f32 v38, v9  }
0x114: {  	v7 =	vld.idx.msk [tilespmem:v55+s29+$0x0], $0xffff;
	v55 =	vmul.f32 v39, v18;
	v0 =	vadd.f32 v3, v0;
	v2 =	vadd.f32 v8, v2  }
0x115: {  	v1 =	vadd.f32 v1, v5;
	v5 =	vld.idx.msk [tilespmem:v52+s29+$0x0], $0xffff;
	v4 =	vadd.f32 v6, v4;
	v6 =	vmul.f32 v33, v10  }
0x116: {  	v56 =	vmul.f32 v46, v28;
	v8 =	vld.idx.msk [tilespmem:v32+s29+$0x0], $0xffff;
	v0 =	vadd.f32 v57, v0;
	v2 =	vadd.f32 v55, v2  }
0x117: {  	v12 =	vld.idx.msk [tilespmem:v50+s29+$0x0], $0xffff;
	v10 =	vmul.f32 v54, v19;
	v57 =	vadd.f32 v6, v4;
	v4 =	vmul.f32 v24, v11  }
0x118: {  	v1 =	vadd.f32 v56, v1;
	v9 =	vmul.f32 v13, v20;
	v0 =	vadd.f32 v59, v0;
	v6 =	vld.idx.msk [tilespmem:v53+s29+$0x0], $0xffff  }
0x119: {  	v2 =	vadd.f32 v10, v2;
	v3 =	vadd.f32 v4, v57;
	v4 =	vmul.f32 v7, v14  }
0x11a: {  	v1 =	vadd.f32 v58, v1;
	v5 =	vmul.f32 v5, v23;
	v0 =	vadd.f32 v61, v0  }
0x11b: {  	v2 =	vadd.f32 v9, v2;
	v3 =	vadd.f32 v4, v3;
	v4 =	vmul.f32 v8, v21  }
0x11c: {  	v1 =	vadd.f32 v60, v1;
	v7 =	vmul.f32 v12, v22;
	v0 =	vadd.f32 v63, v0;
	v63 =	vld [tilespmem:$0x1FFE0]  }
0x11d: {  	v2 =	vadd.f32 v5, v2;
	v3 =	vadd.f32 v4, v3;
	v4 =	vmul.f32 v6, v15  }
0x11e: {  	s31 =	sor.u32 $0x10, s25;
	v1 =	vadd.f32 v62, v1  }
0x11f: {  	v2 =	vadd.f32 v7, v2;
	v3 =	vadd.f32 v4, v3;
	v4 =	vmov s31  }
0x120: {  	v1 =	vadd.f32 v34, v1;
	v0 =	vadd.f32 v35, v0;
	v4 =	vshll.u32 v4, $0x5  }
0x121: {  	v5 =	vadd.s32 s28, v36;
	v62 =	vadd.f32 v3, v2;
	v2 =	vor.u32 v63, v4  }
0x122: {  	v0 =	vadd.f32 v0, v1;
	v3 =	vor.u32 $0x1, v2;
	v1 =	vor.u32 $0x2, v2  }
0x123: {  	v4 =	vor.u32 $0x3, v2;
	v37 =	vor.u32 $0x5, v2;
	v38 =	vor.u32 $0x6, v2  }
0x124: {  	v39 =	vor.u32 $0x7, v2;
	v40 =	vor.u32 $0x8, v2;
	v41 =	vor.u32 $0x9, v2  }
0x125: {  	v42 =	vor.u32 $0xA, v2;
	v43 =	vor.u32 $0xB, v2;
	v44 =	vor.u32 $0xC, v2  }
0x126: {  	v45 =	vor.u32 $0xD, v2;
	v46 =	vor.u32 $0xE, v2;
	v47 =	vor.u32 $0xF, v2  }
0x127: {  	v48 =	vor.u32 $0x10, v2;
	v49 =	vor.u32 $0x11, v2;
	v50 =	vor.u32 $0x12, v2  }
0x128: {  	v51 =	vor.u32 $0x13, v2;
	v52 =	vor.u32 $0x14, v2;
	v0 =	vadd.f32 v62, v0  }
0x129: {  	v53 =	vor.u32 $0x15, v2;
	v54 =	vor.u32 $0x16, v2;
	v55 =	vor.u32 $0x17, v2  }
0x12a: {  	v56 =	vor.u32 $0x18, v2;
	v57 =	vor.u32 $0x19, v2;
	v58 =	vor.u32 $0x1A, v2;
	[tilespmem:v5+s18+$0x0] =	vst.idx.msk $0xffff, v0  }
0x12b: {  	v59 =	vor.u32 $0x1B, v2;
	v61 =	vor.u32 $0x1C, v2;
	v63 =	vor.u32 $0x1D, v2;
	v5 =	vld.idx.msk [tilespmem:v2+s15+$0x0], $0xffff  }
0x12c: {  	v25 =	vor.u32 $0x1E, v2;
	v14 =	vor.u32 $0x1F, v2;
	v0 =	vor.u32 $0x4, v2;
	v2 =	vld.idx.msk [tilespmem:v2+s16+$0x0], $0xffff  }
0x12d: {  	v8 =	vld.idx.msk [tilespmem:v3+s15+$0x0], $0xffff  }
0x12e: {  	v6 =	vld.idx.msk [tilespmem:v1+s15+$0x0], $0xffff  }
0x12f: {  	v9 =	vld.idx.msk [tilespmem:v4+s15+$0x0], $0xffff  }
0x130: {  	v18 =	vld.idx.msk [tilespmem:v37+s15+$0x0], $0xffff  }
0x131: {  	v10 =	vld.idx.msk [tilespmem:v38+s15+$0x0], $0xffff  }
0x132: {  	v60 =	vld.idx.msk [tilespmem:v39+s15+$0x0], $0xffff  }
0x133: {  	v19 =	vld.idx.msk [tilespmem:v40+s15+$0x0], $0xffff  }
0x134: {  	v20 =	vld.idx.msk [tilespmem:v41+s15+$0x0], $0xffff  }
0x135: {  	v11 =	vld.idx.msk [tilespmem:v42+s15+$0x0], $0xffff  }
0x136: {  	v62 =	vld.idx.msk [tilespmem:v43+s15+$0x0], $0xffff  }
0x137: {  	v21 =	vld.idx.msk [tilespmem:v44+s15+$0x0], $0xffff  }
0x138: {  	v23 =	vld.idx.msk [tilespmem:v45+s15+$0x0], $0xffff  }
0x139: {  	v12 =	vld.idx.msk [tilespmem:v46+s15+$0x0], $0xffff  }
0x13a: {  	v31 =	vld.idx.msk [tilespmem:v47+s15+$0x0], $0xffff  }
0x13b: {  	v16 =	vld.idx.msk [tilespmem:v49+s15+$0x0], $0xffff  }
0x13c: {  	v15 =	vld.idx.msk [tilespmem:v50+s15+$0x0], $0xffff  }
0x13d: {  	v33 =	vld.idx.msk [tilespmem:v51+s15+$0x0], $0xffff  }
0x13e: {  	v7 =	vld.idx.msk [tilespmem:v53+s15+$0x0], $0xffff  }
0x13f: {  	v34 =	vld.idx.msk [tilespmem:v52+s15+$0x0], $0xffff  }
0x140: {  	v13 =	vld.idx.msk [tilespmem:v57+s15+$0x0], $0xffff  }
0x141: {  	v35 =	vld.idx.msk [tilespmem:v61+s15+$0x0], $0xffff  }
0x142: {  	v36 =	vld.idx.msk [tilespmem:v63+s15+$0x0], $0xffff  }
0x143: {  	[tilespmem:$0x1FE80] =	vst v7;
	v7 =	vld.idx.msk [tilespmem:v55+s15+$0x0], $0xffff  }
0x144: {  	v3 =	vld.idx.msk [tilespmem:v3+s16+$0x0], $0xffff  }
0x145: {  	v1 =	vld.idx.msk [tilespmem:v1+s16+$0x0], $0xffff  }
0x146: {  	v4 =	vld.idx.msk [tilespmem:v4+s16+$0x0], $0xffff  }
0x147: {  	v37 =	vld.idx.msk [tilespmem:v37+s16+$0x0], $0xffff  }
0x148: {  	[tilespmem:$0x1FEA0] =	vst v7;
	v7 =	vld.idx.msk [tilespmem:v56+s15+$0x0], $0xffff  }
0x149: {  	v38 =	vld.idx.msk [tilespmem:v38+s16+$0x0], $0xffff  }
0x14a: {  	v39 =	vld.idx.msk [tilespmem:v39+s16+$0x0], $0xffff  }
0x14b: {  	v40 =	vld.idx.msk [tilespmem:v40+s16+$0x0], $0xffff  }
0x14c: {  	v41 =	vld.idx.msk [tilespmem:v41+s16+$0x0], $0xffff  }
0x14d: {  	[tilespmem:$0x1FEB0] =	vst v7;
	v7 =	vld.idx.msk [tilespmem:v58+s15+$0x0], $0xffff  }
0x14e: {  	v42 =	vld.idx.msk [tilespmem:v42+s16+$0x0], $0xffff  }
0x14f: {  	v43 =	vld.idx.msk [tilespmem:v43+s16+$0x0], $0xffff  }
0x150: {  	v45 =	vld.idx.msk [tilespmem:v45+s16+$0x0], $0xffff  }
0x151: {  	v46 =	vld.idx.msk [tilespmem:v46+s16+$0x0], $0xffff  }
0x152: {  	[tilespmem:$0x1FED0] =	vst v7;
	v7 =	vld.idx.msk [tilespmem:v59+s15+$0x0], $0xffff  }
0x153: {  	v47 =	vld.idx.msk [tilespmem:v47+s16+$0x0], $0xffff  }
0x154: {  	v49 =	vld.idx.msk [tilespmem:v49+s16+$0x0], $0xffff  }
0x155: {  	v50 =	vld.idx.msk [tilespmem:v50+s16+$0x0], $0xffff  }
0x156: {  	v17 =	vld.idx.msk [tilespmem:v0+s15+$0x0], $0xffff  }
0x157: {  	[tilespmem:$0x1FEE0] =	vst v7;
	v7 =	vld.idx.msk [tilespmem:v25+s15+$0x0], $0xffff  }
0x158: {  	v0 =	vld.idx.msk [tilespmem:v0+s16+$0x0], $0xffff  }
0x159: {  	[tilespmem:$0x1FE90] =	vst v25;
	v51 =	vld.idx.msk [tilespmem:v51+s16+$0x0], $0xffff;
	v4 =	vmul.f32 v4, v9  }
0x15a: {  	[tilespmem:$0x1FE50] =	vst v5;
	v2 =	vmul.f32 v2, v5;
	v5 =	vld [tilespmem:$0x1FE90];
	v3 =	vmul.f32 v3, v8  }
0x15b: {  	[tilespmem:$0x1FEC0] =	vst v14;
	v32 =	vadd.f32 $0.0e+00, v4;
	v4 =	vmul.f32 v39, v60;
	v39 =	vld.idx.msk [tilespmem:v52+s16+$0x0], $0xffff  }
0x15c: {  	v37 =	vmul.f32 v37, v18;
	v2 =	vadd.f32 $0.0e+00, v2;
	v3 =	vadd.f32 $0.0e+00, v3;
	[tilespmem:$0x1FEF0] =	vst v7;
	v7 =	vld.idx.msk [tilespmem:v14+s15+$0x0], $0xffff  }
0x15d: {  	v0 =	vmul.f32 v0, v17;
	v14 =	vmovc v9;
	v9 =	vmov v60;
	v60 =	vmul.f32 v43, v62;
	v43 =	vld.idx.msk [tilespmem:v55+s16+$0x0], $0xffff  }
0x15e: {  	v3 =	vadd.f32 v37, v3;
	v55 =	vld.idx.msk [tilespmem:v58+s16+$0x0], $0xffff  }
0x15f: {  	v0 =	vadd.f32 v0, v2;
	v2 =	vadd.f32 v4, v32;
	v4 =	vmul.f32 v41, v20;
	v58 =	vld.idx.msk [tilespmem:v59+s16+$0x0], $0xffff  }
0x160: {  	v1 =	vmul.f32 v1, v6;
	v59 =	vld.idx.msk [tilespmem:v61+s16+$0x0], $0xffff  }
0x161: {  	v3 =	vadd.f32 v4, v3;
	v4 =	vmul.f32 v45, v23;
	v61 =	vld.idx.msk [tilespmem:v63+s16+$0x0], $0xffff  }
0x162: {  	v38 =	vmul.f32 v38, v10;
	v1 =	vadd.f32 $0.0e+00, v1;
	v63 =	vld.idx.msk [tilespmem:v5+s16+$0x0], $0xffff  }
0x163: {  	v3 =	vadd.f32 v4, v3;
	v4 =	vmul.f32 v47, v31;
	v5 =	vld [tilespmem:$0x1FEA0];
	v2 =	vadd.f32 v60, v2  }
0x164: {  	v1 =	vadd.f32 v38, v1;
	v38 =	vld.idx.msk [tilespmem:v53+s16+$0x0], $0xffff;
	v53 =	vmul.f32 v42, v11  }
0x165: {  	v52 =	vmul.f32 v40, v19;
	v40 =	vld.idx.msk [tilespmem:v56+s16+$0x0], $0xffff;
	v2 =	vadd.f32 v4, v2;
	v4 =	vmul.f32 v51, v33  }
0x166: {  	v1 =	vadd.f32 v53, v1;
	v53 =	vld.idx.msk [tilespmem:v57+s16+$0x0], $0xffff  }
0x167: {  	v28 =	vmovc v20;
	v20 =	vmov v15;
	v57 =	vmul.f32 v50, v15;
	v2 =	vadd.f32 v4, v2;
	v4 =	vld [tilespmem:$0x1FE80]  }
0x168: {  	v0 =	vadd.f32 v52, v0;
	v52 =	vmul.f32 v46, v12;
	v15 =	vmovc v5;
	v46 =	vmul.f32 v43, v5;
	v5 =	vld [tilespmem:$0x1FEB0]  }
0x169: {  	v24 =	vld.idx.msk [tilespmem:v48+s15+$0x0], $0xffff;
	v56 =	vmul.f32 v49, v16  }
0x16a: {  	v22 =	vld.idx.msk [tilespmem:v54+s15+$0x0], $0xffff  }
0x16b: {  	v44 =	vld.idx.msk [tilespmem:v44+s16+$0x0], $0xffff;
	v27 =	vmov v19;
	v19 =	vmov v12;
	v3 =	vadd.f32 v56, v3  }
0x16c: {  	v12 =	vmovc v33;
	v60 =	vmul.f32 v39, v34;
	v33 =	vmovc v34;
	v34 =	vmov v4;
	v4 =	vmul.f32 v38, v4  }
0x16d: {  	[tilespmem:$0x1FF00] =	vst v7;
	v7 =	vmov v5;
	v40 =	vmul.f32 v40, v5;
	v5 =	vld [tilespmem:$0x1FEC0]  }
0x16e: {  	v48 =	vld.idx.msk [tilespmem:v48+s16+$0x0], $0xffff;
	v3 =	vadd.f32 v4, v3;
	v4 =	vmul.f32 v53, v13  }
0x16f: {  	v41 =	vld.idx.msk [tilespmem:v54+s16+$0x0], $0xffff  }
0x170: {  	v3 =	vadd.f32 v4, v3;
	v4 =	vld [tilespmem:$0x1FEE0];
	_ =	sdelay $0x1  }
0x171: {  	v25 =	vmovc v17;
	v17 =	vmov v10;
	v10 =	vmov v62;
	v62 =	vmul.f32 v44, v21;
	_ =	sdelay $0x1  }
0x172: {  	v29 =	vmovc v21;
	v54 =	vmul.f32 v48, v24;
	v0 =	vadd.f32 v62, v0;
	v62 =	vmul.f32 v41, v22  }
0x173: {  	v21 =	vmovc v22;
	v2 =	vadd.f32 v46, v2;
	v48 =	vld.idx.msk [tilespmem:v5+s16+$0x0], $0xffff;
	v22 =	vmov v4;
	v4 =	vmul.f32 v58, v4  }
0x174: {  	v5 =	vld [tilespmem:$0x1FED0]  }
0x175: {  	v2 =	vadd.f32 v4, v2;
	v4 =	vld [tilespmem:$0x1FF00];
	_ =	sdelay $0x2  }
0x176: {  	v26 =	vmov v18  }
0x177: {  	v18 =	vmovc v11;
	v11 =	vmovc v31;
	v32 =	vmov v16;
	v1 =	vadd.f32 v52, v1;
	v0 =	vadd.f32 v54, v0  }
0x178: {  	v31 =	vmovc v24;
	v24 =	vmovc v5;
	v49 =	vmul.f32 v55, v5;
	v5 =	vld [tilespmem:$0x1FEF0];
	v16 =	vmov v4;
	v4 =	vmul.f32 v48, v4  }
0x179: {  	v1 =	vadd.f32 v57, v1  }
0x17a: {  	v0 =	vadd.f32 v60, v0;
	v2 =	vadd.f32 v4, v2;
	v4 =	vld [tilespmem:$0x1FFD0]  }
0x17b: {  	v1 =	vadd.f32 v62, v1  }
0x17c: {  	s28 =	simm.s32 $0x0;
	v50 =	vmul.f32 v59, v35;
	v51 =	vmul.f32 v61, v36;
	v0 =	vadd.f32 v40, v0  }
0x17d: {  	v53 =	vmov s28;
	v1 =	vadd.f32 v49, v1;
	v52 =	vmul.f32 v63, v5  }
0x17e: {  	v0 =	vadd.f32 v50, v0;
	v37 =	vshll.u32 v53, $0x5  }
0x17f: {  	[tilespmem:$0x1FE70] =	vst v6;
	v3 =	vadd.f32 v51, v3;
	v1 =	vadd.f32 v52, v1;
	v6 =	vadd.s32 $0x2800, v4  }
0x180: {  	v38 =	vadd.s32 v6, v37  }
0x181: {  	v0 =	vadd.f32 v3, v0;
	v1 =	vadd.f32 v2, v1;
	v54 =	vor.u32 $0x1C, v38  }
0x182: {  	v55 =	vor.u32 $0x1D, v38  }
0x183: {  	v0 =	vadd.f32 v1, v0;
	v56 =	vor.u32 $0x18, v38  }
0x184: {  	v37 =	vor.u32 $0x19, v38  }
0x185: {  	v63 =	vld [tilespmem:$0x1FFF0];
	[tilespmem:s25+$0x14C10] =	vst v0;
	v57 =	vor.u32 $0x14, v38  }
0x186: {  	v58 =	vor.u32 $0x15, v38;
	v39 =	vld.idx.msk [tilespmem:v54+s29+$0x0], $0xffff  }
0x187: {  	v59 =	vor.u32 $0x10, v38;
	v43 =	vld.idx.msk [tilespmem:v55+s29+$0x0], $0xffff  }
0x188: {  	v60 =	vor.u32 $0x11, v38;
	v40 =	vld.idx.msk [tilespmem:v56+s29+$0x0], $0xffff  }
0x189: {  	v61 =	vor.u32 $0xC, v38;
	v44 =	vld.idx.msk [tilespmem:v37+s29+$0x0], $0xffff  }
0x18a: {  	v62 =	vor.u32 $0xD, v38;
	v41 =	vld.idx.msk [tilespmem:v57+s29+$0x0], $0xffff  }
0x18b: {  	v45 =	vld.idx.msk [tilespmem:v58+s29+$0x0], $0xffff  }
0x18c: {  	v42 =	vld.idx.msk [tilespmem:v59+s29+$0x0], $0xffff  }
0x18d: {  	s31 =	smul.u32 $0x14, s31;
	v46 =	vld.idx.msk [tilespmem:v60+s29+$0x0], $0xffff  }
0x18e: {  	v30 =	vmov v23;
	v51 =	vor.u32 $0x8, v38;
	v52 =	vor.u32 $0x9, v38;
	v47 =	vld.idx.msk [tilespmem:v61+s29+$0x0], $0xffff  }
0x18f: {  	[tilespmem:$0x1FE60] =	vst v8;
	v8 =	vmovc v13;
	v23 =	vmovc v5;
	v50 =	vor.u32 $0x4, v38;
	v49 =	vor.u32 $0x5, v38;
	s25 =	simm.s32 $0x1;
	v37 =	vadd.s32 s31, v63;
	v48 =	vld.idx.msk [tilespmem:v62+s29+$0x0], $0xffff  }
.LBB2_5:
0x190: {  	_ =	sdelay $0x2  }
0x191: {  	v1 =	vld.idx.msk [tilespmem:v51+s29+$0x0], $0xffff  }
0x192: {  	v3 =	vld.idx.msk [tilespmem:v52+s29+$0x0], $0xffff  }
0x193: {  	v0 =	vor.u32 $0x1, v38;
	v50 =	vld.idx.msk [tilespmem:v50+s29+$0x0], $0xffff  }
0x194: {  	v2 =	vor.u32 $0x2, v38;
	v54 =	vld.idx.msk [tilespmem:v38+s29+$0x0], $0xffff  }
0x195: {  	v5 =	vld [tilespmem:$0x1FE50]  }
0x196: {  	v63 =	vor.u32 $0x3, v38;
	v49 =	vld.idx.msk [tilespmem:v49+s29+$0x0], $0xffff;
	v52 =	vor.u32 $0x6, v38;
	v53 =	vor.u32 $0x1E, v38  }
0x197: {  	v55 =	vor.u32 $0x7, v38;
	v56 =	vor.u32 $0x1A, v38;
	v57 =	vor.u32 $0x1F, v38;
	v13 =	vld [tilespmem:$0x1FE70]  }
0x198: {  	v58 =	vor.u32 $0xA, v38;
	v39 =	vmul.f32 v39, v35;
	v43 =	vmul.f32 v43, v36;
	v0 =	vld.idx.msk [tilespmem:v0+s29+$0x0], $0xffff  }
0x199: {  	v59 =	vor.u32 $0xB, v38;
	v40 =	vmul.f32 v40, v7;
	v44 =	vmul.f32 v44, v8;
	v2 =	vld.idx.msk [tilespmem:v2+s29+$0x0], $0xffff  }
0x19a: {  	v60 =	vor.u32 $0xE, v38;
	v41 =	vmul.f32 v41, v33;
	v54 =	vmul.f32 v54, v5;
	v5 =	vld [tilespmem:$0x1FE60]  }
0x19b: {  	v61 =	vor.u32 $0xF, v38;
	v45 =	vmul.f32 v45, v34;
	v42 =	vmul.f32 v42, v31;
	v51 =	vld.idx.msk [tilespmem:v63+s29+$0x0], $0xffff  }
0x19c: {  	v62 =	vor.u32 $0x12, v38;
	v46 =	vmul.f32 v46, v32;
	v47 =	vmul.f32 v47, v29;
	v52 =	vld.idx.msk [tilespmem:v52+s29+$0x0], $0xffff  }
0x19d: {  	v4 =	vor.u32 $0x16, v38;
	v48 =	vmul.f32 v48, v30;
	v55 =	vld.idx.msk [tilespmem:v55+s29+$0x0], $0xffff;
	v1 =	vmul.f32 v1, v27  }
0x19e: {  	v3 =	vmul.f32 v3, v28;
	v58 =	vld.idx.msk [tilespmem:v58+s29+$0x0], $0xffff;
	v63 =	vor.u32 $0x13, v38;
	v50 =	vmul.f32 v50, v25  }
0x19f: {  	v49 =	vmul.f32 v49, v26;
	v59 =	vld.idx.msk [tilespmem:v59+s29+$0x0], $0xffff;
	v54 =	vadd.f32 $0.0e+00, v54;
	v0 =	vmul.f32 v0, v5  }
0x1a0: {  	v60 =	vld.idx.msk [tilespmem:v60+s29+$0x0], $0xffff;
	v5 =	vor.u32 $0x17, v38;
	v2 =	vmul.f32 v2, v13;
	v51 =	vmul.f32 v51, v14  }
0x1a1: {  	v61 =	vld.idx.msk [tilespmem:v61+s29+$0x0], $0xffff;
	v38 =	vor.u32 $0x1B, v38;
	v52 =	vmul.f32 v52, v17;
	v0 =	vadd.f32 $0.0e+00, v0  }
0x1a2: {  	v62 =	vld.idx.msk [tilespmem:v62+s29+$0x0], $0xffff;
	v55 =	vmul.f32 v55, v9;
	v2 =	vadd.f32 $0.0e+00, v2;
	v51 =	vadd.f32 $0.0e+00, v51  }
0x1a3: {  	v50 =	vadd.f32 v50, v54;
	v63 =	vld.idx.msk [tilespmem:v63+s29+$0x0], $0xffff;
	v58 =	vmul.f32 v58, v18;
	v0 =	vadd.f32 v49, v0  }
0x1a4: {  	v4 =	vld.idx.msk [tilespmem:v4+s29+$0x0], $0xffff;
	v59 =	vmul.f32 v59, v10;
	v2 =	vadd.f32 v52, v2;
	v51 =	vadd.f32 v55, v51  }
0x1a5: {  	v54 =	vmul.f32 v60, v19;
	v1 =	vadd.f32 v1, v50;
	v5 =	vld.idx.msk [tilespmem:v5+s29+$0x0], $0xffff;
	v0 =	vadd.f32 v3, v0  }
0x1a6: {  	v55 =	vld.idx.msk [tilespmem:v56+s29+$0x0], $0xffff;
	v2 =	vadd.f32 v58, v2;
	v56 =	vadd.f32 v59, v51;
	v58 =	vmul.f32 v61, v11  }
0x1a7: {  	v1 =	vadd.f32 v47, v1;
	v38 =	vld.idx.msk [tilespmem:v38+s29+$0x0], $0xffff;
	v59 =	vmul.f32 v62, v20;
	v0 =	vadd.f32 v48, v0  }
0x1a8: {  	v60 =	vld.idx.msk [tilespmem:v53+s29+$0x0], $0xffff;
	v62 =	vmul.f32 v63, v12;
	v2 =	vadd.f32 v54, v2;
	v61 =	vadd.f32 v58, v56  }
0x1a9: {  	v4 =	vmul.f32 v4, v21;
	v1 =	vadd.f32 v42, v1;
	v63 =	vld.idx.msk [tilespmem:v57+s29+$0x0], $0xffff;
	v0 =	vadd.f32 v46, v0  }
0x1aa: {  	v2 =	vadd.f32 v59, v2;
	v3 =	vadd.f32 v62, v61;
	v5 =	vmul.f32 v5, v15  }
0x1ab: {  	v1 =	vadd.f32 v41, v1;
	v53 =	vmul.f32 v55, v24;
	v0 =	vadd.f32 v45, v0  }
0x1ac: {  	v2 =	vadd.f32 v4, v2;
	v3 =	vadd.f32 v5, v3;
	v4 =	vmul.f32 v38, v22  }
0x1ad: {  	v1 =	vadd.f32 v40, v1;
	v5 =	vmul.f32 v60, v23;
	v0 =	vadd.f32 v44, v0  }
0x1ae: {  	v2 =	vadd.f32 v53, v2;
	v3 =	vadd.f32 v4, v3;
	v4 =	vmul.f32 v63, v16  }
0x1af: {  	v54 =	vmov s25;
	v1 =	vadd.f32 v39, v1;
	v0 =	vadd.f32 v43, v0  }
0x1b0: {  	v38 =	vshll.u32 v54, $0x5;
	v2 =	vadd.f32 v5, v2;
	v3 =	vadd.f32 v4, v3  }
0x1b1: {  	v38 =	vadd.s32 v6, v38;
	v4 =	vadd.s32 s28, v37  }
0x1b2: {  	v5 =	vor.u32 $0x1C, v38;
	v0 =	vadd.f32 v0, v1;
	v55 =	vadd.f32 v3, v2  }
0x1b3: {  	v56 =	vor.u32 $0x1D, v38  }
0x1b4: {  	v57 =	vor.u32 $0x18, v38;
	v0 =	vadd.f32 v55, v0  }
0x1b5: {  	v58 =	vor.u32 $0x19, v38  }
0x1b6: {  	v59 =	vor.u32 $0x14, v38;
	[tilespmem:v4+s18+$0x0] =	vst.idx.msk $0xffff, v0  }
0x1b7: {  	v60 =	vor.u32 $0x15, v38;
	v39 =	vld.idx.msk [tilespmem:v5+s29+$0x0], $0xffff  }
0x1b8: {  	v61 =	vor.u32 $0x11, v38;
	v43 =	vld.idx.msk [tilespmem:v56+s29+$0x0], $0xffff  }
0x1b9: {  	v62 =	vor.u32 $0xC, v38;
	v40 =	vld.idx.msk [tilespmem:v57+s29+$0x0], $0xffff  }
0x1ba: {  	v63 =	vor.u32 $0xD, v38;
	v44 =	vld.idx.msk [tilespmem:v58+s29+$0x0], $0xffff  }
0x1bb: {  	p0 =	sne.s32 s25, $0x13;
	v4 =	vor.u32 $0x10, v38;
	v41 =	vld.idx.msk [tilespmem:v59+s29+$0x0], $0xffff  }
.Ltmp3:
0x1bc: {  	v45 =	vld.idx.msk [tilespmem:v60+s29+$0x0], $0xffff;
	(pc) =	sbr.rel @p0 .LBB2_5-.Ltmp3, $4  }
0x1bd: {  	v46 =	vld.idx.msk [tilespmem:v61+s29+$0x0], $0xffff  }
0x1be: {  	v47 =	vld.idx.msk [tilespmem:v62+s29+$0x0], $0xffff  }
0x1bf: {  	v51 =	vor.u32 $0x8, v38;
	v48 =	vld.idx.msk [tilespmem:v63+s29+$0x0], $0xffff  }
0x1c0: {  	v52 =	vor.u32 $0x9, v38;
	v50 =	vor.u32 $0x4, v38;
	v49 =	vor.u32 $0x5, v38;
	s28 =	smov.u32 s25;
	s25 =	sadd.s32 $0x1, s25;
	v42 =	vld.idx.msk [tilespmem:v4+s29+$0x0], $0xffff  }
0x1c1: {  	_ =	sdelay $0x2  }
0x1c2: {  	v0 =	vor.u32 $0x1, v38  }
0x1c3: {  	[tilespmem:$0x1FD80] =	vst v6;
	v3 =	vld.idx.msk [tilespmem:v52+s29+$0x0], $0xffff;
	v52 =	vor.u32 $0x7, v38;
	v6 =	vmul.f32 v39, v35  }
0x1c4: {  	v55 =	vld.idx.msk [tilespmem:v38+s29+$0x0], $0xffff;
	v56 =	vor.u32 $0xA, v38  }
0x1c5: {  	[tilespmem:$0x1FD90] =	vst v6;
	v6 =	vld [tilespmem:$0x1FE50];
	_ =	sdelay $0x1  }
0x1c6: {  	v0 =	vld.idx.msk [tilespmem:v0+s29+$0x0], $0xffff  }
0x1c7: {  	v35 =	vmul.f32 v44, v8;
	v44 =	vld.idx.msk [tilespmem:v52+s29+$0x0], $0xffff  }
0x1c8: {  	v2 =	vor.u32 $0x2, v38;
	v52 =	vld.idx.msk [tilespmem:v56+s29+$0x0], $0xffff  }
0x1c9: {  	v56 =	vmul.f32 v55, v6;
	v6 =	vld [tilespmem:$0x1FE60]  }
0x1ca: {  	v1 =	vld.idx.msk [tilespmem:v51+s29+$0x0], $0xffff;
	v4 =	vor.u32 $0x3, v38  }
0x1cb: {  	v5 =	vld.idx.msk [tilespmem:v50+s29+$0x0], $0xffff;
	v50 =	vor.u32 $0x6, v38  }
0x1cc: {  	v49 =	vld.idx.msk [tilespmem:v49+s29+$0x0], $0xffff  }
0x1cd: {  	v53 =	vor.u32 $0x1A, v38;
	v54 =	vor.u32 $0x1F, v38;
	v39 =	vor.u32 $0xB, v38;
	v2 =	vld.idx.msk [tilespmem:v2+s29+$0x0], $0xffff  }
0x1ce: {  	v63 =	vmul.f32 v40, v7;
	v40 =	vor.u32 $0xE, v38;
	v0 =	vmul.f32 v0, v6;
	v6 =	vld [tilespmem:$0x1FE70]  }
0x1cf: {  	v36 =	vmul.f32 v43, v36;
	v62 =	vmul.f32 v45, v34;
	v34 =	vor.u32 $0xF, v38;
	v4 =	vld.idx.msk [tilespmem:v4+s29+$0x0], $0xffff  }
0x1d0: {  	v61 =	vmul.f32 v41, v33;
	v43 =	vor.u32 $0x12, v38;
	v59 =	vmul.f32 v42, v31;
	v42 =	vld.idx.msk [tilespmem:v50+s29+$0x0], $0xffff  }
0x1d1: {  	v60 =	vmul.f32 v46, v32;
	v32 =	vor.u32 $0x17, v38;
	v58 =	vmul.f32 v48, v30  }
0x1d2: {  	v1 =	vmul.f32 v1, v27;
	v48 =	vmul.f32 v49, v26;
	v49 =	vor.u32 $0x16, v38;
	v39 =	vld.idx.msk [tilespmem:v39+s29+$0x0], $0xffff  }
0x1d3: {  	v3 =	vmul.f32 v3, v28;
	v50 =	vor.u32 $0x13, v38;
	v40 =	vld.idx.msk [tilespmem:v40+s29+$0x0], $0xffff;
	v2 =	vmul.f32 v2, v6  }
0x1d4: {  	v5 =	vmul.f32 v5, v25;
	v33 =	vld.idx.msk [tilespmem:v34+s29+$0x0], $0xffff;
	v34 =	vadd.f32 $0.0e+00, v56;
	v4 =	vmul.f32 v4, v14  }
0x1d5: {  	v8 =	vmul.f32 v42, v17;
	v7 =	vmul.f32 v44, v9;
	v2 =	vadd.f32 $0.0e+00, v2  }
0x1d6: {  	v45 =	vld.idx.msk [tilespmem:v43+s29+$0x0], $0xffff;
	v9 =	vmul.f32 v52, v18;
	v4 =	vadd.f32 $0.0e+00, v4;
	v0 =	vadd.f32 $0.0e+00, v0  }
0x1d7: {  	v13 =	vld.idx.msk [tilespmem:v49+s29+$0x0], $0xffff;
	v5 =	vadd.f32 v5, v34;
	v6 =	vor.u32 $0x1B, v38;
	v2 =	vadd.f32 v8, v2  }
0x1d8: {  	v25 =	vld.idx.msk [tilespmem:v50+s29+$0x0], $0xffff;
	v4 =	vadd.f32 v7, v4;
	v7 =	vmul.f32 v39, v10;
	v0 =	vadd.f32 v48, v0  }
0x1d9: {  	v1 =	vadd.f32 v1, v5;
	v5 =	vld.idx.msk [tilespmem:v53+s29+$0x0], $0xffff;
	v48 =	vmul.f32 v40, v19;
	v2 =	vadd.f32 v9, v2  }
0x1da: {  	v51 =	vor.u32 $0x1E, v38;
	v4 =	vadd.f32 v7, v4;
	v0 =	vadd.f32 v3, v0;
	v8 =	vld.idx.msk [tilespmem:v32+s29+$0x0], $0xffff  }
0x1db: {  	v7 =	vmul.f32 v33, v11;
	v9 =	vmul.f32 v45, v20;
	v2 =	vadd.f32 v48, v2  }
0x1dc: {  	v57 =	vmul.f32 v47, v29;
	v10 =	vmul.f32 v13, v21;
	v0 =	vadd.f32 v58, v0;
	v6 =	vld.idx.msk [tilespmem:v6+s29+$0x0], $0xffff  }
0x1dd: {  	v49 =	vadd.f32 v7, v4;
	v4 =	vmul.f32 v25, v12;
	v2 =	vadd.f32 v9, v2  }
0x1de: {  	v1 =	vadd.f32 v57, v1;
	v7 =	vld.idx.msk [tilespmem:v54+s29+$0x0], $0xffff;
	v5 =	vmul.f32 v5, v24;
	v0 =	vadd.f32 v60, v0  }
0x1df: {  	v11 =	vld.idx.msk [tilespmem:v51+s29+$0x0], $0xffff;
	v3 =	vadd.f32 v4, v49;
	v4 =	vmul.f32 v8, v15;
	v2 =	vadd.f32 v10, v2  }
0x1e0: {  	v1 =	vadd.f32 v59, v1;
	v0 =	vadd.f32 v62, v0  }
0x1e1: {  	v3 =	vadd.f32 v4, v3;
	v4 =	vmul.f32 v6, v22;
	v2 =	vadd.f32 v5, v2;
	v5 =	vld [tilespmem:$0x1FD90]  }
0x1e2: {  	v1 =	vadd.f32 v61, v1  }
0x1e3: {  	v0 =	vadd.f32 v35, v0;
	v3 =	vadd.f32 v4, v3;
	v4 =	vmul.f32 v7, v16  }
0x1e4: {  	v1 =	vadd.f32 v63, v1;
	v6 =	vmul.f32 v11, v23  }
0x1e5: {  	v0 =	vadd.f32 v36, v0;
	v3 =	vadd.f32 v4, v3  }
0x1e6: {  	v2 =	vadd.f32 v6, v2;
	v1 =	vadd.f32 v5, v1  }
0x1e7: {  	v4 =	vadd.s32 s28, v37  }
0x1e8: {  	p0 =	seq.s32 s23, $0x7;
	v50 =	vadd.f32 v3, v2;
	v0 =	vadd.f32 v0, v1  }
0x1e9: {  	s25 =	smul.u32 @!p0 $0x1400, s23  }
0x1ea: {  	v0 =	vadd.f32 v50, v0  }
0x1eb: {  	s28 =	sshra.s32 @!p0 s25, $0x2  }
0x1ec: {  	s20 =	simm.s32 @!p0 $0x80;
	s31 =	simm.s32 @!p0 $0xAC00;
	s25 =	sadd.s32 @!p0 $0x900, s28;
	[tilespmem:v4+s18+$0x0] =	vst.idx.msk $0xffff, v0  }
0x1ed: {  	[tilespmem:s31], [sflag:$0x2] =	stream.indirect.gather @!p0 [hbm4b:s4+s20], $0x20, s25, s20, $0xb8;
	[tilespmem:$0x17600] =	vst v63  }
0x1ee: {  	s25 =	sadd.s32 @!p0 $0x980, s28;
	s31 =	simm.s32 @!p0 $0xBC00  }
0x1ef: {  	[tilespmem:s31], [sflag:$0x2] =	stream.indirect.gather @!p0 [hbm4b:s4+s20], $0x20, s25, s20, $0xb8;
	[tilespmem:$0x17600] =	vst v63  }
0x1f0: {  	s13 =	sshll.u32 s23, $0x1;
	s12 =	simm.s32 @!p0 $0xCC00;
	s31 =	sadd.s32 @!p0 $0xA00, s28  }
0x1f1: {  	v52 =	vld [tilespmem:$0x1FFE0];
	[tilespmem:s12], [sflag:$0x2] =	stream.indirect.gather @!p0 [hbm4b:s4+s20], $0x20, s31, s20, $0xb8  }
0x1f2: {  	s31 =	sor.u32 $0x1, s13  }
0x1f3: {  	s25 =	sshll.u32 s31, $0x5  }
0x1f4: {  	v51 =	vmov s25  }
0x1f5: {  	v0 =	vshll.u32 v51, $0x5  }
0x1f6: {  	v0 =	vor.u32 v52, v0  }
0x1f7: {  	v1 =	vor.u32 $0x1, v0  }
0x1f8: {  	v2 =	vor.u32 $0x2, v0;
	v3 =	vor.u32 $0x3, v0;
	v4 =	vor.u32 $0x4, v0  }
0x1f9: {  	s12 =	sadd.s32 @!p0 $0xA80, s28;
	s13 =	simm.s32 @!p0 $0xDC00;
	v37 =	vor.u32 $0x5, v0;
	v38 =	vor.u32 $0x6, v0;
	v39 =	vor.u32 $0x7, v0  }
0x1fa: {  	[tilespmem:s13], [sflag:$0x2] =	stream.indirect.gather @!p0 [hbm4b:s4+s20], $0x20, s12, s20, $0xb8;
	v40 =	vor.u32 $0x8, v0;
	v41 =	vor.u32 $0x9, v0;
	v42 =	vor.u32 $0xA, v0;
	[tilespmem:$0x17600] =	vst v63  }
0x1fb: {  	s12 =	sadd.s32 @!p0 $0xB00, s28;
	s13 =	simm.s32 @!p0 $0xEC00;
	v43 =	vor.u32 $0xB, v0;
	v44 =	vor.u32 $0xC, v0;
	v45 =	vor.u32 $0xD, v0  }
0x1fc: {  	[tilespmem:s13], [sflag:$0x2] =	stream.indirect.gather @!p0 [hbm4b:s4+s20], $0x20, s12, s20, $0xb8;
	v46 =	vor.u32 $0xE, v0;
	v47 =	vor.u32 $0xF, v0;
	v48 =	vor.u32 $0x10, v0;
	[tilespmem:$0x17600] =	vst v63  }
0x1fd: {  	_ =	swait.ge [sflag:s19], $0x5000;
	v49 =	vor.u32 $0x11, v0;
	v50 =	vor.u32 $0x12, v0;
	v51 =	vor.u32 $0x13, v0  }
0x1fe: {  	v52 =	vor.u32 $0x14, v0;
	v53 =	vor.u32 $0x15, v0;
	v54 =	vor.u32 $0x16, v0;
	[sflag:s19] =	ssyncset.done $0x0  }
0x1ff: {  	v55 =	vor.u32 $0x17, v0;
	v56 =	vor.u32 $0x18, v0;
	v57 =	vor.u32 $0x19, v0;
	[sflag:s19] =	ssyncadd.s32 $0xFFFFB000  }
0x200: {  	v58 =	vor.u32 $0x1A, v0;
	v59 =	vor.u32 $0x1B, v0;
	v61 =	vor.u32 $0x1C, v0;
	v7 =	vld.idx.msk [tilespmem:v0+s15+$0x0], $0xffff  }
0x201: {  	v62 =	vor.u32 $0x1D, v0;
	v24 =	vor.u32 $0x1E, v0;
	v13 =	vor.u32 $0x1F, v0;
	v0 =	vld.idx.msk [tilespmem:v0+s16+$0x0], $0xffff  }
0x202: {  	v8 =	vld.idx.msk [tilespmem:v1+s15+$0x0], $0xffff  }
0x203: {  	v5 =	vld.idx.msk [tilespmem:v2+s15+$0x0], $0xffff  }
0x204: {  	v9 =	vld.idx.msk [tilespmem:v3+s15+$0x0], $0xffff  }
0x205: {  	v16 =	vld.idx.msk [tilespmem:v4+s15+$0x0], $0xffff  }
0x206: {  	v17 =	vld.idx.msk [tilespmem:v37+s15+$0x0], $0xffff  }
0x207: {  	v10 =	vld.idx.msk [tilespmem:v38+s15+$0x0], $0xffff  }
0x208: {  	v60 =	vld.idx.msk [tilespmem:v39+s15+$0x0], $0xffff  }
0x209: {  	v18 =	vld.idx.msk [tilespmem:v40+s15+$0x0], $0xffff  }
0x20a: {  	v11 =	vld.idx.msk [tilespmem:v42+s15+$0x0], $0xffff  }
0x20b: {  	v63 =	vld.idx.msk [tilespmem:v43+s15+$0x0], $0xffff  }
0x20c: {  	v20 =	vld.idx.msk [tilespmem:v44+s15+$0x0], $0xffff  }
0x20d: {  	v14 =	vld.idx.msk [tilespmem:v46+s15+$0x0], $0xffff  }
0x20e: {  	v23 =	vld.idx.msk [tilespmem:v48+s15+$0x0], $0xffff  }
0x20f: {  	v32 =	vld.idx.msk [tilespmem:v51+s15+$0x0], $0xffff  }
0x210: {  	v33 =	vld.idx.msk [tilespmem:v52+s15+$0x0], $0xffff  }
0x211: {  	v6 =	vld.idx.msk [tilespmem:v53+s15+$0x0], $0xffff  }
0x212: {  	v12 =	vld.idx.msk [tilespmem:v58+s15+$0x0], $0xffff  }
0x213: {  	v1 =	vld.idx.msk [tilespmem:v1+s16+$0x0], $0xffff  }
0x214: {  	v2 =	vld.idx.msk [tilespmem:v2+s16+$0x0], $0xffff  }
0x215: {  	v3 =	vld.idx.msk [tilespmem:v3+s16+$0x0], $0xffff  }
0x216: {  	v4 =	vld.idx.msk [tilespmem:v4+s16+$0x0], $0xffff  }
0x217: {  	v37 =	vld.idx.msk [tilespmem:v37+s16+$0x0], $0xffff  }
0x218: {  	v38 =	vld.idx.msk [tilespmem:v38+s16+$0x0], $0xffff  }
0x219: {  	[tilespmem:$0x1FE10] =	vst v12;
	v12 =	vld.idx.msk [tilespmem:v59+s15+$0x0], $0xffff  }
0x21a: {  	v39 =	vld.idx.msk [tilespmem:v39+s16+$0x0], $0xffff  }
0x21b: {  	v40 =	vld.idx.msk [tilespmem:v40+s16+$0x0], $0xffff  }
0x21c: {  	v42 =	vld.idx.msk [tilespmem:v42+s16+$0x0], $0xffff  }
0x21d: {  	v43 =	vld.idx.msk [tilespmem:v43+s16+$0x0], $0xffff  }
0x21e: {  	[tilespmem:$0x1FE20] =	vst v12;
	v12 =	vld.idx.msk [tilespmem:v24+s15+$0x0], $0xffff  }
0x21f: {  	v44 =	vld.idx.msk [tilespmem:v44+s16+$0x0], $0xffff;
	v0 =	vmul.f32 v0, v7  }
0x220: {  	v46 =	vld.idx.msk [tilespmem:v46+s16+$0x0], $0xffff  }
0x221: {  	v48 =	vld.idx.msk [tilespmem:v48+s16+$0x0], $0xffff;
	v2 =	vmul.f32 v2, v5;
	v4 =	vmul.f32 v4, v16;
	v0 =	vadd.f32 $0.0e+00, v0  }
0x222: {  	v51 =	vld.idx.msk [tilespmem:v51+s16+$0x0], $0xffff;
	v1 =	vmul.f32 v1, v8;
	v38 =	vmul.f32 v38, v10  }
0x223: {  	v2 =	vadd.f32 $0.0e+00, v2;
	v0 =	vadd.f32 v4, v0;
	v4 =	vmul.f32 v40, v18;
	[tilespmem:$0x1FE30] =	vst v12;
	v12 =	vld.idx.msk [tilespmem:v13+s15+$0x0], $0xffff  }
0x224: {  	v52 =	vld.idx.msk [tilespmem:v52+s16+$0x0], $0xffff;
	[tilespmem:$0x1FDC0] =	vst v6;
	v3 =	vmul.f32 v3, v9;
	v37 =	vmul.f32 v37, v17;
	v1 =	vadd.f32 $0.0e+00, v1  }
0x225: {  	[tilespmem:$0x1FDB0] =	vst v5;
	v5 =	vld [tilespmem:$0x1FDC0];
	v2 =	vadd.f32 v38, v2;
	v0 =	vadd.f32 v4, v0;
	v4 =	vmul.f32 v42, v11  }
0x226: {  	[tilespmem:$0x1FDF0] =	vst v13;
	v39 =	vmul.f32 v39, v60;
	v1 =	vadd.f32 v37, v1;
	v37 =	vld.idx.msk [tilespmem:v53+s16+$0x0], $0xffff  }
0x227: {  	v3 =	vadd.f32 $0.0e+00, v3;
	v2 =	vadd.f32 v4, v2;
	v4 =	vmul.f32 v46, v14;
	v13 =	vmovc v9;
	v9 =	vmovc v63  }
0x228: {  	[tilespmem:$0x1FE40] =	vst v12;
	v12 =	vmovc v8;
	v8 =	vmov v60;
	v60 =	vmul.f32 v43, v63;
	v63 =	vmul.f32 v44, v20  }
0x229: {  	[tilespmem:$0x1FDD0] =	vst v24;
	v3 =	vadd.f32 v39, v3  }
0x22a: {  	v25 =	vmovc v17;
	v2 =	vadd.f32 v4, v2;
	v4 =	vmul.f32 v48, v23;
	v0 =	vadd.f32 v63, v0  }
0x22b: {  	v17 =	vmovc v11;
	v37 =	vmul.f32 v37, v5;
	v3 =	vadd.f32 v60, v3;
	v60 =	vmul.f32 v51, v32  }
0x22c: {  	v11 =	vmovc v32;
	v32 =	vmovc v33;
	v0 =	vadd.f32 v4, v0;
	v4 =	vmul.f32 v52, v33;
	v33 =	vmov v5;
	v5 =	vld [tilespmem:$0x1FDD0]  }
0x22d: {  	v19 =	vld.idx.msk [tilespmem:v41+s15+$0x0], $0xffff  }
0x22e: {  	v41 =	vld.idx.msk [tilespmem:v41+s16+$0x0], $0xffff  }
0x22f: {  	v6 =	vld.idx.msk [tilespmem:v55+s15+$0x0], $0xffff;
	_ =	sdelay $0x3  }
0x230: {  	v53 =	vmul.f32 v41, v19;
	v41 =	vld.idx.msk [tilespmem:v55+s16+$0x0], $0xffff  }
0x231: {  	[tilespmem:$0x1FDE0] =	vst v6;
	v63 =	vld.idx.msk [tilespmem:v5+s16+$0x0], $0xffff  }
0x232: {  	v5 =	vld [tilespmem:$0x1FDE0];
	_ =	sdelay $0x2  }
0x233: {  	v22 =	vld.idx.msk [tilespmem:v45+s15+$0x0], $0xffff  }
0x234: {  	v15 =	vld.idx.msk [tilespmem:v49+s15+$0x0], $0xffff  }
0x235: {  	v26 =	vmovc v18;
	v18 =	vmov v14;
	v14 =	vmov v5;
	v46 =	vmul.f32 v41, v5;
	v5 =	vld [tilespmem:$0x1FDF0]  }
0x236: {  	v21 =	vld.idx.msk [tilespmem:v50+s15+$0x0], $0xffff  }
0x237: {  	v34 =	vld.idx.msk [tilespmem:v54+s15+$0x0], $0xffff  }
0x238: {  	v6 =	vld.idx.msk [tilespmem:v56+s15+$0x0], $0xffff  }
0x239: {  	v49 =	vld.idx.msk [tilespmem:v49+s16+$0x0], $0xffff  }
0x23a: {  	v50 =	vld.idx.msk [tilespmem:v50+s16+$0x0], $0xffff  }
0x23b: {  	v39 =	vld.idx.msk [tilespmem:v54+s16+$0x0], $0xffff  }
0x23c: {  	v1 =	vadd.f32 v53, v1;
	v53 =	vld.idx.msk [tilespmem:v56+s16+$0x0], $0xffff  }
0x23d: {  	[tilespmem:$0x1FE00] =	vst v6;
	v48 =	vld.idx.msk [tilespmem:v5+s16+$0x0], $0xffff  }
0x23e: {  	v5 =	vld [tilespmem:$0x1FE00]  }
0x23f: {  	v54 =	vld.idx.msk [tilespmem:v57+s16+$0x0], $0xffff  }
0x240: {  	v56 =	vld.idx.msk [tilespmem:v58+s16+$0x0], $0xffff  }
0x241: {  	v58 =	vld.idx.msk [tilespmem:v59+s16+$0x0], $0xffff  }
0x242: {  	v28 =	vmov v20;
	v6 =	vld.idx.msk [tilespmem:v57+s15+$0x0], $0xffff;
	v57 =	vmul.f32 v49, v15;
	v20 =	vmov v34  }
0x243: {  	v0 =	vadd.f32 v4, v0;
	v4 =	vmul.f32 v39, v34;
	v34 =	vmovc v5;
	v49 =	vmul.f32 v53, v5;
	v5 =	vld [tilespmem:$0x1FE20]  }
0x244: {  	v45 =	vld.idx.msk [tilespmem:v45+s16+$0x0], $0xffff;
	_ =	sdelay $0x1  }
0x245: {  	v30 =	vld.idx.msk [tilespmem:v47+s15+$0x0], $0xffff  }
0x246: {  	v47 =	vld.idx.msk [tilespmem:v47+s16+$0x0], $0xffff  }
0x247: {  	v27 =	vmovc v19;
	v19 =	vmovc v21;
	v59 =	vmul.f32 v50, v21;
	v21 =	vmov v5;
	v50 =	vmul.f32 v58, v5;
	v5 =	vld [tilespmem:$0x1FE30]  }
0x248: {  	v35 =	vld.idx.msk [tilespmem:v61+s15+$0x0], $0xffff;
	v45 =	vmul.f32 v45, v22  }
0x249: {  	v36 =	vld.idx.msk [tilespmem:v62+s15+$0x0], $0xffff;
	v2 =	vadd.f32 v59, v2  }
0x24a: {  	v62 =	vld.idx.msk [tilespmem:v62+s16+$0x0], $0xffff;
	v1 =	vadd.f32 v45, v1  }
0x24b: {  	v55 =	vmul.f32 v47, v30;
	v2 =	vadd.f32 v4, v2;
	v4 =	vld [tilespmem:$0x1FE10]  }
0x24c: {  	v29 =	vmovc v22;
	v1 =	vadd.f32 v57, v1;
	v22 =	vmov v5;
	v52 =	vmul.f32 v63, v5;
	v5 =	vld [tilespmem:$0x1FE40]  }
0x24d: {  	v61 =	vld.idx.msk [tilespmem:v61+s16+$0x0], $0xffff;
	v3 =	vadd.f32 v55, v3  }
0x24e: {  	v1 =	vadd.f32 v37, v1;
	v40 =	vmul.f32 v54, v6  }
0x24f: {  	v31 =	vmovc v15;
	v24 =	vmov v16;
	v16 =	vmov v10;
	v3 =	vadd.f32 v60, v3  }
0x250: {  	v10 =	vmovc v30;
	v30 =	vmovc v23;
	v1 =	vadd.f32 v40, v1;
	v23 =	vmov v4;
	v4 =	vmul.f32 v56, v4  }
0x251: {  	v51 =	vmul.f32 v62, v36;
	v3 =	vadd.f32 v46, v3;
	v15 =	vmovc v5;
	v53 =	vmul.f32 v48, v5;
	v5 =	vld [tilespmem:$0x1FFD0]  }
0x252: {  	v2 =	vadd.f32 v4, v2;
	v4 =	vmul.f32 v61, v35;
	v0 =	vadd.f32 v49, v0  }
0x253: {  	s28 =	simm.s32 $0x0;
	v3 =	vadd.f32 v50, v3  }
0x254: {  	v1 =	vadd.f32 v51, v1;
	v0 =	vadd.f32 v4, v0;
	v4 =	vmov s28  }
0x255: {  	v4 =	vshll.u32 v4, $0x5;
	v2 =	vadd.f32 v52, v2;
	v3 =	vadd.f32 v53, v3  }
0x256: {  	v38 =	vadd.s32 v5, v4  }
0x257: {  	v0 =	vadd.f32 v1, v0;
	v54 =	vadd.f32 v3, v2;
	v55 =	vor.u32 $0x1C, v38  }
0x258: {  	v56 =	vor.u32 $0x1D, v38  }
0x259: {  	v0 =	vadd.f32 v54, v0;
	v57 =	vor.u32 $0x18, v38  }
0x25a: {  	v4 =	vor.u32 $0x19, v38  }
0x25b: {  	v63 =	vld [tilespmem:$0x1FFF0];
	v58 =	vor.u32 $0x14, v38;
	[tilespmem:s25+$0x14C00] =	vst v0  }
0x25c: {  	v59 =	vor.u32 $0x15, v38;
	v39 =	vld.idx.msk [tilespmem:v55+s22+$0x0], $0xffff  }
0x25d: {  	v60 =	vor.u32 $0x10, v38;
	v43 =	vld.idx.msk [tilespmem:v56+s22+$0x0], $0xffff  }
0x25e: {  	v61 =	vor.u32 $0x11, v38;
	v40 =	vld.idx.msk [tilespmem:v57+s22+$0x0], $0xffff  }
0x25f: {  	v62 =	vor.u32 $0xC, v38;
	v44 =	vld.idx.msk [tilespmem:v4+s22+$0x0], $0xffff  }
0x260: {  	v4 =	vor.u32 $0xD, v38;
	v41 =	vld.idx.msk [tilespmem:v58+s22+$0x0], $0xffff  }
0x261: {  	v45 =	vld.idx.msk [tilespmem:v59+s22+$0x0], $0xffff  }
0x262: {  	s20 =	smul.u32 $0x280, s31;
	v42 =	vld.idx.msk [tilespmem:v60+s22+$0x0], $0xffff  }
0x263: {  	v46 =	vld.idx.msk [tilespmem:v61+s22+$0x0], $0xffff  }
0x264: {  	v37 =	vadd.s32 s20, v63;
	v51 =	vor.u32 $0x8, v38;
	v47 =	vld.idx.msk [tilespmem:v62+s22+$0x0], $0xffff  }
0x265: {  	s31 =	simm.s32 $0x1;
	[tilespmem:$0x1FDA0] =	vst v7;
	v7 =	vmovc v6;
	v52 =	vor.u32 $0x9, v38;
	v50 =	vor.u32 $0x4, v38;
	v49 =	vor.u32 $0x5, v38;
	v48 =	vld.idx.msk [tilespmem:v4+s22+$0x0], $0xffff  }
.LBB2_7:
0x266: {  	_ =	sdelay $0x2  }
0x267: {  	v1 =	vld.idx.msk [tilespmem:v51+s22+$0x0], $0xffff  }
0x268: {  	v3 =	vld.idx.msk [tilespmem:v52+s22+$0x0], $0xffff  }
0x269: {  	v0 =	vor.u32 $0x1, v38;
	v50 =	vld.idx.msk [tilespmem:v50+s22+$0x0], $0xffff  }
0x26a: {  	v2 =	vor.u32 $0x2, v38;
	v49 =	vld.idx.msk [tilespmem:v49+s22+$0x0], $0xffff  }
0x26b: {  	v4 =	vor.u32 $0x3, v38;
	v53 =	vld.idx.msk [tilespmem:v38+s22+$0x0], $0xffff  }
0x26c: {  	v63 =	vor.u32 $0x6, v38;
	v5 =	vld [tilespmem:$0x1FDA0]  }
0x26d: {  	v54 =	vor.u32 $0x7, v38;
	v6 =	vld [tilespmem:$0x1FDB0]  }
0x26e: {  	v57 =	vor.u32 $0xA, v38;
	v0 =	vld.idx.msk [tilespmem:v0+s22+$0x0], $0xffff  }
0x26f: {  	v58 =	vor.u32 $0xB, v38;
	v2 =	vld.idx.msk [tilespmem:v2+s22+$0x0], $0xffff  }
0x270: {  	v52 =	vor.u32 $0x1E, v38;
	v59 =	vor.u32 $0xE, v38;
	v4 =	vld.idx.msk [tilespmem:v4+s22+$0x0], $0xffff  }
0x271: {  	v55 =	vor.u32 $0x1A, v38;
	v60 =	vor.u32 $0xF, v38;
	v40 =	vmul.f32 v40, v34;
	v51 =	vld.idx.msk [tilespmem:v63+s22+$0x0], $0xffff  }
0x272: {  	v61 =	vor.u32 $0x12, v38;
	v41 =	vmul.f32 v41, v32;
	v45 =	vmul.f32 v45, v33;
	v54 =	vld.idx.msk [tilespmem:v54+s22+$0x0], $0xffff  }
0x273: {  	v62 =	vor.u32 $0x13, v38;
	v42 =	vmul.f32 v42, v30;
	v47 =	vmul.f32 v47, v28;
	v57 =	vld.idx.msk [tilespmem:v57+s22+$0x0], $0xffff  }
0x274: {  	v56 =	vor.u32 $0x1F, v38;
	v50 =	vmul.f32 v50, v24;
	v58 =	vld.idx.msk [tilespmem:v58+s22+$0x0], $0xffff;
	v53 =	vmul.f32 v53, v5  }
0x275: {  	v49 =	vmul.f32 v49, v25;
	v59 =	vld.idx.msk [tilespmem:v59+s22+$0x0], $0xffff;
	v5 =	vor.u32 $0x17, v38;
	v4 =	vmul.f32 v4, v13  }
0x276: {  	v63 =	vor.u32 $0x16, v38;
	v60 =	vld.idx.msk [tilespmem:v60+s22+$0x0], $0xffff;
	v53 =	vadd.f32 $0.0e+00, v53;
	v0 =	vmul.f32 v0, v12  }
0x277: {  	v38 =	vor.u32 $0x1B, v38;
	v61 =	vld.idx.msk [tilespmem:v61+s22+$0x0], $0xffff;
	v54 =	vmul.f32 v54, v8;
	v4 =	vadd.f32 $0.0e+00, v4  }
0x278: {  	v62 =	vld.idx.msk [tilespmem:v62+s22+$0x0], $0xffff;
	v50 =	vadd.f32 v50, v53;
	v2 =	vmul.f32 v2, v6;
	v0 =	vadd.f32 $0.0e+00, v0  }
0x279: {  	v51 =	vmul.f32 v51, v16;
	v4 =	vadd.f32 v54, v4;
	v54 =	vmul.f32 v58, v9  }
0x27a: {  	v5 =	vld.idx.msk [tilespmem:v5+s22+$0x0], $0xffff;
	v2 =	vadd.f32 $0.0e+00, v2;
	v0 =	vadd.f32 v49, v0;
	v49 =	vmul.f32 v57, v17  }
0x27b: {  	v53 =	vld.idx.msk [tilespmem:v63+s22+$0x0], $0xffff;
	v57 =	vmul.f32 v59, v18;
	v59 =	vmul.f32 v60, v10;
	v4 =	vadd.f32 v54, v4  }
0x27c: {  	v1 =	vmul.f32 v1, v26;
	v3 =	vmul.f32 v3, v27;
	v38 =	vld.idx.msk [tilespmem:v38+s22+$0x0], $0xffff;
	v2 =	vadd.f32 v51, v2  }
0x27d: {  	v60 =	vmul.f32 v61, v19;
	v61 =	vld.idx.msk [tilespmem:v52+s22+$0x0], $0xffff;
	v63 =	vadd.f32 v59, v4;
	v4 =	vmul.f32 v62, v11  }
0x27e: {  	v48 =	vmul.f32 v48, v29;
	v1 =	vadd.f32 v1, v50;
	v52 =	vld.idx.msk [tilespmem:v56+s22+$0x0], $0xffff;
	v0 =	vadd.f32 v3, v0  }
0x27f: {  	v2 =	vadd.f32 v49, v2;
	v3 =	vadd.f32 v4, v63;
	v4 =	vmul.f32 v5, v14  }
0x280: {  	v46 =	vmul.f32 v46, v31;
	v1 =	vadd.f32 v47, v1;
	v58 =	vld.idx.msk [tilespmem:v55+s22+$0x0], $0xffff;
	v0 =	vadd.f32 v48, v0  }
0x281: {  	v2 =	vadd.f32 v57, v2;
	v3 =	vadd.f32 v4, v3;
	v4 =	vmul.f32 v38, v21  }
0x282: {  	v1 =	vadd.f32 v42, v1;
	v53 =	vmul.f32 v53, v20;
	v0 =	vadd.f32 v46, v0  }
0x283: {  	v2 =	vadd.f32 v60, v2;
	v3 =	vadd.f32 v4, v3;
	v4 =	vmul.f32 v52, v15  }
0x284: {  	v44 =	vmul.f32 v44, v7;
	v1 =	vadd.f32 v41, v1;
	v0 =	vadd.f32 v45, v0  }
0x285: {  	v5 =	vmul.f32 v58, v23;
	v2 =	vadd.f32 v53, v2;
	v3 =	vadd.f32 v4, v3;
	v4 =	vld [tilespmem:$0x1FFD0]  }
0x286: {  	v39 =	vmul.f32 v39, v35;
	v43 =	vmul.f32 v43, v36;
	v1 =	vadd.f32 v40, v1  }
0x287: {  	v54 =	vmul.f32 v61, v22;
	v0 =	vadd.f32 v44, v0;
	v2 =	vadd.f32 v5, v2  }
0x288: {  	v1 =	vadd.f32 v39, v1;
	v5 =	vmov s31  }
0x289: {  	v5 =	vshll.u32 v5, $0x5;
	v0 =	vadd.f32 v43, v0;
	v2 =	vadd.f32 v54, v2  }
0x28a: {  	v38 =	vadd.s32 v4, v5;
	v4 =	vadd.s32 s28, v37  }
0x28b: {  	v0 =	vadd.f32 v0, v1;
	v55 =	vadd.f32 v3, v2;
	v5 =	vor.u32 $0x1C, v38  }
0x28c: {  	v56 =	vor.u32 $0x1D, v38  }
0x28d: {  	v0 =	vadd.f32 v55, v0;
	v57 =	vor.u32 $0x18, v38  }
0x28e: {  	v58 =	vor.u32 $0x19, v38  }
0x28f: {  	v59 =	vor.u32 $0x14, v38;
	[tilespmem:v4+s18+$0x0] =	vst.idx.msk $0xffff, v0  }
0x290: {  	v60 =	vor.u32 $0x15, v38;
	v39 =	vld.idx.msk [tilespmem:v5+s22+$0x0], $0xffff  }
0x291: {  	v61 =	vor.u32 $0x11, v38;
	v43 =	vld.idx.msk [tilespmem:v56+s22+$0x0], $0xffff  }
0x292: {  	v62 =	vor.u32 $0xC, v38;
	v40 =	vld.idx.msk [tilespmem:v57+s22+$0x0], $0xffff  }
0x293: {  	v63 =	vor.u32 $0xD, v38;
	v44 =	vld.idx.msk [tilespmem:v58+s22+$0x0], $0xffff  }
0x294: {  	p1 =	sne.s32 s31, $0x13;
	v4 =	vor.u32 $0x10, v38;
	v41 =	vld.idx.msk [tilespmem:v59+s22+$0x0], $0xffff  }
.Ltmp4:
0x295: {  	v45 =	vld.idx.msk [tilespmem:v60+s22+$0x0], $0xffff;
	(pc) =	sbr.rel @p1 .LBB2_7-.Ltmp4, $4  }
0x296: {  	v46 =	vld.idx.msk [tilespmem:v61+s22+$0x0], $0xffff  }
0x297: {  	v47 =	vld.idx.msk [tilespmem:v62+s22+$0x0], $0xffff  }
0x298: {  	v51 =	vor.u32 $0x8, v38;
	v48 =	vld.idx.msk [tilespmem:v63+s22+$0x0], $0xffff  }
0x299: {  	s28 =	smov.u32 s31;
	s31 =	sadd.s32 $0x1, s31;
	v52 =	vor.u32 $0x9, v38;
	v50 =	vor.u32 $0x4, v38;
	v49 =	vor.u32 $0x5, v38;
	v42 =	vld.idx.msk [tilespmem:v4+s22+$0x0], $0xffff  }
0x29a: {  	_ =	sdelay $0x3  }
0x29b: {  	v1 =	vld.idx.msk [tilespmem:v51+s22+$0x0], $0xffff  }
0x29c: {  	v0 =	vor.u32 $0x1, v38;
	v3 =	vld.idx.msk [tilespmem:v52+s22+$0x0], $0xffff  }
0x29d: {  	v2 =	vor.u32 $0x2, v38;
	v5 =	vld.idx.msk [tilespmem:v50+s22+$0x0], $0xffff  }
0x29e: {  	v4 =	vor.u32 $0x3, v38;
	v49 =	vld.idx.msk [tilespmem:v49+s22+$0x0], $0xffff  }
0x29f: {  	v55 =	vld.idx.msk [tilespmem:v38+s22+$0x0], $0xffff;
	v63 =	vor.u32 $0xB, v38  }
0x2a0: {  	v6 =	vld [tilespmem:$0x1FDA0]  }
0x2a1: {  	v61 =	vor.u32 $0x6, v38;
	v51 =	vor.u32 $0x1E, v38;
	v62 =	vor.u32 $0x7, v38;
	v0 =	vld.idx.msk [tilespmem:v0+s22+$0x0], $0xffff  }
0x2a2: {  	v53 =	vor.u32 $0x1A, v38;
	v54 =	vor.u32 $0x1F, v38;
	v35 =	vmul.f32 v39, v35;
	v2 =	vld.idx.msk [tilespmem:v2+s22+$0x0], $0xffff  }
0x2a3: {  	v56 =	vor.u32 $0xA, v38;
	v36 =	vmul.f32 v43, v36;
	v59 =	vmul.f32 v40, v34;
	v4 =	vld.idx.msk [tilespmem:v4+s22+$0x0], $0xffff  }
0x2a4: {  	v34 =	vmul.f32 v44, v7;
	v40 =	vor.u32 $0xE, v38;
	v58 =	vmul.f32 v41, v32;
	v39 =	vld.idx.msk [tilespmem:v63+s22+$0x0], $0xffff  }
0x2a5: {  	v32 =	vmul.f32 v45, v33;
	v41 =	vor.u32 $0xF, v38;
	v63 =	vmul.f32 v55, v6;
	v6 =	vld [tilespmem:$0x1FDB0]  }
0x2a6: {  	v43 =	vor.u32 $0x12, v38;
	v50 =	vmul.f32 v47, v28;
	v57 =	vmul.f32 v42, v30;
	v42 =	vld.idx.msk [tilespmem:v61+s22+$0x0], $0xffff  }
0x2a7: {  	v33 =	vor.u32 $0x17, v38;
	v28 =	vmul.f32 v48, v29;
	v30 =	vmul.f32 v46, v31;
	v60 =	vld.idx.msk [tilespmem:v62+s22+$0x0], $0xffff  }
0x2a8: {  	v1 =	vmul.f32 v1, v26;
	v3 =	vmul.f32 v3, v27;
	v61 =	vor.u32 $0x13, v38;
	v26 =	vld.idx.msk [tilespmem:v56+s22+$0x0], $0xffff  }
0x2a9: {  	v5 =	vmul.f32 v5, v24;
	v62 =	vmul.f32 v49, v25;
	v24 =	vor.u32 $0x16, v38  }
0x2aa: {  	v40 =	vld.idx.msk [tilespmem:v40+s22+$0x0], $0xffff;
	v49 =	vadd.f32 $0.0e+00, v63;
	v2 =	vmul.f32 v2, v6;
	v4 =	vmul.f32 v4, v13  }
0x2ab: {  	v0 =	vmul.f32 v0, v12;
	v6 =	vor.u32 $0x1B, v38;
	v12 =	vld.idx.msk [tilespmem:v41+s22+$0x0], $0xffff;
	v13 =	vmul.f32 v42, v16  }
0x2ac: {  	v52 =	vld.idx.msk [tilespmem:v43+s22+$0x0], $0xffff;
	v7 =	vmul.f32 v60, v8;
	v2 =	vadd.f32 $0.0e+00, v2;
	v4 =	vadd.f32 $0.0e+00, v4  }
0x2ad: {  	v5 =	vadd.f32 v5, v49;
	v25 =	vld.idx.msk [tilespmem:v61+s22+$0x0], $0xffff;
	v16 =	vmul.f32 v26, v17;
	v0 =	vadd.f32 $0.0e+00, v0  }
0x2ae: {  	v17 =	vld.idx.msk [tilespmem:v24+s22+$0x0], $0xffff;
	v2 =	vadd.f32 v13, v2;
	v4 =	vadd.f32 v7, v4;
	v7 =	vmul.f32 v39, v9  }
0x2af: {  	v8 =	vld.idx.msk [tilespmem:v33+s22+$0x0], $0xffff;
	v55 =	vmul.f32 v40, v18;
	v1 =	vadd.f32 v1, v5;
	v0 =	vadd.f32 v62, v0  }
0x2b0: {  	v5 =	vld.idx.msk [tilespmem:v53+s22+$0x0], $0xffff;
	v2 =	vadd.f32 v16, v2;
	v4 =	vadd.f32 v7, v4;
	v7 =	vmul.f32 v12, v10  }
0x2b1: {  	v1 =	vadd.f32 v50, v1;
	v9 =	vmul.f32 v52, v19;
	v6 =	vld.idx.msk [tilespmem:v6+s22+$0x0], $0xffff;
	v0 =	vadd.f32 v3, v0  }
0x2b2: {  	v12 =	vld.idx.msk [tilespmem:v51+s22+$0x0], $0xffff;
	v2 =	vadd.f32 v55, v2;
	v56 =	vadd.f32 v7, v4;
	v4 =	vmul.f32 v25, v11  }
0x2b3: {  	v1 =	vadd.f32 v57, v1;
	v10 =	vmul.f32 v17, v20;
	v0 =	vadd.f32 v28, v0;
	v7 =	vld.idx.msk [tilespmem:v54+s22+$0x0], $0xffff  }
0x2b4: {  	v2 =	vadd.f32 v9, v2;
	v3 =	vadd.f32 v4, v56;
	v4 =	vmul.f32 v8, v14  }
0x2b5: {  	v5 =	vmul.f32 v5, v23;
	v1 =	vadd.f32 v58, v1;
	v0 =	vadd.f32 v30, v0  }
0x2b6: {  	v2 =	vadd.f32 v10, v2;
	v3 =	vadd.f32 v4, v3;
	v4 =	vmul.f32 v6, v21  }
0x2b7: {  	v1 =	vadd.f32 v59, v1;
	v59 =	vld [tilespmem:$0x1FFE0];
	v0 =	vadd.f32 v32, v0;
	v6 =	vmul.f32 v12, v22  }
0x2b8: {  	v2 =	vadd.f32 v5, v2;
	v3 =	vadd.f32 v4, v3;
	v4 =	vmul.f32 v7, v15  }
0x2b9: {  	s31 =	sor.u32 $0x10, s25;
	v0 =	vadd.f32 v34, v0  }
0x2ba: {  	v2 =	vadd.f32 v6, v2;
	v3 =	vadd.f32 v4, v3;
	v4 =	vmov s31  }
0x2bb: {  	v1 =	vadd.f32 v35, v1;
	v0 =	vadd.f32 v36, v0;
	v4 =	vshll.u32 v4, $0x5  }
0x2bc: {  	v5 =	vadd.s32 s28, v37;
	v58 =	vadd.f32 v3, v2;
	v2 =	vor.u32 v59, v4  }
0x2bd: {  	v0 =	vadd.f32 v0, v1;
	v4 =	vor.u32 $0x1, v2;
	v1 =	vor.u32 $0x2, v2  }
0x2be: {  	v36 =	vor.u32 $0x3, v2;
	v37 =	vor.u32 $0x5, v2;
	v38 =	vor.u32 $0x6, v2  }
0x2bf: {  	v39 =	vor.u32 $0x7, v2;
	v40 =	vor.u32 $0x8, v2;
	v41 =	vor.u32 $0x9, v2  }
0x2c0: {  	v42 =	vor.u32 $0xA, v2;
	v43 =	vor.u32 $0xB, v2;
	v44 =	vor.u32 $0xC, v2  }
0x2c1: {  	v45 =	vor.u32 $0xD, v2;
	v46 =	vor.u32 $0xE, v2;
	v47 =	vor.u32 $0xF, v2  }
0x2c2: {  	v48 =	vor.u32 $0x10, v2;
	v49 =	vor.u32 $0x11, v2;
	v50 =	vor.u32 $0x12, v2  }
0x2c3: {  	v51 =	vor.u32 $0x13, v2;
	v52 =	vor.u32 $0x14, v2;
	v0 =	vadd.f32 v58, v0  }
0x2c4: {  	v53 =	vor.u32 $0x15, v2;
	v54 =	vor.u32 $0x16, v2;
	v55 =	vor.u32 $0x17, v2  }
0x2c5: {  	v56 =	vor.u32 $0x18, v2;
	v57 =	vor.u32 $0x19, v2;
	v59 =	vor.u32 $0x1B, v2;
	[tilespmem:v5+s18+$0x0] =	vst.idx.msk $0xffff, v0  }
0x2c6: {  	v61 =	vor.u32 $0x1C, v2;
	v62 =	vor.u32 $0x1D, v2;
	v23 =	vor.u32 $0x1E, v2;
	v6 =	vld.idx.msk [tilespmem:v2+s15+$0x0], $0xffff  }
0x2c7: {  	v12 =	vor.u32 $0x1F, v2;
	v58 =	vor.u32 $0x1A, v2;
	v0 =	vor.u32 $0x4, v2;
	v2 =	vld.idx.msk [tilespmem:v2+s16+$0x0], $0xffff  }
0x2c8: {  	v7 =	vld.idx.msk [tilespmem:v4+s15+$0x0], $0xffff  }
0x2c9: {  	v3 =	vld.idx.msk [tilespmem:v1+s15+$0x0], $0xffff  }
0x2ca: {  	v8 =	vld.idx.msk [tilespmem:v36+s15+$0x0], $0xffff  }
0x2cb: {  	v16 =	vld.idx.msk [tilespmem:v37+s15+$0x0], $0xffff  }
0x2cc: {  	v9 =	vld.idx.msk [tilespmem:v38+s15+$0x0], $0xffff  }
0x2cd: {  	v60 =	vld.idx.msk [tilespmem:v39+s15+$0x0], $0xffff  }
0x2ce: {  	v17 =	vld.idx.msk [tilespmem:v40+s15+$0x0], $0xffff  }
0x2cf: {  	v18 =	vld.idx.msk [tilespmem:v41+s15+$0x0], $0xffff  }
0x2d0: {  	v10 =	vld.idx.msk [tilespmem:v42+s15+$0x0], $0xffff  }
0x2d1: {  	v63 =	vld.idx.msk [tilespmem:v43+s15+$0x0], $0xffff  }
0x2d2: {  	v19 =	vld.idx.msk [tilespmem:v44+s15+$0x0], $0xffff  }
0x2d3: {  	v21 =	vld.idx.msk [tilespmem:v45+s15+$0x0], $0xffff  }
0x2d4: {  	v13 =	vld.idx.msk [tilespmem:v46+s15+$0x0], $0xffff  }
0x2d5: {  	v29 =	vld.idx.msk [tilespmem:v47+s15+$0x0], $0xffff  }
0x2d6: {  	v22 =	vld.idx.msk [tilespmem:v48+s15+$0x0], $0xffff  }
0x2d7: {  	v14 =	vld.idx.msk [tilespmem:v49+s15+$0x0], $0xffff  }
0x2d8: {  	v20 =	vld.idx.msk [tilespmem:v50+s15+$0x0], $0xffff  }
0x2d9: {  	v31 =	vld.idx.msk [tilespmem:v51+s15+$0x0], $0xffff  }
0x2da: {  	v32 =	vld.idx.msk [tilespmem:v52+s15+$0x0], $0xffff  }
0x2db: {  	v5 =	vld.idx.msk [tilespmem:v53+s15+$0x0], $0xffff  }
0x2dc: {  	v33 =	vld.idx.msk [tilespmem:v54+s15+$0x0], $0xffff  }
0x2dd: {  	v34 =	vld.idx.msk [tilespmem:v61+s15+$0x0], $0xffff  }
0x2de: {  	v35 =	vld.idx.msk [tilespmem:v62+s15+$0x0], $0xffff  }
0x2df: {  	v4 =	vld.idx.msk [tilespmem:v4+s16+$0x0], $0xffff  }
0x2e0: {  	v1 =	vld.idx.msk [tilespmem:v1+s16+$0x0], $0xffff  }
0x2e1: {  	v36 =	vld.idx.msk [tilespmem:v36+s16+$0x0], $0xffff  }
0x2e2: {  	v37 =	vld.idx.msk [tilespmem:v37+s16+$0x0], $0xffff  }
0x2e3: {  	v38 =	vld.idx.msk [tilespmem:v38+s16+$0x0], $0xffff  }
0x2e4: {  	v39 =	vld.idx.msk [tilespmem:v39+s16+$0x0], $0xffff  }
0x2e5: {  	v40 =	vld.idx.msk [tilespmem:v40+s16+$0x0], $0xffff  }
0x2e6: {  	v41 =	vld.idx.msk [tilespmem:v41+s16+$0x0], $0xffff  }
0x2e7: {  	v42 =	vld.idx.msk [tilespmem:v42+s16+$0x0], $0xffff  }
0x2e8: {  	v43 =	vld.idx.msk [tilespmem:v43+s16+$0x0], $0xffff  }
0x2e9: {  	v44 =	vld.idx.msk [tilespmem:v44+s16+$0x0], $0xffff  }
0x2ea: {  	v45 =	vld.idx.msk [tilespmem:v45+s16+$0x0], $0xffff  }
0x2eb: {  	v46 =	vld.idx.msk [tilespmem:v46+s16+$0x0], $0xffff  }
0x2ec: {  	v47 =	vld.idx.msk [tilespmem:v47+s16+$0x0], $0xffff  }
0x2ed: {  	v11 =	vld.idx.msk [tilespmem:v58+s15+$0x0], $0xffff  }
0x2ee: {  	v48 =	vld.idx.msk [tilespmem:v48+s16+$0x0], $0xffff  }
0x2ef: {  	v49 =	vld.idx.msk [tilespmem:v49+s16+$0x0], $0xffff  }
0x2f0: {  	v50 =	vld.idx.msk [tilespmem:v50+s16+$0x0], $0xffff  }
0x2f1: {  	v15 =	vld.idx.msk [tilespmem:v0+s15+$0x0], $0xffff  }
0x2f2: {  	[tilespmem:$0x1FD40] =	vst v11;
	v11 =	vld.idx.msk [tilespmem:v59+s15+$0x0], $0xffff  }
0x2f3: {  	v0 =	vld.idx.msk [tilespmem:v0+s16+$0x0], $0xffff  }
0x2f4: {  	[tilespmem:$0x1FCF0] =	vst v5;
	v5 =	vld.idx.msk [tilespmem:v55+s15+$0x0], $0xffff;
	v36 =	vmul.f32 v36, v8  }
0x2f5: {  	v51 =	vld.idx.msk [tilespmem:v51+s16+$0x0], $0xffff;
	v2 =	vmul.f32 v2, v6  }
0x2f6: {  	v52 =	vld.idx.msk [tilespmem:v52+s16+$0x0], $0xffff;
	v4 =	vmul.f32 v4, v7;
	v39 =	vmul.f32 v39, v60;
	v36 =	vadd.f32 $0.0e+00, v36  }
0x2f7: {  	v37 =	vmul.f32 v37, v16;
	v2 =	vadd.f32 $0.0e+00, v2;
	[tilespmem:$0x1FD50] =	vst v11;
	v11 =	vld.idx.msk [tilespmem:v23+s15+$0x0], $0xffff  }
0x2f8: {  	v4 =	vadd.f32 $0.0e+00, v4;
	v0 =	vmul.f32 v0, v15;
	v36 =	vadd.f32 v39, v36;
	v39 =	vld.idx.msk [tilespmem:v54+s16+$0x0], $0xffff  }
0x2f9: {  	[tilespmem:$0x1FD10] =	vst v5;
	v5 =	vld.idx.msk [tilespmem:v56+s15+$0x0], $0xffff  }
0x2fa: {  	v1 =	vmul.f32 v1, v3;
	v0 =	vadd.f32 v0, v2;
	v2 =	vadd.f32 v37, v4;
	v37 =	vld.idx.msk [tilespmem:v53+s16+$0x0], $0xffff  }
0x2fb: {  	v53 =	vmul.f32 v43, v63;
	v43 =	vld.idx.msk [tilespmem:v56+s16+$0x0], $0xffff  }
0x2fc: {  	v38 =	vmul.f32 v38, v9;
	v1 =	vadd.f32 $0.0e+00, v1;
	v4 =	vmul.f32 v40, v17;
	[tilespmem:$0x1FD60] =	vst v11;
	v11 =	vld.idx.msk [tilespmem:v12+s15+$0x0], $0xffff  }
0x2fd: {  	v40 =	vld.idx.msk [tilespmem:v57+s16+$0x0], $0xffff  }
0x2fe: {  	v1 =	vadd.f32 v38, v1;
	v0 =	vadd.f32 v4, v0;
	v4 =	vmul.f32 v42, v10;
	v42 =	vld.idx.msk [tilespmem:v58+s16+$0x0], $0xffff  }
0x2ff: {  	v54 =	vmul.f32 v44, v19;
	v58 =	vld [tilespmem:$0x1FD10]  }
0x300: {  	v1 =	vadd.f32 v4, v1;
	v4 =	vadd.f32 v53, v36;
	v53 =	vld.idx.msk [tilespmem:v62+s16+$0x0], $0xffff  }
0x301: {  	v0 =	vadd.f32 v54, v0;
	v54 =	vld [tilespmem:$0x1FCF0];
	[tilespmem:$0x1FD70] =	vst v11;
	v11 =	vmovc v7;
	v7 =	vmov v60;
	v60 =	vmul.f32 v41, v18  }
0x302: {  	[tilespmem:$0x1FD30] =	vst v5;
	v5 =	vld.idx.msk [tilespmem:v57+s15+$0x0], $0xffff  }
0x303: {  	v41 =	vld.idx.msk [tilespmem:v55+s16+$0x0], $0xffff;
	v55 =	vmul.f32 v45, v21;
	v2 =	vadd.f32 v60, v2  }
0x304: {  	[tilespmem:$0x1FD00] =	vst v23;
	v62 =	vld [tilespmem:$0x1FD30];
	v60 =	vmul.f32 v48, v22  }
0x305: {  	[tilespmem:$0x1FD20] =	vst v12;
	v57 =	vmul.f32 v47, v29;
	v2 =	vadd.f32 v55, v2;
	v55 =	vld [tilespmem:$0x1FD00]  }
0x306: {  	v12 =	vmovc v8;
	v8 =	vmov v63;
	v63 =	vmul.f32 v49, v14;
	v0 =	vadd.f32 v60, v0;
	v60 =	vld [tilespmem:$0x1FD20]  }
0x307: {  	v49 =	vmul.f32 v50, v20;
	v50 =	vmul.f32 v51, v31;
	v51 =	vld.idx.msk [tilespmem:v61+s16+$0x0], $0xffff;
	v4 =	vadd.f32 v57, v4  }
0x308: {  	v57 =	vmul.f32 v39, v33;
	v39 =	vld [tilespmem:$0x1FD40]  }
0x309: {  	v56 =	vmul.f32 v46, v13;
	v4 =	vadd.f32 v50, v4;
	v50 =	vld [tilespmem:$0x1FD60]  }
0x30a: {  	v52 =	vmul.f32 v52, v32;
	v48 =	vld.idx.msk [tilespmem:v59+s16+$0x0], $0xffff  }
0x30b: {  	v1 =	vadd.f32 v56, v1;
	v2 =	vadd.f32 v63, v2;
	v63 =	vmul.f32 v43, v62;
	v43 =	vld [tilespmem:$0x1FD50]  }
0x30c: {  	v0 =	vadd.f32 v52, v0;
	v52 =	vld [tilespmem:$0x1FD70]  }
0x30d: {  	v1 =	vadd.f32 v49, v1;
	v56 =	vld.idx.msk [tilespmem:v55+s16+$0x0], $0xffff  }
0x30e: {  	v37 =	vmul.f32 v37, v54;
	v61 =	vld.idx.msk [tilespmem:v60+s16+$0x0], $0xffff  }
0x30f: {  	v1 =	vadd.f32 v57, v1;
	v42 =	vmul.f32 v42, v39;
	v59 =	vmul.f32 v41, v58  }
0x310: {  	v49 =	vmul.f32 v53, v35;
	v40 =	vmul.f32 v40, v5;
	v2 =	vadd.f32 v37, v2  }
0x311: {  	v24 =	vmovc v16;
	v1 =	vadd.f32 v42, v1;
	v4 =	vadd.f32 v59, v4;
	v46 =	vmul.f32 v48, v43;
	v55 =	vld [tilespmem:$0x1FD80]  }
0x312: {  	v16 =	vmovc v10;
	v0 =	vadd.f32 v63, v0;
	v2 =	vadd.f32 v40, v2;
	v48 =	vmul.f32 v51, v34  }
0x313: {  	s28 =	simm.s32 $0x0;
	v10 =	vmovc v31;
	v4 =	vadd.f32 v46, v4;
	v51 =	vmul.f32 v56, v50;
	v53 =	vmul.f32 v61, v52  }
0x314: {  	v31 =	vmovc v32;
	v32 =	vmovc v54;
	v54 =	vmov s28;
	v2 =	vadd.f32 v49, v2;
	v0 =	vadd.f32 v48, v0  }
0x315: {  	v36 =	vshll.u32 v54, $0x5;
	v1 =	vadd.f32 v51, v1;
	v4 =	vadd.f32 v53, v4  }
0x316: {  	v37 =	vadd.s32 v55, v36  }
0x317: {  	v0 =	vadd.f32 v2, v0;
	v56 =	vor.u32 $0x1C, v37;
	v1 =	vadd.f32 v4, v1  }
0x318: {  	v4 =	vor.u32 $0x1D, v37  }
0x319: {  	v57 =	vor.u32 $0x18, v37;
	v0 =	vadd.f32 v1, v0  }
0x31a: {  	v36 =	vor.u32 $0x19, v37  }
0x31b: {  	v25 =	vmovc v17;
	v17 =	vmov v13;
	v13 =	vmov v58;
	v63 =	vld [tilespmem:$0x1FFF0];
	v58 =	vor.u32 $0x14, v37;
	[tilespmem:s25+$0x14C10] =	vst v0  }
0x31c: {  	v59 =	vor.u32 $0x15, v37;
	v38 =	vld.idx.msk [tilespmem:v56+s22+$0x0], $0xffff  }
0x31d: {  	v26 =	vmovc v18;
	v27 =	vmov v19;
	v23 =	vmov v15;
	v60 =	vor.u32 $0x10, v37;
	v42 =	vld.idx.msk [tilespmem:v4+s22+$0x0], $0xffff  }
0x31e: {  	v15 =	vmovc v9;
	v9 =	vmovc v29;
	v29 =	vmov v22;
	v22 =	vmov v39;
	v61 =	vor.u32 $0xC, v37;
	v39 =	vld.idx.msk [tilespmem:v57+s22+$0x0], $0xffff  }
0x31f: {  	v19 =	vmovc v33;
	v18 =	vmovc v20;
	v33 =	vmov v62;
	v20 =	vmov v43;
	v62 =	vor.u32 $0xD, v37;
	v43 =	vld.idx.msk [tilespmem:v36+s22+$0x0], $0xffff  }
0x320: {  	v4 =	vor.u32 $0x11, v37;
	v40 =	vld.idx.msk [tilespmem:v58+s22+$0x0], $0xffff  }
0x321: {  	v44 =	vld.idx.msk [tilespmem:v59+s22+$0x0], $0xffff  }
0x322: {  	v41 =	vld.idx.msk [tilespmem:v60+s22+$0x0], $0xffff  }
0x323: {  	s12 =	smul.u32 $0x14, s31;
	v46 =	vld.idx.msk [tilespmem:v61+s22+$0x0], $0xffff  }
0x324: {  	[tilespmem:$0x1FCD0] =	vst v6;
	v28 =	vmovc v21;
	v30 =	vmovc v14;
	v21 =	vmov v50;
	v50 =	vor.u32 $0x8, v37;
	v49 =	vor.u32 $0x4, v37;
	v47 =	vld.idx.msk [tilespmem:v62+s22+$0x0], $0xffff  }
0x325: {  	[tilespmem:$0x1FCE0] =	vst v3;
	v6 =	vmovc v5;
	v14 =	vmovc v52;
	v48 =	vor.u32 $0x5, v37;
	v51 =	vor.u32 $0x9, v37;
	s25 =	simm.s32 $0x1;
	v36 =	vadd.s32 s12, v63;
	v45 =	vld.idx.msk [tilespmem:v4+s22+$0x0], $0xffff  }
.LBB2_9:
0x326: {  	_ =	sdelay $0x2  }
0x327: {  	v1 =	vld.idx.msk [tilespmem:v50+s22+$0x0], $0xffff  }
0x328: {  	v4 =	vld.idx.msk [tilespmem:v51+s22+$0x0], $0xffff  }
0x329: {  	v0 =	vor.u32 $0x1, v37;
	v49 =	vld.idx.msk [tilespmem:v49+s22+$0x0], $0xffff  }
0x32a: {  	v2 =	vor.u32 $0x2, v37;
	v48 =	vld.idx.msk [tilespmem:v48+s22+$0x0], $0xffff  }
0x32b: {  	v62 =	vor.u32 $0x3, v37;
	v53 =	vld.idx.msk [tilespmem:v37+s22+$0x0], $0xffff  }
0x32c: {  	v63 =	vor.u32 $0x6, v37;
	v3 =	vld [tilespmem:$0x1FCD0]  }
0x32d: {  	v54 =	vor.u32 $0x7, v37;
	v5 =	vld [tilespmem:$0x1FCE0]  }
0x32e: {  	v57 =	vor.u32 $0xA, v37;
	v0 =	vld.idx.msk [tilespmem:v0+s22+$0x0], $0xffff  }
0x32f: {  	v58 =	vor.u32 $0xB, v37;
	v2 =	vld.idx.msk [tilespmem:v2+s22+$0x0], $0xffff  }
0x330: {  	v52 =	vor.u32 $0x1E, v37;
	v59 =	vor.u32 $0xE, v37;
	v50 =	vld.idx.msk [tilespmem:v62+s22+$0x0], $0xffff  }
0x331: {  	v55 =	vor.u32 $0x1A, v37;
	v56 =	vor.u32 $0x1F, v37;
	v60 =	vor.u32 $0xF, v37;
	v51 =	vld.idx.msk [tilespmem:v63+s22+$0x0], $0xffff  }
0x332: {  	v61 =	vor.u32 $0x12, v37;
	v39 =	vmul.f32 v39, v33;
	v40 =	vmul.f32 v40, v31;
	v54 =	vld.idx.msk [tilespmem:v54+s22+$0x0], $0xffff  }
0x333: {  	v4 =	vmul.f32 v4, v26;
	v57 =	vld.idx.msk [tilespmem:v57+s22+$0x0], $0xffff;
	v62 =	vor.u32 $0x13, v37;
	v48 =	vmul.f32 v48, v24  }
0x334: {  	v58 =	vld.idx.msk [tilespmem:v58+s22+$0x0], $0xffff;
	v63 =	vor.u32 $0x16, v37;
	v53 =	vmul.f32 v53, v3;
	v0 =	vmul.f32 v0, v11  }
0x335: {  	v59 =	vld.idx.msk [tilespmem:v59+s22+$0x0], $0xffff;
	v3 =	vor.u32 $0x17, v37;
	v2 =	vmul.f32 v2, v5;
	v50 =	vmul.f32 v50, v12  }
0x336: {  	v60 =	vld.idx.msk [tilespmem:v60+s22+$0x0], $0xffff;
	v37 =	vor.u32 $0x1B, v37;
	v51 =	vmul.f32 v51, v15;
	v0 =	vadd.f32 $0.0e+00, v0  }
0x337: {  	v54 =	vmul.f32 v54, v7;
	v2 =	vadd.f32 $0.0e+00, v2;
	v50 =	vadd.f32 $0.0e+00, v50  }
0x338: {  	v49 =	vmul.f32 v49, v23;
	v62 =	vld.idx.msk [tilespmem:v62+s22+$0x0], $0xffff;
	v0 =	vadd.f32 v48, v0;
	v48 =	vmul.f32 v57, v16  }
0x339: {  	v2 =	vadd.f32 v51, v2;
	v50 =	vadd.f32 v54, v50;
	v54 =	vmul.f32 v58, v8  }
0x33a: {  	v53 =	vadd.f32 $0.0e+00, v53;
	v3 =	vld.idx.msk [tilespmem:v3+s22+$0x0], $0xffff;
	v0 =	vadd.f32 v4, v0;
	v4 =	vmul.f32 v59, v17  }
0x33b: {  	v61 =	vld.idx.msk [tilespmem:v61+s22+$0x0], $0xffff;
	v2 =	vadd.f32 v48, v2;
	v58 =	vadd.f32 v54, v50;
	v59 =	vmul.f32 v60, v9  }
0x33c: {  	v44 =	vmul.f32 v44, v32;
	v1 =	vmul.f32 v1, v25;
	v49 =	vadd.f32 v49, v53;
	v37 =	vld.idx.msk [tilespmem:v37+s22+$0x0], $0xffff  }
0x33d: {  	v53 =	vld.idx.msk [tilespmem:v63+s22+$0x0], $0xffff;
	v62 =	vmul.f32 v62, v10;
	v2 =	vadd.f32 v4, v2;
	v4 =	vadd.f32 v59, v58  }
0x33e: {  	v46 =	vmul.f32 v46, v27;
	v47 =	vmul.f32 v47, v28;
	v63 =	vld.idx.msk [tilespmem:v56+s22+$0x0], $0xffff;
	v1 =	vadd.f32 v1, v49  }
0x33f: {  	v41 =	vmul.f32 v41, v29;
	v3 =	vmul.f32 v3, v13;
	v4 =	vadd.f32 v62, v4  }
0x340: {  	v45 =	vmul.f32 v45, v30;
	v1 =	vadd.f32 v46, v1;
	v57 =	vld.idx.msk [tilespmem:v55+s22+$0x0], $0xffff;
	v0 =	vadd.f32 v47, v0  }
0x341: {  	v60 =	vmul.f32 v61, v18;
	v3 =	vadd.f32 v3, v4;
	v4 =	vmul.f32 v37, v20  }
0x342: {  	v1 =	vadd.f32 v41, v1;
	v61 =	vld.idx.msk [tilespmem:v52+s22+$0x0], $0xffff;
	v0 =	vadd.f32 v45, v0;
	v45 =	vmul.f32 v53, v19  }
0x343: {  	v2 =	vadd.f32 v60, v2;
	v3 =	vadd.f32 v4, v3;
	v4 =	vmul.f32 v63, v14  }
0x344: {  	v43 =	vmul.f32 v43, v6;
	v1 =	vadd.f32 v40, v1;
	v0 =	vadd.f32 v44, v0  }
0x345: {  	v51 =	vmul.f32 v57, v22;
	v2 =	vadd.f32 v45, v2;
	v3 =	vadd.f32 v4, v3;
	v4 =	vld [tilespmem:$0x1FD80]  }
0x346: {  	v38 =	vmul.f32 v38, v34;
	v42 =	vmul.f32 v42, v35;
	v1 =	vadd.f32 v39, v1  }
0x347: {  	v52 =	vmul.f32 v61, v21;
	v0 =	vadd.f32 v43, v0;
	v2 =	vadd.f32 v51, v2  }
0x348: {  	v53 =	vmov s25;
	v1 =	vadd.f32 v38, v1  }
0x349: {  	v54 =	vshll.u32 v53, $0x5;
	v0 =	vadd.f32 v42, v0;
	v2 =	vadd.f32 v52, v2  }
0x34a: {  	v37 =	vadd.s32 v4, v54;
	v4 =	vadd.s32 s28, v36  }
0x34b: {  	v0 =	vadd.f32 v0, v1;
	v55 =	vadd.f32 v3, v2;
	v38 =	vor.u32 $0x1C, v37  }
0x34c: {  	v56 =	vor.u32 $0x1D, v37  }
0x34d: {  	v0 =	vadd.f32 v55, v0;
	v57 =	vor.u32 $0x18, v37  }
0x34e: {  	v58 =	vor.u32 $0x19, v37  }
0x34f: {  	v59 =	vor.u32 $0x14, v37;
	[tilespmem:v4+s18+$0x0] =	vst.idx.msk $0xffff, v0  }
0x350: {  	v60 =	vor.u32 $0x15, v37;
	v38 =	vld.idx.msk [tilespmem:v38+s22+$0x0], $0xffff  }
0x351: {  	v61 =	vor.u32 $0x11, v37;
	v42 =	vld.idx.msk [tilespmem:v56+s22+$0x0], $0xffff  }
0x352: {  	v62 =	vor.u32 $0xC, v37;
	v39 =	vld.idx.msk [tilespmem:v57+s22+$0x0], $0xffff  }
0x353: {  	v63 =	vor.u32 $0xD, v37;
	v43 =	vld.idx.msk [tilespmem:v58+s22+$0x0], $0xffff  }
0x354: {  	p1 =	sne.s32 s25, $0x13;
	v4 =	vor.u32 $0x10, v37;
	v40 =	vld.idx.msk [tilespmem:v59+s22+$0x0], $0xffff  }
.Ltmp5:
0x355: {  	v44 =	vld.idx.msk [tilespmem:v60+s22+$0x0], $0xffff;
	(pc) =	sbr.rel @p1 .LBB2_9-.Ltmp5, $4  }
0x356: {  	v45 =	vld.idx.msk [tilespmem:v61+s22+$0x0], $0xffff  }
0x357: {  	v46 =	vld.idx.msk [tilespmem:v62+s22+$0x0], $0xffff  }
0x358: {  	v50 =	vor.u32 $0x8, v37;
	v47 =	vld.idx.msk [tilespmem:v63+s22+$0x0], $0xffff  }
0x359: {  	s28 =	smov.u32 s25;
	s25 =	sadd.s32 $0x1, s25;
	v51 =	vor.u32 $0x9, v37;
	v49 =	vor.u32 $0x4, v37;
	v48 =	vor.u32 $0x5, v37;
	v41 =	vld.idx.msk [tilespmem:v4+s22+$0x0], $0xffff  }
0x35a: {  	_ =	sdelay $0x3  }
0x35b: {  	v1 =	vld.idx.msk [tilespmem:v50+s22+$0x0], $0xffff  }
0x35c: {  	v3 =	vld.idx.msk [tilespmem:v51+s22+$0x0], $0xffff  }
0x35d: {  	v0 =	vor.u32 $0x1, v37;
	v49 =	vld.idx.msk [tilespmem:v49+s22+$0x0], $0xffff  }
0x35e: {  	v2 =	vor.u32 $0x2, v37;
	v48 =	vld.idx.msk [tilespmem:v48+s22+$0x0], $0xffff  }
0x35f: {  	v4 =	vor.u32 $0x3, v37;
	v50 =	vor.u32 $0x6, v37;
	v51 =	vor.u32 $0x1E, v37;
	v55 =	vld.idx.msk [tilespmem:v37+s22+$0x0], $0xffff  }
0x360: {  	v52 =	vor.u32 $0x7, v37;
	v53 =	vor.u32 $0x1A, v37;
	v54 =	vor.u32 $0x1F, v37;
	v5 =	vld [tilespmem:$0x1FCD0]  }
0x361: {  	v56 =	vor.u32 $0xA, v37;
	v34 =	vmul.f32 v38, v34;
	v35 =	vmul.f32 v42, v35;
	v61 =	vld [tilespmem:$0x1FCE0]  }
0x362: {  	v38 =	vor.u32 $0xB, v37;
	v60 =	vmul.f32 v39, v33;
	v33 =	vmul.f32 v43, v6;
	v0 =	vld.idx.msk [tilespmem:v0+s22+$0x0], $0xffff  }
0x363: {  	v62 =	vor.u32 $0xE, v37;
	v59 =	vmul.f32 v40, v31;
	v31 =	vmul.f32 v44, v32;
	v2 =	vld.idx.msk [tilespmem:v2+s22+$0x0], $0xffff  }
0x364: {  	v63 =	vor.u32 $0xF, v37;
	v57 =	vmul.f32 v46, v27;
	v27 =	vmul.f32 v47, v28;
	v4 =	vld.idx.msk [tilespmem:v4+s22+$0x0], $0xffff  }
0x365: {  	v32 =	vor.u32 $0x12, v37;
	v58 =	vmul.f32 v41, v29;
	v29 =	vmul.f32 v45, v30;
	v30 =	vld.idx.msk [tilespmem:v50+s22+$0x0], $0xffff  }
0x366: {  	v43 =	vld.idx.msk [tilespmem:v52+s22+$0x0], $0xffff;
	v1 =	vmul.f32 v1, v25;
	v3 =	vmul.f32 v3, v26;
	v50 =	vor.u32 $0x13, v37  }
0x367: {  	v25 =	vld.idx.msk [tilespmem:v56+s22+$0x0], $0xffff;
	v47 =	vmul.f32 v49, v23;
	v49 =	vmul.f32 v48, v24;
	v52 =	vor.u32 $0x16, v37  }
0x368: {  	v38 =	vld.idx.msk [tilespmem:v38+s22+$0x0], $0xffff;
	v55 =	vmul.f32 v55, v5;
	v56 =	vor.u32 $0x17, v37;
	v0 =	vmul.f32 v0, v11  }
0x369: {  	v39 =	vld.idx.msk [tilespmem:v62+s22+$0x0], $0xffff;
	v62 =	vor.u32 $0x1B, v37;
	v2 =	vmul.f32 v2, v61;
	v4 =	vmul.f32 v4, v12  }
0x36a: {  	v63 =	vld.idx.msk [tilespmem:v63+s22+$0x0], $0xffff;
	v28 =	vadd.f32 $0.0e+00, v55;
	v30 =	vmul.f32 v30, v15;
	v0 =	vadd.f32 $0.0e+00, v0  }
0x36b: {  	v32 =	vld.idx.msk [tilespmem:v32+s22+$0x0], $0xffff;
	v41 =	vmul.f32 v43, v7;
	v2 =	vadd.f32 $0.0e+00, v2;
	v4 =	vadd.f32 $0.0e+00, v4  }
0x36c: {  	v37 =	vadd.f32 v47, v28;
	v42 =	vld.idx.msk [tilespmem:v50+s22+$0x0], $0xffff;
	v43 =	vmul.f32 v25, v16;
	v0 =	vadd.f32 v49, v0  }
0x36d: {  	v44 =	vld.idx.msk [tilespmem:v52+s22+$0x0], $0xffff;
	v45 =	vmul.f32 v38, v8;
	v2 =	vadd.f32 v30, v2;
	v4 =	vadd.f32 v41, v4  }
0x36e: {  	v46 =	vld.idx.msk [tilespmem:v56+s22+$0x0], $0xffff;
	v47 =	vmul.f32 v39, v17;
	v1 =	vadd.f32 v1, v37;
	v0 =	vadd.f32 v3, v0  }
0x36f: {  	v48 =	vld.idx.msk [tilespmem:v53+s22+$0x0], $0xffff;
	v49 =	vmul.f32 v63, v9;
	v2 =	vadd.f32 v43, v2;
	v4 =	vadd.f32 v45, v4  }
0x370: {  	v5 =	vld.idx.msk [tilespmem:v62+s22+$0x0], $0xffff;
	v50 =	vmul.f32 v32, v18;
	v1 =	vadd.f32 v57, v1;
	v0 =	vadd.f32 v27, v0  }
0x371: {  	v55 =	vld.idx.msk [tilespmem:v54+s22+$0x0], $0xffff;
	v53 =	vmul.f32 v42, v10;
	v2 =	vadd.f32 v47, v2;
	v52 =	vadd.f32 v49, v4  }
0x372: {  	v51 =	vld.idx.msk [tilespmem:v51+s22+$0x0], $0xffff;
	v1 =	vadd.f32 v58, v1;
	v56 =	vmul.f32 v44, v19;
	v0 =	vadd.f32 v29, v0  }
0x373: {  	v57 =	vmul.f32 v46, v13;
	v2 =	vadd.f32 v50, v2;
	v3 =	vadd.f32 v53, v52  }
0x374: {  	v58 =	vmul.f32 v48, v22;
	v1 =	vadd.f32 v59, v1;
	v0 =	vadd.f32 v31, v0  }
0x375: {  	v59 =	vmul.f32 v5, v20;
	v2 =	vadd.f32 v56, v2;
	v3 =	vadd.f32 v57, v3  }
0x376: {  	v61 =	vmul.f32 v55, v14;
	v1 =	vadd.f32 v60, v1;
	v0 =	vadd.f32 v33, v0  }
0x377: {  	v60 =	vmul.f32 v51, v21;
	v2 =	vadd.f32 v58, v2;
	v3 =	vadd.f32 v59, v3  }
0x378: {  	v1 =	vadd.f32 v34, v1;
	v0 =	vadd.f32 v35, v0  }
0x379: {  	v2 =	vadd.f32 v60, v2;
	v3 =	vadd.f32 v61, v3  }
0x37a: {  	v62 =	vadd.s32 s28, v36  }
.Ltmp6:
0x37b: {  	v0 =	vadd.f32 v0, v1;
	v63 =	vadd.f32 v3, v2;
	(pc) =	sbr.rel @p0 .LBB2_12-.Ltmp6, $3  }
0x37c: {  	_ = 	snop  }
0x37d: {  	v0 =	vadd.f32 v63, v0;
	_ =	sdelay $0x1  }
0x37e: {  	[tilespmem:v62+s18+$0x0] =	vst.idx.msk $0xffff, v0  }
0x37f: {  	s12 =	smul.u32 $0x1400, s23;
	_ =	sdelay $0x1  }
0x380: {  	s12 =	sshra.s32 s12, $0x2  }
0x381: {  	s13 =	sadd.s32 $0xB80, s12  }
0x382: {  	[tilespmem:s22], [sflag:$0x3] =	stream.indirect.gather [hbm4b:s4+s14], $0x20, s13, s14, $0xb8;
	[tilespmem:$0x17600] =	vst v63  }
0x383: {  	s25 =	sadd.s32 $0xC00, s12  }
0x384: {  	[tilespmem:s24], [sflag:$0x3] =	stream.indirect.gather [hbm4b:s4+s14], $0x20, s25, s14, $0xb8;
	[tilespmem:$0x17600] =	vst v63  }
0x385: {  	s28 =	sadd.s32 $0xC80, s12  }
0x386: {  	[tilespmem:s26], [sflag:$0x3] =	stream.indirect.gather [hbm4b:s4+s14], $0x20, s28, s14, $0xb8;
	[tilespmem:$0x17600] =	vst v63  }
.Ltmp7:
0x387: {  	_ = 	snop;
	(pc) =	sbr.rel .LBB2_2-.Ltmp7, $4  }
0x388: {  	s31 =	sadd.s32 $0xD00, s12  }
0x389: {  	[tilespmem:s30], [sflag:$0x3] =	stream.indirect.gather [hbm4b:s4+s14], $0x20, s31, s14, $0xb8;
	[tilespmem:$0x17600] =	vst v63  }
0x38a: {  	s23 =	sadd.s32 $0x1, s23;
	s12 =	sadd.s32 $0xD80, s12  }
0x38b: {  	[tilespmem:s0], [sflag:$0x3] =	stream.indirect.gather [hbm4b:s4+s14], $0x20, s12, s14, $0xb8;
	[tilespmem:$0x17600] =	vst v63  }
.LBB2_13:
0x38c: {  	_ =	sfence.sel $0x180000  }
0x38d: {  	[bflag:$0x0] =	sbarrier.arrive $0xFFFF  }
0x38e: {  	_ =	strace $0x90000047  }
0x38f: {  	s0 =	stileid.u32;
	[bflag:$0x2] =	sbarrier.arrive $0xFFFF  }
0x390: {  	p0 =	sne.s32 s0, $0x0;
	s0 =	rddreg [dreg:$0x3]  }
0x391: {  	s0 =	sadd.s32 @!p0 $0x100000, s0  }
0x392: {  	[sflag:s0] =	ssyncadd.tile.s32 @!p0 $0x1;
	_ =	shalt  }
.Lfunc_end2:
_tile_overlayer_lowered:
.L_overlay_start_2:
0x393: {  	(tag) =	ssettag $0x2  }
0x394: {  	s0 =	rddreg [dreg:$0x0];
	s2 =	stileid.u32  }
0x395: {  	s1 =	rddreg [dreg:$0x1];
	p0 =	sne.s32 s2, $0x0  }
0x396: {  	s3 =	rddreg [dreg:$0x2];
	[bflag:$0x3] =	sbarrier.arrive $0xFFFF;
	s2 =	simm.s32 @!p0 $0x1C04  }
0x397: {  	[timem:s3], [sflag:s2] =	dma.local @!p0 [hbm:s0], s1  }
0x398: {  	s0 =	simm.s32 @!p0 $0x4  }
0x399: {  	_ =	swait.ge @!p0 [sflag:s0], s1  }
0x39a: {  	s1 =	ssub.s32 @!p0 $0x0, s1;
	[sflag:s0] =	ssyncset.done @!p0 $0x0  }
0x39b: {  	[sflag:s0] =	ssyncadd.s32 @!p0 s1  }
0x39c: {  	[bflag:$0x3] =	sbarrier.arrive $0xFFFF  }
0x39d: {  	_ =	shalt  }

</sc_bundles>
